<compile_context>
chip_gen: v7x
topology: tpu7x:2x2x1
jax: 0.10.2.dev20260603
libtpu: 0.0.44.dev20260713+nightly
codegen_flags: <defaults>
</compile_context>

<pallas_src>
import functools

import jax
import jax.numpy as jnp
from jax import lax
from jax.experimental import pallas as pl
from jax.experimental.pallas import tpu as pltpu
from jax.experimental.pallas import tpu_sc as plsc

MEAN = 499.5
STD = 288.67
EPS = 1e-05
H = 128
NF = 13
VOCAB = 1001


def _tc_body(x_ref, linW_ref, linB_ref, num_ref, idx_ref):
    x = x_ref[...]
    blk = x.shape[0]
    s = jax.nn.sigmoid((x - MEAN) / (STD + EPS))
    w = linW_ref[...]
    w26 = jnp.stack([w, jnp.zeros_like(w)], axis=1).reshape(2 * NF, H)
    num = lax.dot_general(
        s, w26, (((1,), (0,)), ((), ())), preferred_element_type=jnp.float32
    )
    num_ref[...] = num + jnp.sum(linB_ref[...], axis=0, keepdims=True)
    ii = lax.broadcasted_iota(jnp.int32, (NF, 2 * NF), 0)
    jj = lax.broadcasted_iota(jnp.int32, (NF, 2 * NF), 1)
    eselT = (jj == 2 * ii + 1).astype(jnp.float32)
    xselT = lax.dot_general(
        eselT,
        x,
        (((1,), (1,)), ((), ())),
        preferred_element_type=jnp.float32,
        precision=lax.Precision.HIGHEST,
    )
    del blk
    idx_ref[...] = xselT.astype(jnp.int32)


def _numeric_and_idx_tc(x, linW, linB):
    B, A = x.shape
    BLK = 4096
    return pl.pallas_call(
        _tc_body,
        grid=(B // BLK,),
        in_specs=[
            pl.BlockSpec((BLK, A), lambda i: (i, 0)),
            pl.BlockSpec((NF, H), lambda i: (0, 0)),
            pl.BlockSpec((NF, H), lambda i: (0, 0)),
        ],
        out_specs=[
            pl.BlockSpec((BLK, H), lambda i: (i, 0)),
            pl.BlockSpec((NF, BLK), lambda i: (0, i)),
        ],
        out_shape=[
            jax.ShapeDtypeStruct((B, H), jnp.float32),
            jax.ShapeDtypeStruct((NF, B), jnp.int32),
        ],
    )(x, linW, linB)


def _make_sc_embed(B):
    NW = 32
    RPW = B // NW
    NCHUNK = RPW // 128

    mesh = plsc.VectorSubcoreMesh(core_axis_name="c", subcore_axis_name="s")

    @functools.partial(
        pl.kernel,
        out_type=jax.ShapeDtypeStruct((B, H), jnp.float32),
        mesh=mesh,
        scratch_types=[
            pltpu.VMEM((NF, NCHUNK, 128), jnp.int32),
            pltpu.VMEM((RPW, H), jnp.float32),
            pltpu.SemaphoreType.DMA,
            pltpu.SemaphoreType.DMA,
            pltpu.SemaphoreType.DMA,
            pltpu.SemaphoreType.DMA,
        ],
    )
    def sc_embed(
        idx_hbm, tab_hbm, num_hbm, out_hbm, idx_v, acc_v, isem, gsem, nsem, osem
    ):
        wid = lax.axis_index("s") * 2 + lax.axis_index("c")
        base = wid * RPW
        num_copies = [
            pltpu.async_copy(
                num_hbm.at[pl.ds(base + 128 * c, 128)],
                acc_v.at[pl.ds(128 * c, 128)],
                nsem,
            )
            for c in range(NCHUNK)
        ]
        idx_copies = [
            [
                pltpu.async_copy(
                    idx_hbm.at[pl.ds(j * B + base + 128 * c, 128)],
                    idx_v.at[j, c],
                    isem,
                )
                for j in range(NF)
            ]
            for c in range(NCHUNK)
        ]
        gathers = []
        for c in range(NCHUNK):
            num_copies[c].wait()
            for cp in idx_copies[c]:
                cp.wait()
            gathers.append(
                [
                    pltpu.async_copy(
                        tab_hbm.at[j].at[idx_v.at[j, c]],
                        acc_v.at[pl.ds(c * 128, 128)],
                        gsem,
                        add=True,
                    )
                    for j in range(NF)
                ]
            )
        out_copies = []
        for c in range(NCHUNK):
            for cp in gathers[c]:
                cp.wait()
            out_copies.append(
                pltpu.async_copy(
                    acc_v.at[pl.ds(c * 128, 128)],
                    out_hbm.at[pl.ds(base + c * 128, 128)],
                    osem,
                )
            )
        for cp in out_copies:
            cp.wait()

    return sc_embed


def kernel(x, linW, linB, tables):
    B, A = x.shape
    numeric, idxT = _numeric_and_idx_tc(x, linW, linB)
    return _make_sc_embed(B)(idxT.reshape(NF * B), tables, numeric)

# --- scband reference (transcript-rebuilt; emitter-appended) ---
"""Pipeline reference for scband-embed-att-29695403885264 (READ-ONLY COPY).

The authoritative reference and input builder live on the scoring server;
editing this copy changes nothing except your own understanding.
"""

import jax, jax.numpy as jnp
import numpy as np

B = 16384
A = 26
H = 128
VOCAB = 1001  # len(enum)=1000 plus 1
EPS = 1e-05
MEAN = 499.5
STD = 288.67

# attinfos: even-indexed fields are numeric ('float'), odd-indexed are categorical ('str')
# 13 numeric fields -> Linear(1, H); 13 categorical fields -> Embedding(VOCAB, H)

def setup_inputs(seed: int = 0) -> dict:
    key = jax.random.key(seed)
    k1, k2, k3 = jax.random.split(key, 3)
    # randint fill: values in [0, 1000); valid indices for categorical fields,
    # plausible raw numeric values for numeric fields
    x = jax.random.randint(k1, (B, A), 0, 1000).astype(jnp.float32)
    # nn.Linear(1, H): weight [H,1] -> flatten to [H]; bias [H]. Stacked over 13 numeric fields.
    linW = jax.random.normal(k2, (13, H), dtype=jnp.float32) * 0.02
    linB = jnp.zeros((13, H), dtype=jnp.float32)
    # nn.Embedding(VOCAB, H) stacked over 13 categorical fields
    tables = jax.random.normal(k3, (13, VOCAB, H), dtype=jnp.float32) * 0.02
    return {"x": x, "linW": linW, "linB": linB, "tables": tables}


def reference(x, linW, linB, tables):
    Bcur, Acur = x.shape
    h = jnp.zeros((Bcur, H), dtype=jnp.float32)
    num_j = 0
    cat_j = 0
    for i in range(Acur):
        xi = x[:, i]
        if i % 2 == 0:
            # numeric field: normalize, sigmoid, Linear(1, H)
            z = (xi - MEAN) / (STD + EPS)
            s = jax.nn.sigmoid(z)[:, None]
            hi = s * linW[num_j][None, :] + linB[num_j][None, :]
            num_j += 1
        else:
            # categorical field: embedding lookup (gather)
            idx = xi.astype(jnp.int32)
            hi = jnp.take(tables[cat_j], idx, axis=0)
            cat_j += 1
        h = h + hi
    return h

if __name__ == "__main__":
    import jax
    _d = setup_inputs()
    print(jax.jit(kernel)(*tuple(_d.values())))

</pallas_src>

<mosaic_0001>
#map = affine_map<(d0, d1) -> (0)>
#map1 = affine_map<(d0, d1) -> (0, 0, 0)>
#map2 = affine_map<(d0, d1) -> (0, 0)>
module attributes {stable_mosaic.version = 14 : i64} {
  func.func @sc_embed(%arg0: i32, %arg1: i32, %arg2: memref<212992xi32, #tpu.memory_space<hbm>>, %arg3: memref<13x1001x128xf32, #tpu.memory_space<hbm>>, %arg4: memref<16384x128xf32, #tpu.memory_space<hbm>>, %arg5: memref<16384x128xf32, #tpu.memory_space<hbm>>, %arg6: memref<13x4x128xi32, #tpu.memory_space<vmem>>, %arg7: memref<512x128xf32, #tpu.memory_space<vmem>>, %arg8: memref<!tpu.dma_semaphore, #tpu.memory_space<semaphore_mem>>, %arg9: memref<!tpu.dma_semaphore, #tpu.memory_space<semaphore_mem>>, %arg10: memref<!tpu.dma_semaphore, #tpu.memory_space<semaphore_mem>>, %arg11: memref<!tpu.dma_semaphore, #tpu.memory_space<semaphore_mem>>) attributes {dimension_semantics = [#tpu.dimension_semantics<core_parallel>, #tpu.dimension_semantics<subcore_parallel>], iteration_bounds = array<i64: 2, 16>, scalar_prefetch = 0 : i64, scratch_operands = 6 : i64, tpu.core_type = #tpu.core_type<sc_vector_subcore>, window_params = [{transform_indices = #map}, {transform_indices = #map1}, {transform_indices = #map2}, {transform_indices = #map2}]} {
    %mul3A = arith.constant 2 : i32
    %mul3A_0 = arith.muli %arg1, %mul3A : i32
    %add3A = arith.addi %mul3A_0, %arg0 : i32
    %mul3A_1 = arith.constant 512 : i32
    %mul3A_2 = arith.muli %add3A, %mul3A_1 : i32
    %add3A_3 = arith.constant 0 : i32
    %add3A_4 = arith.addi %mul3A_2, %add3A_3 : i32
    %dma_start3A = arith.constant 0 : i32
    %dma_start3A_5 = arith.constant 0 : i32
    %dma_start3A_6 = tpu.memref_slice %arg7[%dma_start3A, %dma_start3A_5] : memref<512x128xf32, #tpu.memory_space<vmem>> -> memref<128x128xf32, #tpu.memory_space<vmem>>
    %dma_start3A_7 = arith.constant 0 : i32
    %dma_start3A_8 = tpu.memref_slice %arg4[%add3A_4, %dma_start3A_7] : memref<16384x128xf32, #tpu.memory_space<hbm>> -> memref<128x128xf32, #tpu.memory_space<hbm>>
    %dma_start3A_9 = arith.constant 0 : i32
    %dma_start3A_10 = arith.constant 0 : i32
    %dma_start3A_11 = tpu.memref_slice %arg7[%dma_start3A_9, %dma_start3A_10] : memref<512x128xf32, #tpu.memory_space<vmem>> -> memref<128x128xf32, #tpu.memory_space<vmem>>
    %dma_start3A_12 = arith.constant 0 : i32
    %dma_start3A_13 = tpu.memref_slice %arg4[%add3A_4, %dma_start3A_12] : memref<16384x128xf32, #tpu.memory_space<hbm>> -> memref<128x128xf32, #tpu.memory_space<hbm>>
    tpu.enqueue_dma source(%dma_start3A_13 : memref<128x128xf32, #tpu.memory_space<hbm>>) target(%dma_start3A_11 : memref<128x128xf32, #tpu.memory_space<vmem>>) target_semaphore(%arg10 : memref<!tpu.dma_semaphore, #tpu.memory_space<semaphore_mem>>)
    %add3A_14 = arith.constant 128 : i32
    %add3A_15 = arith.addi %mul3A_2, %add3A_14 : i32
    %dma_start3A_16 = arith.constant 128 : i32
    %dma_start3A_17 = arith.constant 0 : i32
    %dma_start3A_18 = tpu.memref_slice %arg7[%dma_start3A_16, %dma_start3A_17] : memref<512x128xf32, #tpu.memory_space<vmem>> -> memref<128x128xf32, #tpu.memory_space<vmem>>
    %dma_start3A_19 = arith.constant 0 : i32
    %dma_start3A_20 = tpu.memref_slice %arg4[%add3A_15, %dma_start3A_19] : memref<16384x128xf32, #tpu.memory_space<hbm>> -> memref<128x128xf32, #tpu.memory_space<hbm>>
    %dma_start3A_21 = arith.constant 128 : i32
    %dma_start3A_22 = arith.constant 0 : i32
    %dma_start3A_23 = tpu.memref_slice %arg7[%dma_start3A_21, %dma_start3A_22] : memref<512x128xf32, #tpu.memory_space<vmem>> -> memref<128x128xf32, #tpu.memory_space<vmem>>
    %dma_start3A_24 = arith.constant 0 : i32
    %dma_start3A_25 = tpu.memref_slice %arg4[%add3A_15, %dma_start3A_24] : memref<16384x128xf32, #tpu.memory_space<hbm>> -> memref<128x128xf32, #tpu.memory_space<hbm>>
    tpu.enqueue_dma source(%dma_start3A_25 : memref<128x128xf32, #tpu.memory_space<hbm>>) target(%dma_start3A_23 : memref<128x128xf32, #tpu.memory_space<vmem>>) target_semaphore(%arg10 : memref<!tpu.dma_semaphore, #tpu.memory_space<semaphore_mem>>)
    %add3A_26 = arith.constant 256 : i32
    %add3A_27 = arith.addi %mul3A_2, %add3A_26 : i32
    %dma_start3A_28 = arith.constant 256 : i32
    %dma_start3A_29 = arith.constant 0 : i32
    %dma_start3A_30 = tpu.memref_slice %arg7[%dma_start3A_28, %dma_start3A_29] : memref<512x128xf32, #tpu.memory_space<vmem>> -> memref<128x128xf32, #tpu.memory_space<vmem>>
    %dma_start3A_31 = arith.constant 0 : i32
    %dma_start3A_32 = tpu.memref_slice %arg4[%add3A_27, %dma_start3A_31] : memref<16384x128xf32, #tpu.memory_space<hbm>> -> memref<128x128xf32, #tpu.memory_space<hbm>>
    %dma_start3A_33 = arith.constant 256 : i32
    %dma_start3A_34 = arith.constant 0 : i32
    %dma_start3A_35 = tpu.memref_slice %arg7[%dma_start3A_33, %dma_start3A_34] : memref<512x128xf32, #tpu.memory_space<vmem>> -> memref<128x128xf32, #tpu.memory_space<vmem>>
    %dma_start3A_36 = arith.constant 0 : i32
    %dma_start3A_37 = tpu.memref_slice %arg4[%add3A_27, %dma_start3A_36] : memref<16384x128xf32, #tpu.memory_space<hbm>> -> memref<128x128xf32, #tpu.memory_space<hbm>>
    tpu.enqueue_dma source(%dma_start3A_37 : memref<128x128xf32, #tpu.memory_space<hbm>>) target(%dma_start3A_35 : memref<128x128xf32, #tpu.memory_space<vmem>>) target_semaphore(%arg10 : memref<!tpu.dma_semaphore, #tpu.memory_space<semaphore_mem>>)
    %add3A_38 = arith.constant 384 : i32
    %add3A_39 = arith.addi %mul3A_2, %add3A_38 : i32
    %dma_start3A_40 = arith.constant 384 : i32
    %dma_start3A_41 = arith.constant 0 : i32
    %dma_start3A_42 = tpu.memref_slice %arg7[%dma_start3A_40, %dma_start3A_41] : memref<512x128xf32, #tpu.memory_space<vmem>> -> memref<128x128xf32, #tpu.memory_space<vmem>>
    %dma_start3A_43 = arith.constant 0 : i32
    %dma_start3A_44 = tpu.memref_slice %arg4[%add3A_39, %dma_start3A_43] : memref<16384x128xf32, #tpu.memory_space<hbm>> -> memref<128x128xf32, #tpu.memory_space<hbm>>
    %dma_start3A_45 = arith.constant 384 : i32
    %dma_start3A_46 = arith.constant 0 : i32
    %dma_start3A_47 = tpu.memref_slice %arg7[%dma_start3A_45, %dma_start3A_46] : memref<512x128xf32, #tpu.memory_space<vmem>> -> memref<128x128xf32, #tpu.memory_space<vmem>>
    %dma_start3A_48 = arith.constant 0 : i32
    %dma_start3A_49 = tpu.memref_slice %arg4[%add3A_39, %dma_start3A_48] : memref<16384x128xf32, #tpu.memory_space<hbm>> -> memref<128x128xf32, #tpu.memory_space<hbm>>
    tpu.enqueue_dma source(%dma_start3A_49 : memref<128x128xf32, #tpu.memory_space<hbm>>) target(%dma_start3A_47 : memref<128x128xf32, #tpu.memory_space<vmem>>) target_semaphore(%arg10 : memref<!tpu.dma_semaphore, #tpu.memory_space<semaphore_mem>>)
    %add3A_50 = arith.constant 0 : i32
    %add3A_51 = arith.addi %add3A_50, %mul3A_2 : i32
    %add3A_52 = arith.constant 0 : i32
    %add3A_53 = arith.addi %add3A_51, %add3A_52 : i32
    %dma_start3A_54 = arith.constant 0 : i32
    %dma_start3A_55 = arith.constant 0 : i32
    %dma_start3A_56 = arith.constant 0 : i32
    %dma_start3A_57 = tpu.memref_slice %arg6[%dma_start3A_54, %dma_start3A_55, %dma_start3A_56] : memref<13x4x128xi32, #tpu.memory_space<vmem>> -> memref<1x1x128xi32, #tpu.memory_space<vmem>>
    %dma_start3A_58 = tpu.memref_squeeze %dma_start3A_57 : memref<1x1x128xi32, #tpu.memory_space<vmem>> -> memref<128xi32, #tpu.memory_space<vmem>>
    %dma_start3A_59 = tpu.memref_slice %arg2[%add3A_53] : memref<212992xi32, #tpu.memory_space<hbm>> -> memref<128xi32, #tpu.memory_space<hbm>>
    %dma_start3A_60 = arith.constant 0 : i32
    %dma_start3A_61 = tpu.memref_slice %arg6[%dma_start3A_54, %dma_start3A_55, %dma_start3A_60] : memref<13x4x128xi32, #tpu.memory_space<vmem>> -> memref<1x1x128xi32, #tpu.memory_space<vmem>>
    %dma_start3A_62 = tpu.memref_squeeze %dma_start3A_61 : memref<1x1x128xi32, #tpu.memory_space<vmem>> -> memref<128xi32, #tpu.memory_space<vmem>>
    %dma_start3A_63 = tpu.memref_slice %arg2[%add3A_53] : memref<212992xi32, #tpu.memory_space<hbm>> -> memref<128xi32, #tpu.memory_space<hbm>>
    tpu.enqueue_dma source(%dma_start3A_63 : memref<128xi32, #tpu.memory_space<hbm>>) target(%dma_start3A_62 : memref<128xi32, #tpu.memory_space<vmem>>) target_semaphore(%arg8 : memref<!tpu.dma_semaphore, #tpu.memory_space<semaphore_mem>>)
    %add3A_64 = arith.constant 16384 : i32
    %add3A_65 = arith.addi %add3A_64, %mul3A_2 : i32
    %add3A_66 = arith.constant 0 : i32
    %add3A_67 = arith.addi %add3A_65, %add3A_66 : i32
    %dma_start3A_68 = arith.constant 1 : i32
    %dma_start3A_69 = arith.constant 0 : i32
    %dma_start3A_70 = arith.constant 0 : i32
    %dma_start3A_71 = tpu.memref_slice %arg6[%dma_start3A_68, %dma_start3A_69, %dma_start3A_70] : memref<13x4x128xi32, #tpu.memory_space<vmem>> -> memref<1x1x128xi32, #tpu.memory_space<vmem>>
    %dma_start3A_72 = tpu.memref_squeeze %dma_start3A_71 : memref<1x1x128xi32, #tpu.memory_space<vmem>> -> memref<128xi32, #tpu.memory_space<vmem>>
    %dma_start3A_73 = tpu.memref_slice %arg2[%add3A_67] : memref<212992xi32, #tpu.memory_space<hbm>> -> memref<128xi32, #tpu.memory_space<hbm>>
    %dma_start3A_74 = arith.constant 0 : i32
    %dma_start3A_75 = tpu.memref_slice %arg6[%dma_start3A_68, %dma_start3A_69, %dma_start3A_74] : memref<13x4x128xi32, #tpu.memory_space<vmem>> -> memref<1x1x128xi32, #tpu.memory_space<vmem>>
    %dma_start3A_76 = tpu.memref_squeeze %dma_start3A_75 : memref<1x1x128xi32, #tpu.memory_space<vmem>> -> memref<128xi32, #tpu.memory_space<vmem>>
    %dma_start3A_77 = tpu.memref_slice %arg2[%add3A_67] : memref<212992xi32, #tpu.memory_space<hbm>> -> memref<128xi32, #tpu.memory_space<hbm>>
    tpu.enqueue_dma source(%dma_start3A_77 : memref<128xi32, #tpu.memory_space<hbm>>) target(%dma_start3A_76 : memref<128xi32, #tpu.memory_space<vmem>>) target_semaphore(%arg8 : memref<!tpu.dma_semaphore, #tpu.memory_space<semaphore_mem>>)
    %add3A_78 = arith.constant 32768 : i32
    %add3A_79 = arith.addi %add3A_78, %mul3A_2 : i32
    %add3A_80 = arith.constant 0 : i32
    %add3A_81 = arith.addi %add3A_79, %add3A_80 : i32
    %dma_start3A_82 = arith.constant 2 : i32
    %dma_start3A_83 = arith.constant 0 : i32
    %dma_start3A_84 = arith.constant 0 : i32
    %dma_start3A_85 = tpu.memref_slice %arg6[%dma_start3A_82, %dma_start3A_83, %dma_start3A_84] : memref<13x4x128xi32, #tpu.memory_space<vmem>> -> memref<1x1x128xi32, #tpu.memory_space<vmem>>
    %dma_start3A_86 = tpu.memref_squeeze %dma_start3A_85 : memref<1x1x128xi32, #tpu.memory_space<vmem>> -> memref<128xi32, #tpu.memory_space<vmem>>
    %dma_start3A_87 = tpu.memref_slice %arg2[%add3A_81] : memref<212992xi32, #tpu.memory_space<hbm>> -> memref<128xi32, #tpu.memory_space<hbm>>
    %dma_start3A_88 = arith.constant 0 : i32
    %dma_start3A_89 = tpu.memref_slice %arg6[%dma_start3A_82, %dma_start3A_83, %dma_start3A_88] : memref<13x4x128xi32, #tpu.memory_space<vmem>> -> memref<1x1x128xi32, #tpu.memory_space<vmem>>
    %dma_start3A_90 = tpu.memref_squeeze %dma_start3A_89 : memref<1x1x128xi32, #tpu.memory_space<vmem>> -> memref<128xi32, #tpu.memory_space<vmem>>
    %dma_start3A_91 = tpu.memref_slice %arg2[%add3A_81] : memref<212992xi32, #tpu.memory_space<hbm>> -> memref<128xi32, #tpu.memory_space<hbm>>
    tpu.enqueue_dma source(%dma_start3A_91 : memref<128xi32, #tpu.memory_space<hbm>>) target(%dma_start3A_90 : memref<128xi32, #tpu.memory_space<vmem>>) target_semaphore(%arg8 : memref<!tpu.dma_semaphore, #tpu.memory_space<semaphore_mem>>)
    %add3A_92 = arith.constant 49152 : i32
    %add3A_93 = arith.addi %add3A_92, %mul3A_2 : i32
    %add3A_94 = arith.constant 0 : i32
    %add3A_95 = arith.addi %add3A_93, %add3A_94 : i32
    %dma_start3A_96 = arith.constant 3 : i32
    %dma_start3A_97 = arith.constant 0 : i32
    %dma_start3A_98 = arith.constant 0 : i32
    %dma_start3A_99 = tpu.memref_slice %arg6[%dma_start3A_96, %dma_start3A_97, %dma_start3A_98] : memref<13x4x128xi32, #tpu.memory_space<vmem>> -> memref<1x1x128xi32, #tpu.memory_space<vmem>>
    %dma_start3A_100 = tpu.memref_squeeze %dma_start3A_99 : memref<1x1x128xi32, #tpu.memory_space<vmem>> -> memref<128xi32, #tpu.memory_space<vmem>>
    %dma_start3A_101 = tpu.memref_slice %arg2[%add3A_95] : memref<212992xi32, #tpu.memory_space<hbm>> -> memref<128xi32, #tpu.memory_space<hbm>>
    %dma_start3A_102 = arith.constant 0 : i32
    %dma_start3A_103 = tpu.memref_slice %arg6[%dma_start3A_96, %dma_start3A_97, %dma_start3A_102] : memref<13x4x128xi32, #tpu.memory_space<vmem>> -> memref<1x1x128xi32, #tpu.memory_space<vmem>>
    %dma_start3A_104 = tpu.memref_squeeze %dma_start3A_103 : memref<1x1x128xi32, #tpu.memory_space<vmem>> -> memref<128xi32, #tpu.memory_space<vmem>>
    %dma_start3A_105 = tpu.memref_slice %arg2[%add3A_95] : memref<212992xi32, #tpu.memory_space<hbm>> -> memref<128xi32, #tpu.memory_space<hbm>>
    tpu.enqueue_dma source(%dma_start3A_105 : memref<128xi32, #tpu.memory_space<hbm>>) target(%dma_start3A_104 : memref<128xi32, #tpu.memory_space<vmem>>) target_semaphore(%arg8 : memref<!tpu.dma_semaphore, #tpu.memory_space<semaphore_mem>>)
    %add3A_106 = arith.constant 65536 : i32
    %add3A_107 = arith.addi %add3A_106, %mul3A_2 : i32
    %add3A_108 = arith.constant 0 : i32
    %add3A_109 = arith.addi %add3A_107, %add3A_108 : i32
    %dma_start3A_110 = arith.constant 4 : i32
    %dma_start3A_111 = arith.constant 0 : i32
    %dma_start3A_112 = arith.constant 0 : i32
    %dma_start3A_113 = tpu.memref_slice %arg6[%dma_start3A_110, %dma_start3A_111, %dma_start3A_112] : memref<13x4x128xi32, #tpu.memory_space<vmem>> -> memref<1x1x128xi32, #tpu.memory_space<vmem>>
    %dma_start3A_114 = tpu.memref_squeeze %dma_start3A_113 : memref<1x1x128xi32, #tpu.memory_space<vmem>> -> memref<128xi32, #tpu.memory_space<vmem>>
    %dma_start3A_115 = tpu.memref_slice %arg2[%add3A_109] : memref<212992xi32, #tpu.memory_space<hbm>> -> memref<128xi32, #tpu.memory_space<hbm>>
    %dma_start3A_116 = arith.constant 0 : i32
    %dma_start3A_117 = tpu.memref_slice %arg6[%dma_start3A_110, %dma_start3A_111, %dma_start3A_116] : memref<13x4x128xi32, #tpu.memory_space<vmem>> -> memref<1x1x128xi32, #tpu.memory_space<vmem>>
    %dma_start3A_118 = tpu.memref_squeeze %dma_start3A_117 : memref<1x1x128xi32, #tpu.memory_space<vmem>> -> memref<128xi32, #tpu.memory_space<vmem>>
    %dma_start3A_119 = tpu.memref_slice %arg2[%add3A_109] : memref<212992xi32, #tpu.memory_space<hbm>> -> memref<128xi32, #tpu.memory_space<hbm>>
    tpu.enqueue_dma source(%dma_start3A_119 : memref<128xi32, #tpu.memory_space<hbm>>) target(%dma_start3A_118 : memref<128xi32, #tpu.memory_space<vmem>>) target_semaphore(%arg8 : memref<!tpu.dma_semaphore, #tpu.memory_space<semaphore_mem>>)
    %add3A_120 = arith.constant 81920 : i32
    %add3A_121 = arith.addi %add3A_120, %mul3A_2 : i32
    %add3A_122 = arith.constant 0 : i32
    %add3A_123 = arith.addi %add3A_121, %add3A_122 : i32
    %dma_start3A_124 = arith.constant 5 : i32
    %dma_start3A_125 = arith.constant 0 : i32
    %dma_start3A_126 = arith.constant 0 : i32
    %dma_start3A_127 = tpu.memref_slice %arg6[%dma_start3A_124, %dma_start3A_125, %dma_start3A_126] : memref<13x4x128xi32, #tpu.memory_space<vmem>> -> memref<1x1x128xi32, #tpu.memory_space<vmem>>
    %dma_start3A_128 = tpu.memref_squeeze %dma_start3A_127 : memref<1x1x128xi32, #tpu.memory_space<vmem>> -> memref<128xi32, #tpu.memory_space<vmem>>
    %dma_start3A_129 = tpu.memref_slice %arg2[%add3A_123] : memref<212992xi32, #tpu.memory_space<hbm>> -> memref<128xi32, #tpu.memory_space<hbm>>
    %dma_start3A_130 = arith.constant 0 : i32
    %dma_start3A_131 = tpu.memref_slice %arg6[%dma_start3A_124, %dma_start3A_125, %dma_start3A_130] : memref<13x4x128xi32, #tpu.memory_space<vmem>> -> memref<1x1x128xi32, #tpu.memory_space<vmem>>
    %dma_start3A_132 = tpu.memref_squeeze %dma_start3A_131 : memref<1x1x128xi32, #tpu.memory_space<vmem>> -> memref<128xi32, #tpu.memory_space<vmem>>
    %dma_start3A_133 = tpu.memref_slice %arg2[%add3A_123] : memref<212992xi32, #tpu.memory_space<hbm>> -> memref<128xi32, #tpu.memory_space<hbm>>
    tpu.enqueue_dma source(%dma_start3A_133 : memref<128xi32, #tpu.memory_space<hbm>>) target(%dma_start3A_132 : memref<128xi32, #tpu.memory_space<vmem>>) target_semaphore(%arg8 : memref<!tpu.dma_semaphore, #tpu.memory_space<semaphore_mem>>)
    %add3A_134 = arith.constant 98304 : i32
    %add3A_135 = arith.addi %add3A_134, %mul3A_2 : i32
    %add3A_136 = arith.constant 0 : i32
    %add3A_137 = arith.addi %add3A_135, %add3A_136 : i32
    %dma_start3A_138 = arith.constant 6 : i32
    %dma_start3A_139 = arith.constant 0 : i32
    %dma_start3A_140 = arith.constant 0 : i32
    %dma_start3A_141 = tpu.memref_slice %arg6[%dma_start3A_138, %dma_start3A_139, %dma_start3A_140] : memref<13x4x128xi32, #tpu.memory_space<vmem>> -> memref<1x1x128xi32, #tpu.memory_space<vmem>>
    %dma_start3A_142 = tpu.memref_squeeze %dma_start3A_141 : memref<1x1x128xi32, #tpu.memory_space<vmem>> -> memref<128xi32, #tpu.memory_space<vmem>>
    %dma_start3A_143 = tpu.memref_slice %arg2[%add3A_137] : memref<212992xi32, #tpu.memory_space<hbm>> -> memref<128xi32, #tpu.memory_space<hbm>>
    %dma_start3A_144 = arith.constant 0 : i32
    %dma_start3A_145 = tpu.memref_slice %arg6[%dma_start3A_138, %dma_start3A_139, %dma_start3A_144] : memref<13x4x128xi32, #tpu.memory_space<vmem>> -> memref<1x1x128xi32, #tpu.memory_space<vmem>>
    %dma_start3A_146 = tpu.memref_squeeze %dma_start3A_145 : memref<1x1x128xi32, #tpu.memory_space<vmem>> -> memref<128xi32, #tpu.memory_space<vmem>>
    %dma_start3A_147 = tpu.memref_slice %arg2[%add3A_137] : memref<212992xi32, #tpu.memory_space<hbm>> -> memref<128xi32, #tpu.memory_space<hbm>>
    tpu.enqueue_dma source(%dma_start3A_147 : memref<128xi32, #tpu.memory_space<hbm>>) target(%dma_start3A_146 : memref<128xi32, #tpu.memory_space<vmem>>) target_semaphore(%arg8 : memref<!tpu.dma_semaphore, #tpu.memory_space<semaphore_mem>>)
    %add3A_148 = arith.constant 114688 : i32
    %add3A_149 = arith.addi %add3A_148, %mul3A_2 : i32
    %add3A_150 = arith.constant 0 : i32
    %add3A_151 = arith.addi %add3A_149, %add3A_150 : i32
    %dma_start3A_152 = arith.constant 7 : i32
    %dma_start3A_153 = arith.constant 0 : i32
    %dma_start3A_154 = arith.constant 0 : i32
    %dma_start3A_155 = tpu.memref_slice %arg6[%dma_start3A_152, %dma_start3A_153, %dma_start3A_154] : memref<13x4x128xi32, #tpu.memory_space<vmem>> -> memref<1x1x128xi32, #tpu.memory_space<vmem>>
    %dma_start3A_156 = tpu.memref_squeeze %dma_start3A_155 : memref<1x1x128xi32, #tpu.memory_space<vmem>> -> memref<128xi32, #tpu.memory_space<vmem>>
    %dma_start3A_157 = tpu.memref_slice %arg2[%add3A_151] : memref<212992xi32, #tpu.memory_space<hbm>> -> memref<128xi32, #tpu.memory_space<hbm>>
    %dma_start3A_158 = arith.constant 0 : i32
    %dma_start3A_159 = tpu.memref_slice %arg6[%dma_start3A_152, %dma_start3A_153, %dma_start3A_158] : memref<13x4x128xi32, #tpu.memory_space<vmem>> -> memref<1x1x128xi32, #tpu.memory_space<vmem>>
    %dma_start3A_160 = tpu.memref_squeeze %dma_start3A_159 : memref<1x1x128xi32, #tpu.memory_space<vmem>> -> memref<128xi32, #tpu.memory_space<vmem>>
    %dma_start3A_161 = tpu.memref_slice %arg2[%add3A_151] : memref<212992xi32, #tpu.memory_space<hbm>> -> memref<128xi32, #tpu.memory_space<hbm>>
    tpu.enqueue_dma source(%dma_start3A_161 : memref<128xi32, #tpu.memory_space<hbm>>) target(%dma_start3A_160 : memref<128xi32, #tpu.memory_space<vmem>>) target_semaphore(%arg8 : memref<!tpu.dma_semaphore, #tpu.memory_space<semaphore_mem>>)
    %add3A_162 = arith.constant 131072 : i32
    %add3A_163 = arith.addi %add3A_162, %mul3A_2 : i32
    %add3A_164 = arith.constant 0 : i32
    %add3A_165 = arith.addi %add3A_163, %add3A_164 : i32
    %dma_start3A_166 = arith.constant 8 : i32
    %dma_start3A_167 = arith.constant 0 : i32
    %dma_start3A_168 = arith.constant 0 : i32
    %dma_start3A_169 = tpu.memref_slice %arg6[%dma_start3A_166, %dma_start3A_167, %dma_start3A_168] : memref<13x4x128xi32, #tpu.memory_space<vmem>> -> memref<1x1x128xi32, #tpu.memory_space<vmem>>
    %dma_start3A_170 = tpu.memref_squeeze %dma_start3A_169 : memref<1x1x128xi32, #tpu.memory_space<vmem>> -> memref<128xi32, #tpu.memory_space<vmem>>
    %dma_start3A_171 = tpu.memref_slice %arg2[%add3A_165] : memref<212992xi32, #tpu.memory_space<hbm>> -> memref<128xi32, #tpu.memory_space<hbm>>
    %dma_start3A_172 = arith.constant 0 : i32
    %dma_start3A_173 = tpu.memref_slice %arg6[%dma_start3A_166, %dma_start3A_167, %dma_start3A_172] : memref<13x4x128xi32, #tpu.memory_space<vmem>> -> memref<1x1x128xi32, #tpu.memory_space<vmem>>
    %dma_start3A_174 = tpu.memref_squeeze %dma_start3A_173 : memref<1x1x128xi32, #tpu.memory_space<vmem>> -> memref<128xi32, #tpu.memory_space<vmem>>
    %dma_start3A_175 = tpu.memref_slice %arg2[%add3A_165] : memref<212992xi32, #tpu.memory_space<hbm>> -> memref<128xi32, #tpu.memory_space<hbm>>
    tpu.enqueue_dma source(%dma_start3A_175 : memref<128xi32, #tpu.memory_space<hbm>>) target(%dma_start3A_174 : memref<128xi32, #tpu.memory_space<vmem>>) target_semaphore(%arg8 : memref<!tpu.dma_semaphore, #tpu.memory_space<semaphore_mem>>)
    %add3A_176 = arith.constant 147456 : i32
    %add3A_177 = arith.addi %add3A_176, %mul3A_2 : i32
    %add3A_178 = arith.constant 0 : i32
    %add3A_179 = arith.addi %add3A_177, %add3A_178 : i32
    %dma_start3A_180 = arith.constant 9 : i32
    %dma_start3A_181 = arith.constant 0 : i32
    %dma_start3A_182 = arith.constant 0 : i32
    %dma_start3A_183 = tpu.memref_slice %arg6[%dma_start3A_180, %dma_start3A_181, %dma_start3A_182] : memref<13x4x128xi32, #tpu.memory_space<vmem>> -> memref<1x1x128xi32, #tpu.memory_space<vmem>>
    %dma_start3A_184 = tpu.memref_squeeze %dma_start3A_183 : memref<1x1x128xi32, #tpu.memory_space<vmem>> -> memref<128xi32, #tpu.memory_space<vmem>>
    %dma_start3A_185 = tpu.memref_slice %arg2[%add3A_179] : memref<212992xi32, #tpu.memory_space<hbm>> -> memref<128xi32, #tpu.memory_space<hbm>>
    %dma_start3A_186 = arith.constant 0 : i32
    %dma_start3A_187 = tpu.memref_slice %arg6[%dma_start3A_180, %dma_start3A_181, %dma_start3A_186] : memref<13x4x128xi32, #tpu.memory_space<vmem>> -> memref<1x1x128xi32, #tpu.memory_space<vmem>>
    %dma_start3A_188 = tpu.memref_squeeze %dma_start3A_187 : memref<1x1x128xi32, #tpu.memory_space<vmem>> -> memref<128xi32, #tpu.memory_space<vmem>>
    %dma_start3A_189 = tpu.memref_slice %arg2[%add3A_179] : memref<212992xi32, #tpu.memory_space<hbm>> -> memref<128xi32, #tpu.memory_space<hbm>>
    tpu.enqueue_dma source(%dma_start3A_189 : memref<128xi32, #tpu.memory_space<hbm>>) target(%dma_start3A_188 : memref<128xi32, #tpu.memory_space<vmem>>) target_semaphore(%arg8 : memref<!tpu.dma_semaphore, #tpu.memory_space<semaphore_mem>>)
    %add3A_190 = arith.constant 163840 : i32
    %add3A_191 = arith.addi %add3A_190, %mul3A_2 : i32
    %add3A_192 = arith.constant 0 : i32
    %add3A_193 = arith.addi %add3A_191, %add3A_192 : i32
    %dma_start3A_194 = arith.constant 10 : i32
    %dma_start3A_195 = arith.constant 0 : i32
    %dma_start3A_196 = arith.constant 0 : i32
    %dma_start3A_197 = tpu.memref_slice %arg6[%dma_start3A_194, %dma_start3A_195, %dma_start3A_196] : memref<13x4x128xi32, #tpu.memory_space<vmem>> -> memref<1x1x128xi32, #tpu.memory_space<vmem>>
    %dma_start3A_198 = tpu.memref_squeeze %dma_start3A_197 : memref<1x1x128xi32, #tpu.memory_space<vmem>> -> memref<128xi32, #tpu.memory_space<vmem>>
    %dma_start3A_199 = tpu.memref_slice %arg2[%add3A_193] : memref<212992xi32, #tpu.memory_space<hbm>> -> memref<128xi32, #tpu.memory_space<hbm>>
    %dma_start3A_200 = arith.constant 0 : i32
    %dma_start3A_201 = tpu.memref_slice %arg6[%dma_start3A_194, %dma_start3A_195, %dma_start3A_200] : memref<13x4x128xi32, #tpu.memory_space<vmem>> -> memref<1x1x128xi32, #tpu.memory_space<vmem>>
    %dma_start3A_202 = tpu.memref_squeeze %dma_start3A_201 : memref<1x1x128xi32, #tpu.memory_space<vmem>> -> memref<128xi32, #tpu.memory_space<vmem>>
    %dma_start3A_203 = tpu.memref_slice %arg2[%add3A_193] : memref<212992xi32, #tpu.memory_space<hbm>> -> memref<128xi32, #tpu.memory_space<hbm>>
    tpu.enqueue_dma source(%dma_start3A_203 : memref<128xi32, #tpu.memory_space<hbm>>) target(%dma_start3A_202 : memref<128xi32, #tpu.memory_space<vmem>>) target_semaphore(%arg8 : memref<!tpu.dma_semaphore, #tpu.memory_space<semaphore_mem>>)
    %add3A_204 = arith.constant 180224 : i32
    %add3A_205 = arith.addi %add3A_204, %mul3A_2 : i32
    %add3A_206 = arith.constant 0 : i32
    %add3A_207 = arith.addi %add3A_205, %add3A_206 : i32
    %dma_start3A_208 = arith.constant 11 : i32
    %dma_start3A_209 = arith.constant 0 : i32
    %dma_start3A_210 = arith.constant 0 : i32
    %dma_start3A_211 = tpu.memref_slice %arg6[%dma_start3A_208, %dma_start3A_209, %dma_start3A_210] : memref<13x4x128xi32, #tpu.memory_space<vmem>> -> memref<1x1x128xi32, #tpu.memory_space<vmem>>
    %dma_start3A_212 = tpu.memref_squeeze %dma_start3A_211 : memref<1x1x128xi32, #tpu.memory_space<vmem>> -> memref<128xi32, #tpu.memory_space<vmem>>
    %dma_start3A_213 = tpu.memref_slice %arg2[%add3A_207] : memref<212992xi32, #tpu.memory_space<hbm>> -> memref<128xi32, #tpu.memory_space<hbm>>
    %dma_start3A_214 = arith.constant 0 : i32
    %dma_start3A_215 = tpu.memref_slice %arg6[%dma_start3A_208, %dma_start3A_209, %dma_start3A_214] : memref<13x4x128xi32, #tpu.memory_space<vmem>> -> memref<1x1x128xi32, #tpu.memory_space<vmem>>
    %dma_start3A_216 = tpu.memref_squeeze %dma_start3A_215 : memref<1x1x128xi32, #tpu.memory_space<vmem>> -> memref<128xi32, #tpu.memory_space<vmem>>
    %dma_start3A_217 = tpu.memref_slice %arg2[%add3A_207] : memref<212992xi32, #tpu.memory_space<hbm>> -> memref<128xi32, #tpu.memory_space<hbm>>
    tpu.enqueue_dma source(%dma_start3A_217 : memref<128xi32, #tpu.memory_space<hbm>>) target(%dma_start3A_216 : memref<128xi32, #tpu.memory_space<vmem>>) target_semaphore(%arg8 : memref<!tpu.dma_semaphore, #tpu.memory_space<semaphore_mem>>)
    %add3A_218 = arith.constant 196608 : i32
    %add3A_219 = arith.addi %add3A_218, %mul3A_2 : i32
    %add3A_220 = arith.constant 0 : i32
    %add3A_221 = arith.addi %add3A_219, %add3A_220 : i32
    %dma_start3A_222 = arith.constant 12 : i32
    %dma_start3A_223 = arith.constant 0 : i32
    %dma_start3A_224 = arith.constant 0 : i32
    %dma_start3A_225 = tpu.memref_slice %arg6[%dma_start3A_222, %dma_start3A_223, %dma_start3A_224] : memref<13x4x128xi32, #tpu.memory_space<vmem>> -> memref<1x1x128xi32, #tpu.memory_space<vmem>>
    %dma_start3A_226 = tpu.memref_squeeze %dma_start3A_225 : memref<1x1x128xi32, #tpu.memory_space<vmem>> -> memref<128xi32, #tpu.memory_space<vmem>>
    %dma_start3A_227 = tpu.memref_slice %arg2[%add3A_221] : memref<212992xi32, #tpu.memory_space<hbm>> -> memref<128xi32, #tpu.memory_space<hbm>>
    %dma_start3A_228 = arith.constant 0 : i32
    %dma_start3A_229 = tpu.memref_slice %arg6[%dma_start3A_222, %dma_start3A_223, %dma_start3A_228] : memref<13x4x128xi32, #tpu.memory_space<vmem>> -> memref<1x1x128xi32, #tpu.memory_space<vmem>>
    %dma_start3A_230 = tpu.memref_squeeze %dma_start3A_229 : memref<1x1x128xi32, #tpu.memory_space<vmem>> -> memref<128xi32, #tpu.memory_space<vmem>>
    %dma_start3A_231 = tpu.memref_slice %arg2[%add3A_221] : memref<212992xi32, #tpu.memory_space<hbm>> -> memref<128xi32, #tpu.memory_space<hbm>>
    tpu.enqueue_dma source(%dma_start3A_231 : memref<128xi32, #tpu.memory_space<hbm>>) target(%dma_start3A_230 : memref<128xi32, #tpu.memory_space<vmem>>) target_semaphore(%arg8 : memref<!tpu.dma_semaphore, #tpu.memory_space<semaphore_mem>>)
    %add3A_232 = arith.constant 0 : i32
    %add3A_233 = arith.addi %add3A_232, %mul3A_2 : i32
    %add3A_234 = arith.constant 128 : i32
    %add3A_235 = arith.addi %add3A_233, %add3A_234 : i32
    %dma_start3A_236 = arith.constant 0 : i32
    %dma_start3A_237 = arith.constant 1 : i32
    %dma_start3A_238 = arith.constant 0 : i32
    %dma_start3A_239 = tpu.memref_slice %arg6[%dma_start3A_236, %dma_start3A_237, %dma_start3A_238] : memref<13x4x128xi32, #tpu.memory_space<vmem>> -> memref<1x1x128xi32, #tpu.memory_space<vmem>>
    %dma_start3A_240 = tpu.memref_squeeze %dma_start3A_239 : memref<1x1x128xi32, #tpu.memory_space<vmem>> -> memref<128xi32, #tpu.memory_space<vmem>>
    %dma_start3A_241 = tpu.memref_slice %arg2[%add3A_235] : memref<212992xi32, #tpu.memory_space<hbm>> -> memref<128xi32, #tpu.memory_space<hbm>>
    %dma_start3A_242 = arith.constant 0 : i32
    %dma_start3A_243 = tpu.memref_slice %arg6[%dma_start3A_236, %dma_start3A_237, %dma_start3A_242] : memref<13x4x128xi32, #tpu.memory_space<vmem>> -> memref<1x1x128xi32, #tpu.memory_space<vmem>>
    %dma_start3A_244 = tpu.memref_squeeze %dma_start3A_243 : memref<1x1x128xi32, #tpu.memory_space<vmem>> -> memref<128xi32, #tpu.memory_space<vmem>>
    %dma_start3A_245 = tpu.memref_slice %arg2[%add3A_235] : memref<212992xi32, #tpu.memory_space<hbm>> -> memref<128xi32, #tpu.memory_space<hbm>>
    tpu.enqueue_dma source(%dma_start3A_245 : memref<128xi32, #tpu.memory_space<hbm>>) target(%dma_start3A_244 : memref<128xi32, #tpu.memory_space<vmem>>) target_semaphore(%arg8 : memref<!tpu.dma_semaphore, #tpu.memory_space<semaphore_mem>>)
    %add3A_246 = arith.constant 16384 : i32
    %add3A_247 = arith.addi %add3A_246, %mul3A_2 : i32
    %add3A_248 = arith.constant 128 : i32
    %add3A_249 = arith.addi %add3A_247, %add3A_248 : i32
    %dma_start3A_250 = arith.constant 1 : i32
    %dma_start3A_251 = arith.constant 1 : i32
    %dma_start3A_252 = arith.constant 0 : i32
    %dma_start3A_253 = tpu.memref_slice %arg6[%dma_start3A_250, %dma_start3A_251, %dma_start3A_252] : memref<13x4x128xi32, #tpu.memory_space<vmem>> -> memref<1x1x128xi32, #tpu.memory_space<vmem>>
    %dma_start3A_254 = tpu.memref_squeeze %dma_start3A_253 : memref<1x1x128xi32, #tpu.memory_space<vmem>> -> memref<128xi32, #tpu.memory_space<vmem>>
    %dma_start3A_255 = tpu.memref_slice %arg2[%add3A_249] : memref<212992xi32, #tpu.memory_space<hbm>> -> memref<128xi32, #tpu.memory_space<hbm>>
    %dma_start3A_256 = arith.constant 0 : i32
    %dma_start3A_257 = tpu.memref_slice %arg6[%dma_start3A_250, %dma_start3A_251, %dma_start3A_256] : memref<13x4x128xi32, #tpu.memory_space<vmem>> -> memref<1x1x128xi32, #tpu.memory_space<vmem>>
    %dma_start3A_258 = tpu.memref_squeeze %dma_start3A_257 : memref<1x1x128xi32, #tpu.memory_space<vmem>> -> memref<128xi32, #tpu.memory_space<vmem>>
    %dma_start3A_259 = tpu.memref_slice %arg2[%add3A_249] : memref<212992xi32, #tpu.memory_space<hbm>> -> memref<128xi32, #tpu.memory_space<hbm>>
    tpu.enqueue_dma source(%dma_start3A_259 : memref<128xi32, #tpu.memory_space<hbm>>) target(%dma_start3A_258 : memref<128xi32, #tpu.memory_space<vmem>>) target_semaphore(%arg8 : memref<!tpu.dma_semaphore, #tpu.memory_space<semaphore_mem>>)
    %add3A_260 = arith.constant 32768 : i32
    %add3A_261 = arith.addi %add3A_260, %mul3A_2 : i32
    %add3A_262 = arith.constant 128 : i32
    %add3A_263 = arith.addi %add3A_261, %add3A_262 : i32
    %dma_start3A_264 = arith.constant 2 : i32
    %dma_start3A_265 = arith.constant 1 : i32
    %dma_start3A_266 = arith.constant 0 : i32
    %dma_start3A_267 = tpu.memref_slice %arg6[%dma_start3A_264, %dma_start3A_265, %dma_start3A_266] : memref<13x4x128xi32, #tpu.memory_space<vmem>> -> memref<1x1x128xi32, #tpu.memory_space<vmem>>
    %dma_start3A_268 = tpu.memref_squeeze %dma_start3A_267 : memref<1x1x128xi32, #tpu.memory_space<vmem>> -> memref<128xi32, #tpu.memory_space<vmem>>
    %dma_start3A_269 = tpu.memref_slice %arg2[%add3A_263] : memref<212992xi32, #tpu.memory_space<hbm>> -> memref<128xi32, #tpu.memory_space<hbm>>
    %dma_start3A_270 = arith.constant 0 : i32
    %dma_start3A_271 = tpu.memref_slice %arg6[%dma_start3A_264, %dma_start3A_265, %dma_start3A_270] : memref<13x4x128xi32, #tpu.memory_space<vmem>> -> memref<1x1x128xi32, #tpu.memory_space<vmem>>
    %dma_start3A_272 = tpu.memref_squeeze %dma_start3A_271 : memref<1x1x128xi32, #tpu.memory_space<vmem>> -> memref<128xi32, #tpu.memory_space<vmem>>
    %dma_start3A_273 = tpu.memref_slice %arg2[%add3A_263] : memref<212992xi32, #tpu.memory_space<hbm>> -> memref<128xi32, #tpu.memory_space<hbm>>
    tpu.enqueue_dma source(%dma_start3A_273 : memref<128xi32, #tpu.memory_space<hbm>>) target(%dma_start3A_272 : memref<128xi32, #tpu.memory_space<vmem>>) target_semaphore(%arg8 : memref<!tpu.dma_semaphore, #tpu.memory_space<semaphore_mem>>)
    %add3A_274 = arith.constant 49152 : i32
    %add3A_275 = arith.addi %add3A_274, %mul3A_2 : i32
    %add3A_276 = arith.constant 128 : i32
    %add3A_277 = arith.addi %add3A_275, %add3A_276 : i32
    %dma_start3A_278 = arith.constant 3 : i32
    %dma_start3A_279 = arith.constant 1 : i32
    %dma_start3A_280 = arith.constant 0 : i32
    %dma_start3A_281 = tpu.memref_slice %arg6[%dma_start3A_278, %dma_start3A_279, %dma_start3A_280] : memref<13x4x128xi32, #tpu.memory_space<vmem>> -> memref<1x1x128xi32, #tpu.memory_space<vmem>>
    %dma_start3A_282 = tpu.memref_squeeze %dma_start3A_281 : memref<1x1x128xi32, #tpu.memory_space<vmem>> -> memref<128xi32, #tpu.memory_space<vmem>>
    %dma_start3A_283 = tpu.memref_slice %arg2[%add3A_277] : memref<212992xi32, #tpu.memory_space<hbm>> -> memref<128xi32, #tpu.memory_space<hbm>>
    %dma_start3A_284 = arith.constant 0 : i32
    %dma_start3A_285 = tpu.memref_slice %arg6[%dma_start3A_278, %dma_start3A_279, %dma_start3A_284] : memref<13x4x128xi32, #tpu.memory_space<vmem>> -> memref<1x1x128xi32, #tpu.memory_space<vmem>>
    %dma_start3A_286 = tpu.memref_squeeze %dma_start3A_285 : memref<1x1x128xi32, #tpu.memory_space<vmem>> -> memref<128xi32, #tpu.memory_space<vmem>>
    %dma_start3A_287 = tpu.memref_slice %arg2[%add3A_277] : memref<212992xi32, #tpu.memory_space<hbm>> -> memref<128xi32, #tpu.memory_space<hbm>>
    tpu.enqueue_dma source(%dma_start3A_287 : memref<128xi32, #tpu.memory_space<hbm>>) target(%dma_start3A_286 : memref<128xi32, #tpu.memory_space<vmem>>) target_semaphore(%arg8 : memref<!tpu.dma_semaphore, #tpu.memory_space<semaphore_mem>>)
    %add3A_288 = arith.constant 65536 : i32
    %add3A_289 = arith.addi %add3A_288, %mul3A_2 : i32
    %add3A_290 = arith.constant 128 : i32
    %add3A_291 = arith.addi %add3A_289, %add3A_290 : i32
    %dma_start3A_292 = arith.constant 4 : i32
    %dma_start3A_293 = arith.constant 1 : i32
    %dma_start3A_294 = arith.constant 0 : i32
    %dma_start3A_295 = tpu.memref_slice %arg6[%dma_start3A_292, %dma_start3A_293, %dma_start3A_294] : memref<13x4x128xi32, #tpu.memory_space<vmem>> -> memref<1x1x128xi32, #tpu.memory_space<vmem>>
    %dma_start3A_296 = tpu.memref_squeeze %dma_start3A_295 : memref<1x1x128xi32, #tpu.memory_space<vmem>> -> memref<128xi32, #tpu.memory_space<vmem>>
    %dma_start3A_297 = tpu.memref_slice %arg2[%add3A_291] : memref<212992xi32, #tpu.memory_space<hbm>> -> memref<128xi32, #tpu.memory_space<hbm>>
    %dma_start3A_298 = arith.constant 0 : i32
    %dma_start3A_299 = tpu.memref_slice %arg6[%dma_start3A_292, %dma_start3A_293, %dma_start3A_298] : memref<13x4x128xi32, #tpu.memory_space<vmem>> -> memref<1x1x128xi32, #tpu.memory_space<vmem>>
    %dma_start3A_300 = tpu.memref_squeeze %dma_start3A_299 : memref<1x1x128xi32, #tpu.memory_space<vmem>> -> memref<128xi32, #tpu.memory_space<vmem>>
    %dma_start3A_301 = tpu.memref_slice %arg2[%add3A_291] : memref<212992xi32, #tpu.memory_space<hbm>> -> memref<128xi32, #tpu.memory_space<hbm>>
    tpu.enqueue_dma source(%dma_start3A_301 : memref<128xi32, #tpu.memory_space<hbm>>) target(%dma_start3A_300 : memref<128xi32, #tpu.memory_space<vmem>>) target_semaphore(%arg8 : memref<!tpu.dma_semaphore, #tpu.memory_space<semaphore_mem>>)
    %add3A_302 = arith.constant 81920 : i32
    %add3A_303 = arith.addi %add3A_302, %mul3A_2 : i32
    %add3A_304 = arith.constant 128 : i32
    %add3A_305 = arith.addi %add3A_303, %add3A_304 : i32
    %dma_start3A_306 = arith.constant 5 : i32
    %dma_start3A_307 = arith.constant 1 : i32
    %dma_start3A_308 = arith.constant 0 : i32
    %dma_start3A_309 = tpu.memref_slice %arg6[%dma_start3A_306, %dma_start3A_307, %dma_start3A_308] : memref<13x4x128xi32, #tpu.memory_space<vmem>> -> memref<1x1x128xi32, #tpu.memory_space<vmem>>
    %dma_start3A_310 = tpu.memref_squeeze %dma_start3A_309 : memref<1x1x128xi32, #tpu.memory_space<vmem>> -> memref<128xi32, #tpu.memory_space<vmem>>
    %dma_start3A_311 = tpu.memref_slice %arg2[%add3A_305] : memref<212992xi32, #tpu.memory_space<hbm>> -> memref<128xi32, #tpu.memory_space<hbm>>
    %dma_start3A_312 = arith.constant 0 : i32
    %dma_start3A_313 = tpu.memref_slice %arg6[%dma_start3A_306, %dma_start3A_307, %dma_start3A_312] : memref<13x4x128xi32, #tpu.memory_space<vmem>> -> memref<1x1x128xi32, #tpu.memory_space<vmem>>
    %dma_start3A_314 = tpu.memref_squeeze %dma_start3A_313 : memref<1x1x128xi32, #tpu.memory_space<vmem>> -> memref<128xi32, #tpu.memory_space<vmem>>
    %dma_start3A_315 = tpu.memref_slice %arg2[%add3A_305] : memref<212992xi32, #tpu.memory_space<hbm>> -> memref<128xi32, #tpu.memory_space<hbm>>
    tpu.enqueue_dma source(%dma_start3A_315 : memref<128xi32, #tpu.memory_space<hbm>>) target(%dma_start3A_314 : memref<128xi32, #tpu.memory_space<vmem>>) target_semaphore(%arg8 : memref<!tpu.dma_semaphore, #tpu.memory_space<semaphore_mem>>)
    %add3A_316 = arith.constant 98304 : i32
    %add3A_317 = arith.addi %add3A_316, %mul3A_2 : i32
    %add3A_318 = arith.constant 128 : i32
    %add3A_319 = arith.addi %add3A_317, %add3A_318 : i32
    %dma_start3A_320 = arith.constant 6 : i32
    %dma_start3A_321 = arith.constant 1 : i32
    %dma_start3A_322 = arith.constant 0 : i32
    %dma_start3A_323 = tpu.memref_slice %arg6[%dma_start3A_320, %dma_start3A_321, %dma_start3A_322] : memref<13x4x128xi32, #tpu.memory_space<vmem>> -> memref<1x1x128xi32, #tpu.memory_space<vmem>>
    %dma_start3A_324 = tpu.memref_squeeze %dma_start3A_323 : memref<1x1x128xi32, #tpu.memory_space<vmem>> -> memref<128xi32, #tpu.memory_space<vmem>>
    %dma_start3A_325 = tpu.memref_slice %arg2[%add3A_319] : memref<212992xi32, #tpu.memory_space<hbm>> -> memref<128xi32, #tpu.memory_space<hbm>>
    %dma_start3A_326 = arith.constant 0 : i32
    %dma_start3A_327 = tpu.memref_slice %arg6[%dma_start3A_320, %dma_start3A_321, %dma_start3A_326] : memref<13x4x128xi32, #tpu.memory_space<vmem>> -> memref<1x1x128xi32, #tpu.memory_space<vmem>>
    %dma_start3A_328 = tpu.memref_squeeze %dma_start3A_327 : memref<1x1x128xi32, #tpu.memory_space<vmem>> -> memref<128xi32, #tpu.memory_space<vmem>>
    %dma_start3A_329 = tpu.memref_slice %arg2[%add3A_319] : memref<212992xi32, #tpu.memory_space<hbm>> -> memref<128xi32, #tpu.memory_space<hbm>>
    tpu.enqueue_dma source(%dma_start3A_329 : memref<128xi32, #tpu.memory_space<hbm>>) target(%dma_start3A_328 : memref<128xi32, #tpu.memory_space<vmem>>) target_semaphore(%arg8 : memref<!tpu.dma_semaphore, #tpu.memory_space<semaphore_mem>>)
    %add3A_330 = arith.constant 114688 : i32
    %add3A_331 = arith.addi %add3A_330, %mul3A_2 : i32
    %add3A_332 = arith.constant 128 : i32
    %add3A_333 = arith.addi %add3A_331, %add3A_332 : i32
    %dma_start3A_334 = arith.constant 7 : i32
    %dma_start3A_335 = arith.constant 1 : i32
    %dma_start3A_336 = arith.constant 0 : i32
    %dma_start3A_337 = tpu.memref_slice %arg6[%dma_start3A_334, %dma_start3A_335, %dma_start3A_336] : memref<13x4x128xi32, #tpu.memory_space<vmem>> -> memref<1x1x128xi32, #tpu.memory_space<vmem>>
    %dma_start3A_338 = tpu.memref_squeeze %dma_start3A_337 : memref<1x1x128xi32, #tpu.memory_space<vmem>> -> memref<128xi32, #tpu.memory_space<vmem>>
    %dma_start3A_339 = tpu.memref_slice %arg2[%add3A_333] : memref<212992xi32, #tpu.memory_space<hbm>> -> memref<128xi32, #tpu.memory_space<hbm>>
    %dma_start3A_340 = arith.constant 0 : i32
    %dma_start3A_341 = tpu.memref_slice %arg6[%dma_start3A_334, %dma_start3A_335, %dma_start3A_340] : memref<13x4x128xi32, #tpu.memory_space<vmem>> -> memref<1x1x128xi32, #tpu.memory_space<vmem>>
    %dma_start3A_342 = tpu.memref_squeeze %dma_start3A_341 : memref<1x1x128xi32, #tpu.memory_space<vmem>> -> memref<128xi32, #tpu.memory_space<vmem>>
    %dma_start3A_343 = tpu.memref_slice %arg2[%add3A_333] : memref<212992xi32, #tpu.memory_space<hbm>> -> memref<128xi32, #tpu.memory_space<hbm>>
    tpu.enqueue_dma source(%dma_start3A_343 : memref<128xi32, #tpu.memory_space<hbm>>) target(%dma_start3A_342 : memref<128xi32, #tpu.memory_space<vmem>>) target_semaphore(%arg8 : memref<!tpu.dma_semaphore, #tpu.memory_space<semaphore_mem>>)
    %add3A_344 = arith.constant 131072 : i32
    %add3A_345 = arith.addi %add3A_344, %mul3A_2 : i32
    %add3A_346 = arith.constant 128 : i32
    %add3A_347 = arith.addi %add3A_345, %add3A_346 : i32
    %dma_start3A_348 = arith.constant 8 : i32
    %dma_start3A_349 = arith.constant 1 : i32
    %dma_start3A_350 = arith.constant 0 : i32
    %dma_start3A_351 = tpu.memref_slice %arg6[%dma_start3A_348, %dma_start3A_349, %dma_start3A_350] : memref<13x4x128xi32, #tpu.memory_space<vmem>> -> memref<1x1x128xi32, #tpu.memory_space<vmem>>
    %dma_start3A_352 = tpu.memref_squeeze %dma_start3A_351 : memref<1x1x128xi32, #tpu.memory_space<vmem>> -> memref<128xi32, #tpu.memory_space<vmem>>
    %dma_start3A_353 = tpu.memref_slice %arg2[%add3A_347] : memref<212992xi32, #tpu.memory_space<hbm>> -> memref<128xi32, #tpu.memory_space<hbm>>
    %dma_start3A_354 = arith.constant 0 : i32
    %dma_start3A_355 = tpu.memref_slice %arg6[%dma_start3A_348, %dma_start3A_349, %dma_start3A_354] : memref<13x4x128xi32, #tpu.memory_space<vmem>> -> memref<1x1x128xi32, #tpu.memory_space<vmem>>
    %dma_start3A_356 = tpu.memref_squeeze %dma_start3A_355 : memref<1x1x128xi32, #tpu.memory_space<vmem>> -> memref<128xi32, #tpu.memory_space<vmem>>
    %dma_start3A_357 = tpu.memref_slice %arg2[%add3A_347] : memref<212992xi32, #tpu.memory_space<hbm>> -> memref<128xi32, #tpu.memory_space<hbm>>
    tpu.enqueue_dma source(%dma_start3A_357 : memref<128xi32, #tpu.memory_space<hbm>>) target(%dma_start3A_356 : memref<128xi32, #tpu.memory_space<vmem>>) target_semaphore(%arg8 : memref<!tpu.dma_semaphore, #tpu.memory_space<semaphore_mem>>)
    %add3A_358 = arith.constant 147456 : i32
    %add3A_359 = arith.addi %add3A_358, %mul3A_2 : i32
    %add3A_360 = arith.constant 128 : i32
    %add3A_361 = arith.addi %add3A_359, %add3A_360 : i32
    %dma_start3A_362 = arith.constant 9 : i32
    %dma_start3A_363 = arith.constant 1 : i32
    %dma_start3A_364 = arith.constant 0 : i32
    %dma_start3A_365 = tpu.memref_slice %arg6[%dma_start3A_362, %dma_start3A_363, %dma_start3A_364] : memref<13x4x128xi32, #tpu.memory_space<vmem>> -> memref<1x1x128xi32, #tpu.memory_space<vmem>>
    %dma_start3A_366 = tpu.memref_squeeze %dma_start3A_365 : memref<1x1x128xi32, #tpu.memory_space<vmem>> -> memref<128xi32, #tpu.memory_space<vmem>>
    %dma_start3A_367 = tpu.memref_slice %arg2[%add3A_361] : memref<212992xi32, #tpu.memory_space<hbm>> -> memref<128xi32, #tpu.memory_space<hbm>>
    %dma_start3A_368 = arith.constant 0 : i32
    %dma_start3A_369 = tpu.memref_slice %arg6[%dma_start3A_362, %dma_start3A_363, %dma_start3A_368] : memref<13x4x128xi32, #tpu.memory_space<vmem>> -> memref<1x1x128xi32, #tpu.memory_space<vmem>>
    %dma_start3A_370 = tpu.memref_squeeze %dma_start3A_369 : memref<1x1x128xi32, #tpu.memory_space<vmem>> -> memref<128xi32, #tpu.memory_space<vmem>>
    %dma_start3A_371 = tpu.memref_slice %arg2[%add3A_361] : memref<212992xi32, #tpu.memory_space<hbm>> -> memref<128xi32, #tpu.memory_space<hbm>>
    tpu.enqueue_dma source(%dma_start3A_371 : memref<128xi32, #tpu.memory_space<hbm>>) target(%dma_start3A_370 : memref<128xi32, #tpu.memory_space<vmem>>) target_semaphore(%arg8 : memref<!tpu.dma_semaphore, #tpu.memory_space<semaphore_mem>>)
    %add3A_372 = arith.constant 163840 : i32
    %add3A_373 = arith.addi %add3A_372, %mul3A_2 : i32
    %add3A_374 = arith.constant 128 : i32
    %add3A_375 = arith.addi %add3A_373, %add3A_374 : i32
    %dma_start3A_376 = arith.constant 10 : i32
    %dma_start3A_377 = arith.constant 1 : i32
    %dma_start3A_378 = arith.constant 0 : i32
    %dma_start3A_379 = tpu.memref_slice %arg6[%dma_start3A_376, %dma_start3A_377, %dma_start3A_378] : memref<13x4x128xi32, #tpu.memory_space<vmem>> -> memref<1x1x128xi32, #tpu.memory_space<vmem>>
    %dma_start3A_380 = tpu.memref_squeeze %dma_start3A_379 : memref<1x1x128xi32, #tpu.memory_space<vmem>> -> memref<128xi32, #tpu.memory_space<vmem>>
    %dma_start3A_381 = tpu.memref_slice %arg2[%add3A_375] : memref<212992xi32, #tpu.memory_space<hbm>> -> memref<128xi32, #tpu.memory_space<hbm>>
    %dma_start3A_382 = arith.constant 0 : i32
    %dma_start3A_383 = tpu.memref_slice %arg6[%dma_start3A_376, %dma_start3A_377, %dma_start3A_382] : memref<13x4x128xi32, #tpu.memory_space<vmem>> -> memref<1x1x128xi32, #tpu.memory_space<vmem>>
    %dma_start3A_384 = tpu.memref_squeeze %dma_start3A_383 : memref<1x1x128xi32, #tpu.memory_space<vmem>> -> memref<128xi32, #tpu.memory_space<vmem>>
    %dma_start3A_385 = tpu.memref_slice %arg2[%add3A_375] : memref<212992xi32, #tpu.memory_space<hbm>> -> memref<128xi32, #tpu.memory_space<hbm>>
    tpu.enqueue_dma source(%dma_start3A_385 : memref<128xi32, #tpu.memory_space<hbm>>) target(%dma_start3A_384 : memref<128xi32, #tpu.memory_space<vmem>>) target_semaphore(%arg8 : memref<!tpu.dma_semaphore, #tpu.memory_space<semaphore_mem>>)
    %add3A_386 = arith.constant 180224 : i32
    %add3A_387 = arith.addi %add3A_386, %mul3A_2 : i32
    %add3A_388 = arith.constant 128 : i32
    %add3A_389 = arith.addi %add3A_387, %add3A_388 : i32
    %dma_start3A_390 = arith.constant 11 : i32
    %dma_start3A_391 = arith.constant 1 : i32
    %dma_start3A_392 = arith.constant 0 : i32
    %dma_start3A_393 = tpu.memref_slice %arg6[%dma_start3A_390, %dma_start3A_391, %dma_start3A_392] : memref<13x4x128xi32, #tpu.memory_space<vmem>> -> memref<1x1x128xi32, #tpu.memory_space<vmem>>
    %dma_start3A_394 = tpu.memref_squeeze %dma_start3A_393 : memref<1x1x128xi32, #tpu.memory_space<vmem>> -> memref<128xi32, #tpu.memory_space<vmem>>
    %dma_start3A_395 = tpu.memref_slice %arg2[%add3A_389] : memref<212992xi32, #tpu.memory_space<hbm>> -> memref<128xi32, #tpu.memory_space<hbm>>
    %dma_start3A_396 = arith.constant 0 : i32
    %dma_start3A_397 = tpu.memref_slice %arg6[%dma_start3A_390, %dma_start3A_391, %dma_start3A_396] : memref<13x4x128xi32, #tpu.memory_space<vmem>> -> memref<1x1x128xi32, #tpu.memory_space<vmem>>
    %dma_start3A_398 = tpu.memref_squeeze %dma_start3A_397 : memref<1x1x128xi32, #tpu.memory_space<vmem>> -> memref<128xi32, #tpu.memory_space<vmem>>
    %dma_start3A_399 = tpu.memref_slice %arg2[%add3A_389] : memref<212992xi32, #tpu.memory_space<hbm>> -> memref<128xi32, #tpu.memory_space<hbm>>
    tpu.enqueue_dma source(%dma_start3A_399 : memref<128xi32, #tpu.memory_space<hbm>>) target(%dma_start3A_398 : memref<128xi32, #tpu.memory_space<vmem>>) target_semaphore(%arg8 : memref<!tpu.dma_semaphore, #tpu.memory_space<semaphore_mem>>)
    %add3A_400 = arith.constant 196608 : i32
    %add3A_401 = arith.addi %add3A_400, %mul3A_2 : i32
    %add3A_402 = arith.constant 128 : i32
    %add3A_403 = arith.addi %add3A_401, %add3A_402 : i32
    %dma_start3A_404 = arith.constant 12 : i32
    %dma_start3A_405 = arith.constant 1 : i32
    %dma_start3A_406 = arith.constant 0 : i32
    %dma_start3A_407 = tpu.memref_slice %arg6[%dma_start3A_404, %dma_start3A_405, %dma_start3A_406] : memref<13x4x128xi32, #tpu.memory_space<vmem>> -> memref<1x1x128xi32, #tpu.memory_space<vmem>>
    %dma_start3A_408 = tpu.memref_squeeze %dma_start3A_407 : memref<1x1x128xi32, #tpu.memory_space<vmem>> -> memref<128xi32, #tpu.memory_space<vmem>>
    %dma_start3A_409 = tpu.memref_slice %arg2[%add3A_403] : memref<212992xi32, #tpu.memory_space<hbm>> -> memref<128xi32, #tpu.memory_space<hbm>>
    %dma_start3A_410 = arith.constant 0 : i32
    %dma_start3A_411 = tpu.memref_slice %arg6[%dma_start3A_404, %dma_start3A_405, %dma_start3A_410] : memref<13x4x128xi32, #tpu.memory_space<vmem>> -> memref<1x1x128xi32, #tpu.memory_space<vmem>>
    %dma_start3A_412 = tpu.memref_squeeze %dma_start3A_411 : memref<1x1x128xi32, #tpu.memory_space<vmem>> -> memref<128xi32, #tpu.memory_space<vmem>>
    %dma_start3A_413 = tpu.memref_slice %arg2[%add3A_403] : memref<212992xi32, #tpu.memory_space<hbm>> -> memref<128xi32, #tpu.memory_space<hbm>>
    tpu.enqueue_dma source(%dma_start3A_413 : memref<128xi32, #tpu.memory_space<hbm>>) target(%dma_start3A_412 : memref<128xi32, #tpu.memory_space<vmem>>) target_semaphore(%arg8 : memref<!tpu.dma_semaphore, #tpu.memory_space<semaphore_mem>>)
    %add3A_414 = arith.constant 0 : i32
    %add3A_415 = arith.addi %add3A_414, %mul3A_2 : i32
    %add3A_416 = arith.constant 256 : i32
    %add3A_417 = arith.addi %add3A_415, %add3A_416 : i32
    %dma_start3A_418 = arith.constant 0 : i32
    %dma_start3A_419 = arith.constant 2 : i32
    %dma_start3A_420 = arith.constant 0 : i32
    %dma_start3A_421 = tpu.memref_slice %arg6[%dma_start3A_418, %dma_start3A_419, %dma_start3A_420] : memref<13x4x128xi32, #tpu.memory_space<vmem>> -> memref<1x1x128xi32, #tpu.memory_space<vmem>>
    %dma_start3A_422 = tpu.memref_squeeze %dma_start3A_421 : memref<1x1x128xi32, #tpu.memory_space<vmem>> -> memref<128xi32, #tpu.memory_space<vmem>>
    %dma_start3A_423 = tpu.memref_slice %arg2[%add3A_417] : memref<212992xi32, #tpu.memory_space<hbm>> -> memref<128xi32, #tpu.memory_space<hbm>>
    %dma_start3A_424 = arith.constant 0 : i32
    %dma_start3A_425 = tpu.memref_slice %arg6[%dma_start3A_418, %dma_start3A_419, %dma_start3A_424] : memref<13x4x128xi32, #tpu.memory_space<vmem>> -> memref<1x1x128xi32, #tpu.memory_space<vmem>>
    %dma_start3A_426 = tpu.memref_squeeze %dma_start3A_425 : memref<1x1x128xi32, #tpu.memory_space<vmem>> -> memref<128xi32, #tpu.memory_space<vmem>>
    %dma_start3A_427 = tpu.memref_slice %arg2[%add3A_417] : memref<212992xi32, #tpu.memory_space<hbm>> -> memref<128xi32, #tpu.memory_space<hbm>>
    tpu.enqueue_dma source(%dma_start3A_427 : memref<128xi32, #tpu.memory_space<hbm>>) target(%dma_start3A_426 : memref<128xi32, #tpu.memory_space<vmem>>) target_semaphore(%arg8 : memref<!tpu.dma_semaphore, #tpu.memory_space<semaphore_mem>>)
    %add3A_428 = arith.constant 16384 : i32
    %add3A_429 = arith.addi %add3A_428, %mul3A_2 : i32
    %add3A_430 = arith.constant 256 : i32
    %add3A_431 = arith.addi %add3A_429, %add3A_430 : i32
    %dma_start3A_432 = arith.constant 1 : i32
    %dma_start3A_433 = arith.constant 2 : i32
    %dma_start3A_434 = arith.constant 0 : i32
    %dma_start3A_435 = tpu.memref_slice %arg6[%dma_start3A_432, %dma_start3A_433, %dma_start3A_434] : memref<13x4x128xi32, #tpu.memory_space<vmem>> -> memref<1x1x128xi32, #tpu.memory_space<vmem>>
    %dma_start3A_436 = tpu.memref_squeeze %dma_start3A_435 : memref<1x1x128xi32, #tpu.memory_space<vmem>> -> memref<128xi32, #tpu.memory_space<vmem>>
    %dma_start3A_437 = tpu.memref_slice %arg2[%add3A_431] : memref<212992xi32, #tpu.memory_space<hbm>> -> memref<128xi32, #tpu.memory_space<hbm>>
    %dma_start3A_438 = arith.constant 0 : i32
    %dma_start3A_439 = tpu.memref_slice %arg6[%dma_start3A_432, %dma_start3A_433, %dma_start3A_438] : memref<13x4x128xi32, #tpu.memory_space<vmem>> -> memref<1x1x128xi32, #tpu.memory_space<vmem>>
    %dma_start3A_440 = tpu.memref_squeeze %dma_start3A_439 : memref<1x1x128xi32, #tpu.memory_space<vmem>> -> memref<128xi32, #tpu.memory_space<vmem>>
    %dma_start3A_441 = tpu.memref_slice %arg2[%add3A_431] : memref<212992xi32, #tpu.memory_space<hbm>> -> memref<128xi32, #tpu.memory_space<hbm>>
    tpu.enqueue_dma source(%dma_start3A_441 : memref<128xi32, #tpu.memory_space<hbm>>) target(%dma_start3A_440 : memref<128xi32, #tpu.memory_space<vmem>>) target_semaphore(%arg8 : memref<!tpu.dma_semaphore, #tpu.memory_space<semaphore_mem>>)
    %add3A_442 = arith.constant 32768 : i32
    %add3A_443 = arith.addi %add3A_442, %mul3A_2 : i32
    %add3A_444 = arith.constant 256 : i32
    %add3A_445 = arith.addi %add3A_443, %add3A_444 : i32
    %dma_start3A_446 = arith.constant 2 : i32
    %dma_start3A_447 = arith.constant 2 : i32
    %dma_start3A_448 = arith.constant 0 : i32
    %dma_start3A_449 = tpu.memref_slice %arg6[%dma_start3A_446, %dma_start3A_447, %dma_start3A_448] : memref<13x4x128xi32, #tpu.memory_space<vmem>> -> memref<1x1x128xi32, #tpu.memory_space<vmem>>
    %dma_start3A_450 = tpu.memref_squeeze %dma_start3A_449 : memref<1x1x128xi32, #tpu.memory_space<vmem>> -> memref<128xi32, #tpu.memory_space<vmem>>
    %dma_start3A_451 = tpu.memref_slice %arg2[%add3A_445] : memref<212992xi32, #tpu.memory_space<hbm>> -> memref<128xi32, #tpu.memory_space<hbm>>
    %dma_start3A_452 = arith.constant 0 : i32
    %dma_start3A_453 = tpu.memref_slice %arg6[%dma_start3A_446, %dma_start3A_447, %dma_start3A_452] : memref<13x4x128xi32, #tpu.memory_space<vmem>> -> memref<1x1x128xi32, #tpu.memory_space<vmem>>
    %dma_start3A_454 = tpu.memref_squeeze %dma_start3A_453 : memref<1x1x128xi32, #tpu.memory_space<vmem>> -> memref<128xi32, #tpu.memory_space<vmem>>
    %dma_start3A_455 = tpu.memref_slice %arg2[%add3A_445] : memref<212992xi32, #tpu.memory_space<hbm>> -> memref<128xi32, #tpu.memory_space<hbm>>
    tpu.enqueue_dma source(%dma_start3A_455 : memref<128xi32, #tpu.memory_space<hbm>>) target(%dma_start3A_454 : memref<128xi32, #tpu.memory_space<vmem>>) target_semaphore(%arg8 : memref<!tpu.dma_semaphore, #tpu.memory_space<semaphore_mem>>)
    %add3A_456 = arith.constant 49152 : i32
    %add3A_457 = arith.addi %add3A_456, %mul3A_2 : i32
    %add3A_458 = arith.constant 256 : i32
    %add3A_459 = arith.addi %add3A_457, %add3A_458 : i32
    %dma_start3A_460 = arith.constant 3 : i32
    %dma_start3A_461 = arith.constant 2 : i32
    %dma_start3A_462 = arith.constant 0 : i32
    %dma_start3A_463 = tpu.memref_slice %arg6[%dma_start3A_460, %dma_start3A_461, %dma_start3A_462] : memref<13x4x128xi32, #tpu.memory_space<vmem>> -> memref<1x1x128xi32, #tpu.memory_space<vmem>>
    %dma_start3A_464 = tpu.memref_squeeze %dma_start3A_463 : memref<1x1x128xi32, #tpu.memory_space<vmem>> -> memref<128xi32, #tpu.memory_space<vmem>>
    %dma_start3A_465 = tpu.memref_slice %arg2[%add3A_459] : memref<212992xi32, #tpu.memory_space<hbm>> -> memref<128xi32, #tpu.memory_space<hbm>>
    %dma_start3A_466 = arith.constant 0 : i32
    %dma_start3A_467 = tpu.memref_slice %arg6[%dma_start3A_460, %dma_start3A_461, %dma_start3A_466] : memref<13x4x128xi32, #tpu.memory_space<vmem>> -> memref<1x1x128xi32, #tpu.memory_space<vmem>>
    %dma_start3A_468 = tpu.memref_squeeze %dma_start3A_467 : memref<1x1x128xi32, #tpu.memory_space<vmem>> -> memref<128xi32, #tpu.memory_space<vmem>>
    %dma_start3A_469 = tpu.memref_slice %arg2[%add3A_459] : memref<212992xi32, #tpu.memory_space<hbm>> -> memref<128xi32, #tpu.memory_space<hbm>>
    tpu.enqueue_dma source(%dma_start3A_469 : memref<128xi32, #tpu.memory_space<hbm>>) target(%dma_start3A_468 : memref<128xi32, #tpu.memory_space<vmem>>) target_semaphore(%arg8 : memref<!tpu.dma_semaphore, #tpu.memory_space<semaphore_mem>>)
    %add3A_470 = arith.constant 65536 : i32
    %add3A_471 = arith.addi %add3A_470, %mul3A_2 : i32
    %add3A_472 = arith.constant 256 : i32
    %add3A_473 = arith.addi %add3A_471, %add3A_472 : i32
    %dma_start3A_474 = arith.constant 4 : i32
    %dma_start3A_475 = arith.constant 2 : i32
    %dma_start3A_476 = arith.constant 0 : i32
    %dma_start3A_477 = tpu.memref_slice %arg6[%dma_start3A_474, %dma_start3A_475, %dma_start3A_476] : memref<13x4x128xi32, #tpu.memory_space<vmem>> -> memref<1x1x128xi32, #tpu.memory_space<vmem>>
    %dma_start3A_478 = tpu.memref_squeeze %dma_start3A_477 : memref<1x1x128xi32, #tpu.memory_space<vmem>> -> memref<128xi32, #tpu.memory_space<vmem>>
    %dma_start3A_479 = tpu.memref_slice %arg2[%add3A_473] : memref<212992xi32, #tpu.memory_space<hbm>> -> memref<128xi32, #tpu.memory_space<hbm>>
    %dma_start3A_480 = arith.constant 0 : i32
    %dma_start3A_481 = tpu.memref_slice %arg6[%dma_start3A_474, %dma_start3A_475, %dma_start3A_480] : memref<13x4x128xi32, #tpu.memory_space<vmem>> -> memref<1x1x128xi32, #tpu.memory_space<vmem>>
    %dma_start3A_482 = tpu.memref_squeeze %dma_start3A_481 : memref<1x1x128xi32, #tpu.memory_space<vmem>> -> memref<128xi32, #tpu.memory_space<vmem>>
    %dma_start3A_483 = tpu.memref_slice %arg2[%add3A_473] : memref<212992xi32, #tpu.memory_space<hbm>> -> memref<128xi32, #tpu.memory_space<hbm>>
    tpu.enqueue_dma source(%dma_start3A_483 : memref<128xi32, #tpu.memory_space<hbm>>) target(%dma_start3A_482 : memref<128xi32, #tpu.memory_space<vmem>>) target_semaphore(%arg8 : memref<!tpu.dma_semaphore, #tpu.memory_space<semaphore_mem>>)
    %add3A_484 = arith.constant 81920 : i32
    %add3A_485 = arith.addi %add3A_484, %mul3A_2 : i32
    %add3A_486 = arith.constant 256 : i32
    %add3A_487 = arith.addi %add3A_485, %add3A_486 : i32
    %dma_start3A_488 = arith.constant 5 : i32
    %dma_start3A_489 = arith.constant 2 : i32
    %dma_start3A_490 = arith.constant 0 : i32
    %dma_start3A_491 = tpu.memref_slice %arg6[%dma_start3A_488, %dma_start3A_489, %dma_start3A_490] : memref<13x4x128xi32, #tpu.memory_space<vmem>> -> memref<1x1x128xi32, #tpu.memory_space<vmem>>
    %dma_start3A_492 = tpu.memref_squeeze %dma_start3A_491 : memref<1x1x128xi32, #tpu.memory_space<vmem>> -> memref<128xi32, #tpu.memory_space<vmem>>
    %dma_start3A_493 = tpu.memref_slice %arg2[%add3A_487] : memref<212992xi32, #tpu.memory_space<hbm>> -> memref<128xi32, #tpu.memory_space<hbm>>
    %dma_start3A_494 = arith.constant 0 : i32
    %dma_start3A_495 = tpu.memref_slice %arg6[%dma_start3A_488, %dma_start3A_489, %dma_start3A_494] : memref<13x4x128xi32, #tpu.memory_space<vmem>> -> memref<1x1x128xi32, #tpu.memory_space<vmem>>
    %dma_start3A_496 = tpu.memref_squeeze %dma_start3A_495 : memref<1x1x128xi32, #tpu.memory_space<vmem>> -> memref<128xi32, #tpu.memory_space<vmem>>
    %dma_start3A_497 = tpu.memref_slice %arg2[%add3A_487] : memref<212992xi32, #tpu.memory_space<hbm>> -> memref<128xi32, #tpu.memory_space<hbm>>
    tpu.enqueue_dma source(%dma_start3A_497 : memref<128xi32, #tpu.memory_space<hbm>>) target(%dma_start3A_496 : memref<128xi32, #tpu.memory_space<vmem>>) target_semaphore(%arg8 : memref<!tpu.dma_semaphore, #tpu.memory_space<semaphore_mem>>)
    %add3A_498 = arith.constant 98304 : i32
    %add3A_499 = arith.addi %add3A_498, %mul3A_2 : i32
    %add3A_500 = arith.constant 256 : i32
    %add3A_501 = arith.addi %add3A_499, %add3A_500 : i32
    %dma_start3A_502 = arith.constant 6 : i32
    %dma_start3A_503 = arith.constant 2 : i32
    %dma_start3A_504 = arith.constant 0 : i32
    %dma_start3A_505 = tpu.memref_slice %arg6[%dma_start3A_502, %dma_start3A_503, %dma_start3A_504] : memref<13x4x128xi32, #tpu.memory_space<vmem>> -> memref<1x1x128xi32, #tpu.memory_space<vmem>>
    %dma_start3A_506 = tpu.memref_squeeze %dma_start3A_505 : memref<1x1x128xi32, #tpu.memory_space<vmem>> -> memref<128xi32, #tpu.memory_space<vmem>>
    %dma_start3A_507 = tpu.memref_slice %arg2[%add3A_501] : memref<212992xi32, #tpu.memory_space<hbm>> -> memref<128xi32, #tpu.memory_space<hbm>>
    %dma_start3A_508 = arith.constant 0 : i32
    %dma_start3A_509 = tpu.memref_slice %arg6[%dma_start3A_502, %dma_start3A_503, %dma_start3A_508] : memref<13x4x128xi32, #tpu.memory_space<vmem>> -> memref<1x1x128xi32, #tpu.memory_space<vmem>>
    %dma_start3A_510 = tpu.memref_squeeze %dma_start3A_509 : memref<1x1x128xi32, #tpu.memory_space<vmem>> -> memref<128xi32, #tpu.memory_space<vmem>>
    %dma_start3A_511 = tpu.memref_slice %arg2[%add3A_501] : memref<212992xi32, #tpu.memory_space<hbm>> -> memref<128xi32, #tpu.memory_space<hbm>>
    tpu.enqueue_dma source(%dma_start3A_511 : memref<128xi32, #tpu.memory_space<hbm>>) target(%dma_start3A_510 : memref<128xi32, #tpu.memory_space<vmem>>) target_semaphore(%arg8 : memref<!tpu.dma_semaphore, #tpu.memory_space<semaphore_mem>>)
    %add3A_512 = arith.constant 114688 : i32
    %add3A_513 = arith.addi %add3A_512, %mul3A_2 : i32
    %add3A_514 = arith.constant 256 : i32
    %add3A_515 = arith.addi %add3A_513, %add3A_514 : i32
    %dma_start3A_516 = arith.constant 7 : i32
    %dma_start3A_517 = arith.constant 2 : i32
    %dma_start3A_518 = arith.constant 0 : i32
    %dma_start3A_519 = tpu.memref_slice %arg6[%dma_start3A_516, %dma_start3A_517, %dma_start3A_518] : memref<13x4x128xi32, #tpu.memory_space<vmem>> -> memref<1x1x128xi32, #tpu.memory_space<vmem>>
    %dma_start3A_520 = tpu.memref_squeeze %dma_start3A_519 : memref<1x1x128xi32, #tpu.memory_space<vmem>> -> memref<128xi32, #tpu.memory_space<vmem>>
    %dma_start3A_521 = tpu.memref_slice %arg2[%add3A_515] : memref<212992xi32, #tpu.memory_space<hbm>> -> memref<128xi32, #tpu.memory_space<hbm>>
    %dma_start3A_522 = arith.constant 0 : i32
    %dma_start3A_523 = tpu.memref_slice %arg6[%dma_start3A_516, %dma_start3A_517, %dma_start3A_522] : memref<13x4x128xi32, #tpu.memory_space<vmem>> -> memref<1x1x128xi32, #tpu.memory_space<vmem>>
    %dma_start3A_524 = tpu.memref_squeeze %dma_start3A_523 : memref<1x1x128xi32, #tpu.memory_space<vmem>> -> memref<128xi32, #tpu.memory_space<vmem>>
    %dma_start3A_525 = tpu.memref_slice %arg2[%add3A_515] : memref<212992xi32, #tpu.memory_space<hbm>> -> memref<128xi32, #tpu.memory_space<hbm>>
    tpu.enqueue_dma source(%dma_start3A_525 : memref<128xi32, #tpu.memory_space<hbm>>) target(%dma_start3A_524 : memref<128xi32, #tpu.memory_space<vmem>>) target_semaphore(%arg8 : memref<!tpu.dma_semaphore, #tpu.memory_space<semaphore_mem>>)
    %add3A_526 = arith.constant 131072 : i32
    %add3A_527 = arith.addi %add3A_526, %mul3A_2 : i32
    %add3A_528 = arith.constant 256 : i32
    %add3A_529 = arith.addi %add3A_527, %add3A_528 : i32
    %dma_start3A_530 = arith.constant 8 : i32
    %dma_start3A_531 = arith.constant 2 : i32
    %dma_start3A_532 = arith.constant 0 : i32
    %dma_start3A_533 = tpu.memref_slice %arg6[%dma_start3A_530, %dma_start3A_531, %dma_start3A_532] : memref<13x4x128xi32, #tpu.memory_space<vmem>> -> memref<1x1x128xi32, #tpu.memory_space<vmem>>
    %dma_start3A_534 = tpu.memref_squeeze %dma_start3A_533 : memref<1x1x128xi32, #tpu.memory_space<vmem>> -> memref<128xi32, #tpu.memory_space<vmem>>
    %dma_start3A_535 = tpu.memref_slice %arg2[%add3A_529] : memref<212992xi32, #tpu.memory_space<hbm>> -> memref<128xi32, #tpu.memory_space<hbm>>
    %dma_start3A_536 = arith.constant 0 : i32
    %dma_start3A_537 = tpu.memref_slice %arg6[%dma_start3A_530, %dma_start3A_531, %dma_start3A_536] : memref<13x4x128xi32, #tpu.memory_space<vmem>> -> memref<1x1x128xi32, #tpu.memory_space<vmem>>
    %dma_start3A_538 = tpu.memref_squeeze %dma_start3A_537 : memref<1x1x128xi32, #tpu.memory_space<vmem>> -> memref<128xi32, #tpu.memory_space<vmem>>
    %dma_start3A_539 = tpu.memref_slice %arg2[%add3A_529] : memref<212992xi32, #tpu.memory_space<hbm>> -> memref<128xi32, #tpu.memory_space<hbm>>
    tpu.enqueue_dma source(%dma_start3A_539 : memref<128xi32, #tpu.memory_space<hbm>>) target(%dma_start3A_538 : memref<128xi32, #tpu.memory_space<vmem>>) target_semaphore(%arg8 : memref<!tpu.dma_semaphore, #tpu.memory_space<semaphore_mem>>)
    %add3A_540 = arith.constant 147456 : i32
    %add3A_541 = arith.addi %add3A_540, %mul3A_2 : i32
    %add3A_542 = arith.constant 256 : i32
    %add3A_543 = arith.addi %add3A_541, %add3A_542 : i32
    %dma_start3A_544 = arith.constant 9 : i32
    %dma_start3A_545 = arith.constant 2 : i32
    %dma_start3A_546 = arith.constant 0 : i32
    %dma_start3A_547 = tpu.memref_slice %arg6[%dma_start3A_544, %dma_start3A_545, %dma_start3A_546] : memref<13x4x128xi32, #tpu.memory_space<vmem>> -> memref<1x1x128xi32, #tpu.memory_space<vmem>>
    %dma_start3A_548 = tpu.memref_squeeze %dma_start3A_547 : memref<1x1x128xi32, #tpu.memory_space<vmem>> -> memref<128xi32, #tpu.memory_space<vmem>>
    %dma_start3A_549 = tpu.memref_slice %arg2[%add3A_543] : memref<212992xi32, #tpu.memory_space<hbm>> -> memref<128xi32, #tpu.memory_space<hbm>>
    %dma_start3A_550 = arith.constant 0 : i32
    %dma_start3A_551 = tpu.memref_slice %arg6[%dma_start3A_544, %dma_start3A_545, %dma_start3A_550] : memref<13x4x128xi32, #tpu.memory_space<vmem>> -> memref<1x1x128xi32, #tpu.memory_space<vmem>>
    %dma_start3A_552 = tpu.memref_squeeze %dma_start3A_551 : memref<1x1x128xi32, #tpu.memory_space<vmem>> -> memref<128xi32, #tpu.memory_space<vmem>>
    %dma_start3A_553 = tpu.memref_slice %arg2[%add3A_543] : memref<212992xi32, #tpu.memory_space<hbm>> -> memref<128xi32, #tpu.memory_space<hbm>>
    tpu.enqueue_dma source(%dma_start3A_553 : memref<128xi32, #tpu.memory_space<hbm>>) target(%dma_start3A_552 : memref<128xi32, #tpu.memory_space<vmem>>) target_semaphore(%arg8 : memref<!tpu.dma_semaphore, #tpu.memory_space<semaphore_mem>>)
    %add3A_554 = arith.constant 163840 : i32
    %add3A_555 = arith.addi %add3A_554, %mul3A_2 : i32
    %add3A_556 = arith.constant 256 : i32
    %add3A_557 = arith.addi %add3A_555, %add3A_556 : i32
    %dma_start3A_558 = arith.constant 10 : i32
    %dma_start3A_559 = arith.constant 2 : i32
    %dma_start3A_560 = arith.constant 0 : i32
    %dma_start3A_561 = tpu.memref_slice %arg6[%dma_start3A_558, %dma_start3A_559, %dma_start3A_560] : memref<13x4x128xi32, #tpu.memory_space<vmem>> -> memref<1x1x128xi32, #tpu.memory_space<vmem>>
    %dma_start3A_562 = tpu.memref_squeeze %dma_start3A_561 : memref<1x1x128xi32, #tpu.memory_space<vmem>> -> memref<128xi32, #tpu.memory_space<vmem>>
    %dma_start3A_563 = tpu.memref_slice %arg2[%add3A_557] : memref<212992xi32, #tpu.memory_space<hbm>> -> memref<128xi32, #tpu.memory_space<hbm>>
    %dma_start3A_564 = arith.constant 0 : i32
    %dma_start3A_565 = tpu.memref_slice %arg6[%dma_start3A_558, %dma_start3A_559, %dma_start3A_564] : memref<13x4x128xi32, #tpu.memory_space<vmem>> -> memref<1x1x128xi32, #tpu.memory_space<vmem>>
    %dma_start3A_566 = tpu.memref_squeeze %dma_start3A_565 : memref<1x1x128xi32, #tpu.memory_space<vmem>> -> memref<128xi32, #tpu.memory_space<vmem>>
    %dma_start3A_567 = tpu.memref_slice %arg2[%add3A_557] : memref<212992xi32, #tpu.memory_space<hbm>> -> memref<128xi32, #tpu.memory_space<hbm>>
    tpu.enqueue_dma source(%dma_start3A_567 : memref<128xi32, #tpu.memory_space<hbm>>) target(%dma_start3A_566 : memref<128xi32, #tpu.memory_space<vmem>>) target_semaphore(%arg8 : memref<!tpu.dma_semaphore, #tpu.memory_space<semaphore_mem>>)
    %add3A_568 = arith.constant 180224 : i32
    %add3A_569 = arith.addi %add3A_568, %mul3A_2 : i32
    %add3A_570 = arith.constant 256 : i32
    %add3A_571 = arith.addi %add3A_569, %add3A_570 : i32
    %dma_start3A_572 = arith.constant 11 : i32
    %dma_start3A_573 = arith.constant 2 : i32
    %dma_start3A_574 = arith.constant 0 : i32
    %dma_start3A_575 = tpu.memref_slice %arg6[%dma_start3A_572, %dma_start3A_573, %dma_start3A_574] : memref<13x4x128xi32, #tpu.memory_space<vmem>> -> memref<1x1x128xi32, #tpu.memory_space<vmem>>
    %dma_start3A_576 = tpu.memref_squeeze %dma_start3A_575 : memref<1x1x128xi32, #tpu.memory_space<vmem>> -> memref<128xi32, #tpu.memory_space<vmem>>
    %dma_start3A_577 = tpu.memref_slice %arg2[%add3A_571] : memref<212992xi32, #tpu.memory_space<hbm>> -> memref<128xi32, #tpu.memory_space<hbm>>
    %dma_start3A_578 = arith.constant 0 : i32
    %dma_start3A_579 = tpu.memref_slice %arg6[%dma_start3A_572, %dma_start3A_573, %dma_start3A_578] : memref<13x4x128xi32, #tpu.memory_space<vmem>> -> memref<1x1x128xi32, #tpu.memory_space<vmem>>
    %dma_start3A_580 = tpu.memref_squeeze %dma_start3A_579 : memref<1x1x128xi32, #tpu.memory_space<vmem>> -> memref<128xi32, #tpu.memory_space<vmem>>
    %dma_start3A_581 = tpu.memref_slice %arg2[%add3A_571] : memref<212992xi32, #tpu.memory_space<hbm>> -> memref<128xi32, #tpu.memory_space<hbm>>
    tpu.enqueue_dma source(%dma_start3A_581 : memref<128xi32, #tpu.memory_space<hbm>>) target(%dma_start3A_580 : memref<128xi32, #tpu.memory_space<vmem>>) target_semaphore(%arg8 : memref<!tpu.dma_semaphore, #tpu.memory_space<semaphore_mem>>)
    %add3A_582 = arith.constant 196608 : i32
    %add3A_583 = arith.addi %add3A_582, %mul3A_2 : i32
    %add3A_584 = arith.constant 256 : i32
    %add3A_585 = arith.addi %add3A_583, %add3A_584 : i32
    %dma_start3A_586 = arith.constant 12 : i32
    %dma_start3A_587 = arith.constant 2 : i32
    %dma_start3A_588 = arith.constant 0 : i32
    %dma_start3A_589 = tpu.memref_slice %arg6[%dma_start3A_586, %dma_start3A_587, %dma_start3A_588] : memref<13x4x128xi32, #tpu.memory_space<vmem>> -> memref<1x1x128xi32, #tpu.memory_space<vmem>>
    %dma_start3A_590 = tpu.memref_squeeze %dma_start3A_589 : memref<1x1x128xi32, #tpu.memory_space<vmem>> -> memref<128xi32, #tpu.memory_space<vmem>>
    %dma_start3A_591 = tpu.memref_slice %arg2[%add3A_585] : memref<212992xi32, #tpu.memory_space<hbm>> -> memref<128xi32, #tpu.memory_space<hbm>>
    %dma_start3A_592 = arith.constant 0 : i32
    %dma_start3A_593 = tpu.memref_slice %arg6[%dma_start3A_586, %dma_start3A_587, %dma_start3A_592] : memref<13x4x128xi32, #tpu.memory_space<vmem>> -> memref<1x1x128xi32, #tpu.memory_space<vmem>>
    %dma_start3A_594 = tpu.memref_squeeze %dma_start3A_593 : memref<1x1x128xi32, #tpu.memory_space<vmem>> -> memref<128xi32, #tpu.memory_space<vmem>>
    %dma_start3A_595 = tpu.memref_slice %arg2[%add3A_585] : memref<212992xi32, #tpu.memory_space<hbm>> -> memref<128xi32, #tpu.memory_space<hbm>>
    tpu.enqueue_dma source(%dma_start3A_595 : memref<128xi32, #tpu.memory_space<hbm>>) target(%dma_start3A_594 : memref<128xi32, #tpu.memory_space<vmem>>) target_semaphore(%arg8 : memref<!tpu.dma_semaphore, #tpu.memory_space<semaphore_mem>>)
    %add3A_596 = arith.constant 0 : i32
    %add3A_597 = arith.addi %add3A_596, %mul3A_2 : i32
    %add3A_598 = arith.constant 384 : i32
    %add3A_599 = arith.addi %add3A_597, %add3A_598 : i32
    %dma_start3A_600 = arith.constant 0 : i32
    %dma_start3A_601 = arith.constant 3 : i32
    %dma_start3A_602 = arith.constant 0 : i32
    %dma_start3A_603 = tpu.memref_slice %arg6[%dma_start3A_600, %dma_start3A_601, %dma_start3A_602] : memref<13x4x128xi32, #tpu.memory_space<vmem>> -> memref<1x1x128xi32, #tpu.memory_space<vmem>>
    %dma_start3A_604 = tpu.memref_squeeze %dma_start3A_603 : memref<1x1x128xi32, #tpu.memory_space<vmem>> -> memref<128xi32, #tpu.memory_space<vmem>>
    %dma_start3A_605 = tpu.memref_slice %arg2[%add3A_599] : memref<212992xi32, #tpu.memory_space<hbm>> -> memref<128xi32, #tpu.memory_space<hbm>>
    %dma_start3A_606 = arith.constant 0 : i32
    %dma_start3A_607 = tpu.memref_slice %arg6[%dma_start3A_600, %dma_start3A_601, %dma_start3A_606] : memref<13x4x128xi32, #tpu.memory_space<vmem>> -> memref<1x1x128xi32, #tpu.memory_space<vmem>>
    %dma_start3A_608 = tpu.memref_squeeze %dma_start3A_607 : memref<1x1x128xi32, #tpu.memory_space<vmem>> -> memref<128xi32, #tpu.memory_space<vmem>>
    %dma_start3A_609 = tpu.memref_slice %arg2[%add3A_599] : memref<212992xi32, #tpu.memory_space<hbm>> -> memref<128xi32, #tpu.memory_space<hbm>>
    tpu.enqueue_dma source(%dma_start3A_609 : memref<128xi32, #tpu.memory_space<hbm>>) target(%dma_start3A_608 : memref<128xi32, #tpu.memory_space<vmem>>) target_semaphore(%arg8 : memref<!tpu.dma_semaphore, #tpu.memory_space<semaphore_mem>>)
    %add3A_610 = arith.constant 16384 : i32
    %add3A_611 = arith.addi %add3A_610, %mul3A_2 : i32
    %add3A_612 = arith.constant 384 : i32
    %add3A_613 = arith.addi %add3A_611, %add3A_612 : i32
    %dma_start3A_614 = arith.constant 1 : i32
    %dma_start3A_615 = arith.constant 3 : i32
    %dma_start3A_616 = arith.constant 0 : i32
    %dma_start3A_617 = tpu.memref_slice %arg6[%dma_start3A_614, %dma_start3A_615, %dma_start3A_616] : memref<13x4x128xi32, #tpu.memory_space<vmem>> -> memref<1x1x128xi32, #tpu.memory_space<vmem>>
    %dma_start3A_618 = tpu.memref_squeeze %dma_start3A_617 : memref<1x1x128xi32, #tpu.memory_space<vmem>> -> memref<128xi32, #tpu.memory_space<vmem>>
    %dma_start3A_619 = tpu.memref_slice %arg2[%add3A_613] : memref<212992xi32, #tpu.memory_space<hbm>> -> memref<128xi32, #tpu.memory_space<hbm>>
    %dma_start3A_620 = arith.constant 0 : i32
    %dma_start3A_621 = tpu.memref_slice %arg6[%dma_start3A_614, %dma_start3A_615, %dma_start3A_620] : memref<13x4x128xi32, #tpu.memory_space<vmem>> -> memref<1x1x128xi32, #tpu.memory_space<vmem>>
    %dma_start3A_622 = tpu.memref_squeeze %dma_start3A_621 : memref<1x1x128xi32, #tpu.memory_space<vmem>> -> memref<128xi32, #tpu.memory_space<vmem>>
    %dma_start3A_623 = tpu.memref_slice %arg2[%add3A_613] : memref<212992xi32, #tpu.memory_space<hbm>> -> memref<128xi32, #tpu.memory_space<hbm>>
    tpu.enqueue_dma source(%dma_start3A_623 : memref<128xi32, #tpu.memory_space<hbm>>) target(%dma_start3A_622 : memref<128xi32, #tpu.memory_space<vmem>>) target_semaphore(%arg8 : memref<!tpu.dma_semaphore, #tpu.memory_space<semaphore_mem>>)
    %add3A_624 = arith.constant 32768 : i32
    %add3A_625 = arith.addi %add3A_624, %mul3A_2 : i32
    %add3A_626 = arith.constant 384 : i32
    %add3A_627 = arith.addi %add3A_625, %add3A_626 : i32
    %dma_start3A_628 = arith.constant 2 : i32
    %dma_start3A_629 = arith.constant 3 : i32
    %dma_start3A_630 = arith.constant 0 : i32
    %dma_start3A_631 = tpu.memref_slice %arg6[%dma_start3A_628, %dma_start3A_629, %dma_start3A_630] : memref<13x4x128xi32, #tpu.memory_space<vmem>> -> memref<1x1x128xi32, #tpu.memory_space<vmem>>
    %dma_start3A_632 = tpu.memref_squeeze %dma_start3A_631 : memref<1x1x128xi32, #tpu.memory_space<vmem>> -> memref<128xi32, #tpu.memory_space<vmem>>
    %dma_start3A_633 = tpu.memref_slice %arg2[%add3A_627] : memref<212992xi32, #tpu.memory_space<hbm>> -> memref<128xi32, #tpu.memory_space<hbm>>
    %dma_start3A_634 = arith.constant 0 : i32
    %dma_start3A_635 = tpu.memref_slice %arg6[%dma_start3A_628, %dma_start3A_629, %dma_start3A_634] : memref<13x4x128xi32, #tpu.memory_space<vmem>> -> memref<1x1x128xi32, #tpu.memory_space<vmem>>
    %dma_start3A_636 = tpu.memref_squeeze %dma_start3A_635 : memref<1x1x128xi32, #tpu.memory_space<vmem>> -> memref<128xi32, #tpu.memory_space<vmem>>
    %dma_start3A_637 = tpu.memref_slice %arg2[%add3A_627] : memref<212992xi32, #tpu.memory_space<hbm>> -> memref<128xi32, #tpu.memory_space<hbm>>
    tpu.enqueue_dma source(%dma_start3A_637 : memref<128xi32, #tpu.memory_space<hbm>>) target(%dma_start3A_636 : memref<128xi32, #tpu.memory_space<vmem>>) target_semaphore(%arg8 : memref<!tpu.dma_semaphore, #tpu.memory_space<semaphore_mem>>)
    %add3A_638 = arith.constant 49152 : i32
    %add3A_639 = arith.addi %add3A_638, %mul3A_2 : i32
    %add3A_640 = arith.constant 384 : i32
    %add3A_641 = arith.addi %add3A_639, %add3A_640 : i32
    %dma_start3A_642 = arith.constant 3 : i32
    %dma_start3A_643 = arith.constant 3 : i32
    %dma_start3A_644 = arith.constant 0 : i32
    %dma_start3A_645 = tpu.memref_slice %arg6[%dma_start3A_642, %dma_start3A_643, %dma_start3A_644] : memref<13x4x128xi32, #tpu.memory_space<vmem>> -> memref<1x1x128xi32, #tpu.memory_space<vmem>>
    %dma_start3A_646 = tpu.memref_squeeze %dma_start3A_645 : memref<1x1x128xi32, #tpu.memory_space<vmem>> -> memref<128xi32, #tpu.memory_space<vmem>>
    %dma_start3A_647 = tpu.memref_slice %arg2[%add3A_641] : memref<212992xi32, #tpu.memory_space<hbm>> -> memref<128xi32, #tpu.memory_space<hbm>>
    %dma_start3A_648 = arith.constant 0 : i32
    %dma_start3A_649 = tpu.memref_slice %arg6[%dma_start3A_642, %dma_start3A_643, %dma_start3A_648] : memref<13x4x128xi32, #tpu.memory_space<vmem>> -> memref<1x1x128xi32, #tpu.memory_space<vmem>>
    %dma_start3A_650 = tpu.memref_squeeze %dma_start3A_649 : memref<1x1x128xi32, #tpu.memory_space<vmem>> -> memref<128xi32, #tpu.memory_space<vmem>>
    %dma_start3A_651 = tpu.memref_slice %arg2[%add3A_641] : memref<212992xi32, #tpu.memory_space<hbm>> -> memref<128xi32, #tpu.memory_space<hbm>>
    tpu.enqueue_dma source(%dma_start3A_651 : memref<128xi32, #tpu.memory_space<hbm>>) target(%dma_start3A_650 : memref<128xi32, #tpu.memory_space<vmem>>) target_semaphore(%arg8 : memref<!tpu.dma_semaphore, #tpu.memory_space<semaphore_mem>>)
    %add3A_652 = arith.constant 65536 : i32
    %add3A_653 = arith.addi %add3A_652, %mul3A_2 : i32
    %add3A_654 = arith.constant 384 : i32
    %add3A_655 = arith.addi %add3A_653, %add3A_654 : i32
    %dma_start3A_656 = arith.constant 4 : i32
    %dma_start3A_657 = arith.constant 3 : i32
    %dma_start3A_658 = arith.constant 0 : i32
    %dma_start3A_659 = tpu.memref_slice %arg6[%dma_start3A_656, %dma_start3A_657, %dma_start3A_658] : memref<13x4x128xi32, #tpu.memory_space<vmem>> -> memref<1x1x128xi32, #tpu.memory_space<vmem>>
    %dma_start3A_660 = tpu.memref_squeeze %dma_start3A_659 : memref<1x1x128xi32, #tpu.memory_space<vmem>> -> memref<128xi32, #tpu.memory_space<vmem>>
    %dma_start3A_661 = tpu.memref_slice %arg2[%add3A_655] : memref<212992xi32, #tpu.memory_space<hbm>> -> memref<128xi32, #tpu.memory_space<hbm>>
    %dma_start3A_662 = arith.constant 0 : i32
    %dma_start3A_663 = tpu.memref_slice %arg6[%dma_start3A_656, %dma_start3A_657, %dma_start3A_662] : memref<13x4x128xi32, #tpu.memory_space<vmem>> -> memref<1x1x128xi32, #tpu.memory_space<vmem>>
    %dma_start3A_664 = tpu.memref_squeeze %dma_start3A_663 : memref<1x1x128xi32, #tpu.memory_space<vmem>> -> memref<128xi32, #tpu.memory_space<vmem>>
    %dma_start3A_665 = tpu.memref_slice %arg2[%add3A_655] : memref<212992xi32, #tpu.memory_space<hbm>> -> memref<128xi32, #tpu.memory_space<hbm>>
    tpu.enqueue_dma source(%dma_start3A_665 : memref<128xi32, #tpu.memory_space<hbm>>) target(%dma_start3A_664 : memref<128xi32, #tpu.memory_space<vmem>>) target_semaphore(%arg8 : memref<!tpu.dma_semaphore, #tpu.memory_space<semaphore_mem>>)
    %add3A_666 = arith.constant 81920 : i32
    %add3A_667 = arith.addi %add3A_666, %mul3A_2 : i32
    %add3A_668 = arith.constant 384 : i32
    %add3A_669 = arith.addi %add3A_667, %add3A_668 : i32
    %dma_start3A_670 = arith.constant 5 : i32
    %dma_start3A_671 = arith.constant 3 : i32
    %dma_start3A_672 = arith.constant 0 : i32
    %dma_start3A_673 = tpu.memref_slice %arg6[%dma_start3A_670, %dma_start3A_671, %dma_start3A_672] : memref<13x4x128xi32, #tpu.memory_space<vmem>> -> memref<1x1x128xi32, #tpu.memory_space<vmem>>
    %dma_start3A_674 = tpu.memref_squeeze %dma_start3A_673 : memref<1x1x128xi32, #tpu.memory_space<vmem>> -> memref<128xi32, #tpu.memory_space<vmem>>
    %dma_start3A_675 = tpu.memref_slice %arg2[%add3A_669] : memref<212992xi32, #tpu.memory_space<hbm>> -> memref<128xi32, #tpu.memory_space<hbm>>
    %dma_start3A_676 = arith.constant 0 : i32
    %dma_start3A_677 = tpu.memref_slice %arg6[%dma_start3A_670, %dma_start3A_671, %dma_start3A_676] : memref<13x4x128xi32, #tpu.memory_space<vmem>> -> memref<1x1x128xi32, #tpu.memory_space<vmem>>
    %dma_start3A_678 = tpu.memref_squeeze %dma_start3A_677 : memref<1x1x128xi32, #tpu.memory_space<vmem>> -> memref<128xi32, #tpu.memory_space<vmem>>
    %dma_start3A_679 = tpu.memref_slice %arg2[%add3A_669] : memref<212992xi32, #tpu.memory_space<hbm>> -> memref<128xi32, #tpu.memory_space<hbm>>
    tpu.enqueue_dma source(%dma_start3A_679 : memref<128xi32, #tpu.memory_space<hbm>>) target(%dma_start3A_678 : memref<128xi32, #tpu.memory_space<vmem>>) target_semaphore(%arg8 : memref<!tpu.dma_semaphore, #tpu.memory_space<semaphore_mem>>)
    %add3A_680 = arith.constant 98304 : i32
    %add3A_681 = arith.addi %add3A_680, %mul3A_2 : i32
    %add3A_682 = arith.constant 384 : i32
    %add3A_683 = arith.addi %add3A_681, %add3A_682 : i32
    %dma_start3A_684 = arith.constant 6 : i32
    %dma_start3A_685 = arith.constant 3 : i32
    %dma_start3A_686 = arith.constant 0 : i32
    %dma_start3A_687 = tpu.memref_slice %arg6[%dma_start3A_684, %dma_start3A_685, %dma_start3A_686] : memref<13x4x128xi32, #tpu.memory_space<vmem>> -> memref<1x1x128xi32, #tpu.memory_space<vmem>>
    %dma_start3A_688 = tpu.memref_squeeze %dma_start3A_687 : memref<1x1x128xi32, #tpu.memory_space<vmem>> -> memref<128xi32, #tpu.memory_space<vmem>>
    %dma_start3A_689 = tpu.memref_slice %arg2[%add3A_683] : memref<212992xi32, #tpu.memory_space<hbm>> -> memref<128xi32, #tpu.memory_space<hbm>>
    %dma_start3A_690 = arith.constant 0 : i32
    %dma_start3A_691 = tpu.memref_slice %arg6[%dma_start3A_684, %dma_start3A_685, %dma_start3A_690] : memref<13x4x128xi32, #tpu.memory_space<vmem>> -> memref<1x1x128xi32, #tpu.memory_space<vmem>>
    %dma_start3A_692 = tpu.memref_squeeze %dma_start3A_691 : memref<1x1x128xi32, #tpu.memory_space<vmem>> -> memref<128xi32, #tpu.memory_space<vmem>>
    %dma_start3A_693 = tpu.memref_slice %arg2[%add3A_683] : memref<212992xi32, #tpu.memory_space<hbm>> -> memref<128xi32, #tpu.memory_space<hbm>>
    tpu.enqueue_dma source(%dma_start3A_693 : memref<128xi32, #tpu.memory_space<hbm>>) target(%dma_start3A_692 : memref<128xi32, #tpu.memory_space<vmem>>) target_semaphore(%arg8 : memref<!tpu.dma_semaphore, #tpu.memory_space<semaphore_mem>>)
    %add3A_694 = arith.constant 114688 : i32
    %add3A_695 = arith.addi %add3A_694, %mul3A_2 : i32
    %add3A_696 = arith.constant 384 : i32
    %add3A_697 = arith.addi %add3A_695, %add3A_696 : i32
    %dma_start3A_698 = arith.constant 7 : i32
    %dma_start3A_699 = arith.constant 3 : i32
    %dma_start3A_700 = arith.constant 0 : i32
    %dma_start3A_701 = tpu.memref_slice %arg6[%dma_start3A_698, %dma_start3A_699, %dma_start3A_700] : memref<13x4x128xi32, #tpu.memory_space<vmem>> -> memref<1x1x128xi32, #tpu.memory_space<vmem>>
    %dma_start3A_702 = tpu.memref_squeeze %dma_start3A_701 : memref<1x1x128xi32, #tpu.memory_space<vmem>> -> memref<128xi32, #tpu.memory_space<vmem>>
    %dma_start3A_703 = tpu.memref_slice %arg2[%add3A_697] : memref<212992xi32, #tpu.memory_space<hbm>> -> memref<128xi32, #tpu.memory_space<hbm>>
    %dma_start3A_704 = arith.constant 0 : i32
    %dma_start3A_705 = tpu.memref_slice %arg6[%dma_start3A_698, %dma_start3A_699, %dma_start3A_704] : memref<13x4x128xi32, #tpu.memory_space<vmem>> -> memref<1x1x128xi32, #tpu.memory_space<vmem>>
    %dma_start3A_706 = tpu.memref_squeeze %dma_start3A_705 : memref<1x1x128xi32, #tpu.memory_space<vmem>> -> memref<128xi32, #tpu.memory_space<vmem>>
    %dma_start3A_707 = tpu.memref_slice %arg2[%add3A_697] : memref<212992xi32, #tpu.memory_space<hbm>> -> memref<128xi32, #tpu.memory_space<hbm>>
    tpu.enqueue_dma source(%dma_start3A_707 : memref<128xi32, #tpu.memory_space<hbm>>) target(%dma_start3A_706 : memref<128xi32, #tpu.memory_space<vmem>>) target_semaphore(%arg8 : memref<!tpu.dma_semaphore, #tpu.memory_space<semaphore_mem>>)
    %add3A_708 = arith.constant 131072 : i32
    %add3A_709 = arith.addi %add3A_708, %mul3A_2 : i32
    %add3A_710 = arith.constant 384 : i32
    %add3A_711 = arith.addi %add3A_709, %add3A_710 : i32
    %dma_start3A_712 = arith.constant 8 : i32
    %dma_start3A_713 = arith.constant 3 : i32
    %dma_start3A_714 = arith.constant 0 : i32
    %dma_start3A_715 = tpu.memref_slice %arg6[%dma_start3A_712, %dma_start3A_713, %dma_start3A_714] : memref<13x4x128xi32, #tpu.memory_space<vmem>> -> memref<1x1x128xi32, #tpu.memory_space<vmem>>
    %dma_start3A_716 = tpu.memref_squeeze %dma_start3A_715 : memref<1x1x128xi32, #tpu.memory_space<vmem>> -> memref<128xi32, #tpu.memory_space<vmem>>
    %dma_start3A_717 = tpu.memref_slice %arg2[%add3A_711] : memref<212992xi32, #tpu.memory_space<hbm>> -> memref<128xi32, #tpu.memory_space<hbm>>
    %dma_start3A_718 = arith.constant 0 : i32
    %dma_start3A_719 = tpu.memref_slice %arg6[%dma_start3A_712, %dma_start3A_713, %dma_start3A_718] : memref<13x4x128xi32, #tpu.memory_space<vmem>> -> memref<1x1x128xi32, #tpu.memory_space<vmem>>
    %dma_start3A_720 = tpu.memref_squeeze %dma_start3A_719 : memref<1x1x128xi32, #tpu.memory_space<vmem>> -> memref<128xi32, #tpu.memory_space<vmem>>
    %dma_start3A_721 = tpu.memref_slice %arg2[%add3A_711] : memref<212992xi32, #tpu.memory_space<hbm>> -> memref<128xi32, #tpu.memory_space<hbm>>
    tpu.enqueue_dma source(%dma_start3A_721 : memref<128xi32, #tpu.memory_space<hbm>>) target(%dma_start3A_720 : memref<128xi32, #tpu.memory_space<vmem>>) target_semaphore(%arg8 : memref<!tpu.dma_semaphore, #tpu.memory_space<semaphore_mem>>)
    %add3A_722 = arith.constant 147456 : i32
    %add3A_723 = arith.addi %add3A_722, %mul3A_2 : i32
    %add3A_724 = arith.constant 384 : i32
    %add3A_725 = arith.addi %add3A_723, %add3A_724 : i32
    %dma_start3A_726 = arith.constant 9 : i32
    %dma_start3A_727 = arith.constant 3 : i32
    %dma_start3A_728 = arith.constant 0 : i32
    %dma_start3A_729 = tpu.memref_slice %arg6[%dma_start3A_726, %dma_start3A_727, %dma_start3A_728] : memref<13x4x128xi32, #tpu.memory_space<vmem>> -> memref<1x1x128xi32, #tpu.memory_space<vmem>>
    %dma_start3A_730 = tpu.memref_squeeze %dma_start3A_729 : memref<1x1x128xi32, #tpu.memory_space<vmem>> -> memref<128xi32, #tpu.memory_space<vmem>>
    %dma_start3A_731 = tpu.memref_slice %arg2[%add3A_725] : memref<212992xi32, #tpu.memory_space<hbm>> -> memref<128xi32, #tpu.memory_space<hbm>>
    %dma_start3A_732 = arith.constant 0 : i32
    %dma_start3A_733 = tpu.memref_slice %arg6[%dma_start3A_726, %dma_start3A_727, %dma_start3A_732] : memref<13x4x128xi32, #tpu.memory_space<vmem>> -> memref<1x1x128xi32, #tpu.memory_space<vmem>>
    %dma_start3A_734 = tpu.memref_squeeze %dma_start3A_733 : memref<1x1x128xi32, #tpu.memory_space<vmem>> -> memref<128xi32, #tpu.memory_space<vmem>>
    %dma_start3A_735 = tpu.memref_slice %arg2[%add3A_725] : memref<212992xi32, #tpu.memory_space<hbm>> -> memref<128xi32, #tpu.memory_space<hbm>>
    tpu.enqueue_dma source(%dma_start3A_735 : memref<128xi32, #tpu.memory_space<hbm>>) target(%dma_start3A_734 : memref<128xi32, #tpu.memory_space<vmem>>) target_semaphore(%arg8 : memref<!tpu.dma_semaphore, #tpu.memory_space<semaphore_mem>>)
    %add3A_736 = arith.constant 163840 : i32
    %add3A_737 = arith.addi %add3A_736, %mul3A_2 : i32
    %add3A_738 = arith.constant 384 : i32
    %add3A_739 = arith.addi %add3A_737, %add3A_738 : i32
    %dma_start3A_740 = arith.constant 10 : i32
    %dma_start3A_741 = arith.constant 3 : i32
    %dma_start3A_742 = arith.constant 0 : i32
    %dma_start3A_743 = tpu.memref_slice %arg6[%dma_start3A_740, %dma_start3A_741, %dma_start3A_742] : memref<13x4x128xi32, #tpu.memory_space<vmem>> -> memref<1x1x128xi32, #tpu.memory_space<vmem>>
    %dma_start3A_744 = tpu.memref_squeeze %dma_start3A_743 : memref<1x1x128xi32, #tpu.memory_space<vmem>> -> memref<128xi32, #tpu.memory_space<vmem>>
    %dma_start3A_745 = tpu.memref_slice %arg2[%add3A_739] : memref<212992xi32, #tpu.memory_space<hbm>> -> memref<128xi32, #tpu.memory_space<hbm>>
    %dma_start3A_746 = arith.constant 0 : i32
    %dma_start3A_747 = tpu.memref_slice %arg6[%dma_start3A_740, %dma_start3A_741, %dma_start3A_746] : memref<13x4x128xi32, #tpu.memory_space<vmem>> -> memref<1x1x128xi32, #tpu.memory_space<vmem>>
    %dma_start3A_748 = tpu.memref_squeeze %dma_start3A_747 : memref<1x1x128xi32, #tpu.memory_space<vmem>> -> memref<128xi32, #tpu.memory_space<vmem>>
    %dma_start3A_749 = tpu.memref_slice %arg2[%add3A_739] : memref<212992xi32, #tpu.memory_space<hbm>> -> memref<128xi32, #tpu.memory_space<hbm>>
    tpu.enqueue_dma source(%dma_start3A_749 : memref<128xi32, #tpu.memory_space<hbm>>) target(%dma_start3A_748 : memref<128xi32, #tpu.memory_space<vmem>>) target_semaphore(%arg8 : memref<!tpu.dma_semaphore, #tpu.memory_space<semaphore_mem>>)
    %add3A_750 = arith.constant 180224 : i32
    %add3A_751 = arith.addi %add3A_750, %mul3A_2 : i32
    %add3A_752 = arith.constant 384 : i32
    %add3A_753 = arith.addi %add3A_751, %add3A_752 : i32
    %dma_start3A_754 = arith.constant 11 : i32
    %dma_start3A_755 = arith.constant 3 : i32
    %dma_start3A_756 = arith.constant 0 : i32
    %dma_start3A_757 = tpu.memref_slice %arg6[%dma_start3A_754, %dma_start3A_755, %dma_start3A_756] : memref<13x4x128xi32, #tpu.memory_space<vmem>> -> memref<1x1x128xi32, #tpu.memory_space<vmem>>
    %dma_start3A_758 = tpu.memref_squeeze %dma_start3A_757 : memref<1x1x128xi32, #tpu.memory_space<vmem>> -> memref<128xi32, #tpu.memory_space<vmem>>
    %dma_start3A_759 = tpu.memref_slice %arg2[%add3A_753] : memref<212992xi32, #tpu.memory_space<hbm>> -> memref<128xi32, #tpu.memory_space<hbm>>
    %dma_start3A_760 = arith.constant 0 : i32
    %dma_start3A_761 = tpu.memref_slice %arg6[%dma_start3A_754, %dma_start3A_755, %dma_start3A_760] : memref<13x4x128xi32, #tpu.memory_space<vmem>> -> memref<1x1x128xi32, #tpu.memory_space<vmem>>
    %dma_start3A_762 = tpu.memref_squeeze %dma_start3A_761 : memref<1x1x128xi32, #tpu.memory_space<vmem>> -> memref<128xi32, #tpu.memory_space<vmem>>
    %dma_start3A_763 = tpu.memref_slice %arg2[%add3A_753] : memref<212992xi32, #tpu.memory_space<hbm>> -> memref<128xi32, #tpu.memory_space<hbm>>
    tpu.enqueue_dma source(%dma_start3A_763 : memref<128xi32, #tpu.memory_space<hbm>>) target(%dma_start3A_762 : memref<128xi32, #tpu.memory_space<vmem>>) target_semaphore(%arg8 : memref<!tpu.dma_semaphore, #tpu.memory_space<semaphore_mem>>)
    %add3A_764 = arith.constant 196608 : i32
    %add3A_765 = arith.addi %add3A_764, %mul3A_2 : i32
    %add3A_766 = arith.constant 384 : i32
    %add3A_767 = arith.addi %add3A_765, %add3A_766 : i32
    %dma_start3A_768 = arith.constant 12 : i32
    %dma_start3A_769 = arith.constant 3 : i32
    %dma_start3A_770 = arith.constant 0 : i32
    %dma_start3A_771 = tpu.memref_slice %arg6[%dma_start3A_768, %dma_start3A_769, %dma_start3A_770] : memref<13x4x128xi32, #tpu.memory_space<vmem>> -> memref<1x1x128xi32, #tpu.memory_space<vmem>>
    %dma_start3A_772 = tpu.memref_squeeze %dma_start3A_771 : memref<1x1x128xi32, #tpu.memory_space<vmem>> -> memref<128xi32, #tpu.memory_space<vmem>>
    %dma_start3A_773 = tpu.memref_slice %arg2[%add3A_767] : memref<212992xi32, #tpu.memory_space<hbm>> -> memref<128xi32, #tpu.memory_space<hbm>>
    %dma_start3A_774 = arith.constant 0 : i32
    %dma_start3A_775 = tpu.memref_slice %arg6[%dma_start3A_768, %dma_start3A_769, %dma_start3A_774] : memref<13x4x128xi32, #tpu.memory_space<vmem>> -> memref<1x1x128xi32, #tpu.memory_space<vmem>>
    %dma_start3A_776 = tpu.memref_squeeze %dma_start3A_775 : memref<1x1x128xi32, #tpu.memory_space<vmem>> -> memref<128xi32, #tpu.memory_space<vmem>>
    %dma_start3A_777 = tpu.memref_slice %arg2[%add3A_767] : memref<212992xi32, #tpu.memory_space<hbm>> -> memref<128xi32, #tpu.memory_space<hbm>>
    tpu.enqueue_dma source(%dma_start3A_777 : memref<128xi32, #tpu.memory_space<hbm>>) target(%dma_start3A_776 : memref<128xi32, #tpu.memory_space<vmem>>) target_semaphore(%arg8 : memref<!tpu.dma_semaphore, #tpu.memory_space<semaphore_mem>>)
    %dma_wait3A = arith.constant 0 : i32
    %dma_wait3A_778 = arith.constant 0 : i32
    %dma_wait3A_779 = tpu.memref_slice %arg7[%dma_wait3A, %dma_wait3A_778] : memref<512x128xf32, #tpu.memory_space<vmem>> -> memref<128x128xf32, #tpu.memory_space<vmem>>
    %dma_wait3A_780 = arith.constant 0 : i32
    %dma_wait3A_781 = tpu.memref_slice %arg4[%add3A_4, %dma_wait3A_780] : memref<16384x128xf32, #tpu.memory_space<hbm>> -> memref<128x128xf32, #tpu.memory_space<hbm>>
    %dma_wait3A_782 = arith.constant 0 : i32
    %dma_wait3A_783 = arith.constant 0 : i32
    %dma_wait3A_784 = tpu.memref_slice %arg7[%dma_wait3A_782, %dma_wait3A_783] : memref<512x128xf32, #tpu.memory_space<vmem>> -> memref<128x128xf32, #tpu.memory_space<vmem>>
    %dma_wait3A_785 = arith.constant 0 : i32
    %dma_wait3A_786 = tpu.memref_slice %arg4[%add3A_4, %dma_wait3A_785] : memref<16384x128xf32, #tpu.memory_space<hbm>> -> memref<128x128xf32, #tpu.memory_space<hbm>>
    tpu.wait_dma2 semaphore(%arg10 : memref<!tpu.dma_semaphore, #tpu.memory_space<semaphore_mem>>) src(%dma_wait3A_786 : memref<128x128xf32, #tpu.memory_space<hbm>>) dst(%dma_wait3A_784 : memref<128x128xf32, #tpu.memory_space<vmem>>)
    %dma_wait3A_787 = arith.constant 0 : i32
    %dma_wait3A_788 = arith.constant 0 : i32
    %dma_wait3A_789 = arith.constant 0 : i32
    %dma_wait3A_790 = tpu.memref_slice %arg6[%dma_wait3A_787, %dma_wait3A_788, %dma_wait3A_789] : memref<13x4x128xi32, #tpu.memory_space<vmem>> -> memref<1x1x128xi32, #tpu.memory_space<vmem>>
    %dma_wait3A_791 = tpu.memref_squeeze %dma_wait3A_790 : memref<1x1x128xi32, #tpu.memory_space<vmem>> -> memref<128xi32, #tpu.memory_space<vmem>>
    %dma_wait3A_792 = tpu.memref_slice %arg2[%add3A_53] : memref<212992xi32, #tpu.memory_space<hbm>> -> memref<128xi32, #tpu.memory_space<hbm>>
    %dma_wait3A_793 = arith.constant 0 : i32
    %dma_wait3A_794 = tpu.memref_slice %arg6[%dma_wait3A_787, %dma_wait3A_788, %dma_wait3A_793] : memref<13x4x128xi32, #tpu.memory_space<vmem>> -> memref<1x1x128xi32, #tpu.memory_space<vmem>>
    %dma_wait3A_795 = tpu.memref_squeeze %dma_wait3A_794 : memref<1x1x128xi32, #tpu.memory_space<vmem>> -> memref<128xi32, #tpu.memory_space<vmem>>
    %dma_wait3A_796 = tpu.memref_slice %arg2[%add3A_53] : memref<212992xi32, #tpu.memory_space<hbm>> -> memref<128xi32, #tpu.memory_space<hbm>>
    tpu.wait_dma2 semaphore(%arg8 : memref<!tpu.dma_semaphore, #tpu.memory_space<semaphore_mem>>) src(%dma_wait3A_796 : memref<128xi32, #tpu.memory_space<hbm>>) dst(%dma_wait3A_795 : memref<128xi32, #tpu.memory_space<vmem>>)
    %dma_wait3A_797 = arith.constant 1 : i32
    %dma_wait3A_798 = arith.constant 0 : i32
    %dma_wait3A_799 = arith.constant 0 : i32
    %dma_wait3A_800 = tpu.memref_slice %arg6[%dma_wait3A_797, %dma_wait3A_798, %dma_wait3A_799] : memref<13x4x128xi32, #tpu.memory_space<vmem>> -> memref<1x1x128xi32, #tpu.memory_space<vmem>>
    %dma_wait3A_801 = tpu.memref_squeeze %dma_wait3A_800 : memref<1x1x128xi32, #tpu.memory_space<vmem>> -> memref<128xi32, #tpu.memory_space<vmem>>
    %dma_wait3A_802 = tpu.memref_slice %arg2[%add3A_67] : memref<212992xi32, #tpu.memory_space<hbm>> -> memref<128xi32, #tpu.memory_space<hbm>>
    %dma_wait3A_803 = arith.constant 0 : i32
    %dma_wait3A_804 = tpu.memref_slice %arg6[%dma_wait3A_797, %dma_wait3A_798, %dma_wait3A_803] : memref<13x4x128xi32, #tpu.memory_space<vmem>> -> memref<1x1x128xi32, #tpu.memory_space<vmem>>
    %dma_wait3A_805 = tpu.memref_squeeze %dma_wait3A_804 : memref<1x1x128xi32, #tpu.memory_space<vmem>> -> memref<128xi32, #tpu.memory_space<vmem>>
    %dma_wait3A_806 = tpu.memref_slice %arg2[%add3A_67] : memref<212992xi32, #tpu.memory_space<hbm>> -> memref<128xi32, #tpu.memory_space<hbm>>
    tpu.wait_dma2 semaphore(%arg8 : memref<!tpu.dma_semaphore, #tpu.memory_space<semaphore_mem>>) src(%dma_wait3A_806 : memref<128xi32, #tpu.memory_space<hbm>>) dst(%dma_wait3A_805 : memref<128xi32, #tpu.memory_space<vmem>>)
    %dma_wait3A_807 = arith.constant 2 : i32
    %dma_wait3A_808 = arith.constant 0 : i32
    %dma_wait3A_809 = arith.constant 0 : i32
    %dma_wait3A_810 = tpu.memref_slice %arg6[%dma_wait3A_807, %dma_wait3A_808, %dma_wait3A_809] : memref<13x4x128xi32, #tpu.memory_space<vmem>> -> memref<1x1x128xi32, #tpu.memory_space<vmem>>
    %dma_wait3A_811 = tpu.memref_squeeze %dma_wait3A_810 : memref<1x1x128xi32, #tpu.memory_space<vmem>> -> memref<128xi32, #tpu.memory_space<vmem>>
    %dma_wait3A_812 = tpu.memref_slice %arg2[%add3A_81] : memref<212992xi32, #tpu.memory_space<hbm>> -> memref<128xi32, #tpu.memory_space<hbm>>
    %dma_wait3A_813 = arith.constant 0 : i32
    %dma_wait3A_814 = tpu.memref_slice %arg6[%dma_wait3A_807, %dma_wait3A_808, %dma_wait3A_813] : memref<13x4x128xi32, #tpu.memory_space<vmem>> -> memref<1x1x128xi32, #tpu.memory_space<vmem>>
    %dma_wait3A_815 = tpu.memref_squeeze %dma_wait3A_814 : memref<1x1x128xi32, #tpu.memory_space<vmem>> -> memref<128xi32, #tpu.memory_space<vmem>>
    %dma_wait3A_816 = tpu.memref_slice %arg2[%add3A_81] : memref<212992xi32, #tpu.memory_space<hbm>> -> memref<128xi32, #tpu.memory_space<hbm>>
    tpu.wait_dma2 semaphore(%arg8 : memref<!tpu.dma_semaphore, #tpu.memory_space<semaphore_mem>>) src(%dma_wait3A_816 : memref<128xi32, #tpu.memory_space<hbm>>) dst(%dma_wait3A_815 : memref<128xi32, #tpu.memory_space<vmem>>)
    %dma_wait3A_817 = arith.constant 3 : i32
    %dma_wait3A_818 = arith.constant 0 : i32
    %dma_wait3A_819 = arith.constant 0 : i32
    %dma_wait3A_820 = tpu.memref_slice %arg6[%dma_wait3A_817, %dma_wait3A_818, %dma_wait3A_819] : memref<13x4x128xi32, #tpu.memory_space<vmem>> -> memref<1x1x128xi32, #tpu.memory_space<vmem>>
    %dma_wait3A_821 = tpu.memref_squeeze %dma_wait3A_820 : memref<1x1x128xi32, #tpu.memory_space<vmem>> -> memref<128xi32, #tpu.memory_space<vmem>>
    %dma_wait3A_822 = tpu.memref_slice %arg2[%add3A_95] : memref<212992xi32, #tpu.memory_space<hbm>> -> memref<128xi32, #tpu.memory_space<hbm>>
    %dma_wait3A_823 = arith.constant 0 : i32
    %dma_wait3A_824 = tpu.memref_slice %arg6[%dma_wait3A_817, %dma_wait3A_818, %dma_wait3A_823] : memref<13x4x128xi32, #tpu.memory_space<vmem>> -> memref<1x1x128xi32, #tpu.memory_space<vmem>>
    %dma_wait3A_825 = tpu.memref_squeeze %dma_wait3A_824 : memref<1x1x128xi32, #tpu.memory_space<vmem>> -> memref<128xi32, #tpu.memory_space<vmem>>
    %dma_wait3A_826 = tpu.memref_slice %arg2[%add3A_95] : memref<212992xi32, #tpu.memory_space<hbm>> -> memref<128xi32, #tpu.memory_space<hbm>>
    tpu.wait_dma2 semaphore(%arg8 : memref<!tpu.dma_semaphore, #tpu.memory_space<semaphore_mem>>) src(%dma_wait3A_826 : memref<128xi32, #tpu.memory_space<hbm>>) dst(%dma_wait3A_825 : memref<128xi32, #tpu.memory_space<vmem>>)
    %dma_wait3A_827 = arith.constant 4 : i32
    %dma_wait3A_828 = arith.constant 0 : i32
    %dma_wait3A_829 = arith.constant 0 : i32
    %dma_wait3A_830 = tpu.memref_slice %arg6[%dma_wait3A_827, %dma_wait3A_828, %dma_wait3A_829] : memref<13x4x128xi32, #tpu.memory_space<vmem>> -> memref<1x1x128xi32, #tpu.memory_space<vmem>>
    %dma_wait3A_831 = tpu.memref_squeeze %dma_wait3A_830 : memref<1x1x128xi32, #tpu.memory_space<vmem>> -> memref<128xi32, #tpu.memory_space<vmem>>
    %dma_wait3A_832 = tpu.memref_slice %arg2[%add3A_109] : memref<212992xi32, #tpu.memory_space<hbm>> -> memref<128xi32, #tpu.memory_space<hbm>>
    %dma_wait3A_833 = arith.constant 0 : i32
    %dma_wait3A_834 = tpu.memref_slice %arg6[%dma_wait3A_827, %dma_wait3A_828, %dma_wait3A_833] : memref<13x4x128xi32, #tpu.memory_space<vmem>> -> memref<1x1x128xi32, #tpu.memory_space<vmem>>
    %dma_wait3A_835 = tpu.memref_squeeze %dma_wait3A_834 : memref<1x1x128xi32, #tpu.memory_space<vmem>> -> memref<128xi32, #tpu.memory_space<vmem>>
    %dma_wait3A_836 = tpu.memref_slice %arg2[%add3A_109] : memref<212992xi32, #tpu.memory_space<hbm>> -> memref<128xi32, #tpu.memory_space<hbm>>
    tpu.wait_dma2 semaphore(%arg8 : memref<!tpu.dma_semaphore, #tpu.memory_space<semaphore_mem>>) src(%dma_wait3A_836 : memref<128xi32, #tpu.memory_space<hbm>>) dst(%dma_wait3A_835 : memref<128xi32, #tpu.memory_space<vmem>>)
    %dma_wait3A_837 = arith.constant 5 : i32
    %dma_wait3A_838 = arith.constant 0 : i32
    %dma_wait3A_839 = arith.constant 0 : i32
    %dma_wait3A_840 = tpu.memref_slice %arg6[%dma_wait3A_837, %dma_wait3A_838, %dma_wait3A_839] : memref<13x4x128xi32, #tpu.memory_space<vmem>> -> memref<1x1x128xi32, #tpu.memory_space<vmem>>
    %dma_wait3A_841 = tpu.memref_squeeze %dma_wait3A_840 : memref<1x1x128xi32, #tpu.memory_space<vmem>> -> memref<128xi32, #tpu.memory_space<vmem>>
    %dma_wait3A_842 = tpu.memref_slice %arg2[%add3A_123] : memref<212992xi32, #tpu.memory_space<hbm>> -> memref<128xi32, #tpu.memory_space<hbm>>
    %dma_wait3A_843 = arith.constant 0 : i32
    %dma_wait3A_844 = tpu.memref_slice %arg6[%dma_wait3A_837, %dma_wait3A_838, %dma_wait3A_843] : memref<13x4x128xi32, #tpu.memory_space<vmem>> -> memref<1x1x128xi32, #tpu.memory_space<vmem>>
    %dma_wait3A_845 = tpu.memref_squeeze %dma_wait3A_844 : memref<1x1x128xi32, #tpu.memory_space<vmem>> -> memref<128xi32, #tpu.memory_space<vmem>>
    %dma_wait3A_846 = tpu.memref_slice %arg2[%add3A_123] : memref<212992xi32, #tpu.memory_space<hbm>> -> memref<128xi32, #tpu.memory_space<hbm>>
    tpu.wait_dma2 semaphore(%arg8 : memref<!tpu.dma_semaphore, #tpu.memory_space<semaphore_mem>>) src(%dma_wait3A_846 : memref<128xi32, #tpu.memory_space<hbm>>) dst(%dma_wait3A_845 : memref<128xi32, #tpu.memory_space<vmem>>)
    %dma_wait3A_847 = arith.constant 6 : i32
    %dma_wait3A_848 = arith.constant 0 : i32
    %dma_wait3A_849 = arith.constant 0 : i32
    %dma_wait3A_850 = tpu.memref_slice %arg6[%dma_wait3A_847, %dma_wait3A_848, %dma_wait3A_849] : memref<13x4x128xi32, #tpu.memory_space<vmem>> -> memref<1x1x128xi32, #tpu.memory_space<vmem>>
    %dma_wait3A_851 = tpu.memref_squeeze %dma_wait3A_850 : memref<1x1x128xi32, #tpu.memory_space<vmem>> -> memref<128xi32, #tpu.memory_space<vmem>>
    %dma_wait3A_852 = tpu.memref_slice %arg2[%add3A_137] : memref<212992xi32, #tpu.memory_space<hbm>> -> memref<128xi32, #tpu.memory_space<hbm>>
    %dma_wait3A_853 = arith.constant 0 : i32
    %dma_wait3A_854 = tpu.memref_slice %arg6[%dma_wait3A_847, %dma_wait3A_848, %dma_wait3A_853] : memref<13x4x128xi32, #tpu.memory_space<vmem>> -> memref<1x1x128xi32, #tpu.memory_space<vmem>>
    %dma_wait3A_855 = tpu.memref_squeeze %dma_wait3A_854 : memref<1x1x128xi32, #tpu.memory_space<vmem>> -> memref<128xi32, #tpu.memory_space<vmem>>
    %dma_wait3A_856 = tpu.memref_slice %arg2[%add3A_137] : memref<212992xi32, #tpu.memory_space<hbm>> -> memref<128xi32, #tpu.memory_space<hbm>>
    tpu.wait_dma2 semaphore(%arg8 : memref<!tpu.dma_semaphore, #tpu.memory_space<semaphore_mem>>) src(%dma_wait3A_856 : memref<128xi32, #tpu.memory_space<hbm>>) dst(%dma_wait3A_855 : memref<128xi32, #tpu.memory_space<vmem>>)
    %dma_wait3A_857 = arith.constant 7 : i32
    %dma_wait3A_858 = arith.constant 0 : i32
    %dma_wait3A_859 = arith.constant 0 : i32
    %dma_wait3A_860 = tpu.memref_slice %arg6[%dma_wait3A_857, %dma_wait3A_858, %dma_wait3A_859] : memref<13x4x128xi32, #tpu.memory_space<vmem>> -> memref<1x1x128xi32, #tpu.memory_space<vmem>>
    %dma_wait3A_861 = tpu.memref_squeeze %dma_wait3A_860 : memref<1x1x128xi32, #tpu.memory_space<vmem>> -> memref<128xi32, #tpu.memory_space<vmem>>
    %dma_wait3A_862 = tpu.memref_slice %arg2[%add3A_151] : memref<212992xi32, #tpu.memory_space<hbm>> -> memref<128xi32, #tpu.memory_space<hbm>>
    %dma_wait3A_863 = arith.constant 0 : i32
    %dma_wait3A_864 = tpu.memref_slice %arg6[%dma_wait3A_857, %dma_wait3A_858, %dma_wait3A_863] : memref<13x4x128xi32, #tpu.memory_space<vmem>> -> memref<1x1x128xi32, #tpu.memory_space<vmem>>
    %dma_wait3A_865 = tpu.memref_squeeze %dma_wait3A_864 : memref<1x1x128xi32, #tpu.memory_space<vmem>> -> memref<128xi32, #tpu.memory_space<vmem>>
    %dma_wait3A_866 = tpu.memref_slice %arg2[%add3A_151] : memref<212992xi32, #tpu.memory_space<hbm>> -> memref<128xi32, #tpu.memory_space<hbm>>
    tpu.wait_dma2 semaphore(%arg8 : memref<!tpu.dma_semaphore, #tpu.memory_space<semaphore_mem>>) src(%dma_wait3A_866 : memref<128xi32, #tpu.memory_space<hbm>>) dst(%dma_wait3A_865 : memref<128xi32, #tpu.memory_space<vmem>>)
    %dma_wait3A_867 = arith.constant 8 : i32
    %dma_wait3A_868 = arith.constant 0 : i32
    %dma_wait3A_869 = arith.constant 0 : i32
    %dma_wait3A_870 = tpu.memref_slice %arg6[%dma_wait3A_867, %dma_wait3A_868, %dma_wait3A_869] : memref<13x4x128xi32, #tpu.memory_space<vmem>> -> memref<1x1x128xi32, #tpu.memory_space<vmem>>
    %dma_wait3A_871 = tpu.memref_squeeze %dma_wait3A_870 : memref<1x1x128xi32, #tpu.memory_space<vmem>> -> memref<128xi32, #tpu.memory_space<vmem>>
    %dma_wait3A_872 = tpu.memref_slice %arg2[%add3A_165] : memref<212992xi32, #tpu.memory_space<hbm>> -> memref<128xi32, #tpu.memory_space<hbm>>
    %dma_wait3A_873 = arith.constant 0 : i32
    %dma_wait3A_874 = tpu.memref_slice %arg6[%dma_wait3A_867, %dma_wait3A_868, %dma_wait3A_873] : memref<13x4x128xi32, #tpu.memory_space<vmem>> -> memref<1x1x128xi32, #tpu.memory_space<vmem>>
    %dma_wait3A_875 = tpu.memref_squeeze %dma_wait3A_874 : memref<1x1x128xi32, #tpu.memory_space<vmem>> -> memref<128xi32, #tpu.memory_space<vmem>>
    %dma_wait3A_876 = tpu.memref_slice %arg2[%add3A_165] : memref<212992xi32, #tpu.memory_space<hbm>> -> memref<128xi32, #tpu.memory_space<hbm>>
    tpu.wait_dma2 semaphore(%arg8 : memref<!tpu.dma_semaphore, #tpu.memory_space<semaphore_mem>>) src(%dma_wait3A_876 : memref<128xi32, #tpu.memory_space<hbm>>) dst(%dma_wait3A_875 : memref<128xi32, #tpu.memory_space<vmem>>)
    %dma_wait3A_877 = arith.constant 9 : i32
    %dma_wait3A_878 = arith.constant 0 : i32
    %dma_wait3A_879 = arith.constant 0 : i32
    %dma_wait3A_880 = tpu.memref_slice %arg6[%dma_wait3A_877, %dma_wait3A_878, %dma_wait3A_879] : memref<13x4x128xi32, #tpu.memory_space<vmem>> -> memref<1x1x128xi32, #tpu.memory_space<vmem>>
    %dma_wait3A_881 = tpu.memref_squeeze %dma_wait3A_880 : memref<1x1x128xi32, #tpu.memory_space<vmem>> -> memref<128xi32, #tpu.memory_space<vmem>>
    %dma_wait3A_882 = tpu.memref_slice %arg2[%add3A_179] : memref<212992xi32, #tpu.memory_space<hbm>> -> memref<128xi32, #tpu.memory_space<hbm>>
    %dma_wait3A_883 = arith.constant 0 : i32
    %dma_wait3A_884 = tpu.memref_slice %arg6[%dma_wait3A_877, %dma_wait3A_878, %dma_wait3A_883] : memref<13x4x128xi32, #tpu.memory_space<vmem>> -> memref<1x1x128xi32, #tpu.memory_space<vmem>>
    %dma_wait3A_885 = tpu.memref_squeeze %dma_wait3A_884 : memref<1x1x128xi32, #tpu.memory_space<vmem>> -> memref<128xi32, #tpu.memory_space<vmem>>
    %dma_wait3A_886 = tpu.memref_slice %arg2[%add3A_179] : memref<212992xi32, #tpu.memory_space<hbm>> -> memref<128xi32, #tpu.memory_space<hbm>>
    tpu.wait_dma2 semaphore(%arg8 : memref<!tpu.dma_semaphore, #tpu.memory_space<semaphore_mem>>) src(%dma_wait3A_886 : memref<128xi32, #tpu.memory_space<hbm>>) dst(%dma_wait3A_885 : memref<128xi32, #tpu.memory_space<vmem>>)
    %dma_wait3A_887 = arith.constant 10 : i32
    %dma_wait3A_888 = arith.constant 0 : i32
    %dma_wait3A_889 = arith.constant 0 : i32
    %dma_wait3A_890 = tpu.memref_slice %arg6[%dma_wait3A_887, %dma_wait3A_888, %dma_wait3A_889] : memref<13x4x128xi32, #tpu.memory_space<vmem>> -> memref<1x1x128xi32, #tpu.memory_space<vmem>>
    %dma_wait3A_891 = tpu.memref_squeeze %dma_wait3A_890 : memref<1x1x128xi32, #tpu.memory_space<vmem>> -> memref<128xi32, #tpu.memory_space<vmem>>
    %dma_wait3A_892 = tpu.memref_slice %arg2[%add3A_193] : memref<212992xi32, #tpu.memory_space<hbm>> -> memref<128xi32, #tpu.memory_space<hbm>>
    %dma_wait3A_893 = arith.constant 0 : i32
    %dma_wait3A_894 = tpu.memref_slice %arg6[%dma_wait3A_887, %dma_wait3A_888, %dma_wait3A_893] : memref<13x4x128xi32, #tpu.memory_space<vmem>> -> memref<1x1x128xi32, #tpu.memory_space<vmem>>
    %dma_wait3A_895 = tpu.memref_squeeze %dma_wait3A_894 : memref<1x1x128xi32, #tpu.memory_space<vmem>> -> memref<128xi32, #tpu.memory_space<vmem>>
    %dma_wait3A_896 = tpu.memref_slice %arg2[%add3A_193] : memref<212992xi32, #tpu.memory_space<hbm>> -> memref<128xi32, #tpu.memory_space<hbm>>
    tpu.wait_dma2 semaphore(%arg8 : memref<!tpu.dma_semaphore, #tpu.memory_space<semaphore_mem>>) src(%dma_wait3A_896 : memref<128xi32, #tpu.memory_space<hbm>>) dst(%dma_wait3A_895 : memref<128xi32, #tpu.memory_space<vmem>>)
    %dma_wait3A_897 = arith.constant 11 : i32
    %dma_wait3A_898 = arith.constant 0 : i32
    %dma_wait3A_899 = arith.constant 0 : i32
    %dma_wait3A_900 = tpu.memref_slice %arg6[%dma_wait3A_897, %dma_wait3A_898, %dma_wait3A_899] : memref<13x4x128xi32, #tpu.memory_space<vmem>> -> memref<1x1x128xi32, #tpu.memory_space<vmem>>
    %dma_wait3A_901 = tpu.memref_squeeze %dma_wait3A_900 : memref<1x1x128xi32, #tpu.memory_space<vmem>> -> memref<128xi32, #tpu.memory_space<vmem>>
    %dma_wait3A_902 = tpu.memref_slice %arg2[%add3A_207] : memref<212992xi32, #tpu.memory_space<hbm>> -> memref<128xi32, #tpu.memory_space<hbm>>
    %dma_wait3A_903 = arith.constant 0 : i32
    %dma_wait3A_904 = tpu.memref_slice %arg6[%dma_wait3A_897, %dma_wait3A_898, %dma_wait3A_903] : memref<13x4x128xi32, #tpu.memory_space<vmem>> -> memref<1x1x128xi32, #tpu.memory_space<vmem>>
    %dma_wait3A_905 = tpu.memref_squeeze %dma_wait3A_904 : memref<1x1x128xi32, #tpu.memory_space<vmem>> -> memref<128xi32, #tpu.memory_space<vmem>>
    %dma_wait3A_906 = tpu.memref_slice %arg2[%add3A_207] : memref<212992xi32, #tpu.memory_space<hbm>> -> memref<128xi32, #tpu.memory_space<hbm>>
    tpu.wait_dma2 semaphore(%arg8 : memref<!tpu.dma_semaphore, #tpu.memory_space<semaphore_mem>>) src(%dma_wait3A_906 : memref<128xi32, #tpu.memory_space<hbm>>) dst(%dma_wait3A_905 : memref<128xi32, #tpu.memory_space<vmem>>)
    %dma_wait3A_907 = arith.constant 12 : i32
    %dma_wait3A_908 = arith.constant 0 : i32
    %dma_wait3A_909 = arith.constant 0 : i32
    %dma_wait3A_910 = tpu.memref_slice %arg6[%dma_wait3A_907, %dma_wait3A_908, %dma_wait3A_909] : memref<13x4x128xi32, #tpu.memory_space<vmem>> -> memref<1x1x128xi32, #tpu.memory_space<vmem>>
    %dma_wait3A_911 = tpu.memref_squeeze %dma_wait3A_910 : memref<1x1x128xi32, #tpu.memory_space<vmem>> -> memref<128xi32, #tpu.memory_space<vmem>>
    %dma_wait3A_912 = tpu.memref_slice %arg2[%add3A_221] : memref<212992xi32, #tpu.memory_space<hbm>> -> memref<128xi32, #tpu.memory_space<hbm>>
    %dma_wait3A_913 = arith.constant 0 : i32
    %dma_wait3A_914 = tpu.memref_slice %arg6[%dma_wait3A_907, %dma_wait3A_908, %dma_wait3A_913] : memref<13x4x128xi32, #tpu.memory_space<vmem>> -> memref<1x1x128xi32, #tpu.memory_space<vmem>>
    %dma_wait3A_915 = tpu.memref_squeeze %dma_wait3A_914 : memref<1x1x128xi32, #tpu.memory_space<vmem>> -> memref<128xi32, #tpu.memory_space<vmem>>
    %dma_wait3A_916 = tpu.memref_slice %arg2[%add3A_221] : memref<212992xi32, #tpu.memory_space<hbm>> -> memref<128xi32, #tpu.memory_space<hbm>>
    tpu.wait_dma2 semaphore(%arg8 : memref<!tpu.dma_semaphore, #tpu.memory_space<semaphore_mem>>) src(%dma_wait3A_916 : memref<128xi32, #tpu.memory_space<hbm>>) dst(%dma_wait3A_915 : memref<128xi32, #tpu.memory_space<vmem>>)
    %dma_start3A_917 = arith.constant 0 : i32
    %dma_start3A_918 = arith.constant 0 : i32
    %dma_start3A_919 = arith.constant 0 : i32
    %dma_start3A_920 = arith.constant 0 : i32
    %dma_start3A_921 = arith.constant 0 : i32
    %dma_start3A_922 = tpu.memref_slice %arg7[%dma_start3A_920, %dma_start3A_921] : memref<512x128xf32, #tpu.memory_space<vmem>> -> memref<128x128xf32, #tpu.memory_space<vmem>>
    %dma_start3A_923 = arith.constant 0 : i32
    %dma_start3A_924 = tpu.memref_slice %arg6[%dma_start3A_918, %dma_start3A_919, %dma_start3A_923] : memref<13x4x128xi32, #tpu.memory_space<vmem>> -> memref<1x1x128xi32, #tpu.memory_space<vmem>>
    %dma_start3A_925 = tpu.memref_squeeze %dma_start3A_924 : memref<1x1x128xi32, #tpu.memory_space<vmem>> -> memref<128xi32, #tpu.memory_space<vmem>>
    %dma_start3A_926 = arith.constant 0 : i32
    %dma_start3A_927 = arith.constant 0 : i32
    %dma_start3A_928 = tpu.memref_slice %arg3[%dma_start3A_917, %dma_start3A_926, %dma_start3A_927] : memref<13x1001x128xf32, #tpu.memory_space<hbm>> -> memref<1x1001x128xf32, #tpu.memory_space<hbm>>
    %dma_start3A_929 = tpu.memref_squeeze %dma_start3A_928 : memref<1x1001x128xf32, #tpu.memory_space<hbm>> -> memref<1001x128xf32, #tpu.memory_space<hbm>>
    %dma_start3A_930 = arith.constant 0 : i32
    %dma_start3A_931 = arith.constant 0 : i32
    %dma_start3A_932 = tpu.memref_slice %dma_start3A_929[%dma_start3A_930, %dma_start3A_931] : memref<1001x128xf32, #tpu.memory_space<hbm>> -> memref<1001x128xf32, #tpu.memory_space<hbm>>
    tpu.enqueue_indirect_dma source(%dma_start3A_932 : memref<1001x128xf32, #tpu.memory_space<hbm>>) target(%dma_start3A_922 : memref<128x128xf32, #tpu.memory_space<vmem>>) offsets(%dma_start3A_925 : memref<128xi32, #tpu.memory_space<vmem>>) semaphore(%arg9 : memref<!tpu.dma_semaphore, #tpu.memory_space<semaphore_mem>>) {add = true}
    %dma_start3A_933 = arith.constant 1 : i32
    %dma_start3A_934 = arith.constant 1 : i32
    %dma_start3A_935 = arith.constant 0 : i32
    %dma_start3A_936 = arith.constant 0 : i32
    %dma_start3A_937 = arith.constant 0 : i32
    %dma_start3A_938 = tpu.memref_slice %arg7[%dma_start3A_936, %dma_start3A_937] : memref<512x128xf32, #tpu.memory_space<vmem>> -> memref<128x128xf32, #tpu.memory_space<vmem>>
    %dma_start3A_939 = arith.constant 0 : i32
    %dma_start3A_940 = tpu.memref_slice %arg6[%dma_start3A_934, %dma_start3A_935, %dma_start3A_939] : memref<13x4x128xi32, #tpu.memory_space<vmem>> -> memref<1x1x128xi32, #tpu.memory_space<vmem>>
    %dma_start3A_941 = tpu.memref_squeeze %dma_start3A_940 : memref<1x1x128xi32, #tpu.memory_space<vmem>> -> memref<128xi32, #tpu.memory_space<vmem>>
    %dma_start3A_942 = arith.constant 0 : i32
    %dma_start3A_943 = arith.constant 0 : i32
    %dma_start3A_944 = tpu.memref_slice %arg3[%dma_start3A_933, %dma_start3A_942, %dma_start3A_943] : memref<13x1001x128xf32, #tpu.memory_space<hbm>> -> memref<1x1001x128xf32, #tpu.memory_space<hbm>>
    %dma_start3A_945 = tpu.memref_squeeze %dma_start3A_944 : memref<1x1001x128xf32, #tpu.memory_space<hbm>> -> memref<1001x128xf32, #tpu.memory_space<hbm>>
    %dma_start3A_946 = arith.constant 0 : i32
    %dma_start3A_947 = arith.constant 0 : i32
    %dma_start3A_948 = tpu.memref_slice %dma_start3A_945[%dma_start3A_946, %dma_start3A_947] : memref<1001x128xf32, #tpu.memory_space<hbm>> -> memref<1001x128xf32, #tpu.memory_space<hbm>>
    tpu.enqueue_indirect_dma source(%dma_start3A_948 : memref<1001x128xf32, #tpu.memory_space<hbm>>) target(%dma_start3A_938 : memref<128x128xf32, #tpu.memory_space<vmem>>) offsets(%dma_start3A_941 : memref<128xi32, #tpu.memory_space<vmem>>) semaphore(%arg9 : memref<!tpu.dma_semaphore, #tpu.memory_space<semaphore_mem>>) {add = true}
    %dma_start3A_949 = arith.constant 2 : i32
    %dma_start3A_950 = arith.constant 2 : i32
    %dma_start3A_951 = arith.constant 0 : i32
    %dma_start3A_952 = arith.constant 0 : i32
    %dma_start3A_953 = arith.constant 0 : i32
    %dma_start3A_954 = tpu.memref_slice %arg7[%dma_start3A_952, %dma_start3A_953] : memref<512x128xf32, #tpu.memory_space<vmem>> -> memref<128x128xf32, #tpu.memory_space<vmem>>
    %dma_start3A_955 = arith.constant 0 : i32
    %dma_start3A_956 = tpu.memref_slice %arg6[%dma_start3A_950, %dma_start3A_951, %dma_start3A_955] : memref<13x4x128xi32, #tpu.memory_space<vmem>> -> memref<1x1x128xi32, #tpu.memory_space<vmem>>
    %dma_start3A_957 = tpu.memref_squeeze %dma_start3A_956 : memref<1x1x128xi32, #tpu.memory_space<vmem>> -> memref<128xi32, #tpu.memory_space<vmem>>
    %dma_start3A_958 = arith.constant 0 : i32
    %dma_start3A_959 = arith.constant 0 : i32
    %dma_start3A_960 = tpu.memref_slice %arg3[%dma_start3A_949, %dma_start3A_958, %dma_start3A_959] : memref<13x1001x128xf32, #tpu.memory_space<hbm>> -> memref<1x1001x128xf32, #tpu.memory_space<hbm>>
    %dma_start3A_961 = tpu.memref_squeeze %dma_start3A_960 : memref<1x1001x128xf32, #tpu.memory_space<hbm>> -> memref<1001x128xf32, #tpu.memory_space<hbm>>
    %dma_start3A_962 = arith.constant 0 : i32
    %dma_start3A_963 = arith.constant 0 : i32
    %dma_start3A_964 = tpu.memref_slice %dma_start3A_961[%dma_start3A_962, %dma_start3A_963] : memref<1001x128xf32, #tpu.memory_space<hbm>> -> memref<1001x128xf32, #tpu.memory_space<hbm>>
    tpu.enqueue_indirect_dma source(%dma_start3A_964 : memref<1001x128xf32, #tpu.memory_space<hbm>>) target(%dma_start3A_954 : memref<128x128xf32, #tpu.memory_space<vmem>>) offsets(%dma_start3A_957 : memref<128xi32, #tpu.memory_space<vmem>>) semaphore(%arg9 : memref<!tpu.dma_semaphore, #tpu.memory_space<semaphore_mem>>) {add = true}
    %dma_start3A_965 = arith.constant 3 : i32
    %dma_start3A_966 = arith.constant 3 : i32
    %dma_start3A_967 = arith.constant 0 : i32
    %dma_start3A_968 = arith.constant 0 : i32
    %dma_start3A_969 = arith.constant 0 : i32
    %dma_start3A_970 = tpu.memref_slice %arg7[%dma_start3A_968, %dma_start3A_969] : memref<512x128xf32, #tpu.memory_space<vmem>> -> memref<128x128xf32, #tpu.memory_space<vmem>>
    %dma_start3A_971 = arith.constant 0 : i32
    %dma_start3A_972 = tpu.memref_slice %arg6[%dma_start3A_966, %dma_start3A_967, %dma_start3A_971] : memref<13x4x128xi32, #tpu.memory_space<vmem>> -> memref<1x1x128xi32, #tpu.memory_space<vmem>>
    %dma_start3A_973 = tpu.memref_squeeze %dma_start3A_972 : memref<1x1x128xi32, #tpu.memory_space<vmem>> -> memref<128xi32, #tpu.memory_space<vmem>>
    %dma_start3A_974 = arith.constant 0 : i32
    %dma_start3A_975 = arith.constant 0 : i32
    %dma_start3A_976 = tpu.memref_slice %arg3[%dma_start3A_965, %dma_start3A_974, %dma_start3A_975] : memref<13x1001x128xf32, #tpu.memory_space<hbm>> -> memref<1x1001x128xf32, #tpu.memory_space<hbm>>
    %dma_start3A_977 = tpu.memref_squeeze %dma_start3A_976 : memref<1x1001x128xf32, #tpu.memory_space<hbm>> -> memref<1001x128xf32, #tpu.memory_space<hbm>>
    %dma_start3A_978 = arith.constant 0 : i32
    %dma_start3A_979 = arith.constant 0 : i32
    %dma_start3A_980 = tpu.memref_slice %dma_start3A_977[%dma_start3A_978, %dma_start3A_979] : memref<1001x128xf32, #tpu.memory_space<hbm>> -> memref<1001x128xf32, #tpu.memory_space<hbm>>
    tpu.enqueue_indirect_dma source(%dma_start3A_980 : memref<1001x128xf32, #tpu.memory_space<hbm>>) target(%dma_start3A_970 : memref<128x128xf32, #tpu.memory_space<vmem>>) offsets(%dma_start3A_973 : memref<128xi32, #tpu.memory_space<vmem>>) semaphore(%arg9 : memref<!tpu.dma_semaphore, #tpu.memory_space<semaphore_mem>>) {add = true}
    %dma_start3A_981 = arith.constant 4 : i32
    %dma_start3A_982 = arith.constant 4 : i32
    %dma_start3A_983 = arith.constant 0 : i32
    %dma_start3A_984 = arith.constant 0 : i32
    %dma_start3A_985 = arith.constant 0 : i32
    %dma_start3A_986 = tpu.memref_slice %arg7[%dma_start3A_984, %dma_start3A_985] : memref<512x128xf32, #tpu.memory_space<vmem>> -> memref<128x128xf32, #tpu.memory_space<vmem>>
    %dma_start3A_987 = arith.constant 0 : i32
    %dma_start3A_988 = tpu.memref_slice %arg6[%dma_start3A_982, %dma_start3A_983, %dma_start3A_987] : memref<13x4x128xi32, #tpu.memory_space<vmem>> -> memref<1x1x128xi32, #tpu.memory_space<vmem>>
    %dma_start3A_989 = tpu.memref_squeeze %dma_start3A_988 : memref<1x1x128xi32, #tpu.memory_space<vmem>> -> memref<128xi32, #tpu.memory_space<vmem>>
    %dma_start3A_990 = arith.constant 0 : i32
    %dma_start3A_991 = arith.constant 0 : i32
    %dma_start3A_992 = tpu.memref_slice %arg3[%dma_start3A_981, %dma_start3A_990, %dma_start3A_991] : memref<13x1001x128xf32, #tpu.memory_space<hbm>> -> memref<1x1001x128xf32, #tpu.memory_space<hbm>>
    %dma_start3A_993 = tpu.memref_squeeze %dma_start3A_992 : memref<1x1001x128xf32, #tpu.memory_space<hbm>> -> memref<1001x128xf32, #tpu.memory_space<hbm>>
    %dma_start3A_994 = arith.constant 0 : i32
    %dma_start3A_995 = arith.constant 0 : i32
    %dma_start3A_996 = tpu.memref_slice %dma_start3A_993[%dma_start3A_994, %dma_start3A_995] : memref<1001x128xf32, #tpu.memory_space<hbm>> -> memref<1001x128xf32, #tpu.memory_space<hbm>>
    tpu.enqueue_indirect_dma source(%dma_start3A_996 : memref<1001x128xf32, #tpu.memory_space<hbm>>) target(%dma_start3A_986 : memref<128x128xf32, #tpu.memory_space<vmem>>) offsets(%dma_start3A_989 : memref<128xi32, #tpu.memory_space<vmem>>) semaphore(%arg9 : memref<!tpu.dma_semaphore, #tpu.memory_space<semaphore_mem>>) {add = true}
    %dma_start3A_997 = arith.constant 5 : i32
    %dma_start3A_998 = arith.constant 5 : i32
    %dma_start3A_999 = arith.constant 0 : i32
    %dma_start3A_1000 = arith.constant 0 : i32
    %dma_start3A_1001 = arith.constant 0 : i32
    %dma_start3A_1002 = tpu.memref_slice %arg7[%dma_start3A_1000, %dma_start3A_1001] : memref<512x128xf32, #tpu.memory_space<vmem>> -> memref<128x128xf32, #tpu.memory_space<vmem>>
    %dma_start3A_1003 = arith.constant 0 : i32
    %dma_start3A_1004 = tpu.memref_slice %arg6[%dma_start3A_998, %dma_start3A_999, %dma_start3A_1003] : memref<13x4x128xi32, #tpu.memory_space<vmem>> -> memref<1x1x128xi32, #tpu.memory_space<vmem>>
    %dma_start3A_1005 = tpu.memref_squeeze %dma_start3A_1004 : memref<1x1x128xi32, #tpu.memory_space<vmem>> -> memref<128xi32, #tpu.memory_space<vmem>>
    %dma_start3A_1006 = arith.constant 0 : i32
    %dma_start3A_1007 = arith.constant 0 : i32
    %dma_start3A_1008 = tpu.memref_slice %arg3[%dma_start3A_997, %dma_start3A_1006, %dma_start3A_1007] : memref<13x1001x128xf32, #tpu.memory_space<hbm>> -> memref<1x1001x128xf32, #tpu.memory_space<hbm>>
    %dma_start3A_1009 = tpu.memref_squeeze %dma_start3A_1008 : memref<1x1001x128xf32, #tpu.memory_space<hbm>> -> memref<1001x128xf32, #tpu.memory_space<hbm>>
    %dma_start3A_1010 = arith.constant 0 : i32
    %dma_start3A_1011 = arith.constant 0 : i32
    %dma_start3A_1012 = tpu.memref_slice %dma_start3A_1009[%dma_start3A_1010, %dma_start3A_1011] : memref<1001x128xf32, #tpu.memory_space<hbm>> -> memref<1001x128xf32, #tpu.memory_space<hbm>>
    tpu.enqueue_indirect_dma source(%dma_start3A_1012 : memref<1001x128xf32, #tpu.memory_space<hbm>>) target(%dma_start3A_1002 : memref<128x128xf32, #tpu.memory_space<vmem>>) offsets(%dma_start3A_1005 : memref<128xi32, #tpu.memory_space<vmem>>) semaphore(%arg9 : memref<!tpu.dma_semaphore, #tpu.memory_space<semaphore_mem>>) {add = true}
    %dma_start3A_1013 = arith.constant 6 : i32
    %dma_start3A_1014 = arith.constant 6 : i32
    %dma_start3A_1015 = arith.constant 0 : i32
    %dma_start3A_1016 = arith.constant 0 : i32
    %dma_start3A_1017 = arith.constant 0 : i32
    %dma_start3A_1018 = tpu.memref_slice %arg7[%dma_start3A_1016, %dma_start3A_1017] : memref<512x128xf32, #tpu.memory_space<vmem>> -> memref<128x128xf32, #tpu.memory_space<vmem>>
    %dma_start3A_1019 = arith.constant 0 : i32
    %dma_start3A_1020 = tpu.memref_slice %arg6[%dma_start3A_1014, %dma_start3A_1015, %dma_start3A_1019] : memref<13x4x128xi32, #tpu.memory_space<vmem>> -> memref<1x1x128xi32, #tpu.memory_space<vmem>>
    %dma_start3A_1021 = tpu.memref_squeeze %dma_start3A_1020 : memref<1x1x128xi32, #tpu.memory_space<vmem>> -> memref<128xi32, #tpu.memory_space<vmem>>
    %dma_start3A_1022 = arith.constant 0 : i32
    %dma_start3A_1023 = arith.constant 0 : i32
    %dma_start3A_1024 = tpu.memref_slice %arg3[%dma_start3A_1013, %dma_start3A_1022, %dma_start3A_1023] : memref<13x1001x128xf32, #tpu.memory_space<hbm>> -> memref<1x1001x128xf32, #tpu.memory_space<hbm>>
    %dma_start3A_1025 = tpu.memref_squeeze %dma_start3A_1024 : memref<1x1001x128xf32, #tpu.memory_space<hbm>> -> memref<1001x128xf32, #tpu.memory_space<hbm>>
    %dma_start3A_1026 = arith.constant 0 : i32
    %dma_start3A_1027 = arith.constant 0 : i32
    %dma_start3A_1028 = tpu.memref_slice %dma_start3A_1025[%dma_start3A_1026, %dma_start3A_1027] : memref<1001x128xf32, #tpu.memory_space<hbm>> -> memref<1001x128xf32, #tpu.memory_space<hbm>>
    tpu.enqueue_indirect_dma source(%dma_start3A_1028 : memref<1001x128xf32, #tpu.memory_space<hbm>>) target(%dma_start3A_1018 : memref<128x128xf32, #tpu.memory_space<vmem>>) offsets(%dma_start3A_1021 : memref<128xi32, #tpu.memory_space<vmem>>) semaphore(%arg9 : memref<!tpu.dma_semaphore, #tpu.memory_space<semaphore_mem>>) {add = true}
    %dma_start3A_1029 = arith.constant 7 : i32
    %dma_start3A_1030 = arith.constant 7 : i32
    %dma_start3A_1031 = arith.constant 0 : i32
    %dma_start3A_1032 = arith.constant 0 : i32
    %dma_start3A_1033 = arith.constant 0 : i32
    %dma_start3A_1034 = tpu.memref_slice %arg7[%dma_start3A_1032, %dma_start3A_1033] : memref<512x128xf32, #tpu.memory_space<vmem>> -> memref<128x128xf32, #tpu.memory_space<vmem>>
    %dma_start3A_1035 = arith.constant 0 : i32
    %dma_start3A_1036 = tpu.memref_slice %arg6[%dma_start3A_1030, %dma_start3A_1031, %dma_start3A_1035] : memref<13x4x128xi32, #tpu.memory_space<vmem>> -> memref<1x1x128xi32, #tpu.memory_space<vmem>>
    %dma_start3A_1037 = tpu.memref_squeeze %dma_start3A_1036 : memref<1x1x128xi32, #tpu.memory_space<vmem>> -> memref<128xi32, #tpu.memory_space<vmem>>
    %dma_start3A_1038 = arith.constant 0 : i32
    %dma_start3A_1039 = arith.constant 0 : i32
    %dma_start3A_1040 = tpu.memref_slice %arg3[%dma_start3A_1029, %dma_start3A_1038, %dma_start3A_1039] : memref<13x1001x128xf32, #tpu.memory_space<hbm>> -> memref<1x1001x128xf32, #tpu.memory_space<hbm>>
    %dma_start3A_1041 = tpu.memref_squeeze %dma_start3A_1040 : memref<1x1001x128xf32, #tpu.memory_space<hbm>> -> memref<1001x128xf32, #tpu.memory_space<hbm>>
    %dma_start3A_1042 = arith.constant 0 : i32
    %dma_start3A_1043 = arith.constant 0 : i32
    %dma_start3A_1044 = tpu.memref_slice %dma_start3A_1041[%dma_start3A_1042, %dma_start3A_1043] : memref<1001x128xf32, #tpu.memory_space<hbm>> -> memref<1001x128xf32, #tpu.memory_space<hbm>>
    tpu.enqueue_indirect_dma source(%dma_start3A_1044 : memref<1001x128xf32, #tpu.memory_space<hbm>>) target(%dma_start3A_1034 : memref<128x128xf32, #tpu.memory_space<vmem>>) offsets(%dma_start3A_1037 : memref<128xi32, #tpu.memory_space<vmem>>) semaphore(%arg9 : memref<!tpu.dma_semaphore, #tpu.memory_space<semaphore_mem>>) {add = true}
    %dma_start3A_1045 = arith.constant 8 : i32
    %dma_start3A_1046 = arith.constant 8 : i32
    %dma_start3A_1047 = arith.constant 0 : i32
    %dma_start3A_1048 = arith.constant 0 : i32
    %dma_start3A_1049 = arith.constant 0 : i32
    %dma_start3A_1050 = tpu.memref_slice %arg7[%dma_start3A_1048, %dma_start3A_1049] : memref<512x128xf32, #tpu.memory_space<vmem>> -> memref<128x128xf32, #tpu.memory_space<vmem>>
    %dma_start3A_1051 = arith.constant 0 : i32
    %dma_start3A_1052 = tpu.memref_slice %arg6[%dma_start3A_1046, %dma_start3A_1047, %dma_start3A_1051] : memref<13x4x128xi32, #tpu.memory_space<vmem>> -> memref<1x1x128xi32, #tpu.memory_space<vmem>>
    %dma_start3A_1053 = tpu.memref_squeeze %dma_start3A_1052 : memref<1x1x128xi32, #tpu.memory_space<vmem>> -> memref<128xi32, #tpu.memory_space<vmem>>
    %dma_start3A_1054 = arith.constant 0 : i32
    %dma_start3A_1055 = arith.constant 0 : i32
    %dma_start3A_1056 = tpu.memref_slice %arg3[%dma_start3A_1045, %dma_start3A_1054, %dma_start3A_1055] : memref<13x1001x128xf32, #tpu.memory_space<hbm>> -> memref<1x1001x128xf32, #tpu.memory_space<hbm>>
    %dma_start3A_1057 = tpu.memref_squeeze %dma_start3A_1056 : memref<1x1001x128xf32, #tpu.memory_space<hbm>> -> memref<1001x128xf32, #tpu.memory_space<hbm>>
    %dma_start3A_1058 = arith.constant 0 : i32
    %dma_start3A_1059 = arith.constant 0 : i32
    %dma_start3A_1060 = tpu.memref_slice %dma_start3A_1057[%dma_start3A_1058, %dma_start3A_1059] : memref<1001x128xf32, #tpu.memory_space<hbm>> -> memref<1001x128xf32, #tpu.memory_space<hbm>>
    tpu.enqueue_indirect_dma source(%dma_start3A_1060 : memref<1001x128xf32, #tpu.memory_space<hbm>>) target(%dma_start3A_1050 : memref<128x128xf32, #tpu.memory_space<vmem>>) offsets(%dma_start3A_1053 : memref<128xi32, #tpu.memory_space<vmem>>) semaphore(%arg9 : memref<!tpu.dma_semaphore, #tpu.memory_space<semaphore_mem>>) {add = true}
    %dma_start3A_1061 = arith.constant 9 : i32
    %dma_start3A_1062 = arith.constant 9 : i32
    %dma_start3A_1063 = arith.constant 0 : i32
    %dma_start3A_1064 = arith.constant 0 : i32
    %dma_start3A_1065 = arith.constant 0 : i32
    %dma_start3A_1066 = tpu.memref_slice %arg7[%dma_start3A_1064, %dma_start3A_1065] : memref<512x128xf32, #tpu.memory_space<vmem>> -> memref<128x128xf32, #tpu.memory_space<vmem>>
    %dma_start3A_1067 = arith.constant 0 : i32
    %dma_start3A_1068 = tpu.memref_slice %arg6[%dma_start3A_1062, %dma_start3A_1063, %dma_start3A_1067] : memref<13x4x128xi32, #tpu.memory_space<vmem>> -> memref<1x1x128xi32, #tpu.memory_space<vmem>>
    %dma_start3A_1069 = tpu.memref_squeeze %dma_start3A_1068 : memref<1x1x128xi32, #tpu.memory_space<vmem>> -> memref<128xi32, #tpu.memory_space<vmem>>
    %dma_start3A_1070 = arith.constant 0 : i32
    %dma_start3A_1071 = arith.constant 0 : i32
    %dma_start3A_1072 = tpu.memref_slice %arg3[%dma_start3A_1061, %dma_start3A_1070, %dma_start3A_1071] : memref<13x1001x128xf32, #tpu.memory_space<hbm>> -> memref<1x1001x128xf32, #tpu.memory_space<hbm>>
    %dma_start3A_1073 = tpu.memref_squeeze %dma_start3A_1072 : memref<1x1001x128xf32, #tpu.memory_space<hbm>> -> memref<1001x128xf32, #tpu.memory_space<hbm>>
    %dma_start3A_1074 = arith.constant 0 : i32
    %dma_start3A_1075 = arith.constant 0 : i32
    %dma_start3A_1076 = tpu.memref_slice %dma_start3A_1073[%dma_start3A_1074, %dma_start3A_1075] : memref<1001x128xf32, #tpu.memory_space<hbm>> -> memref<1001x128xf32, #tpu.memory_space<hbm>>
    tpu.enqueue_indirect_dma source(%dma_start3A_1076 : memref<1001x128xf32, #tpu.memory_space<hbm>>) target(%dma_start3A_1066 : memref<128x128xf32, #tpu.memory_space<vmem>>) offsets(%dma_start3A_1069 : memref<128xi32, #tpu.memory_space<vmem>>) semaphore(%arg9 : memref<!tpu.dma_semaphore, #tpu.memory_space<semaphore_mem>>) {add = true}
    %dma_start3A_1077 = arith.constant 10 : i32
    %dma_start3A_1078 = arith.constant 10 : i32
    %dma_start3A_1079 = arith.constant 0 : i32
    %dma_start3A_1080 = arith.constant 0 : i32
    %dma_start3A_1081 = arith.constant 0 : i32
    %dma_start3A_1082 = tpu.memref_slice %arg7[%dma_start3A_1080, %dma_start3A_1081] : memref<512x128xf32, #tpu.memory_space<vmem>> -> memref<128x128xf32, #tpu.memory_space<vmem>>
    %dma_start3A_1083 = arith.constant 0 : i32
    %dma_start3A_1084 = tpu.memref_slice %arg6[%dma_start3A_1078, %dma_start3A_1079, %dma_start3A_1083] : memref<13x4x128xi32, #tpu.memory_space<vmem>> -> memref<1x1x128xi32, #tpu.memory_space<vmem>>
    %dma_start3A_1085 = tpu.memref_squeeze %dma_start3A_1084 : memref<1x1x128xi32, #tpu.memory_space<vmem>> -> memref<128xi32, #tpu.memory_space<vmem>>
    %dma_start3A_1086 = arith.constant 0 : i32
    %dma_start3A_1087 = arith.constant 0 : i32
    %dma_start3A_1088 = tpu.memref_slice %arg3[%dma_start3A_1077, %dma_start3A_1086, %dma_start3A_1087] : memref<13x1001x128xf32, #tpu.memory_space<hbm>> -> memref<1x1001x128xf32, #tpu.memory_space<hbm>>
    %dma_start3A_1089 = tpu.memref_squeeze %dma_start3A_1088 : memref<1x1001x128xf32, #tpu.memory_space<hbm>> -> memref<1001x128xf32, #tpu.memory_space<hbm>>
    %dma_start3A_1090 = arith.constant 0 : i32
    %dma_start3A_1091 = arith.constant 0 : i32
    %dma_start3A_1092 = tpu.memref_slice %dma_start3A_1089[%dma_start3A_1090, %dma_start3A_1091] : memref<1001x128xf32, #tpu.memory_space<hbm>> -> memref<1001x128xf32, #tpu.memory_space<hbm>>
    tpu.enqueue_indirect_dma source(%dma_start3A_1092 : memref<1001x128xf32, #tpu.memory_space<hbm>>) target(%dma_start3A_1082 : memref<128x128xf32, #tpu.memory_space<vmem>>) offsets(%dma_start3A_1085 : memref<128xi32, #tpu.memory_space<vmem>>) semaphore(%arg9 : memref<!tpu.dma_semaphore, #tpu.memory_space<semaphore_mem>>) {add = true}
    %dma_start3A_1093 = arith.constant 11 : i32
    %dma_start3A_1094 = arith.constant 11 : i32
    %dma_start3A_1095 = arith.constant 0 : i32
    %dma_start3A_1096 = arith.constant 0 : i32
    %dma_start3A_1097 = arith.constant 0 : i32
    %dma_start3A_1098 = tpu.memref_slice %arg7[%dma_start3A_1096, %dma_start3A_1097] : memref<512x128xf32, #tpu.memory_space<vmem>> -> memref<128x128xf32, #tpu.memory_space<vmem>>
    %dma_start3A_1099 = arith.constant 0 : i32
    %dma_start3A_1100 = tpu.memref_slice %arg6[%dma_start3A_1094, %dma_start3A_1095, %dma_start3A_1099] : memref<13x4x128xi32, #tpu.memory_space<vmem>> -> memref<1x1x128xi32, #tpu.memory_space<vmem>>
    %dma_start3A_1101 = tpu.memref_squeeze %dma_start3A_1100 : memref<1x1x128xi32, #tpu.memory_space<vmem>> -> memref<128xi32, #tpu.memory_space<vmem>>
    %dma_start3A_1102 = arith.constant 0 : i32
    %dma_start3A_1103 = arith.constant 0 : i32
    %dma_start3A_1104 = tpu.memref_slice %arg3[%dma_start3A_1093, %dma_start3A_1102, %dma_start3A_1103] : memref<13x1001x128xf32, #tpu.memory_space<hbm>> -> memref<1x1001x128xf32, #tpu.memory_space<hbm>>
    %dma_start3A_1105 = tpu.memref_squeeze %dma_start3A_1104 : memref<1x1001x128xf32, #tpu.memory_space<hbm>> -> memref<1001x128xf32, #tpu.memory_space<hbm>>
    %dma_start3A_1106 = arith.constant 0 : i32
    %dma_start3A_1107 = arith.constant 0 : i32
    %dma_start3A_1108 = tpu.memref_slice %dma_start3A_1105[%dma_start3A_1106, %dma_start3A_1107] : memref<1001x128xf32, #tpu.memory_space<hbm>> -> memref<1001x128xf32, #tpu.memory_space<hbm>>
    tpu.enqueue_indirect_dma source(%dma_start3A_1108 : memref<1001x128xf32, #tpu.memory_space<hbm>>) target(%dma_start3A_1098 : memref<128x128xf32, #tpu.memory_space<vmem>>) offsets(%dma_start3A_1101 : memref<128xi32, #tpu.memory_space<vmem>>) semaphore(%arg9 : memref<!tpu.dma_semaphore, #tpu.memory_space<semaphore_mem>>) {add = true}
    %dma_start3A_1109 = arith.constant 12 : i32
    %dma_start3A_1110 = arith.constant 12 : i32
    %dma_start3A_1111 = arith.constant 0 : i32
    %dma_start3A_1112 = arith.constant 0 : i32
    %dma_start3A_1113 = arith.constant 0 : i32
    %dma_start3A_1114 = tpu.memref_slice %arg7[%dma_start3A_1112, %dma_start3A_1113] : memref<512x128xf32, #tpu.memory_space<vmem>> -> memref<128x128xf32, #tpu.memory_space<vmem>>
    %dma_start3A_1115 = arith.constant 0 : i32
    %dma_start3A_1116 = tpu.memref_slice %arg6[%dma_start3A_1110, %dma_start3A_1111, %dma_start3A_1115] : memref<13x4x128xi32, #tpu.memory_space<vmem>> -> memref<1x1x128xi32, #tpu.memory_space<vmem>>
    %dma_start3A_1117 = tpu.memref_squeeze %dma_start3A_1116 : memref<1x1x128xi32, #tpu.memory_space<vmem>> -> memref<128xi32, #tpu.memory_space<vmem>>
    %dma_start3A_1118 = arith.constant 0 : i32
    %dma_start3A_1119 = arith.constant 0 : i32
    %dma_start3A_1120 = tpu.memref_slice %arg3[%dma_start3A_1109, %dma_start3A_1118, %dma_start3A_1119] : memref<13x1001x128xf32, #tpu.memory_space<hbm>> -> memref<1x1001x128xf32, #tpu.memory_space<hbm>>
    %dma_start3A_1121 = tpu.memref_squeeze %dma_start3A_1120 : memref<1x1001x128xf32, #tpu.memory_space<hbm>> -> memref<1001x128xf32, #tpu.memory_space<hbm>>
    %dma_start3A_1122 = arith.constant 0 : i32
    %dma_start3A_1123 = arith.constant 0 : i32
    %dma_start3A_1124 = tpu.memref_slice %dma_start3A_1121[%dma_start3A_1122, %dma_start3A_1123] : memref<1001x128xf32, #tpu.memory_space<hbm>> -> memref<1001x128xf32, #tpu.memory_space<hbm>>
    tpu.enqueue_indirect_dma source(%dma_start3A_1124 : memref<1001x128xf32, #tpu.memory_space<hbm>>) target(%dma_start3A_1114 : memref<128x128xf32, #tpu.memory_space<vmem>>) offsets(%dma_start3A_1117 : memref<128xi32, #tpu.memory_space<vmem>>) semaphore(%arg9 : memref<!tpu.dma_semaphore, #tpu.memory_space<semaphore_mem>>) {add = true}
    %dma_wait3A_1125 = arith.constant 128 : i32
    %dma_wait3A_1126 = arith.constant 0 : i32
    %dma_wait3A_1127 = tpu.memref_slice %arg7[%dma_wait3A_1125, %dma_wait3A_1126] : memref<512x128xf32, #tpu.memory_space<vmem>> -> memref<128x128xf32, #tpu.memory_space<vmem>>
    %dma_wait3A_1128 = arith.constant 0 : i32
    %dma_wait3A_1129 = tpu.memref_slice %arg4[%add3A_15, %dma_wait3A_1128] : memref<16384x128xf32, #tpu.memory_space<hbm>> -> memref<128x128xf32, #tpu.memory_space<hbm>>
    %dma_wait3A_1130 = arith.constant 128 : i32
    %dma_wait3A_1131 = arith.constant 0 : i32
    %dma_wait3A_1132 = tpu.memref_slice %arg7[%dma_wait3A_1130, %dma_wait3A_1131] : memref<512x128xf32, #tpu.memory_space<vmem>> -> memref<128x128xf32, #tpu.memory_space<vmem>>
    %dma_wait3A_1133 = arith.constant 0 : i32
    %dma_wait3A_1134 = tpu.memref_slice %arg4[%add3A_15, %dma_wait3A_1133] : memref<16384x128xf32, #tpu.memory_space<hbm>> -> memref<128x128xf32, #tpu.memory_space<hbm>>
    tpu.wait_dma2 semaphore(%arg10 : memref<!tpu.dma_semaphore, #tpu.memory_space<semaphore_mem>>) src(%dma_wait3A_1134 : memref<128x128xf32, #tpu.memory_space<hbm>>) dst(%dma_wait3A_1132 : memref<128x128xf32, #tpu.memory_space<vmem>>)
    %dma_wait3A_1135 = arith.constant 0 : i32
    %dma_wait3A_1136 = arith.constant 1 : i32
    %dma_wait3A_1137 = arith.constant 0 : i32
    %dma_wait3A_1138 = tpu.memref_slice %arg6[%dma_wait3A_1135, %dma_wait3A_1136, %dma_wait3A_1137] : memref<13x4x128xi32, #tpu.memory_space<vmem>> -> memref<1x1x128xi32, #tpu.memory_space<vmem>>
    %dma_wait3A_1139 = tpu.memref_squeeze %dma_wait3A_1138 : memref<1x1x128xi32, #tpu.memory_space<vmem>> -> memref<128xi32, #tpu.memory_space<vmem>>
    %dma_wait3A_1140 = tpu.memref_slice %arg2[%add3A_235] : memref<212992xi32, #tpu.memory_space<hbm>> -> memref<128xi32, #tpu.memory_space<hbm>>
    %dma_wait3A_1141 = arith.constant 0 : i32
    %dma_wait3A_1142 = tpu.memref_slice %arg6[%dma_wait3A_1135, %dma_wait3A_1136, %dma_wait3A_1141] : memref<13x4x128xi32, #tpu.memory_space<vmem>> -> memref<1x1x128xi32, #tpu.memory_space<vmem>>
    %dma_wait3A_1143 = tpu.memref_squeeze %dma_wait3A_1142 : memref<1x1x128xi32, #tpu.memory_space<vmem>> -> memref<128xi32, #tpu.memory_space<vmem>>
    %dma_wait3A_1144 = tpu.memref_slice %arg2[%add3A_235] : memref<212992xi32, #tpu.memory_space<hbm>> -> memref<128xi32, #tpu.memory_space<hbm>>
    tpu.wait_dma2 semaphore(%arg8 : memref<!tpu.dma_semaphore, #tpu.memory_space<semaphore_mem>>) src(%dma_wait3A_1144 : memref<128xi32, #tpu.memory_space<hbm>>) dst(%dma_wait3A_1143 : memref<128xi32, #tpu.memory_space<vmem>>)
    %dma_wait3A_1145 = arith.constant 1 : i32
    %dma_wait3A_1146 = arith.constant 1 : i32
    %dma_wait3A_1147 = arith.constant 0 : i32
    %dma_wait3A_1148 = tpu.memref_slice %arg6[%dma_wait3A_1145, %dma_wait3A_1146, %dma_wait3A_1147] : memref<13x4x128xi32, #tpu.memory_space<vmem>> -> memref<1x1x128xi32, #tpu.memory_space<vmem>>
    %dma_wait3A_1149 = tpu.memref_squeeze %dma_wait3A_1148 : memref<1x1x128xi32, #tpu.memory_space<vmem>> -> memref<128xi32, #tpu.memory_space<vmem>>
    %dma_wait3A_1150 = tpu.memref_slice %arg2[%add3A_249] : memref<212992xi32, #tpu.memory_space<hbm>> -> memref<128xi32, #tpu.memory_space<hbm>>
    %dma_wait3A_1151 = arith.constant 0 : i32
    %dma_wait3A_1152 = tpu.memref_slice %arg6[%dma_wait3A_1145, %dma_wait3A_1146, %dma_wait3A_1151] : memref<13x4x128xi32, #tpu.memory_space<vmem>> -> memref<1x1x128xi32, #tpu.memory_space<vmem>>
    %dma_wait3A_1153 = tpu.memref_squeeze %dma_wait3A_1152 : memref<1x1x128xi32, #tpu.memory_space<vmem>> -> memref<128xi32, #tpu.memory_space<vmem>>
    %dma_wait3A_1154 = tpu.memref_slice %arg2[%add3A_249] : memref<212992xi32, #tpu.memory_space<hbm>> -> memref<128xi32, #tpu.memory_space<hbm>>
    tpu.wait_dma2 semaphore(%arg8 : memref<!tpu.dma_semaphore, #tpu.memory_space<semaphore_mem>>) src(%dma_wait3A_1154 : memref<128xi32, #tpu.memory_space<hbm>>) dst(%dma_wait3A_1153 : memref<128xi32, #tpu.memory_space<vmem>>)
    %dma_wait3A_1155 = arith.constant 2 : i32
    %dma_wait3A_1156 = arith.constant 1 : i32
    %dma_wait3A_1157 = arith.constant 0 : i32
    %dma_wait3A_1158 = tpu.memref_slice %arg6[%dma_wait3A_1155, %dma_wait3A_1156, %dma_wait3A_1157] : memref<13x4x128xi32, #tpu.memory_space<vmem>> -> memref<1x1x128xi32, #tpu.memory_space<vmem>>
    %dma_wait3A_1159 = tpu.memref_squeeze %dma_wait3A_1158 : memref<1x1x128xi32, #tpu.memory_space<vmem>> -> memref<128xi32, #tpu.memory_space<vmem>>
    %dma_wait3A_1160 = tpu.memref_slice %arg2[%add3A_263] : memref<212992xi32, #tpu.memory_space<hbm>> -> memref<128xi32, #tpu.memory_space<hbm>>
    %dma_wait3A_1161 = arith.constant 0 : i32
    %dma_wait3A_1162 = tpu.memref_slice %arg6[%dma_wait3A_1155, %dma_wait3A_1156, %dma_wait3A_1161] : memref<13x4x128xi32, #tpu.memory_space<vmem>> -> memref<1x1x128xi32, #tpu.memory_space<vmem>>
    %dma_wait3A_1163 = tpu.memref_squeeze %dma_wait3A_1162 : memref<1x1x128xi32, #tpu.memory_space<vmem>> -> memref<128xi32, #tpu.memory_space<vmem>>
    %dma_wait3A_1164 = tpu.memref_slice %arg2[%add3A_263] : memref<212992xi32, #tpu.memory_space<hbm>> -> memref<128xi32, #tpu.memory_space<hbm>>
    tpu.wait_dma2 semaphore(%arg8 : memref<!tpu.dma_semaphore, #tpu.memory_space<semaphore_mem>>) src(%dma_wait3A_1164 : memref<128xi32, #tpu.memory_space<hbm>>) dst(%dma_wait3A_1163 : memref<128xi32, #tpu.memory_space<vmem>>)
    %dma_wait3A_1165 = arith.constant 3 : i32
    %dma_wait3A_1166 = arith.constant 1 : i32
    %dma_wait3A_1167 = arith.constant 0 : i32
    %dma_wait3A_1168 = tpu.memref_slice %arg6[%dma_wait3A_1165, %dma_wait3A_1166, %dma_wait3A_1167] : memref<13x4x128xi32, #tpu.memory_space<vmem>> -> memref<1x1x128xi32, #tpu.memory_space<vmem>>
    %dma_wait3A_1169 = tpu.memref_squeeze %dma_wait3A_1168 : memref<1x1x128xi32, #tpu.memory_space<vmem>> -> memref<128xi32, #tpu.memory_space<vmem>>
    %dma_wait3A_1170 = tpu.memref_slice %arg2[%add3A_277] : memref<212992xi32, #tpu.memory_space<hbm>> -> memref<128xi32, #tpu.memory_space<hbm>>
    %dma_wait3A_1171 = arith.constant 0 : i32
    %dma_wait3A_1172 = tpu.memref_slice %arg6[%dma_wait3A_1165, %dma_wait3A_1166, %dma_wait3A_1171] : memref<13x4x128xi32, #tpu.memory_space<vmem>> -> memref<1x1x128xi32, #tpu.memory_space<vmem>>
    %dma_wait3A_1173 = tpu.memref_squeeze %dma_wait3A_1172 : memref<1x1x128xi32, #tpu.memory_space<vmem>> -> memref<128xi32, #tpu.memory_space<vmem>>
    %dma_wait3A_1174 = tpu.memref_slice %arg2[%add3A_277] : memref<212992xi32, #tpu.memory_space<hbm>> -> memref<128xi32, #tpu.memory_space<hbm>>
    tpu.wait_dma2 semaphore(%arg8 : memref<!tpu.dma_semaphore, #tpu.memory_space<semaphore_mem>>) src(%dma_wait3A_1174 : memref<128xi32, #tpu.memory_space<hbm>>) dst(%dma_wait3A_1173 : memref<128xi32, #tpu.memory_space<vmem>>)
    %dma_wait3A_1175 = arith.constant 4 : i32
    %dma_wait3A_1176 = arith.constant 1 : i32
    %dma_wait3A_1177 = arith.constant 0 : i32
    %dma_wait3A_1178 = tpu.memref_slice %arg6[%dma_wait3A_1175, %dma_wait3A_1176, %dma_wait3A_1177] : memref<13x4x128xi32, #tpu.memory_space<vmem>> -> memref<1x1x128xi32, #tpu.memory_space<vmem>>
    %dma_wait3A_1179 = tpu.memref_squeeze %dma_wait3A_1178 : memref<1x1x128xi32, #tpu.memory_space<vmem>> -> memref<128xi32, #tpu.memory_space<vmem>>
    %dma_wait3A_1180 = tpu.memref_slice %arg2[%add3A_291] : memref<212992xi32, #tpu.memory_space<hbm>> -> memref<128xi32, #tpu.memory_space<hbm>>
    %dma_wait3A_1181 = arith.constant 0 : i32
    %dma_wait3A_1182 = tpu.memref_slice %arg6[%dma_wait3A_1175, %dma_wait3A_1176, %dma_wait3A_1181] : memref<13x4x128xi32, #tpu.memory_space<vmem>> -> memref<1x1x128xi32, #tpu.memory_space<vmem>>
    %dma_wait3A_1183 = tpu.memref_squeeze %dma_wait3A_1182 : memref<1x1x128xi32, #tpu.memory_space<vmem>> -> memref<128xi32, #tpu.memory_space<vmem>>
    %dma_wait3A_1184 = tpu.memref_slice %arg2[%add3A_291] : memref<212992xi32, #tpu.memory_space<hbm>> -> memref<128xi32, #tpu.memory_space<hbm>>
    tpu.wait_dma2 semaphore(%arg8 : memref<!tpu.dma_semaphore, #tpu.memory_space<semaphore_mem>>) src(%dma_wait3A_1184 : memref<128xi32, #tpu.memory_space<hbm>>) dst(%dma_wait3A_1183 : memref<128xi32, #tpu.memory_space<vmem>>)
    %dma_wait3A_1185 = arith.constant 5 : i32
    %dma_wait3A_1186 = arith.constant 1 : i32
    %dma_wait3A_1187 = arith.constant 0 : i32
    %dma_wait3A_1188 = tpu.memref_slice %arg6[%dma_wait3A_1185, %dma_wait3A_1186, %dma_wait3A_1187] : memref<13x4x128xi32, #tpu.memory_space<vmem>> -> memref<1x1x128xi32, #tpu.memory_space<vmem>>
    %dma_wait3A_1189 = tpu.memref_squeeze %dma_wait3A_1188 : memref<1x1x128xi32, #tpu.memory_space<vmem>> -> memref<128xi32, #tpu.memory_space<vmem>>
    %dma_wait3A_1190 = tpu.memref_slice %arg2[%add3A_305] : memref<212992xi32, #tpu.memory_space<hbm>> -> memref<128xi32, #tpu.memory_space<hbm>>
    %dma_wait3A_1191 = arith.constant 0 : i32
    %dma_wait3A_1192 = tpu.memref_slice %arg6[%dma_wait3A_1185, %dma_wait3A_1186, %dma_wait3A_1191] : memref<13x4x128xi32, #tpu.memory_space<vmem>> -> memref<1x1x128xi32, #tpu.memory_space<vmem>>
    %dma_wait3A_1193 = tpu.memref_squeeze %dma_wait3A_1192 : memref<1x1x128xi32, #tpu.memory_space<vmem>> -> memref<128xi32, #tpu.memory_space<vmem>>
    %dma_wait3A_1194 = tpu.memref_slice %arg2[%add3A_305] : memref<212992xi32, #tpu.memory_space<hbm>> -> memref<128xi32, #tpu.memory_space<hbm>>
    tpu.wait_dma2 semaphore(%arg8 : memref<!tpu.dma_semaphore, #tpu.memory_space<semaphore_mem>>) src(%dma_wait3A_1194 : memref<128xi32, #tpu.memory_space<hbm>>) dst(%dma_wait3A_1193 : memref<128xi32, #tpu.memory_space<vmem>>)
    %dma_wait3A_1195 = arith.constant 6 : i32
    %dma_wait3A_1196 = arith.constant 1 : i32
    %dma_wait3A_1197 = arith.constant 0 : i32
    %dma_wait3A_1198 = tpu.memref_slice %arg6[%dma_wait3A_1195, %dma_wait3A_1196, %dma_wait3A_1197] : memref<13x4x128xi32, #tpu.memory_space<vmem>> -> memref<1x1x128xi32, #tpu.memory_space<vmem>>
    %dma_wait3A_1199 = tpu.memref_squeeze %dma_wait3A_1198 : memref<1x1x128xi32, #tpu.memory_space<vmem>> -> memref<128xi32, #tpu.memory_space<vmem>>
    %dma_wait3A_1200 = tpu.memref_slice %arg2[%add3A_319] : memref<212992xi32, #tpu.memory_space<hbm>> -> memref<128xi32, #tpu.memory_space<hbm>>
    %dma_wait3A_1201 = arith.constant 0 : i32
    %dma_wait3A_1202 = tpu.memref_slice %arg6[%dma_wait3A_1195, %dma_wait3A_1196, %dma_wait3A_1201] : memref<13x4x128xi32, #tpu.memory_space<vmem>> -> memref<1x1x128xi32, #tpu.memory_space<vmem>>
    %dma_wait3A_1203 = tpu.memref_squeeze %dma_wait3A_1202 : memref<1x1x128xi32, #tpu.memory_space<vmem>> -> memref<128xi32, #tpu.memory_space<vmem>>
    %dma_wait3A_1204 = tpu.memref_slice %arg2[%add3A_319] : memref<212992xi32, #tpu.memory_space<hbm>> -> memref<128xi32, #tpu.memory_space<hbm>>
    tpu.wait_dma2 semaphore(%arg8 : memref<!tpu.dma_semaphore, #tpu.memory_space<semaphore_mem>>) src(%dma_wait3A_1204 : memref<128xi32, #tpu.memory_space<hbm>>) dst(%dma_wait3A_1203 : memref<128xi32, #tpu.memory_space<vmem>>)
    %dma_wait3A_1205 = arith.constant 7 : i32
    %dma_wait3A_1206 = arith.constant 1 : i32
    %dma_wait3A_1207 = arith.constant 0 : i32
    %dma_wait3A_1208 = tpu.memref_slice %arg6[%dma_wait3A_1205, %dma_wait3A_1206, %dma_wait3A_1207] : memref<13x4x128xi32, #tpu.memory_space<vmem>> -> memref<1x1x128xi32, #tpu.memory_space<vmem>>
    %dma_wait3A_1209 = tpu.memref_squeeze %dma_wait3A_1208 : memref<1x1x128xi32, #tpu.memory_space<vmem>> -> memref<128xi32, #tpu.memory_space<vmem>>
    %dma_wait3A_1210 = tpu.memref_slice %arg2[%add3A_333] : memref<212992xi32, #tpu.memory_space<hbm>> -> memref<128xi32, #tpu.memory_space<hbm>>
    %dma_wait3A_1211 = arith.constant 0 : i32
    %dma_wait3A_1212 = tpu.memref_slice %arg6[%dma_wait3A_1205, %dma_wait3A_1206, %dma_wait3A_1211] : memref<13x4x128xi32, #tpu.memory_space<vmem>> -> memref<1x1x128xi32, #tpu.memory_space<vmem>>
    %dma_wait3A_1213 = tpu.memref_squeeze %dma_wait3A_1212 : memref<1x1x128xi32, #tpu.memory_space<vmem>> -> memref<128xi32, #tpu.memory_space<vmem>>
    %dma_wait3A_1214 = tpu.memref_slice %arg2[%add3A_333] : memref<212992xi32, #tpu.memory_space<hbm>> -> memref<128xi32, #tpu.memory_space<hbm>>
    tpu.wait_dma2 semaphore(%arg8 : memref<!tpu.dma_semaphore, #tpu.memory_space<semaphore_mem>>) src(%dma_wait3A_1214 : memref<128xi32, #tpu.memory_space<hbm>>) dst(%dma_wait3A_1213 : memref<128xi32, #tpu.memory_space<vmem>>)
    %dma_wait3A_1215 = arith.constant 8 : i32
    %dma_wait3A_1216 = arith.constant 1 : i32
    %dma_wait3A_1217 = arith.constant 0 : i32
    %dma_wait3A_1218 = tpu.memref_slice %arg6[%dma_wait3A_1215, %dma_wait3A_1216, %dma_wait3A_1217] : memref<13x4x128xi32, #tpu.memory_space<vmem>> -> memref<1x1x128xi32, #tpu.memory_space<vmem>>
    %dma_wait3A_1219 = tpu.memref_squeeze %dma_wait3A_1218 : memref<1x1x128xi32, #tpu.memory_space<vmem>> -> memref<128xi32, #tpu.memory_space<vmem>>
    %dma_wait3A_1220 = tpu.memref_slice %arg2[%add3A_347] : memref<212992xi32, #tpu.memory_space<hbm>> -> memref<128xi32, #tpu.memory_space<hbm>>
    %dma_wait3A_1221 = arith.constant 0 : i32
    %dma_wait3A_1222 = tpu.memref_slice %arg6[%dma_wait3A_1215, %dma_wait3A_1216, %dma_wait3A_1221] : memref<13x4x128xi32, #tpu.memory_space<vmem>> -> memref<1x1x128xi32, #tpu.memory_space<vmem>>
    %dma_wait3A_1223 = tpu.memref_squeeze %dma_wait3A_1222 : memref<1x1x128xi32, #tpu.memory_space<vmem>> -> memref<128xi32, #tpu.memory_space<vmem>>
    %dma_wait3A_1224 = tpu.memref_slice %arg2[%add3A_347] : memref<212992xi32, #tpu.memory_space<hbm>> -> memref<128xi32, #tpu.memory_space<hbm>>
    tpu.wait_dma2 semaphore(%arg8 : memref<!tpu.dma_semaphore, #tpu.memory_space<semaphore_mem>>) src(%dma_wait3A_1224 : memref<128xi32, #tpu.memory_space<hbm>>) dst(%dma_wait3A_1223 : memref<128xi32, #tpu.memory_space<vmem>>)
    %dma_wait3A_1225 = arith.constant 9 : i32
    %dma_wait3A_1226 = arith.constant 1 : i32
    %dma_wait3A_1227 = arith.constant 0 : i32
    %dma_wait3A_1228 = tpu.memref_slice %arg6[%dma_wait3A_1225, %dma_wait3A_1226, %dma_wait3A_1227] : memref<13x4x128xi32, #tpu.memory_space<vmem>> -> memref<1x1x128xi32, #tpu.memory_space<vmem>>
    %dma_wait3A_1229 = tpu.memref_squeeze %dma_wait3A_1228 : memref<1x1x128xi32, #tpu.memory_space<vmem>> -> memref<128xi32, #tpu.memory_space<vmem>>
    %dma_wait3A_1230 = tpu.memref_slice %arg2[%add3A_361] : memref<212992xi32, #tpu.memory_space<hbm>> -> memref<128xi32, #tpu.memory_space<hbm>>
    %dma_wait3A_1231 = arith.constant 0 : i32
    %dma_wait3A_1232 = tpu.memref_slice %arg6[%dma_wait3A_1225, %dma_wait3A_1226, %dma_wait3A_1231] : memref<13x4x128xi32, #tpu.memory_space<vmem>> -> memref<1x1x128xi32, #tpu.memory_space<vmem>>
    %dma_wait3A_1233 = tpu.memref_squeeze %dma_wait3A_1232 : memref<1x1x128xi32, #tpu.memory_space<vmem>> -> memref<128xi32, #tpu.memory_space<vmem>>
    %dma_wait3A_1234 = tpu.memref_slice %arg2[%add3A_361] : memref<212992xi32, #tpu.memory_space<hbm>> -> memref<128xi32, #tpu.memory_space<hbm>>
    tpu.wait_dma2 semaphore(%arg8 : memref<!tpu.dma_semaphore, #tpu.memory_space<semaphore_mem>>) src(%dma_wait3A_1234 : memref<128xi32, #tpu.memory_space<hbm>>) dst(%dma_wait3A_1233 : memref<128xi32, #tpu.memory_space<vmem>>)
    %dma_wait3A_1235 = arith.constant 10 : i32
    %dma_wait3A_1236 = arith.constant 1 : i32
    %dma_wait3A_1237 = arith.constant 0 : i32
    %dma_wait3A_1238 = tpu.memref_slice %arg6[%dma_wait3A_1235, %dma_wait3A_1236, %dma_wait3A_1237] : memref<13x4x128xi32, #tpu.memory_space<vmem>> -> memref<1x1x128xi32, #tpu.memory_space<vmem>>
    %dma_wait3A_1239 = tpu.memref_squeeze %dma_wait3A_1238 : memref<1x1x128xi32, #tpu.memory_space<vmem>> -> memref<128xi32, #tpu.memory_space<vmem>>
    %dma_wait3A_1240 = tpu.memref_slice %arg2[%add3A_375] : memref<212992xi32, #tpu.memory_space<hbm>> -> memref<128xi32, #tpu.memory_space<hbm>>
    %dma_wait3A_1241 = arith.constant 0 : i32
    %dma_wait3A_1242 = tpu.memref_slice %arg6[%dma_wait3A_1235, %dma_wait3A_1236, %dma_wait3A_1241] : memref<13x4x128xi32, #tpu.memory_space<vmem>> -> memref<1x1x128xi32, #tpu.memory_space<vmem>>
    %dma_wait3A_1243 = tpu.memref_squeeze %dma_wait3A_1242 : memref<1x1x128xi32, #tpu.memory_space<vmem>> -> memref<128xi32, #tpu.memory_space<vmem>>
    %dma_wait3A_1244 = tpu.memref_slice %arg2[%add3A_375] : memref<212992xi32, #tpu.memory_space<hbm>> -> memref<128xi32, #tpu.memory_space<hbm>>
    tpu.wait_dma2 semaphore(%arg8 : memref<!tpu.dma_semaphore, #tpu.memory_space<semaphore_mem>>) src(%dma_wait3A_1244 : memref<128xi32, #tpu.memory_space<hbm>>) dst(%dma_wait3A_1243 : memref<128xi32, #tpu.memory_space<vmem>>)
    %dma_wait3A_1245 = arith.constant 11 : i32
    %dma_wait3A_1246 = arith.constant 1 : i32
    %dma_wait3A_1247 = arith.constant 0 : i32
    %dma_wait3A_1248 = tpu.memref_slice %arg6[%dma_wait3A_1245, %dma_wait3A_1246, %dma_wait3A_1247] : memref<13x4x128xi32, #tpu.memory_space<vmem>> -> memref<1x1x128xi32, #tpu.memory_space<vmem>>
    %dma_wait3A_1249 = tpu.memref_squeeze %dma_wait3A_1248 : memref<1x1x128xi32, #tpu.memory_space<vmem>> -> memref<128xi32, #tpu.memory_space<vmem>>
    %dma_wait3A_1250 = tpu.memref_slice %arg2[%add3A_389] : memref<212992xi32, #tpu.memory_space<hbm>> -> memref<128xi32, #tpu.memory_space<hbm>>
    %dma_wait3A_1251 = arith.constant 0 : i32
    %dma_wait3A_1252 = tpu.memref_slice %arg6[%dma_wait3A_1245, %dma_wait3A_1246, %dma_wait3A_1251] : memref<13x4x128xi32, #tpu.memory_space<vmem>> -> memref<1x1x128xi32, #tpu.memory_space<vmem>>
    %dma_wait3A_1253 = tpu.memref_squeeze %dma_wait3A_1252 : memref<1x1x128xi32, #tpu.memory_space<vmem>> -> memref<128xi32, #tpu.memory_space<vmem>>
    %dma_wait3A_1254 = tpu.memref_slice %arg2[%add3A_389] : memref<212992xi32, #tpu.memory_space<hbm>> -> memref<128xi32, #tpu.memory_space<hbm>>
    tpu.wait_dma2 semaphore(%arg8 : memref<!tpu.dma_semaphore, #tpu.memory_space<semaphore_mem>>) src(%dma_wait3A_1254 : memref<128xi32, #tpu.memory_space<hbm>>) dst(%dma_wait3A_1253 : memref<128xi32, #tpu.memory_space<vmem>>)
    %dma_wait3A_1255 = arith.constant 12 : i32
    %dma_wait3A_1256 = arith.constant 1 : i32
    %dma_wait3A_1257 = arith.constant 0 : i32
    %dma_wait3A_1258 = tpu.memref_slice %arg6[%dma_wait3A_1255, %dma_wait3A_1256, %dma_wait3A_1257] : memref<13x4x128xi32, #tpu.memory_space<vmem>> -> memref<1x1x128xi32, #tpu.memory_space<vmem>>
    %dma_wait3A_1259 = tpu.memref_squeeze %dma_wait3A_1258 : memref<1x1x128xi32, #tpu.memory_space<vmem>> -> memref<128xi32, #tpu.memory_space<vmem>>
    %dma_wait3A_1260 = tpu.memref_slice %arg2[%add3A_403] : memref<212992xi32, #tpu.memory_space<hbm>> -> memref<128xi32, #tpu.memory_space<hbm>>
    %dma_wait3A_1261 = arith.constant 0 : i32
    %dma_wait3A_1262 = tpu.memref_slice %arg6[%dma_wait3A_1255, %dma_wait3A_1256, %dma_wait3A_1261] : memref<13x4x128xi32, #tpu.memory_space<vmem>> -> memref<1x1x128xi32, #tpu.memory_space<vmem>>
    %dma_wait3A_1263 = tpu.memref_squeeze %dma_wait3A_1262 : memref<1x1x128xi32, #tpu.memory_space<vmem>> -> memref<128xi32, #tpu.memory_space<vmem>>
    %dma_wait3A_1264 = tpu.memref_slice %arg2[%add3A_403] : memref<212992xi32, #tpu.memory_space<hbm>> -> memref<128xi32, #tpu.memory_space<hbm>>
    tpu.wait_dma2 semaphore(%arg8 : memref<!tpu.dma_semaphore, #tpu.memory_space<semaphore_mem>>) src(%dma_wait3A_1264 : memref<128xi32, #tpu.memory_space<hbm>>) dst(%dma_wait3A_1263 : memref<128xi32, #tpu.memory_space<vmem>>)
    %dma_start3A_1265 = arith.constant 0 : i32
    %dma_start3A_1266 = arith.constant 0 : i32
    %dma_start3A_1267 = arith.constant 1 : i32
    %dma_start3A_1268 = arith.constant 128 : i32
    %dma_start3A_1269 = arith.constant 0 : i32
    %dma_start3A_1270 = tpu.memref_slice %arg7[%dma_start3A_1268, %dma_start3A_1269] : memref<512x128xf32, #tpu.memory_space<vmem>> -> memref<128x128xf32, #tpu.memory_space<vmem>>
    %dma_start3A_1271 = arith.constant 0 : i32
    %dma_start3A_1272 = tpu.memref_slice %arg6[%dma_start3A_1266, %dma_start3A_1267, %dma_start3A_1271] : memref<13x4x128xi32, #tpu.memory_space<vmem>> -> memref<1x1x128xi32, #tpu.memory_space<vmem>>
    %dma_start3A_1273 = tpu.memref_squeeze %dma_start3A_1272 : memref<1x1x128xi32, #tpu.memory_space<vmem>> -> memref<128xi32, #tpu.memory_space<vmem>>
    %dma_start3A_1274 = arith.constant 0 : i32
    %dma_start3A_1275 = arith.constant 0 : i32
    %dma_start3A_1276 = tpu.memref_slice %arg3[%dma_start3A_1265, %dma_start3A_1274, %dma_start3A_1275] : memref<13x1001x128xf32, #tpu.memory_space<hbm>> -> memref<1x1001x128xf32, #tpu.memory_space<hbm>>
    %dma_start3A_1277 = tpu.memref_squeeze %dma_start3A_1276 : memref<1x1001x128xf32, #tpu.memory_space<hbm>> -> memref<1001x128xf32, #tpu.memory_space<hbm>>
    %dma_start3A_1278 = arith.constant 0 : i32
    %dma_start3A_1279 = arith.constant 0 : i32
    %dma_start3A_1280 = tpu.memref_slice %dma_start3A_1277[%dma_start3A_1278, %dma_start3A_1279] : memref<1001x128xf32, #tpu.memory_space<hbm>> -> memref<1001x128xf32, #tpu.memory_space<hbm>>
    tpu.enqueue_indirect_dma source(%dma_start3A_1280 : memref<1001x128xf32, #tpu.memory_space<hbm>>) target(%dma_start3A_1270 : memref<128x128xf32, #tpu.memory_space<vmem>>) offsets(%dma_start3A_1273 : memref<128xi32, #tpu.memory_space<vmem>>) semaphore(%arg9 : memref<!tpu.dma_semaphore, #tpu.memory_space<semaphore_mem>>) {add = true}
    %dma_start3A_1281 = arith.constant 1 : i32
    %dma_start3A_1282 = arith.constant 1 : i32
    %dma_start3A_1283 = arith.constant 1 : i32
    %dma_start3A_1284 = arith.constant 128 : i32
    %dma_start3A_1285 = arith.constant 0 : i32
    %dma_start3A_1286 = tpu.memref_slice %arg7[%dma_start3A_1284, %dma_start3A_1285] : memref<512x128xf32, #tpu.memory_space<vmem>> -> memref<128x128xf32, #tpu.memory_space<vmem>>
    %dma_start3A_1287 = arith.constant 0 : i32
    %dma_start3A_1288 = tpu.memref_slice %arg6[%dma_start3A_1282, %dma_start3A_1283, %dma_start3A_1287] : memref<13x4x128xi32, #tpu.memory_space<vmem>> -> memref<1x1x128xi32, #tpu.memory_space<vmem>>
    %dma_start3A_1289 = tpu.memref_squeeze %dma_start3A_1288 : memref<1x1x128xi32, #tpu.memory_space<vmem>> -> memref<128xi32, #tpu.memory_space<vmem>>
    %dma_start3A_1290 = arith.constant 0 : i32
    %dma_start3A_1291 = arith.constant 0 : i32
    %dma_start3A_1292 = tpu.memref_slice %arg3[%dma_start3A_1281, %dma_start3A_1290, %dma_start3A_1291] : memref<13x1001x128xf32, #tpu.memory_space<hbm>> -> memref<1x1001x128xf32, #tpu.memory_space<hbm>>
    %dma_start3A_1293 = tpu.memref_squeeze %dma_start3A_1292 : memref<1x1001x128xf32, #tpu.memory_space<hbm>> -> memref<1001x128xf32, #tpu.memory_space<hbm>>
    %dma_start3A_1294 = arith.constant 0 : i32
    %dma_start3A_1295 = arith.constant 0 : i32
    %dma_start3A_1296 = tpu.memref_slice %dma_start3A_1293[%dma_start3A_1294, %dma_start3A_1295] : memref<1001x128xf32, #tpu.memory_space<hbm>> -> memref<1001x128xf32, #tpu.memory_space<hbm>>
    tpu.enqueue_indirect_dma source(%dma_start3A_1296 : memref<1001x128xf32, #tpu.memory_space<hbm>>) target(%dma_start3A_1286 : memref<128x128xf32, #tpu.memory_space<vmem>>) offsets(%dma_start3A_1289 : memref<128xi32, #tpu.memory_space<vmem>>) semaphore(%arg9 : memref<!tpu.dma_semaphore, #tpu.memory_space<semaphore_mem>>) {add = true}
    %dma_start3A_1297 = arith.constant 2 : i32
    %dma_start3A_1298 = arith.constant 2 : i32
    %dma_start3A_1299 = arith.constant 1 : i32
    %dma_start3A_1300 = arith.constant 128 : i32
    %dma_start3A_1301 = arith.constant 0 : i32
    %dma_start3A_1302 = tpu.memref_slice %arg7[%dma_start3A_1300, %dma_start3A_1301] : memref<512x128xf32, #tpu.memory_space<vmem>> -> memref<128x128xf32, #tpu.memory_space<vmem>>
    %dma_start3A_1303 = arith.constant 0 : i32
    %dma_start3A_1304 = tpu.memref_slice %arg6[%dma_start3A_1298, %dma_start3A_1299, %dma_start3A_1303] : memref<13x4x128xi32, #tpu.memory_space<vmem>> -> memref<1x1x128xi32, #tpu.memory_space<vmem>>
    %dma_start3A_1305 = tpu.memref_squeeze %dma_start3A_1304 : memref<1x1x128xi32, #tpu.memory_space<vmem>> -> memref<128xi32, #tpu.memory_space<vmem>>
    %dma_start3A_1306 = arith.constant 0 : i32
    %dma_start3A_1307 = arith.constant 0 : i32
    %dma_start3A_1308 = tpu.memref_slice %arg3[%dma_start3A_1297, %dma_start3A_1306, %dma_start3A_1307] : memref<13x1001x128xf32, #tpu.memory_space<hbm>> -> memref<1x1001x128xf32, #tpu.memory_space<hbm>>
    %dma_start3A_1309 = tpu.memref_squeeze %dma_start3A_1308 : memref<1x1001x128xf32, #tpu.memory_space<hbm>> -> memref<1001x128xf32, #tpu.memory_space<hbm>>
    %dma_start3A_1310 = arith.constant 0 : i32
    %dma_start3A_1311 = arith.constant 0 : i32
    %dma_start3A_1312 = tpu.memref_slice %dma_start3A_1309[%dma_start3A_1310, %dma_start3A_1311] : memref<1001x128xf32, #tpu.memory_space<hbm>> -> memref<1001x128xf32, #tpu.memory_space<hbm>>
    tpu.enqueue_indirect_dma source(%dma_start3A_1312 : memref<1001x128xf32, #tpu.memory_space<hbm>>) target(%dma_start3A_1302 : memref<128x128xf32, #tpu.memory_space<vmem>>) offsets(%dma_start3A_1305 : memref<128xi32, #tpu.memory_space<vmem>>) semaphore(%arg9 : memref<!tpu.dma_semaphore, #tpu.memory_space<semaphore_mem>>) {add = true}
    %dma_start3A_1313 = arith.constant 3 : i32
    %dma_start3A_1314 = arith.constant 3 : i32
    %dma_start3A_1315 = arith.constant 1 : i32
    %dma_start3A_1316 = arith.constant 128 : i32
    %dma_start3A_1317 = arith.constant 0 : i32
    %dma_start3A_1318 = tpu.memref_slice %arg7[%dma_start3A_1316, %dma_start3A_1317] : memref<512x128xf32, #tpu.memory_space<vmem>> -> memref<128x128xf32, #tpu.memory_space<vmem>>
    %dma_start3A_1319 = arith.constant 0 : i32
    %dma_start3A_1320 = tpu.memref_slice %arg6[%dma_start3A_1314, %dma_start3A_1315, %dma_start3A_1319] : memref<13x4x128xi32, #tpu.memory_space<vmem>> -> memref<1x1x128xi32, #tpu.memory_space<vmem>>
    %dma_start3A_1321 = tpu.memref_squeeze %dma_start3A_1320 : memref<1x1x128xi32, #tpu.memory_space<vmem>> -> memref<128xi32, #tpu.memory_space<vmem>>
    %dma_start3A_1322 = arith.constant 0 : i32
    %dma_start3A_1323 = arith.constant 0 : i32
    %dma_start3A_1324 = tpu.memref_slice %arg3[%dma_start3A_1313, %dma_start3A_1322, %dma_start3A_1323] : memref<13x1001x128xf32, #tpu.memory_space<hbm>> -> memref<1x1001x128xf32, #tpu.memory_space<hbm>>
    %dma_start3A_1325 = tpu.memref_squeeze %dma_start3A_1324 : memref<1x1001x128xf32, #tpu.memory_space<hbm>> -> memref<1001x128xf32, #tpu.memory_space<hbm>>
    %dma_start3A_1326 = arith.constant 0 : i32
    %dma_start3A_1327 = arith.constant 0 : i32
    %dma_start3A_1328 = tpu.memref_slice %dma_start3A_1325[%dma_start3A_1326, %dma_start3A_1327] : memref<1001x128xf32, #tpu.memory_space<hbm>> -> memref<1001x128xf32, #tpu.memory_space<hbm>>
    tpu.enqueue_indirect_dma source(%dma_start3A_1328 : memref<1001x128xf32, #tpu.memory_space<hbm>>) target(%dma_start3A_1318 : memref<128x128xf32, #tpu.memory_space<vmem>>) offsets(%dma_start3A_1321 : memref<128xi32, #tpu.memory_space<vmem>>) semaphore(%arg9 : memref<!tpu.dma_semaphore, #tpu.memory_space<semaphore_mem>>) {add = true}
    %dma_start3A_1329 = arith.constant 4 : i32
    %dma_start3A_1330 = arith.constant 4 : i32
    %dma_start3A_1331 = arith.constant 1 : i32
    %dma_start3A_1332 = arith.constant 128 : i32
    %dma_start3A_1333 = arith.constant 0 : i32
    %dma_start3A_1334 = tpu.memref_slice %arg7[%dma_start3A_1332, %dma_start3A_1333] : memref<512x128xf32, #tpu.memory_space<vmem>> -> memref<128x128xf32, #tpu.memory_space<vmem>>
    %dma_start3A_1335 = arith.constant 0 : i32
    %dma_start3A_1336 = tpu.memref_slice %arg6[%dma_start3A_1330, %dma_start3A_1331, %dma_start3A_1335] : memref<13x4x128xi32, #tpu.memory_space<vmem>> -> memref<1x1x128xi32, #tpu.memory_space<vmem>>
    %dma_start3A_1337 = tpu.memref_squeeze %dma_start3A_1336 : memref<1x1x128xi32, #tpu.memory_space<vmem>> -> memref<128xi32, #tpu.memory_space<vmem>>
    %dma_start3A_1338 = arith.constant 0 : i32
    %dma_start3A_1339 = arith.constant 0 : i32
    %dma_start3A_1340 = tpu.memref_slice %arg3[%dma_start3A_1329, %dma_start3A_1338, %dma_start3A_1339] : memref<13x1001x128xf32, #tpu.memory_space<hbm>> -> memref<1x1001x128xf32, #tpu.memory_space<hbm>>
    %dma_start3A_1341 = tpu.memref_squeeze %dma_start3A_1340 : memref<1x1001x128xf32, #tpu.memory_space<hbm>> -> memref<1001x128xf32, #tpu.memory_space<hbm>>
    %dma_start3A_1342 = arith.constant 0 : i32
    %dma_start3A_1343 = arith.constant 0 : i32
    %dma_start3A_1344 = tpu.memref_slice %dma_start3A_1341[%dma_start3A_1342, %dma_start3A_1343] : memref<1001x128xf32, #tpu.memory_space<hbm>> -> memref<1001x128xf32, #tpu.memory_space<hbm>>
    tpu.enqueue_indirect_dma source(%dma_start3A_1344 : memref<1001x128xf32, #tpu.memory_space<hbm>>) target(%dma_start3A_1334 : memref<128x128xf32, #tpu.memory_space<vmem>>) offsets(%dma_start3A_1337 : memref<128xi32, #tpu.memory_space<vmem>>) semaphore(%arg9 : memref<!tpu.dma_semaphore, #tpu.memory_space<semaphore_mem>>) {add = true}
    %dma_start3A_1345 = arith.constant 5 : i32
    %dma_start3A_1346 = arith.constant 5 : i32
    %dma_start3A_1347 = arith.constant 1 : i32
    %dma_start3A_1348 = arith.constant 128 : i32
    %dma_start3A_1349 = arith.constant 0 : i32
    %dma_start3A_1350 = tpu.memref_slice %arg7[%dma_start3A_1348, %dma_start3A_1349] : memref<512x128xf32, #tpu.memory_space<vmem>> -> memref<128x128xf32, #tpu.memory_space<vmem>>
    %dma_start3A_1351 = arith.constant 0 : i32
    %dma_start3A_1352 = tpu.memref_slice %arg6[%dma_start3A_1346, %dma_start3A_1347, %dma_start3A_1351] : memref<13x4x128xi32, #tpu.memory_space<vmem>> -> memref<1x1x128xi32, #tpu.memory_space<vmem>>
    %dma_start3A_1353 = tpu.memref_squeeze %dma_start3A_1352 : memref<1x1x128xi32, #tpu.memory_space<vmem>> -> memref<128xi32, #tpu.memory_space<vmem>>
    %dma_start3A_1354 = arith.constant 0 : i32
    %dma_start3A_1355 = arith.constant 0 : i32
    %dma_start3A_1356 = tpu.memref_slice %arg3[%dma_start3A_1345, %dma_start3A_1354, %dma_start3A_1355] : memref<13x1001x128xf32, #tpu.memory_space<hbm>> -> memref<1x1001x128xf32, #tpu.memory_space<hbm>>
    %dma_start3A_1357 = tpu.memref_squeeze %dma_start3A_1356 : memref<1x1001x128xf32, #tpu.memory_space<hbm>> -> memref<1001x128xf32, #tpu.memory_space<hbm>>
    %dma_start3A_1358 = arith.constant 0 : i32
    %dma_start3A_1359 = arith.constant 0 : i32
    %dma_start3A_1360 = tpu.memref_slice %dma_start3A_1357[%dma_start3A_1358, %dma_start3A_1359] : memref<1001x128xf32, #tpu.memory_space<hbm>> -> memref<1001x128xf32, #tpu.memory_space<hbm>>
    tpu.enqueue_indirect_dma source(%dma_start3A_1360 : memref<1001x128xf32, #tpu.memory_space<hbm>>) target(%dma_start3A_1350 : memref<128x128xf32, #tpu.memory_space<vmem>>) offsets(%dma_start3A_1353 : memref<128xi32, #tpu.memory_space<vmem>>) semaphore(%arg9 : memref<!tpu.dma_semaphore, #tpu.memory_space<semaphore_mem>>) {add = true}
    %dma_start3A_1361 = arith.constant 6 : i32
    %dma_start3A_1362 = arith.constant 6 : i32
    %dma_start3A_1363 = arith.constant 1 : i32
    %dma_start3A_1364 = arith.constant 128 : i32
    %dma_start3A_1365 = arith.constant 0 : i32
    %dma_start3A_1366 = tpu.memref_slice %arg7[%dma_start3A_1364, %dma_start3A_1365] : memref<512x128xf32, #tpu.memory_space<vmem>> -> memref<128x128xf32, #tpu.memory_space<vmem>>
    %dma_start3A_1367 = arith.constant 0 : i32
    %dma_start3A_1368 = tpu.memref_slice %arg6[%dma_start3A_1362, %dma_start3A_1363, %dma_start3A_1367] : memref<13x4x128xi32, #tpu.memory_space<vmem>> -> memref<1x1x128xi32, #tpu.memory_space<vmem>>
    %dma_start3A_1369 = tpu.memref_squeeze %dma_start3A_1368 : memref<1x1x128xi32, #tpu.memory_space<vmem>> -> memref<128xi32, #tpu.memory_space<vmem>>
    %dma_start3A_1370 = arith.constant 0 : i32
    %dma_start3A_1371 = arith.constant 0 : i32
    %dma_start3A_1372 = tpu.memref_slice %arg3[%dma_start3A_1361, %dma_start3A_1370, %dma_start3A_1371] : memref<13x1001x128xf32, #tpu.memory_space<hbm>> -> memref<1x1001x128xf32, #tpu.memory_space<hbm>>
    %dma_start3A_1373 = tpu.memref_squeeze %dma_start3A_1372 : memref<1x1001x128xf32, #tpu.memory_space<hbm>> -> memref<1001x128xf32, #tpu.memory_space<hbm>>
    %dma_start3A_1374 = arith.constant 0 : i32
    %dma_start3A_1375 = arith.constant 0 : i32
    %dma_start3A_1376 = tpu.memref_slice %dma_start3A_1373[%dma_start3A_1374, %dma_start3A_1375] : memref<1001x128xf32, #tpu.memory_space<hbm>> -> memref<1001x128xf32, #tpu.memory_space<hbm>>
    tpu.enqueue_indirect_dma source(%dma_start3A_1376 : memref<1001x128xf32, #tpu.memory_space<hbm>>) target(%dma_start3A_1366 : memref<128x128xf32, #tpu.memory_space<vmem>>) offsets(%dma_start3A_1369 : memref<128xi32, #tpu.memory_space<vmem>>) semaphore(%arg9 : memref<!tpu.dma_semaphore, #tpu.memory_space<semaphore_mem>>) {add = true}
    %dma_start3A_1377 = arith.constant 7 : i32
    %dma_start3A_1378 = arith.constant 7 : i32
    %dma_start3A_1379 = arith.constant 1 : i32
    %dma_start3A_1380 = arith.constant 128 : i32
    %dma_start3A_1381 = arith.constant 0 : i32
    %dma_start3A_1382 = tpu.memref_slice %arg7[%dma_start3A_1380, %dma_start3A_1381] : memref<512x128xf32, #tpu.memory_space<vmem>> -> memref<128x128xf32, #tpu.memory_space<vmem>>
    %dma_start3A_1383 = arith.constant 0 : i32
    %dma_start3A_1384 = tpu.memref_slice %arg6[%dma_start3A_1378, %dma_start3A_1379, %dma_start3A_1383] : memref<13x4x128xi32, #tpu.memory_space<vmem>> -> memref<1x1x128xi32, #tpu.memory_space<vmem>>
    %dma_start3A_1385 = tpu.memref_squeeze %dma_start3A_1384 : memref<1x1x128xi32, #tpu.memory_space<vmem>> -> memref<128xi32, #tpu.memory_space<vmem>>
    %dma_start3A_1386 = arith.constant 0 : i32
    %dma_start3A_1387 = arith.constant 0 : i32
    %dma_start3A_1388 = tpu.memref_slice %arg3[%dma_start3A_1377, %dma_start3A_1386, %dma_start3A_1387] : memref<13x1001x128xf32, #tpu.memory_space<hbm>> -> memref<1x1001x128xf32, #tpu.memory_space<hbm>>
    %dma_start3A_1389 = tpu.memref_squeeze %dma_start3A_1388 : memref<1x1001x128xf32, #tpu.memory_space<hbm>> -> memref<1001x128xf32, #tpu.memory_space<hbm>>
    %dma_start3A_1390 = arith.constant 0 : i32
    %dma_start3A_1391 = arith.constant 0 : i32
    %dma_start3A_1392 = tpu.memref_slice %dma_start3A_1389[%dma_start3A_1390, %dma_start3A_1391] : memref<1001x128xf32, #tpu.memory_space<hbm>> -> memref<1001x128xf32, #tpu.memory_space<hbm>>
    tpu.enqueue_indirect_dma source(%dma_start3A_1392 : memref<1001x128xf32, #tpu.memory_space<hbm>>) target(%dma_start3A_1382 : memref<128x128xf32, #tpu.memory_space<vmem>>) offsets(%dma_start3A_1385 : memref<128xi32, #tpu.memory_space<vmem>>) semaphore(%arg9 : memref<!tpu.dma_semaphore, #tpu.memory_space<semaphore_mem>>) {add = true}
    %dma_start3A_1393 = arith.constant 8 : i32
    %dma_start3A_1394 = arith.constant 8 : i32
    %dma_start3A_1395 = arith.constant 1 : i32
    %dma_start3A_1396 = arith.constant 128 : i32
    %dma_start3A_1397 = arith.constant 0 : i32
    %dma_start3A_1398 = tpu.memref_slice %arg7[%dma_start3A_1396, %dma_start3A_1397] : memref<512x128xf32, #tpu.memory_space<vmem>> -> memref<128x128xf32, #tpu.memory_space<vmem>>
    %dma_start3A_1399 = arith.constant 0 : i32
    %dma_start3A_1400 = tpu.memref_slice %arg6[%dma_start3A_1394, %dma_start3A_1395, %dma_start3A_1399] : memref<13x4x128xi32, #tpu.memory_space<vmem>> -> memref<1x1x128xi32, #tpu.memory_space<vmem>>
    %dma_start3A_1401 = tpu.memref_squeeze %dma_start3A_1400 : memref<1x1x128xi32, #tpu.memory_space<vmem>> -> memref<128xi32, #tpu.memory_space<vmem>>
    %dma_start3A_1402 = arith.constant 0 : i32
    %dma_start3A_1403 = arith.constant 0 : i32
    %dma_start3A_1404 = tpu.memref_slice %arg3[%dma_start3A_1393, %dma_start3A_1402, %dma_start3A_1403] : memref<13x1001x128xf32, #tpu.memory_space<hbm>> -> memref<1x1001x128xf32, #tpu.memory_space<hbm>>
    %dma_start3A_1405 = tpu.memref_squeeze %dma_start3A_1404 : memref<1x1001x128xf32, #tpu.memory_space<hbm>> -> memref<1001x128xf32, #tpu.memory_space<hbm>>
    %dma_start3A_1406 = arith.constant 0 : i32
    %dma_start3A_1407 = arith.constant 0 : i32
    %dma_start3A_1408 = tpu.memref_slice %dma_start3A_1405[%dma_start3A_1406, %dma_start3A_1407] : memref<1001x128xf32, #tpu.memory_space<hbm>> -> memref<1001x128xf32, #tpu.memory_space<hbm>>
    tpu.enqueue_indirect_dma source(%dma_start3A_1408 : memref<1001x128xf32, #tpu.memory_space<hbm>>) target(%dma_start3A_1398 : memref<128x128xf32, #tpu.memory_space<vmem>>) offsets(%dma_start3A_1401 : memref<128xi32, #tpu.memory_space<vmem>>) semaphore(%arg9 : memref<!tpu.dma_semaphore, #tpu.memory_space<semaphore_mem>>) {add = true}
    %dma_start3A_1409 = arith.constant 9 : i32
    %dma_start3A_1410 = arith.constant 9 : i32
    %dma_start3A_1411 = arith.constant 1 : i32
    %dma_start3A_1412 = arith.constant 128 : i32
    %dma_start3A_1413 = arith.constant 0 : i32
    %dma_start3A_1414 = tpu.memref_slice %arg7[%dma_start3A_1412, %dma_start3A_1413] : memref<512x128xf32, #tpu.memory_space<vmem>> -> memref<128x128xf32, #tpu.memory_space<vmem>>
    %dma_start3A_1415 = arith.constant 0 : i32
    %dma_start3A_1416 = tpu.memref_slice %arg6[%dma_start3A_1410, %dma_start3A_1411, %dma_start3A_1415] : memref<13x4x128xi32, #tpu.memory_space<vmem>> -> memref<1x1x128xi32, #tpu.memory_space<vmem>>
    %dma_start3A_1417 = tpu.memref_squeeze %dma_start3A_1416 : memref<1x1x128xi32, #tpu.memory_space<vmem>> -> memref<128xi32, #tpu.memory_space<vmem>>
    %dma_start3A_1418 = arith.constant 0 : i32
    %dma_start3A_1419 = arith.constant 0 : i32
    %dma_start3A_1420 = tpu.memref_slice %arg3[%dma_start3A_1409, %dma_start3A_1418, %dma_start3A_1419] : memref<13x1001x128xf32, #tpu.memory_space<hbm>> -> memref<1x1001x128xf32, #tpu.memory_space<hbm>>
    %dma_start3A_1421 = tpu.memref_squeeze %dma_start3A_1420 : memref<1x1001x128xf32, #tpu.memory_space<hbm>> -> memref<1001x128xf32, #tpu.memory_space<hbm>>
    %dma_start3A_1422 = arith.constant 0 : i32
    %dma_start3A_1423 = arith.constant 0 : i32
    %dma_start3A_1424 = tpu.memref_slice %dma_start3A_1421[%dma_start3A_1422, %dma_start3A_1423] : memref<1001x128xf32, #tpu.memory_space<hbm>> -> memref<1001x128xf32, #tpu.memory_space<hbm>>
    tpu.enqueue_indirect_dma source(%dma_start3A_1424 : memref<1001x128xf32, #tpu.memory_space<hbm>>) target(%dma_start3A_1414 : memref<128x128xf32, #tpu.memory_space<vmem>>) offsets(%dma_start3A_1417 : memref<128xi32, #tpu.memory_space<vmem>>) semaphore(%arg9 : memref<!tpu.dma_semaphore, #tpu.memory_space<semaphore_mem>>) {add = true}
    %dma_start3A_1425 = arith.constant 10 : i32
    %dma_start3A_1426 = arith.constant 10 : i32
    %dma_start3A_1427 = arith.constant 1 : i32
    %dma_start3A_1428 = arith.constant 128 : i32
    %dma_start3A_1429 = arith.constant 0 : i32
    %dma_start3A_1430 = tpu.memref_slice %arg7[%dma_start3A_1428, %dma_start3A_1429] : memref<512x128xf32, #tpu.memory_space<vmem>> -> memref<128x128xf32, #tpu.memory_space<vmem>>
    %dma_start3A_1431 = arith.constant 0 : i32
    %dma_start3A_1432 = tpu.memref_slice %arg6[%dma_start3A_1426, %dma_start3A_1427, %dma_start3A_1431] : memref<13x4x128xi32, #tpu.memory_space<vmem>> -> memref<1x1x128xi32, #tpu.memory_space<vmem>>
    %dma_start3A_1433 = tpu.memref_squeeze %dma_start3A_1432 : memref<1x1x128xi32, #tpu.memory_space<vmem>> -> memref<128xi32, #tpu.memory_space<vmem>>
    %dma_start3A_1434 = arith.constant 0 : i32
    %dma_start3A_1435 = arith.constant 0 : i32
    %dma_start3A_1436 = tpu.memref_slice %arg3[%dma_start3A_1425, %dma_start3A_1434, %dma_start3A_1435] : memref<13x1001x128xf32, #tpu.memory_space<hbm>> -> memref<1x1001x128xf32, #tpu.memory_space<hbm>>
    %dma_start3A_1437 = tpu.memref_squeeze %dma_start3A_1436 : memref<1x1001x128xf32, #tpu.memory_space<hbm>> -> memref<1001x128xf32, #tpu.memory_space<hbm>>
    %dma_start3A_1438 = arith.constant 0 : i32
    %dma_start3A_1439 = arith.constant 0 : i32
    %dma_start3A_1440 = tpu.memref_slice %dma_start3A_1437[%dma_start3A_1438, %dma_start3A_1439] : memref<1001x128xf32, #tpu.memory_space<hbm>> -> memref<1001x128xf32, #tpu.memory_space<hbm>>
    tpu.enqueue_indirect_dma source(%dma_start3A_1440 : memref<1001x128xf32, #tpu.memory_space<hbm>>) target(%dma_start3A_1430 : memref<128x128xf32, #tpu.memory_space<vmem>>) offsets(%dma_start3A_1433 : memref<128xi32, #tpu.memory_space<vmem>>) semaphore(%arg9 : memref<!tpu.dma_semaphore, #tpu.memory_space<semaphore_mem>>) {add = true}
    %dma_start3A_1441 = arith.constant 11 : i32
    %dma_start3A_1442 = arith.constant 11 : i32
    %dma_start3A_1443 = arith.constant 1 : i32
    %dma_start3A_1444 = arith.constant 128 : i32
    %dma_start3A_1445 = arith.constant 0 : i32
    %dma_start3A_1446 = tpu.memref_slice %arg7[%dma_start3A_1444, %dma_start3A_1445] : memref<512x128xf32, #tpu.memory_space<vmem>> -> memref<128x128xf32, #tpu.memory_space<vmem>>
    %dma_start3A_1447 = arith.constant 0 : i32
    %dma_start3A_1448 = tpu.memref_slice %arg6[%dma_start3A_1442, %dma_start3A_1443, %dma_start3A_1447] : memref<13x4x128xi32, #tpu.memory_space<vmem>> -> memref<1x1x128xi32, #tpu.memory_space<vmem>>
    %dma_start3A_1449 = tpu.memref_squeeze %dma_start3A_1448 : memref<1x1x128xi32, #tpu.memory_space<vmem>> -> memref<128xi32, #tpu.memory_space<vmem>>
    %dma_start3A_1450 = arith.constant 0 : i32
    %dma_start3A_1451 = arith.constant 0 : i32
    %dma_start3A_1452 = tpu.memref_slice %arg3[%dma_start3A_1441, %dma_start3A_1450, %dma_start3A_1451] : memref<13x1001x128xf32, #tpu.memory_space<hbm>> -> memref<1x1001x128xf32, #tpu.memory_space<hbm>>
    %dma_start3A_1453 = tpu.memref_squeeze %dma_start3A_1452 : memref<1x1001x128xf32, #tpu.memory_space<hbm>> -> memref<1001x128xf32, #tpu.memory_space<hbm>>
    %dma_start3A_1454 = arith.constant 0 : i32
    %dma_start3A_1455 = arith.constant 0 : i32
    %dma_start3A_1456 = tpu.memref_slice %dma_start3A_1453[%dma_start3A_1454, %dma_start3A_1455] : memref<1001x128xf32, #tpu.memory_space<hbm>> -> memref<1001x128xf32, #tpu.memory_space<hbm>>
    tpu.enqueue_indirect_dma source(%dma_start3A_1456 : memref<1001x128xf32, #tpu.memory_space<hbm>>) target(%dma_start3A_1446 : memref<128x128xf32, #tpu.memory_space<vmem>>) offsets(%dma_start3A_1449 : memref<128xi32, #tpu.memory_space<vmem>>) semaphore(%arg9 : memref<!tpu.dma_semaphore, #tpu.memory_space<semaphore_mem>>) {add = true}
    %dma_start3A_1457 = arith.constant 12 : i32
    %dma_start3A_1458 = arith.constant 12 : i32
    %dma_start3A_1459 = arith.constant 1 : i32
    %dma_start3A_1460 = arith.constant 128 : i32
    %dma_start3A_1461 = arith.constant 0 : i32
    %dma_start3A_1462 = tpu.memref_slice %arg7[%dma_start3A_1460, %dma_start3A_1461] : memref<512x128xf32, #tpu.memory_space<vmem>> -> memref<128x128xf32, #tpu.memory_space<vmem>>
    %dma_start3A_1463 = arith.constant 0 : i32
    %dma_start3A_1464 = tpu.memref_slice %arg6[%dma_start3A_1458, %dma_start3A_1459, %dma_start3A_1463] : memref<13x4x128xi32, #tpu.memory_space<vmem>> -> memref<1x1x128xi32, #tpu.memory_space<vmem>>
    %dma_start3A_1465 = tpu.memref_squeeze %dma_start3A_1464 : memref<1x1x128xi32, #tpu.memory_space<vmem>> -> memref<128xi32, #tpu.memory_space<vmem>>
    %dma_start3A_1466 = arith.constant 0 : i32
    %dma_start3A_1467 = arith.constant 0 : i32
    %dma_start3A_1468 = tpu.memref_slice %arg3[%dma_start3A_1457, %dma_start3A_1466, %dma_start3A_1467] : memref<13x1001x128xf32, #tpu.memory_space<hbm>> -> memref<1x1001x128xf32, #tpu.memory_space<hbm>>
    %dma_start3A_1469 = tpu.memref_squeeze %dma_start3A_1468 : memref<1x1001x128xf32, #tpu.memory_space<hbm>> -> memref<1001x128xf32, #tpu.memory_space<hbm>>
    %dma_start3A_1470 = arith.constant 0 : i32
    %dma_start3A_1471 = arith.constant 0 : i32
    %dma_start3A_1472 = tpu.memref_slice %dma_start3A_1469[%dma_start3A_1470, %dma_start3A_1471] : memref<1001x128xf32, #tpu.memory_space<hbm>> -> memref<1001x128xf32, #tpu.memory_space<hbm>>
    tpu.enqueue_indirect_dma source(%dma_start3A_1472 : memref<1001x128xf32, #tpu.memory_space<hbm>>) target(%dma_start3A_1462 : memref<128x128xf32, #tpu.memory_space<vmem>>) offsets(%dma_start3A_1465 : memref<128xi32, #tpu.memory_space<vmem>>) semaphore(%arg9 : memref<!tpu.dma_semaphore, #tpu.memory_space<semaphore_mem>>) {add = true}
    %dma_wait3A_1473 = arith.constant 256 : i32
    %dma_wait3A_1474 = arith.constant 0 : i32
    %dma_wait3A_1475 = tpu.memref_slice %arg7[%dma_wait3A_1473, %dma_wait3A_1474] : memref<512x128xf32, #tpu.memory_space<vmem>> -> memref<128x128xf32, #tpu.memory_space<vmem>>
    %dma_wait3A_1476 = arith.constant 0 : i32
    %dma_wait3A_1477 = tpu.memref_slice %arg4[%add3A_27, %dma_wait3A_1476] : memref<16384x128xf32, #tpu.memory_space<hbm>> -> memref<128x128xf32, #tpu.memory_space<hbm>>
    %dma_wait3A_1478 = arith.constant 256 : i32
    %dma_wait3A_1479 = arith.constant 0 : i32
    %dma_wait3A_1480 = tpu.memref_slice %arg7[%dma_wait3A_1478, %dma_wait3A_1479] : memref<512x128xf32, #tpu.memory_space<vmem>> -> memref<128x128xf32, #tpu.memory_space<vmem>>
    %dma_wait3A_1481 = arith.constant 0 : i32
    %dma_wait3A_1482 = tpu.memref_slice %arg4[%add3A_27, %dma_wait3A_1481] : memref<16384x128xf32, #tpu.memory_space<hbm>> -> memref<128x128xf32, #tpu.memory_space<hbm>>
    tpu.wait_dma2 semaphore(%arg10 : memref<!tpu.dma_semaphore, #tpu.memory_space<semaphore_mem>>) src(%dma_wait3A_1482 : memref<128x128xf32, #tpu.memory_space<hbm>>) dst(%dma_wait3A_1480 : memref<128x128xf32, #tpu.memory_space<vmem>>)
    %dma_wait3A_1483 = arith.constant 0 : i32
    %dma_wait3A_1484 = arith.constant 2 : i32
    %dma_wait3A_1485 = arith.constant 0 : i32
    %dma_wait3A_1486 = tpu.memref_slice %arg6[%dma_wait3A_1483, %dma_wait3A_1484, %dma_wait3A_1485] : memref<13x4x128xi32, #tpu.memory_space<vmem>> -> memref<1x1x128xi32, #tpu.memory_space<vmem>>
    %dma_wait3A_1487 = tpu.memref_squeeze %dma_wait3A_1486 : memref<1x1x128xi32, #tpu.memory_space<vmem>> -> memref<128xi32, #tpu.memory_space<vmem>>
    %dma_wait3A_1488 = tpu.memref_slice %arg2[%add3A_417] : memref<212992xi32, #tpu.memory_space<hbm>> -> memref<128xi32, #tpu.memory_space<hbm>>
    %dma_wait3A_1489 = arith.constant 0 : i32
    %dma_wait3A_1490 = tpu.memref_slice %arg6[%dma_wait3A_1483, %dma_wait3A_1484, %dma_wait3A_1489] : memref<13x4x128xi32, #tpu.memory_space<vmem>> -> memref<1x1x128xi32, #tpu.memory_space<vmem>>
    %dma_wait3A_1491 = tpu.memref_squeeze %dma_wait3A_1490 : memref<1x1x128xi32, #tpu.memory_space<vmem>> -> memref<128xi32, #tpu.memory_space<vmem>>
    %dma_wait3A_1492 = tpu.memref_slice %arg2[%add3A_417] : memref<212992xi32, #tpu.memory_space<hbm>> -> memref<128xi32, #tpu.memory_space<hbm>>
    tpu.wait_dma2 semaphore(%arg8 : memref<!tpu.dma_semaphore, #tpu.memory_space<semaphore_mem>>) src(%dma_wait3A_1492 : memref<128xi32, #tpu.memory_space<hbm>>) dst(%dma_wait3A_1491 : memref<128xi32, #tpu.memory_space<vmem>>)
    %dma_wait3A_1493 = arith.constant 1 : i32
    %dma_wait3A_1494 = arith.constant 2 : i32
    %dma_wait3A_1495 = arith.constant 0 : i32
    %dma_wait3A_1496 = tpu.memref_slice %arg6[%dma_wait3A_1493, %dma_wait3A_1494, %dma_wait3A_1495] : memref<13x4x128xi32, #tpu.memory_space<vmem>> -> memref<1x1x128xi32, #tpu.memory_space<vmem>>
    %dma_wait3A_1497 = tpu.memref_squeeze %dma_wait3A_1496 : memref<1x1x128xi32, #tpu.memory_space<vmem>> -> memref<128xi32, #tpu.memory_space<vmem>>
    %dma_wait3A_1498 = tpu.memref_slice %arg2[%add3A_431] : memref<212992xi32, #tpu.memory_space<hbm>> -> memref<128xi32, #tpu.memory_space<hbm>>
    %dma_wait3A_1499 = arith.constant 0 : i32
    %dma_wait3A_1500 = tpu.memref_slice %arg6[%dma_wait3A_1493, %dma_wait3A_1494, %dma_wait3A_1499] : memref<13x4x128xi32, #tpu.memory_space<vmem>> -> memref<1x1x128xi32, #tpu.memory_space<vmem>>
    %dma_wait3A_1501 = tpu.memref_squeeze %dma_wait3A_1500 : memref<1x1x128xi32, #tpu.memory_space<vmem>> -> memref<128xi32, #tpu.memory_space<vmem>>
    %dma_wait3A_1502 = tpu.memref_slice %arg2[%add3A_431] : memref<212992xi32, #tpu.memory_space<hbm>> -> memref<128xi32, #tpu.memory_space<hbm>>
    tpu.wait_dma2 semaphore(%arg8 : memref<!tpu.dma_semaphore, #tpu.memory_space<semaphore_mem>>) src(%dma_wait3A_1502 : memref<128xi32, #tpu.memory_space<hbm>>) dst(%dma_wait3A_1501 : memref<128xi32, #tpu.memory_space<vmem>>)
    %dma_wait3A_1503 = arith.constant 2 : i32
    %dma_wait3A_1504 = arith.constant 2 : i32
    %dma_wait3A_1505 = arith.constant 0 : i32
    %dma_wait3A_1506 = tpu.memref_slice %arg6[%dma_wait3A_1503, %dma_wait3A_1504, %dma_wait3A_1505] : memref<13x4x128xi32, #tpu.memory_space<vmem>> -> memref<1x1x128xi32, #tpu.memory_space<vmem>>
    %dma_wait3A_1507 = tpu.memref_squeeze %dma_wait3A_1506 : memref<1x1x128xi32, #tpu.memory_space<vmem>> -> memref<128xi32, #tpu.memory_space<vmem>>
    %dma_wait3A_1508 = tpu.memref_slice %arg2[%add3A_445] : memref<212992xi32, #tpu.memory_space<hbm>> -> memref<128xi32, #tpu.memory_space<hbm>>
    %dma_wait3A_1509 = arith.constant 0 : i32
    %dma_wait3A_1510 = tpu.memref_slice %arg6[%dma_wait3A_1503, %dma_wait3A_1504, %dma_wait3A_1509] : memref<13x4x128xi32, #tpu.memory_space<vmem>> -> memref<1x1x128xi32, #tpu.memory_space<vmem>>
    %dma_wait3A_1511 = tpu.memref_squeeze %dma_wait3A_1510 : memref<1x1x128xi32, #tpu.memory_space<vmem>> -> memref<128xi32, #tpu.memory_space<vmem>>
    %dma_wait3A_1512 = tpu.memref_slice %arg2[%add3A_445] : memref<212992xi32, #tpu.memory_space<hbm>> -> memref<128xi32, #tpu.memory_space<hbm>>
    tpu.wait_dma2 semaphore(%arg8 : memref<!tpu.dma_semaphore, #tpu.memory_space<semaphore_mem>>) src(%dma_wait3A_1512 : memref<128xi32, #tpu.memory_space<hbm>>) dst(%dma_wait3A_1511 : memref<128xi32, #tpu.memory_space<vmem>>)
    %dma_wait3A_1513 = arith.constant 3 : i32
    %dma_wait3A_1514 = arith.constant 2 : i32
    %dma_wait3A_1515 = arith.constant 0 : i32
    %dma_wait3A_1516 = tpu.memref_slice %arg6[%dma_wait3A_1513, %dma_wait3A_1514, %dma_wait3A_1515] : memref<13x4x128xi32, #tpu.memory_space<vmem>> -> memref<1x1x128xi32, #tpu.memory_space<vmem>>
    %dma_wait3A_1517 = tpu.memref_squeeze %dma_wait3A_1516 : memref<1x1x128xi32, #tpu.memory_space<vmem>> -> memref<128xi32, #tpu.memory_space<vmem>>
    %dma_wait3A_1518 = tpu.memref_slice %arg2[%add3A_459] : memref<212992xi32, #tpu.memory_space<hbm>> -> memref<128xi32, #tpu.memory_space<hbm>>
    %dma_wait3A_1519 = arith.constant 0 : i32
    %dma_wait3A_1520 = tpu.memref_slice %arg6[%dma_wait3A_1513, %dma_wait3A_1514, %dma_wait3A_1519] : memref<13x4x128xi32, #tpu.memory_space<vmem>> -> memref<1x1x128xi32, #tpu.memory_space<vmem>>
    %dma_wait3A_1521 = tpu.memref_squeeze %dma_wait3A_1520 : memref<1x1x128xi32, #tpu.memory_space<vmem>> -> memref<128xi32, #tpu.memory_space<vmem>>
    %dma_wait3A_1522 = tpu.memref_slice %arg2[%add3A_459] : memref<212992xi32, #tpu.memory_space<hbm>> -> memref<128xi32, #tpu.memory_space<hbm>>
    tpu.wait_dma2 semaphore(%arg8 : memref<!tpu.dma_semaphore, #tpu.memory_space<semaphore_mem>>) src(%dma_wait3A_1522 : memref<128xi32, #tpu.memory_space<hbm>>) dst(%dma_wait3A_1521 : memref<128xi32, #tpu.memory_space<vmem>>)
    %dma_wait3A_1523 = arith.constant 4 : i32
    %dma_wait3A_1524 = arith.constant 2 : i32
    %dma_wait3A_1525 = arith.constant 0 : i32
    %dma_wait3A_1526 = tpu.memref_slice %arg6[%dma_wait3A_1523, %dma_wait3A_1524, %dma_wait3A_1525] : memref<13x4x128xi32, #tpu.memory_space<vmem>> -> memref<1x1x128xi32, #tpu.memory_space<vmem>>
    %dma_wait3A_1527 = tpu.memref_squeeze %dma_wait3A_1526 : memref<1x1x128xi32, #tpu.memory_space<vmem>> -> memref<128xi32, #tpu.memory_space<vmem>>
    %dma_wait3A_1528 = tpu.memref_slice %arg2[%add3A_473] : memref<212992xi32, #tpu.memory_space<hbm>> -> memref<128xi32, #tpu.memory_space<hbm>>
    %dma_wait3A_1529 = arith.constant 0 : i32
    %dma_wait3A_1530 = tpu.memref_slice %arg6[%dma_wait3A_1523, %dma_wait3A_1524, %dma_wait3A_1529] : memref<13x4x128xi32, #tpu.memory_space<vmem>> -> memref<1x1x128xi32, #tpu.memory_space<vmem>>
    %dma_wait3A_1531 = tpu.memref_squeeze %dma_wait3A_1530 : memref<1x1x128xi32, #tpu.memory_space<vmem>> -> memref<128xi32, #tpu.memory_space<vmem>>
    %dma_wait3A_1532 = tpu.memref_slice %arg2[%add3A_473] : memref<212992xi32, #tpu.memory_space<hbm>> -> memref<128xi32, #tpu.memory_space<hbm>>
    tpu.wait_dma2 semaphore(%arg8 : memref<!tpu.dma_semaphore, #tpu.memory_space<semaphore_mem>>) src(%dma_wait3A_1532 : memref<128xi32, #tpu.memory_space<hbm>>) dst(%dma_wait3A_1531 : memref<128xi32, #tpu.memory_space<vmem>>)
    %dma_wait3A_1533 = arith.constant 5 : i32
    %dma_wait3A_1534 = arith.constant 2 : i32
    %dma_wait3A_1535 = arith.constant 0 : i32
    %dma_wait3A_1536 = tpu.memref_slice %arg6[%dma_wait3A_1533, %dma_wait3A_1534, %dma_wait3A_1535] : memref<13x4x128xi32, #tpu.memory_space<vmem>> -> memref<1x1x128xi32, #tpu.memory_space<vmem>>
    %dma_wait3A_1537 = tpu.memref_squeeze %dma_wait3A_1536 : memref<1x1x128xi32, #tpu.memory_space<vmem>> -> memref<128xi32, #tpu.memory_space<vmem>>
    %dma_wait3A_1538 = tpu.memref_slice %arg2[%add3A_487] : memref<212992xi32, #tpu.memory_space<hbm>> -> memref<128xi32, #tpu.memory_space<hbm>>
    %dma_wait3A_1539 = arith.constant 0 : i32
    %dma_wait3A_1540 = tpu.memref_slice %arg6[%dma_wait3A_1533, %dma_wait3A_1534, %dma_wait3A_1539] : memref<13x4x128xi32, #tpu.memory_space<vmem>> -> memref<1x1x128xi32, #tpu.memory_space<vmem>>
    %dma_wait3A_1541 = tpu.memref_squeeze %dma_wait3A_1540 : memref<1x1x128xi32, #tpu.memory_space<vmem>> -> memref<128xi32, #tpu.memory_space<vmem>>
    %dma_wait3A_1542 = tpu.memref_slice %arg2[%add3A_487] : memref<212992xi32, #tpu.memory_space<hbm>> -> memref<128xi32, #tpu.memory_space<hbm>>
    tpu.wait_dma2 semaphore(%arg8 : memref<!tpu.dma_semaphore, #tpu.memory_space<semaphore_mem>>) src(%dma_wait3A_1542 : memref<128xi32, #tpu.memory_space<hbm>>) dst(%dma_wait3A_1541 : memref<128xi32, #tpu.memory_space<vmem>>)
    %dma_wait3A_1543 = arith.constant 6 : i32
    %dma_wait3A_1544 = arith.constant 2 : i32
    %dma_wait3A_1545 = arith.constant 0 : i32
    %dma_wait3A_1546 = tpu.memref_slice %arg6[%dma_wait3A_1543, %dma_wait3A_1544, %dma_wait3A_1545] : memref<13x4x128xi32, #tpu.memory_space<vmem>> -> memref<1x1x128xi32, #tpu.memory_space<vmem>>
    %dma_wait3A_1547 = tpu.memref_squeeze %dma_wait3A_1546 : memref<1x1x128xi32, #tpu.memory_space<vmem>> -> memref<128xi32, #tpu.memory_space<vmem>>
    %dma_wait3A_1548 = tpu.memref_slice %arg2[%add3A_501] : memref<212992xi32, #tpu.memory_space<hbm>> -> memref<128xi32, #tpu.memory_space<hbm>>
    %dma_wait3A_1549 = arith.constant 0 : i32
    %dma_wait3A_1550 = tpu.memref_slice %arg6[%dma_wait3A_1543, %dma_wait3A_1544, %dma_wait3A_1549] : memref<13x4x128xi32, #tpu.memory_space<vmem>> -> memref<1x1x128xi32, #tpu.memory_space<vmem>>
    %dma_wait3A_1551 = tpu.memref_squeeze %dma_wait3A_1550 : memref<1x1x128xi32, #tpu.memory_space<vmem>> -> memref<128xi32, #tpu.memory_space<vmem>>
    %dma_wait3A_1552 = tpu.memref_slice %arg2[%add3A_501] : memref<212992xi32, #tpu.memory_space<hbm>> -> memref<128xi32, #tpu.memory_space<hbm>>
    tpu.wait_dma2 semaphore(%arg8 : memref<!tpu.dma_semaphore, #tpu.memory_space<semaphore_mem>>) src(%dma_wait3A_1552 : memref<128xi32, #tpu.memory_space<hbm>>) dst(%dma_wait3A_1551 : memref<128xi32, #tpu.memory_space<vmem>>)
    %dma_wait3A_1553 = arith.constant 7 : i32
    %dma_wait3A_1554 = arith.constant 2 : i32
    %dma_wait3A_1555 = arith.constant 0 : i32
    %dma_wait3A_1556 = tpu.memref_slice %arg6[%dma_wait3A_1553, %dma_wait3A_1554, %dma_wait3A_1555] : memref<13x4x128xi32, #tpu.memory_space<vmem>> -> memref<1x1x128xi32, #tpu.memory_space<vmem>>
    %dma_wait3A_1557 = tpu.memref_squeeze %dma_wait3A_1556 : memref<1x1x128xi32, #tpu.memory_space<vmem>> -> memref<128xi32, #tpu.memory_space<vmem>>
    %dma_wait3A_1558 = tpu.memref_slice %arg2[%add3A_515] : memref<212992xi32, #tpu.memory_space<hbm>> -> memref<128xi32, #tpu.memory_space<hbm>>
    %dma_wait3A_1559 = arith.constant 0 : i32
    %dma_wait3A_1560 = tpu.memref_slice %arg6[%dma_wait3A_1553, %dma_wait3A_1554, %dma_wait3A_1559] : memref<13x4x128xi32, #tpu.memory_space<vmem>> -> memref<1x1x128xi32, #tpu.memory_space<vmem>>
    %dma_wait3A_1561 = tpu.memref_squeeze %dma_wait3A_1560 : memref<1x1x128xi32, #tpu.memory_space<vmem>> -> memref<128xi32, #tpu.memory_space<vmem>>
    %dma_wait3A_1562 = tpu.memref_slice %arg2[%add3A_515] : memref<212992xi32, #tpu.memory_space<hbm>> -> memref<128xi32, #tpu.memory_space<hbm>>
    tpu.wait_dma2 semaphore(%arg8 : memref<!tpu.dma_semaphore, #tpu.memory_space<semaphore_mem>>) src(%dma_wait3A_1562 : memref<128xi32, #tpu.memory_space<hbm>>) dst(%dma_wait3A_1561 : memref<128xi32, #tpu.memory_space<vmem>>)
    %dma_wait3A_1563 = arith.constant 8 : i32
    %dma_wait3A_1564 = arith.constant 2 : i32
    %dma_wait3A_1565 = arith.constant 0 : i32
    %dma_wait3A_1566 = tpu.memref_slice %arg6[%dma_wait3A_1563, %dma_wait3A_1564, %dma_wait3A_1565] : memref<13x4x128xi32, #tpu.memory_space<vmem>> -> memref<1x1x128xi32, #tpu.memory_space<vmem>>
    %dma_wait3A_1567 = tpu.memref_squeeze %dma_wait3A_1566 : memref<1x1x128xi32, #tpu.memory_space<vmem>> -> memref<128xi32, #tpu.memory_space<vmem>>
    %dma_wait3A_1568 = tpu.memref_slice %arg2[%add3A_529] : memref<212992xi32, #tpu.memory_space<hbm>> -> memref<128xi32, #tpu.memory_space<hbm>>
    %dma_wait3A_1569 = arith.constant 0 : i32
    %dma_wait3A_1570 = tpu.memref_slice %arg6[%dma_wait3A_1563, %dma_wait3A_1564, %dma_wait3A_1569] : memref<13x4x128xi32, #tpu.memory_space<vmem>> -> memref<1x1x128xi32, #tpu.memory_space<vmem>>
    %dma_wait3A_1571 = tpu.memref_squeeze %dma_wait3A_1570 : memref<1x1x128xi32, #tpu.memory_space<vmem>> -> memref<128xi32, #tpu.memory_space<vmem>>
    %dma_wait3A_1572 = tpu.memref_slice %arg2[%add3A_529] : memref<212992xi32, #tpu.memory_space<hbm>> -> memref<128xi32, #tpu.memory_space<hbm>>
    tpu.wait_dma2 semaphore(%arg8 : memref<!tpu.dma_semaphore, #tpu.memory_space<semaphore_mem>>) src(%dma_wait3A_1572 : memref<128xi32, #tpu.memory_space<hbm>>) dst(%dma_wait3A_1571 : memref<128xi32, #tpu.memory_space<vmem>>)
    %dma_wait3A_1573 = arith.constant 9 : i32
    %dma_wait3A_1574 = arith.constant 2 : i32
    %dma_wait3A_1575 = arith.constant 0 : i32
    %dma_wait3A_1576 = tpu.memref_slice %arg6[%dma_wait3A_1573, %dma_wait3A_1574, %dma_wait3A_1575] : memref<13x4x128xi32, #tpu.memory_space<vmem>> -> memref<1x1x128xi32, #tpu.memory_space<vmem>>
    %dma_wait3A_1577 = tpu.memref_squeeze %dma_wait3A_1576 : memref<1x1x128xi32, #tpu.memory_space<vmem>> -> memref<128xi32, #tpu.memory_space<vmem>>
    %dma_wait3A_1578 = tpu.memref_slice %arg2[%add3A_543] : memref<212992xi32, #tpu.memory_space<hbm>> -> memref<128xi32, #tpu.memory_space<hbm>>
    %dma_wait3A_1579 = arith.constant 0 : i32
    %dma_wait3A_1580 = tpu.memref_slice %arg6[%dma_wait3A_1573, %dma_wait3A_1574, %dma_wait3A_1579] : memref<13x4x128xi32, #tpu.memory_space<vmem>> -> memref<1x1x128xi32, #tpu.memory_space<vmem>>
    %dma_wait3A_1581 = tpu.memref_squeeze %dma_wait3A_1580 : memref<1x1x128xi32, #tpu.memory_space<vmem>> -> memref<128xi32, #tpu.memory_space<vmem>>
    %dma_wait3A_1582 = tpu.memref_slice %arg2[%add3A_543] : memref<212992xi32, #tpu.memory_space<hbm>> -> memref<128xi32, #tpu.memory_space<hbm>>
    tpu.wait_dma2 semaphore(%arg8 : memref<!tpu.dma_semaphore, #tpu.memory_space<semaphore_mem>>) src(%dma_wait3A_1582 : memref<128xi32, #tpu.memory_space<hbm>>) dst(%dma_wait3A_1581 : memref<128xi32, #tpu.memory_space<vmem>>)
    %dma_wait3A_1583 = arith.constant 10 : i32
    %dma_wait3A_1584 = arith.constant 2 : i32
    %dma_wait3A_1585 = arith.constant 0 : i32
    %dma_wait3A_1586 = tpu.memref_slice %arg6[%dma_wait3A_1583, %dma_wait3A_1584, %dma_wait3A_1585] : memref<13x4x128xi32, #tpu.memory_space<vmem>> -> memref<1x1x128xi32, #tpu.memory_space<vmem>>
    %dma_wait3A_1587 = tpu.memref_squeeze %dma_wait3A_1586 : memref<1x1x128xi32, #tpu.memory_space<vmem>> -> memref<128xi32, #tpu.memory_space<vmem>>
    %dma_wait3A_1588 = tpu.memref_slice %arg2[%add3A_557] : memref<212992xi32, #tpu.memory_space<hbm>> -> memref<128xi32, #tpu.memory_space<hbm>>
    %dma_wait3A_1589 = arith.constant 0 : i32
    %dma_wait3A_1590 = tpu.memref_slice %arg6[%dma_wait3A_1583, %dma_wait3A_1584, %dma_wait3A_1589] : memref<13x4x128xi32, #tpu.memory_space<vmem>> -> memref<1x1x128xi32, #tpu.memory_space<vmem>>
    %dma_wait3A_1591 = tpu.memref_squeeze %dma_wait3A_1590 : memref<1x1x128xi32, #tpu.memory_space<vmem>> -> memref<128xi32, #tpu.memory_space<vmem>>
    %dma_wait3A_1592 = tpu.memref_slice %arg2[%add3A_557] : memref<212992xi32, #tpu.memory_space<hbm>> -> memref<128xi32, #tpu.memory_space<hbm>>
    tpu.wait_dma2 semaphore(%arg8 : memref<!tpu.dma_semaphore, #tpu.memory_space<semaphore_mem>>) src(%dma_wait3A_1592 : memref<128xi32, #tpu.memory_space<hbm>>) dst(%dma_wait3A_1591 : memref<128xi32, #tpu.memory_space<vmem>>)
    %dma_wait3A_1593 = arith.constant 11 : i32
    %dma_wait3A_1594 = arith.constant 2 : i32
    %dma_wait3A_1595 = arith.constant 0 : i32
    %dma_wait3A_1596 = tpu.memref_slice %arg6[%dma_wait3A_1593, %dma_wait3A_1594, %dma_wait3A_1595] : memref<13x4x128xi32, #tpu.memory_space<vmem>> -> memref<1x1x128xi32, #tpu.memory_space<vmem>>
    %dma_wait3A_1597 = tpu.memref_squeeze %dma_wait3A_1596 : memref<1x1x128xi32, #tpu.memory_space<vmem>> -> memref<128xi32, #tpu.memory_space<vmem>>
    %dma_wait3A_1598 = tpu.memref_slice %arg2[%add3A_571] : memref<212992xi32, #tpu.memory_space<hbm>> -> memref<128xi32, #tpu.memory_space<hbm>>
    %dma_wait3A_1599 = arith.constant 0 : i32
    %dma_wait3A_1600 = tpu.memref_slice %arg6[%dma_wait3A_1593, %dma_wait3A_1594, %dma_wait3A_1599] : memref<13x4x128xi32, #tpu.memory_space<vmem>> -> memref<1x1x128xi32, #tpu.memory_space<vmem>>
    %dma_wait3A_1601 = tpu.memref_squeeze %dma_wait3A_1600 : memref<1x1x128xi32, #tpu.memory_space<vmem>> -> memref<128xi32, #tpu.memory_space<vmem>>
    %dma_wait3A_1602 = tpu.memref_slice %arg2[%add3A_571] : memref<212992xi32, #tpu.memory_space<hbm>> -> memref<128xi32, #tpu.memory_space<hbm>>
    tpu.wait_dma2 semaphore(%arg8 : memref<!tpu.dma_semaphore, #tpu.memory_space<semaphore_mem>>) src(%dma_wait3A_1602 : memref<128xi32, #tpu.memory_space<hbm>>) dst(%dma_wait3A_1601 : memref<128xi32, #tpu.memory_space<vmem>>)
    %dma_wait3A_1603 = arith.constant 12 : i32
    %dma_wait3A_1604 = arith.constant 2 : i32
    %dma_wait3A_1605 = arith.constant 0 : i32
    %dma_wait3A_1606 = tpu.memref_slice %arg6[%dma_wait3A_1603, %dma_wait3A_1604, %dma_wait3A_1605] : memref<13x4x128xi32, #tpu.memory_space<vmem>> -> memref<1x1x128xi32, #tpu.memory_space<vmem>>
    %dma_wait3A_1607 = tpu.memref_squeeze %dma_wait3A_1606 : memref<1x1x128xi32, #tpu.memory_space<vmem>> -> memref<128xi32, #tpu.memory_space<vmem>>
    %dma_wait3A_1608 = tpu.memref_slice %arg2[%add3A_585] : memref<212992xi32, #tpu.memory_space<hbm>> -> memref<128xi32, #tpu.memory_space<hbm>>
    %dma_wait3A_1609 = arith.constant 0 : i32
    %dma_wait3A_1610 = tpu.memref_slice %arg6[%dma_wait3A_1603, %dma_wait3A_1604, %dma_wait3A_1609] : memref<13x4x128xi32, #tpu.memory_space<vmem>> -> memref<1x1x128xi32, #tpu.memory_space<vmem>>
    %dma_wait3A_1611 = tpu.memref_squeeze %dma_wait3A_1610 : memref<1x1x128xi32, #tpu.memory_space<vmem>> -> memref<128xi32, #tpu.memory_space<vmem>>
    %dma_wait3A_1612 = tpu.memref_slice %arg2[%add3A_585] : memref<212992xi32, #tpu.memory_space<hbm>> -> memref<128xi32, #tpu.memory_space<hbm>>
    tpu.wait_dma2 semaphore(%arg8 : memref<!tpu.dma_semaphore, #tpu.memory_space<semaphore_mem>>) src(%dma_wait3A_1612 : memref<128xi32, #tpu.memory_space<hbm>>) dst(%dma_wait3A_1611 : memref<128xi32, #tpu.memory_space<vmem>>)
    %dma_start3A_1613 = arith.constant 0 : i32
    %dma_start3A_1614 = arith.constant 0 : i32
    %dma_start3A_1615 = arith.constant 2 : i32
    %dma_start3A_1616 = arith.constant 256 : i32
    %dma_start3A_1617 = arith.constant 0 : i32
    %dma_start3A_1618 = tpu.memref_slice %arg7[%dma_start3A_1616, %dma_start3A_1617] : memref<512x128xf32, #tpu.memory_space<vmem>> -> memref<128x128xf32, #tpu.memory_space<vmem>>
    %dma_start3A_1619 = arith.constant 0 : i32
    %dma_start3A_1620 = tpu.memref_slice %arg6[%dma_start3A_1614, %dma_start3A_1615, %dma_start3A_1619] : memref<13x4x128xi32, #tpu.memory_space<vmem>> -> memref<1x1x128xi32, #tpu.memory_space<vmem>>
    %dma_start3A_1621 = tpu.memref_squeeze %dma_start3A_1620 : memref<1x1x128xi32, #tpu.memory_space<vmem>> -> memref<128xi32, #tpu.memory_space<vmem>>
    %dma_start3A_1622 = arith.constant 0 : i32
    %dma_start3A_1623 = arith.constant 0 : i32
    %dma_start3A_1624 = tpu.memref_slice %arg3[%dma_start3A_1613, %dma_start3A_1622, %dma_start3A_1623] : memref<13x1001x128xf32, #tpu.memory_space<hbm>> -> memref<1x1001x128xf32, #tpu.memory_space<hbm>>
    %dma_start3A_1625 = tpu.memref_squeeze %dma_start3A_1624 : memref<1x1001x128xf32, #tpu.memory_space<hbm>> -> memref<1001x128xf32, #tpu.memory_space<hbm>>
    %dma_start3A_1626 = arith.constant 0 : i32
    %dma_start3A_1627 = arith.constant 0 : i32
    %dma_start3A_1628 = tpu.memref_slice %dma_start3A_1625[%dma_start3A_1626, %dma_start3A_1627] : memref<1001x128xf32, #tpu.memory_space<hbm>> -> memref<1001x128xf32, #tpu.memory_space<hbm>>
    tpu.enqueue_indirect_dma source(%dma_start3A_1628 : memref<1001x128xf32, #tpu.memory_space<hbm>>) target(%dma_start3A_1618 : memref<128x128xf32, #tpu.memory_space<vmem>>) offsets(%dma_start3A_1621 : memref<128xi32, #tpu.memory_space<vmem>>) semaphore(%arg9 : memref<!tpu.dma_semaphore, #tpu.memory_space<semaphore_mem>>) {add = true}
    %dma_start3A_1629 = arith.constant 1 : i32
    %dma_start3A_1630 = arith.constant 1 : i32
    %dma_start3A_1631 = arith.constant 2 : i32
    %dma_start3A_1632 = arith.constant 256 : i32
    %dma_start3A_1633 = arith.constant 0 : i32
    %dma_start3A_1634 = tpu.memref_slice %arg7[%dma_start3A_1632, %dma_start3A_1633] : memref<512x128xf32, #tpu.memory_space<vmem>> -> memref<128x128xf32, #tpu.memory_space<vmem>>
    %dma_start3A_1635 = arith.constant 0 : i32
    %dma_start3A_1636 = tpu.memref_slice %arg6[%dma_start3A_1630, %dma_start3A_1631, %dma_start3A_1635] : memref<13x4x128xi32, #tpu.memory_space<vmem>> -> memref<1x1x128xi32, #tpu.memory_space<vmem>>
    %dma_start3A_1637 = tpu.memref_squeeze %dma_start3A_1636 : memref<1x1x128xi32, #tpu.memory_space<vmem>> -> memref<128xi32, #tpu.memory_space<vmem>>
    %dma_start3A_1638 = arith.constant 0 : i32
    %dma_start3A_1639 = arith.constant 0 : i32
    %dma_start3A_1640 = tpu.memref_slice %arg3[%dma_start3A_1629, %dma_start3A_1638, %dma_start3A_1639] : memref<13x1001x128xf32, #tpu.memory_space<hbm>> -> memref<1x1001x128xf32, #tpu.memory_space<hbm>>
    %dma_start3A_1641 = tpu.memref_squeeze %dma_start3A_1640 : memref<1x1001x128xf32, #tpu.memory_space<hbm>> -> memref<1001x128xf32, #tpu.memory_space<hbm>>
    %dma_start3A_1642 = arith.constant 0 : i32
    %dma_start3A_1643 = arith.constant 0 : i32
    %dma_start3A_1644 = tpu.memref_slice %dma_start3A_1641[%dma_start3A_1642, %dma_start3A_1643] : memref<1001x128xf32, #tpu.memory_space<hbm>> -> memref<1001x128xf32, #tpu.memory_space<hbm>>
    tpu.enqueue_indirect_dma source(%dma_start3A_1644 : memref<1001x128xf32, #tpu.memory_space<hbm>>) target(%dma_start3A_1634 : memref<128x128xf32, #tpu.memory_space<vmem>>) offsets(%dma_start3A_1637 : memref<128xi32, #tpu.memory_space<vmem>>) semaphore(%arg9 : memref<!tpu.dma_semaphore, #tpu.memory_space<semaphore_mem>>) {add = true}
    %dma_start3A_1645 = arith.constant 2 : i32
    %dma_start3A_1646 = arith.constant 2 : i32
    %dma_start3A_1647 = arith.constant 2 : i32
    %dma_start3A_1648 = arith.constant 256 : i32
    %dma_start3A_1649 = arith.constant 0 : i32
    %dma_start3A_1650 = tpu.memref_slice %arg7[%dma_start3A_1648, %dma_start3A_1649] : memref<512x128xf32, #tpu.memory_space<vmem>> -> memref<128x128xf32, #tpu.memory_space<vmem>>
    %dma_start3A_1651 = arith.constant 0 : i32
    %dma_start3A_1652 = tpu.memref_slice %arg6[%dma_start3A_1646, %dma_start3A_1647, %dma_start3A_1651] : memref<13x4x128xi32, #tpu.memory_space<vmem>> -> memref<1x1x128xi32, #tpu.memory_space<vmem>>
    %dma_start3A_1653 = tpu.memref_squeeze %dma_start3A_1652 : memref<1x1x128xi32, #tpu.memory_space<vmem>> -> memref<128xi32, #tpu.memory_space<vmem>>
    %dma_start3A_1654 = arith.constant 0 : i32
    %dma_start3A_1655 = arith.constant 0 : i32
    %dma_start3A_1656 = tpu.memref_slice %arg3[%dma_start3A_1645, %dma_start3A_1654, %dma_start3A_1655] : memref<13x1001x128xf32, #tpu.memory_space<hbm>> -> memref<1x1001x128xf32, #tpu.memory_space<hbm>>
    %dma_start3A_1657 = tpu.memref_squeeze %dma_start3A_1656 : memref<1x1001x128xf32, #tpu.memory_space<hbm>> -> memref<1001x128xf32, #tpu.memory_space<hbm>>
    %dma_start3A_1658 = arith.constant 0 : i32
    %dma_start3A_1659 = arith.constant 0 : i32
    %dma_start3A_1660 = tpu.memref_slice %dma_start3A_1657[%dma_start3A_1658, %dma_start3A_1659] : memref<1001x128xf32, #tpu.memory_space<hbm>> -> memref<1001x128xf32, #tpu.memory_space<hbm>>
    tpu.enqueue_indirect_dma source(%dma_start3A_1660 : memref<1001x128xf32, #tpu.memory_space<hbm>>) target(%dma_start3A_1650 : memref<128x128xf32, #tpu.memory_space<vmem>>) offsets(%dma_start3A_1653 : memref<128xi32, #tpu.memory_space<vmem>>) semaphore(%arg9 : memref<!tpu.dma_semaphore, #tpu.memory_space<semaphore_mem>>) {add = true}
    %dma_start3A_1661 = arith.constant 3 : i32
    %dma_start3A_1662 = arith.constant 3 : i32
    %dma_start3A_1663 = arith.constant 2 : i32
    %dma_start3A_1664 = arith.constant 256 : i32
    %dma_start3A_1665 = arith.constant 0 : i32
    %dma_start3A_1666 = tpu.memref_slice %arg7[%dma_start3A_1664, %dma_start3A_1665] : memref<512x128xf32, #tpu.memory_space<vmem>> -> memref<128x128xf32, #tpu.memory_space<vmem>>
    %dma_start3A_1667 = arith.constant 0 : i32
    %dma_start3A_1668 = tpu.memref_slice %arg6[%dma_start3A_1662, %dma_start3A_1663, %dma_start3A_1667] : memref<13x4x128xi32, #tpu.memory_space<vmem>> -> memref<1x1x128xi32, #tpu.memory_space<vmem>>
    %dma_start3A_1669 = tpu.memref_squeeze %dma_start3A_1668 : memref<1x1x128xi32, #tpu.memory_space<vmem>> -> memref<128xi32, #tpu.memory_space<vmem>>
    %dma_start3A_1670 = arith.constant 0 : i32
    %dma_start3A_1671 = arith.constant 0 : i32
    %dma_start3A_1672 = tpu.memref_slice %arg3[%dma_start3A_1661, %dma_start3A_1670, %dma_start3A_1671] : memref<13x1001x128xf32, #tpu.memory_space<hbm>> -> memref<1x1001x128xf32, #tpu.memory_space<hbm>>
    %dma_start3A_1673 = tpu.memref_squeeze %dma_start3A_1672 : memref<1x1001x128xf32, #tpu.memory_space<hbm>> -> memref<1001x128xf32, #tpu.memory_space<hbm>>
    %dma_start3A_1674 = arith.constant 0 : i32
    %dma_start3A_1675 = arith.constant 0 : i32
    %dma_start3A_1676 = tpu.memref_slice %dma_start3A_1673[%dma_start3A_1674, %dma_start3A_1675] : memref<1001x128xf32, #tpu.memory_space<hbm>> -> memref<1001x128xf32, #tpu.memory_space<hbm>>
    tpu.enqueue_indirect_dma source(%dma_start3A_1676 : memref<1001x128xf32, #tpu.memory_space<hbm>>) target(%dma_start3A_1666 : memref<128x128xf32, #tpu.memory_space<vmem>>) offsets(%dma_start3A_1669 : memref<128xi32, #tpu.memory_space<vmem>>) semaphore(%arg9 : memref<!tpu.dma_semaphore, #tpu.memory_space<semaphore_mem>>) {add = true}
    %dma_start3A_1677 = arith.constant 4 : i32
    %dma_start3A_1678 = arith.constant 4 : i32
    %dma_start3A_1679 = arith.constant 2 : i32
    %dma_start3A_1680 = arith.constant 256 : i32
    %dma_start3A_1681 = arith.constant 0 : i32
    %dma_start3A_1682 = tpu.memref_slice %arg7[%dma_start3A_1680, %dma_start3A_1681] : memref<512x128xf32, #tpu.memory_space<vmem>> -> memref<128x128xf32, #tpu.memory_space<vmem>>
    %dma_start3A_1683 = arith.constant 0 : i32
    %dma_start3A_1684 = tpu.memref_slice %arg6[%dma_start3A_1678, %dma_start3A_1679, %dma_start3A_1683] : memref<13x4x128xi32, #tpu.memory_space<vmem>> -> memref<1x1x128xi32, #tpu.memory_space<vmem>>
    %dma_start3A_1685 = tpu.memref_squeeze %dma_start3A_1684 : memref<1x1x128xi32, #tpu.memory_space<vmem>> -> memref<128xi32, #tpu.memory_space<vmem>>
    %dma_start3A_1686 = arith.constant 0 : i32
    %dma_start3A_1687 = arith.constant 0 : i32
    %dma_start3A_1688 = tpu.memref_slice %arg3[%dma_start3A_1677, %dma_start3A_1686, %dma_start3A_1687] : memref<13x1001x128xf32, #tpu.memory_space<hbm>> -> memref<1x1001x128xf32, #tpu.memory_space<hbm>>
    %dma_start3A_1689 = tpu.memref_squeeze %dma_start3A_1688 : memref<1x1001x128xf32, #tpu.memory_space<hbm>> -> memref<1001x128xf32, #tpu.memory_space<hbm>>
    %dma_start3A_1690 = arith.constant 0 : i32
    %dma_start3A_1691 = arith.constant 0 : i32
    %dma_start3A_1692 = tpu.memref_slice %dma_start3A_1689[%dma_start3A_1690, %dma_start3A_1691] : memref<1001x128xf32, #tpu.memory_space<hbm>> -> memref<1001x128xf32, #tpu.memory_space<hbm>>
    tpu.enqueue_indirect_dma source(%dma_start3A_1692 : memref<1001x128xf32, #tpu.memory_space<hbm>>) target(%dma_start3A_1682 : memref<128x128xf32, #tpu.memory_space<vmem>>) offsets(%dma_start3A_1685 : memref<128xi32, #tpu.memory_space<vmem>>) semaphore(%arg9 : memref<!tpu.dma_semaphore, #tpu.memory_space<semaphore_mem>>) {add = true}
    %dma_start3A_1693 = arith.constant 5 : i32
    %dma_start3A_1694 = arith.constant 5 : i32
    %dma_start3A_1695 = arith.constant 2 : i32
    %dma_start3A_1696 = arith.constant 256 : i32
    %dma_start3A_1697 = arith.constant 0 : i32
    %dma_start3A_1698 = tpu.memref_slice %arg7[%dma_start3A_1696, %dma_start3A_1697] : memref<512x128xf32, #tpu.memory_space<vmem>> -> memref<128x128xf32, #tpu.memory_space<vmem>>
    %dma_start3A_1699 = arith.constant 0 : i32
    %dma_start3A_1700 = tpu.memref_slice %arg6[%dma_start3A_1694, %dma_start3A_1695, %dma_start3A_1699] : memref<13x4x128xi32, #tpu.memory_space<vmem>> -> memref<1x1x128xi32, #tpu.memory_space<vmem>>
    %dma_start3A_1701 = tpu.memref_squeeze %dma_start3A_1700 : memref<1x1x128xi32, #tpu.memory_space<vmem>> -> memref<128xi32, #tpu.memory_space<vmem>>
    %dma_start3A_1702 = arith.constant 0 : i32
    %dma_start3A_1703 = arith.constant 0 : i32
    %dma_start3A_1704 = tpu.memref_slice %arg3[%dma_start3A_1693, %dma_start3A_1702, %dma_start3A_1703] : memref<13x1001x128xf32, #tpu.memory_space<hbm>> -> memref<1x1001x128xf32, #tpu.memory_space<hbm>>
    %dma_start3A_1705 = tpu.memref_squeeze %dma_start3A_1704 : memref<1x1001x128xf32, #tpu.memory_space<hbm>> -> memref<1001x128xf32, #tpu.memory_space<hbm>>
    %dma_start3A_1706 = arith.constant 0 : i32
    %dma_start3A_1707 = arith.constant 0 : i32
    %dma_start3A_1708 = tpu.memref_slice %dma_start3A_1705[%dma_start3A_1706, %dma_start3A_1707] : memref<1001x128xf32, #tpu.memory_space<hbm>> -> memref<1001x128xf32, #tpu.memory_space<hbm>>
    tpu.enqueue_indirect_dma source(%dma_start3A_1708 : memref<1001x128xf32, #tpu.memory_space<hbm>>) target(%dma_start3A_1698 : memref<128x128xf32, #tpu.memory_space<vmem>>) offsets(%dma_start3A_1701 : memref<128xi32, #tpu.memory_space<vmem>>) semaphore(%arg9 : memref<!tpu.dma_semaphore, #tpu.memory_space<semaphore_mem>>) {add = true}
    %dma_start3A_1709 = arith.constant 6 : i32
    %dma_start3A_1710 = arith.constant 6 : i32
    %dma_start3A_1711 = arith.constant 2 : i32
    %dma_start3A_1712 = arith.constant 256 : i32
    %dma_start3A_1713 = arith.constant 0 : i32
    %dma_start3A_1714 = tpu.memref_slice %arg7[%dma_start3A_1712, %dma_start3A_1713] : memref<512x128xf32, #tpu.memory_space<vmem>> -> memref<128x128xf32, #tpu.memory_space<vmem>>
    %dma_start3A_1715 = arith.constant 0 : i32
    %dma_start3A_1716 = tpu.memref_slice %arg6[%dma_start3A_1710, %dma_start3A_1711, %dma_start3A_1715] : memref<13x4x128xi32, #tpu.memory_space<vmem>> -> memref<1x1x128xi32, #tpu.memory_space<vmem>>
    %dma_start3A_1717 = tpu.memref_squeeze %dma_start3A_1716 : memref<1x1x128xi32, #tpu.memory_space<vmem>> -> memref<128xi32, #tpu.memory_space<vmem>>
    %dma_start3A_1718 = arith.constant 0 : i32
    %dma_start3A_1719 = arith.constant 0 : i32
    %dma_start3A_1720 = tpu.memref_slice %arg3[%dma_start3A_1709, %dma_start3A_1718, %dma_start3A_1719] : memref<13x1001x128xf32, #tpu.memory_space<hbm>> -> memref<1x1001x128xf32, #tpu.memory_space<hbm>>
    %dma_start3A_1721 = tpu.memref_squeeze %dma_start3A_1720 : memref<1x1001x128xf32, #tpu.memory_space<hbm>> -> memref<1001x128xf32, #tpu.memory_space<hbm>>
    %dma_start3A_1722 = arith.constant 0 : i32
    %dma_start3A_1723 = arith.constant 0 : i32
    %dma_start3A_1724 = tpu.memref_slice %dma_start3A_1721[%dma_start3A_1722, %dma_start3A_1723] : memref<1001x128xf32, #tpu.memory_space<hbm>> -> memref<1001x128xf32, #tpu.memory_space<hbm>>
    tpu.enqueue_indirect_dma source(%dma_start3A_1724 : memref<1001x128xf32, #tpu.memory_space<hbm>>) target(%dma_start3A_1714 : memref<128x128xf32, #tpu.memory_space<vmem>>) offsets(%dma_start3A_1717 : memref<128xi32, #tpu.memory_space<vmem>>) semaphore(%arg9 : memref<!tpu.dma_semaphore, #tpu.memory_space<semaphore_mem>>) {add = true}
    %dma_start3A_1725 = arith.constant 7 : i32
    %dma_start3A_1726 = arith.constant 7 : i32
    %dma_start3A_1727 = arith.constant 2 : i32
    %dma_start3A_1728 = arith.constant 256 : i32
    %dma_start3A_1729 = arith.constant 0 : i32
    %dma_start3A_1730 = tpu.memref_slice %arg7[%dma_start3A_1728, %dma_start3A_1729] : memref<512x128xf32, #tpu.memory_space<vmem>> -> memref<128x128xf32, #tpu.memory_space<vmem>>
    %dma_start3A_1731 = arith.constant 0 : i32
    %dma_start3A_1732 = tpu.memref_slice %arg6[%dma_start3A_1726, %dma_start3A_1727, %dma_start3A_1731] : memref<13x4x128xi32, #tpu.memory_space<vmem>> -> memref<1x1x128xi32, #tpu.memory_space<vmem>>
    %dma_start3A_1733 = tpu.memref_squeeze %dma_start3A_1732 : memref<1x1x128xi32, #tpu.memory_space<vmem>> -> memref<128xi32, #tpu.memory_space<vmem>>
    %dma_start3A_1734 = arith.constant 0 : i32
    %dma_start3A_1735 = arith.constant 0 : i32
    %dma_start3A_1736 = tpu.memref_slice %arg3[%dma_start3A_1725, %dma_start3A_1734, %dma_start3A_1735] : memref<13x1001x128xf32, #tpu.memory_space<hbm>> -> memref<1x1001x128xf32, #tpu.memory_space<hbm>>
    %dma_start3A_1737 = tpu.memref_squeeze %dma_start3A_1736 : memref<1x1001x128xf32, #tpu.memory_space<hbm>> -> memref<1001x128xf32, #tpu.memory_space<hbm>>
    %dma_start3A_1738 = arith.constant 0 : i32
    %dma_start3A_1739 = arith.constant 0 : i32
    %dma_start3A_1740 = tpu.memref_slice %dma_start3A_1737[%dma_start3A_1738, %dma_start3A_1739] : memref<1001x128xf32, #tpu.memory_space<hbm>> -> memref<1001x128xf32, #tpu.memory_space<hbm>>
    tpu.enqueue_indirect_dma source(%dma_start3A_1740 : memref<1001x128xf32, #tpu.memory_space<hbm>>) target(%dma_start3A_1730 : memref<128x128xf32, #tpu.memory_space<vmem>>) offsets(%dma_start3A_1733 : memref<128xi32, #tpu.memory_space<vmem>>) semaphore(%arg9 : memref<!tpu.dma_semaphore, #tpu.memory_space<semaphore_mem>>) {add = true}
    %dma_start3A_1741 = arith.constant 8 : i32
    %dma_start3A_1742 = arith.constant 8 : i32
    %dma_start3A_1743 = arith.constant 2 : i32
    %dma_start3A_1744 = arith.constant 256 : i32
    %dma_start3A_1745 = arith.constant 0 : i32
    %dma_start3A_1746 = tpu.memref_slice %arg7[%dma_start3A_1744, %dma_start3A_1745] : memref<512x128xf32, #tpu.memory_space<vmem>> -> memref<128x128xf32, #tpu.memory_space<vmem>>
    %dma_start3A_1747 = arith.constant 0 : i32
    %dma_start3A_1748 = tpu.memref_slice %arg6[%dma_start3A_1742, %dma_start3A_1743, %dma_start3A_1747] : memref<13x4x128xi32, #tpu.memory_space<vmem>> -> memref<1x1x128xi32, #tpu.memory_space<vmem>>
    %dma_start3A_1749 = tpu.memref_squeeze %dma_start3A_1748 : memref<1x1x128xi32, #tpu.memory_space<vmem>> -> memref<128xi32, #tpu.memory_space<vmem>>
    %dma_start3A_1750 = arith.constant 0 : i32
    %dma_start3A_1751 = arith.constant 0 : i32
    %dma_start3A_1752 = tpu.memref_slice %arg3[%dma_start3A_1741, %dma_start3A_1750, %dma_start3A_1751] : memref<13x1001x128xf32, #tpu.memory_space<hbm>> -> memref<1x1001x128xf32, #tpu.memory_space<hbm>>
    %dma_start3A_1753 = tpu.memref_squeeze %dma_start3A_1752 : memref<1x1001x128xf32, #tpu.memory_space<hbm>> -> memref<1001x128xf32, #tpu.memory_space<hbm>>
    %dma_start3A_1754 = arith.constant 0 : i32
    %dma_start3A_1755 = arith.constant 0 : i32
    %dma_start3A_1756 = tpu.memref_slice %dma_start3A_1753[%dma_start3A_1754, %dma_start3A_1755] : memref<1001x128xf32, #tpu.memory_space<hbm>> -> memref<1001x128xf32, #tpu.memory_space<hbm>>
    tpu.enqueue_indirect_dma source(%dma_start3A_1756 : memref<1001x128xf32, #tpu.memory_space<hbm>>) target(%dma_start3A_1746 : memref<128x128xf32, #tpu.memory_space<vmem>>) offsets(%dma_start3A_1749 : memref<128xi32, #tpu.memory_space<vmem>>) semaphore(%arg9 : memref<!tpu.dma_semaphore, #tpu.memory_space<semaphore_mem>>) {add = true}
    %dma_start3A_1757 = arith.constant 9 : i32
    %dma_start3A_1758 = arith.constant 9 : i32
    %dma_start3A_1759 = arith.constant 2 : i32
    %dma_start3A_1760 = arith.constant 256 : i32
    %dma_start3A_1761 = arith.constant 0 : i32
    %dma_start3A_1762 = tpu.memref_slice %arg7[%dma_start3A_1760, %dma_start3A_1761] : memref<512x128xf32, #tpu.memory_space<vmem>> -> memref<128x128xf32, #tpu.memory_space<vmem>>
    %dma_start3A_1763 = arith.constant 0 : i32
    %dma_start3A_1764 = tpu.memref_slice %arg6[%dma_start3A_1758, %dma_start3A_1759, %dma_start3A_1763] : memref<13x4x128xi32, #tpu.memory_space<vmem>> -> memref<1x1x128xi32, #tpu.memory_space<vmem>>
    %dma_start3A_1765 = tpu.memref_squeeze %dma_start3A_1764 : memref<1x1x128xi32, #tpu.memory_space<vmem>> -> memref<128xi32, #tpu.memory_space<vmem>>
    %dma_start3A_1766 = arith.constant 0 : i32
    %dma_start3A_1767 = arith.constant 0 : i32
    %dma_start3A_1768 = tpu.memref_slice %arg3[%dma_start3A_1757, %dma_start3A_1766, %dma_start3A_1767] : memref<13x1001x128xf32, #tpu.memory_space<hbm>> -> memref<1x1001x128xf32, #tpu.memory_space<hbm>>
    %dma_start3A_1769 = tpu.memref_squeeze %dma_start3A_1768 : memref<1x1001x128xf32, #tpu.memory_space<hbm>> -> memref<1001x128xf32, #tpu.memory_space<hbm>>
    %dma_start3A_1770 = arith.constant 0 : i32
    %dma_start3A_1771 = arith.constant 0 : i32
    %dma_start3A_1772 = tpu.memref_slice %dma_start3A_1769[%dma_start3A_1770, %dma_start3A_1771] : memref<1001x128xf32, #tpu.memory_space<hbm>> -> memref<1001x128xf32, #tpu.memory_space<hbm>>
    tpu.enqueue_indirect_dma source(%dma_start3A_1772 : memref<1001x128xf32, #tpu.memory_space<hbm>>) target(%dma_start3A_1762 : memref<128x128xf32, #tpu.memory_space<vmem>>) offsets(%dma_start3A_1765 : memref<128xi32, #tpu.memory_space<vmem>>) semaphore(%arg9 : memref<!tpu.dma_semaphore, #tpu.memory_space<semaphore_mem>>) {add = true}
    %dma_start3A_1773 = arith.constant 10 : i32
    %dma_start3A_1774 = arith.constant 10 : i32
    %dma_start3A_1775 = arith.constant 2 : i32
    %dma_start3A_1776 = arith.constant 256 : i32
    %dma_start3A_1777 = arith.constant 0 : i32
    %dma_start3A_1778 = tpu.memref_slice %arg7[%dma_start3A_1776, %dma_start3A_1777] : memref<512x128xf32, #tpu.memory_space<vmem>> -> memref<128x128xf32, #tpu.memory_space<vmem>>
    %dma_start3A_1779 = arith.constant 0 : i32
    %dma_start3A_1780 = tpu.memref_slice %arg6[%dma_start3A_1774, %dma_start3A_1775, %dma_start3A_1779] : memref<13x4x128xi32, #tpu.memory_space<vmem>> -> memref<1x1x128xi32, #tpu.memory_space<vmem>>
    %dma_start3A_1781 = tpu.memref_squeeze %dma_start3A_1780 : memref<1x1x128xi32, #tpu.memory_space<vmem>> -> memref<128xi32, #tpu.memory_space<vmem>>
    %dma_start3A_1782 = arith.constant 0 : i32
    %dma_start3A_1783 = arith.constant 0 : i32
    %dma_start3A_1784 = tpu.memref_slice %arg3[%dma_start3A_1773, %dma_start3A_1782, %dma_start3A_1783] : memref<13x1001x128xf32, #tpu.memory_space<hbm>> -> memref<1x1001x128xf32, #tpu.memory_space<hbm>>
    %dma_start3A_1785 = tpu.memref_squeeze %dma_start3A_1784 : memref<1x1001x128xf32, #tpu.memory_space<hbm>> -> memref<1001x128xf32, #tpu.memory_space<hbm>>
    %dma_start3A_1786 = arith.constant 0 : i32
    %dma_start3A_1787 = arith.constant 0 : i32
    %dma_start3A_1788 = tpu.memref_slice %dma_start3A_1785[%dma_start3A_1786, %dma_start3A_1787] : memref<1001x128xf32, #tpu.memory_space<hbm>> -> memref<1001x128xf32, #tpu.memory_space<hbm>>
    tpu.enqueue_indirect_dma source(%dma_start3A_1788 : memref<1001x128xf32, #tpu.memory_space<hbm>>) target(%dma_start3A_1778 : memref<128x128xf32, #tpu.memory_space<vmem>>) offsets(%dma_start3A_1781 : memref<128xi32, #tpu.memory_space<vmem>>) semaphore(%arg9 : memref<!tpu.dma_semaphore, #tpu.memory_space<semaphore_mem>>) {add = true}
    %dma_start3A_1789 = arith.constant 11 : i32
    %dma_start3A_1790 = arith.constant 11 : i32
    %dma_start3A_1791 = arith.constant 2 : i32
    %dma_start3A_1792 = arith.constant 256 : i32
    %dma_start3A_1793 = arith.constant 0 : i32
    %dma_start3A_1794 = tpu.memref_slice %arg7[%dma_start3A_1792, %dma_start3A_1793] : memref<512x128xf32, #tpu.memory_space<vmem>> -> memref<128x128xf32, #tpu.memory_space<vmem>>
    %dma_start3A_1795 = arith.constant 0 : i32
    %dma_start3A_1796 = tpu.memref_slice %arg6[%dma_start3A_1790, %dma_start3A_1791, %dma_start3A_1795] : memref<13x4x128xi32, #tpu.memory_space<vmem>> -> memref<1x1x128xi32, #tpu.memory_space<vmem>>
    %dma_start3A_1797 = tpu.memref_squeeze %dma_start3A_1796 : memref<1x1x128xi32, #tpu.memory_space<vmem>> -> memref<128xi32, #tpu.memory_space<vmem>>
    %dma_start3A_1798 = arith.constant 0 : i32
    %dma_start3A_1799 = arith.constant 0 : i32
    %dma_start3A_1800 = tpu.memref_slice %arg3[%dma_start3A_1789, %dma_start3A_1798, %dma_start3A_1799] : memref<13x1001x128xf32, #tpu.memory_space<hbm>> -> memref<1x1001x128xf32, #tpu.memory_space<hbm>>
    %dma_start3A_1801 = tpu.memref_squeeze %dma_start3A_1800 : memref<1x1001x128xf32, #tpu.memory_space<hbm>> -> memref<1001x128xf32, #tpu.memory_space<hbm>>
    %dma_start3A_1802 = arith.constant 0 : i32
    %dma_start3A_1803 = arith.constant 0 : i32
    %dma_start3A_1804 = tpu.memref_slice %dma_start3A_1801[%dma_start3A_1802, %dma_start3A_1803] : memref<1001x128xf32, #tpu.memory_space<hbm>> -> memref<1001x128xf32, #tpu.memory_space<hbm>>
    tpu.enqueue_indirect_dma source(%dma_start3A_1804 : memref<1001x128xf32, #tpu.memory_space<hbm>>) target(%dma_start3A_1794 : memref<128x128xf32, #tpu.memory_space<vmem>>) offsets(%dma_start3A_1797 : memref<128xi32, #tpu.memory_space<vmem>>) semaphore(%arg9 : memref<!tpu.dma_semaphore, #tpu.memory_space<semaphore_mem>>) {add = true}
    %dma_start3A_1805 = arith.constant 12 : i32
    %dma_start3A_1806 = arith.constant 12 : i32
    %dma_start3A_1807 = arith.constant 2 : i32
    %dma_start3A_1808 = arith.constant 256 : i32
    %dma_start3A_1809 = arith.constant 0 : i32
    %dma_start3A_1810 = tpu.memref_slice %arg7[%dma_start3A_1808, %dma_start3A_1809] : memref<512x128xf32, #tpu.memory_space<vmem>> -> memref<128x128xf32, #tpu.memory_space<vmem>>
    %dma_start3A_1811 = arith.constant 0 : i32
    %dma_start3A_1812 = tpu.memref_slice %arg6[%dma_start3A_1806, %dma_start3A_1807, %dma_start3A_1811] : memref<13x4x128xi32, #tpu.memory_space<vmem>> -> memref<1x1x128xi32, #tpu.memory_space<vmem>>
    %dma_start3A_1813 = tpu.memref_squeeze %dma_start3A_1812 : memref<1x1x128xi32, #tpu.memory_space<vmem>> -> memref<128xi32, #tpu.memory_space<vmem>>
    %dma_start3A_1814 = arith.constant 0 : i32
    %dma_start3A_1815 = arith.constant 0 : i32
    %dma_start3A_1816 = tpu.memref_slice %arg3[%dma_start3A_1805, %dma_start3A_1814, %dma_start3A_1815] : memref<13x1001x128xf32, #tpu.memory_space<hbm>> -> memref<1x1001x128xf32, #tpu.memory_space<hbm>>
    %dma_start3A_1817 = tpu.memref_squeeze %dma_start3A_1816 : memref<1x1001x128xf32, #tpu.memory_space<hbm>> -> memref<1001x128xf32, #tpu.memory_space<hbm>>
    %dma_start3A_1818 = arith.constant 0 : i32
    %dma_start3A_1819 = arith.constant 0 : i32
    %dma_start3A_1820 = tpu.memref_slice %dma_start3A_1817[%dma_start3A_1818, %dma_start3A_1819] : memref<1001x128xf32, #tpu.memory_space<hbm>> -> memref<1001x128xf32, #tpu.memory_space<hbm>>
    tpu.enqueue_indirect_dma source(%dma_start3A_1820 : memref<1001x128xf32, #tpu.memory_space<hbm>>) target(%dma_start3A_1810 : memref<128x128xf32, #tpu.memory_space<vmem>>) offsets(%dma_start3A_1813 : memref<128xi32, #tpu.memory_space<vmem>>) semaphore(%arg9 : memref<!tpu.dma_semaphore, #tpu.memory_space<semaphore_mem>>) {add = true}
    %dma_wait3A_1821 = arith.constant 384 : i32
    %dma_wait3A_1822 = arith.constant 0 : i32
    %dma_wait3A_1823 = tpu.memref_slice %arg7[%dma_wait3A_1821, %dma_wait3A_1822] : memref<512x128xf32, #tpu.memory_space<vmem>> -> memref<128x128xf32, #tpu.memory_space<vmem>>
    %dma_wait3A_1824 = arith.constant 0 : i32
    %dma_wait3A_1825 = tpu.memref_slice %arg4[%add3A_39, %dma_wait3A_1824] : memref<16384x128xf32, #tpu.memory_space<hbm>> -> memref<128x128xf32, #tpu.memory_space<hbm>>
    %dma_wait3A_1826 = arith.constant 384 : i32
    %dma_wait3A_1827 = arith.constant 0 : i32
    %dma_wait3A_1828 = tpu.memref_slice %arg7[%dma_wait3A_1826, %dma_wait3A_1827] : memref<512x128xf32, #tpu.memory_space<vmem>> -> memref<128x128xf32, #tpu.memory_space<vmem>>
    %dma_wait3A_1829 = arith.constant 0 : i32
    %dma_wait3A_1830 = tpu.memref_slice %arg4[%add3A_39, %dma_wait3A_1829] : memref<16384x128xf32, #tpu.memory_space<hbm>> -> memref<128x128xf32, #tpu.memory_space<hbm>>
    tpu.wait_dma2 semaphore(%arg10 : memref<!tpu.dma_semaphore, #tpu.memory_space<semaphore_mem>>) src(%dma_wait3A_1830 : memref<128x128xf32, #tpu.memory_space<hbm>>) dst(%dma_wait3A_1828 : memref<128x128xf32, #tpu.memory_space<vmem>>)
    %dma_wait3A_1831 = arith.constant 0 : i32
    %dma_wait3A_1832 = arith.constant 3 : i32
    %dma_wait3A_1833 = arith.constant 0 : i32
    %dma_wait3A_1834 = tpu.memref_slice %arg6[%dma_wait3A_1831, %dma_wait3A_1832, %dma_wait3A_1833] : memref<13x4x128xi32, #tpu.memory_space<vmem>> -> memref<1x1x128xi32, #tpu.memory_space<vmem>>
    %dma_wait3A_1835 = tpu.memref_squeeze %dma_wait3A_1834 : memref<1x1x128xi32, #tpu.memory_space<vmem>> -> memref<128xi32, #tpu.memory_space<vmem>>
    %dma_wait3A_1836 = tpu.memref_slice %arg2[%add3A_599] : memref<212992xi32, #tpu.memory_space<hbm>> -> memref<128xi32, #tpu.memory_space<hbm>>
    %dma_wait3A_1837 = arith.constant 0 : i32
    %dma_wait3A_1838 = tpu.memref_slice %arg6[%dma_wait3A_1831, %dma_wait3A_1832, %dma_wait3A_1837] : memref<13x4x128xi32, #tpu.memory_space<vmem>> -> memref<1x1x128xi32, #tpu.memory_space<vmem>>
    %dma_wait3A_1839 = tpu.memref_squeeze %dma_wait3A_1838 : memref<1x1x128xi32, #tpu.memory_space<vmem>> -> memref<128xi32, #tpu.memory_space<vmem>>
    %dma_wait3A_1840 = tpu.memref_slice %arg2[%add3A_599] : memref<212992xi32, #tpu.memory_space<hbm>> -> memref<128xi32, #tpu.memory_space<hbm>>
    tpu.wait_dma2 semaphore(%arg8 : memref<!tpu.dma_semaphore, #tpu.memory_space<semaphore_mem>>) src(%dma_wait3A_1840 : memref<128xi32, #tpu.memory_space<hbm>>) dst(%dma_wait3A_1839 : memref<128xi32, #tpu.memory_space<vmem>>)
    %dma_wait3A_1841 = arith.constant 1 : i32
    %dma_wait3A_1842 = arith.constant 3 : i32
    %dma_wait3A_1843 = arith.constant 0 : i32
    %dma_wait3A_1844 = tpu.memref_slice %arg6[%dma_wait3A_1841, %dma_wait3A_1842, %dma_wait3A_1843] : memref<13x4x128xi32, #tpu.memory_space<vmem>> -> memref<1x1x128xi32, #tpu.memory_space<vmem>>
    %dma_wait3A_1845 = tpu.memref_squeeze %dma_wait3A_1844 : memref<1x1x128xi32, #tpu.memory_space<vmem>> -> memref<128xi32, #tpu.memory_space<vmem>>
    %dma_wait3A_1846 = tpu.memref_slice %arg2[%add3A_613] : memref<212992xi32, #tpu.memory_space<hbm>> -> memref<128xi32, #tpu.memory_space<hbm>>
    %dma_wait3A_1847 = arith.constant 0 : i32
    %dma_wait3A_1848 = tpu.memref_slice %arg6[%dma_wait3A_1841, %dma_wait3A_1842, %dma_wait3A_1847] : memref<13x4x128xi32, #tpu.memory_space<vmem>> -> memref<1x1x128xi32, #tpu.memory_space<vmem>>
    %dma_wait3A_1849 = tpu.memref_squeeze %dma_wait3A_1848 : memref<1x1x128xi32, #tpu.memory_space<vmem>> -> memref<128xi32, #tpu.memory_space<vmem>>
    %dma_wait3A_1850 = tpu.memref_slice %arg2[%add3A_613] : memref<212992xi32, #tpu.memory_space<hbm>> -> memref<128xi32, #tpu.memory_space<hbm>>
    tpu.wait_dma2 semaphore(%arg8 : memref<!tpu.dma_semaphore, #tpu.memory_space<semaphore_mem>>) src(%dma_wait3A_1850 : memref<128xi32, #tpu.memory_space<hbm>>) dst(%dma_wait3A_1849 : memref<128xi32, #tpu.memory_space<vmem>>)
    %dma_wait3A_1851 = arith.constant 2 : i32
    %dma_wait3A_1852 = arith.constant 3 : i32
    %dma_wait3A_1853 = arith.constant 0 : i32
    %dma_wait3A_1854 = tpu.memref_slice %arg6[%dma_wait3A_1851, %dma_wait3A_1852, %dma_wait3A_1853] : memref<13x4x128xi32, #tpu.memory_space<vmem>> -> memref<1x1x128xi32, #tpu.memory_space<vmem>>
    %dma_wait3A_1855 = tpu.memref_squeeze %dma_wait3A_1854 : memref<1x1x128xi32, #tpu.memory_space<vmem>> -> memref<128xi32, #tpu.memory_space<vmem>>
    %dma_wait3A_1856 = tpu.memref_slice %arg2[%add3A_627] : memref<212992xi32, #tpu.memory_space<hbm>> -> memref<128xi32, #tpu.memory_space<hbm>>
    %dma_wait3A_1857 = arith.constant 0 : i32
    %dma_wait3A_1858 = tpu.memref_slice %arg6[%dma_wait3A_1851, %dma_wait3A_1852, %dma_wait3A_1857] : memref<13x4x128xi32, #tpu.memory_space<vmem>> -> memref<1x1x128xi32, #tpu.memory_space<vmem>>
    %dma_wait3A_1859 = tpu.memref_squeeze %dma_wait3A_1858 : memref<1x1x128xi32, #tpu.memory_space<vmem>> -> memref<128xi32, #tpu.memory_space<vmem>>
    %dma_wait3A_1860 = tpu.memref_slice %arg2[%add3A_627] : memref<212992xi32, #tpu.memory_space<hbm>> -> memref<128xi32, #tpu.memory_space<hbm>>
    tpu.wait_dma2 semaphore(%arg8 : memref<!tpu.dma_semaphore, #tpu.memory_space<semaphore_mem>>) src(%dma_wait3A_1860 : memref<128xi32, #tpu.memory_space<hbm>>) dst(%dma_wait3A_1859 : memref<128xi32, #tpu.memory_space<vmem>>)
    %dma_wait3A_1861 = arith.constant 3 : i32
    %dma_wait3A_1862 = arith.constant 3 : i32
    %dma_wait3A_1863 = arith.constant 0 : i32
    %dma_wait3A_1864 = tpu.memref_slice %arg6[%dma_wait3A_1861, %dma_wait3A_1862, %dma_wait3A_1863] : memref<13x4x128xi32, #tpu.memory_space<vmem>> -> memref<1x1x128xi32, #tpu.memory_space<vmem>>
    %dma_wait3A_1865 = tpu.memref_squeeze %dma_wait3A_1864 : memref<1x1x128xi32, #tpu.memory_space<vmem>> -> memref<128xi32, #tpu.memory_space<vmem>>
    %dma_wait3A_1866 = tpu.memref_slice %arg2[%add3A_641] : memref<212992xi32, #tpu.memory_space<hbm>> -> memref<128xi32, #tpu.memory_space<hbm>>
    %dma_wait3A_1867 = arith.constant 0 : i32
    %dma_wait3A_1868 = tpu.memref_slice %arg6[%dma_wait3A_1861, %dma_wait3A_1862, %dma_wait3A_1867] : memref<13x4x128xi32, #tpu.memory_space<vmem>> -> memref<1x1x128xi32, #tpu.memory_space<vmem>>
    %dma_wait3A_1869 = tpu.memref_squeeze %dma_wait3A_1868 : memref<1x1x128xi32, #tpu.memory_space<vmem>> -> memref<128xi32, #tpu.memory_space<vmem>>
    %dma_wait3A_1870 = tpu.memref_slice %arg2[%add3A_641] : memref<212992xi32, #tpu.memory_space<hbm>> -> memref<128xi32, #tpu.memory_space<hbm>>
    tpu.wait_dma2 semaphore(%arg8 : memref<!tpu.dma_semaphore, #tpu.memory_space<semaphore_mem>>) src(%dma_wait3A_1870 : memref<128xi32, #tpu.memory_space<hbm>>) dst(%dma_wait3A_1869 : memref<128xi32, #tpu.memory_space<vmem>>)
    %dma_wait3A_1871 = arith.constant 4 : i32
    %dma_wait3A_1872 = arith.constant 3 : i32
    %dma_wait3A_1873 = arith.constant 0 : i32
    %dma_wait3A_1874 = tpu.memref_slice %arg6[%dma_wait3A_1871, %dma_wait3A_1872, %dma_wait3A_1873] : memref<13x4x128xi32, #tpu.memory_space<vmem>> -> memref<1x1x128xi32, #tpu.memory_space<vmem>>
    %dma_wait3A_1875 = tpu.memref_squeeze %dma_wait3A_1874 : memref<1x1x128xi32, #tpu.memory_space<vmem>> -> memref<128xi32, #tpu.memory_space<vmem>>
    %dma_wait3A_1876 = tpu.memref_slice %arg2[%add3A_655] : memref<212992xi32, #tpu.memory_space<hbm>> -> memref<128xi32, #tpu.memory_space<hbm>>
    %dma_wait3A_1877 = arith.constant 0 : i32
    %dma_wait3A_1878 = tpu.memref_slice %arg6[%dma_wait3A_1871, %dma_wait3A_1872, %dma_wait3A_1877] : memref<13x4x128xi32, #tpu.memory_space<vmem>> -> memref<1x1x128xi32, #tpu.memory_space<vmem>>
    %dma_wait3A_1879 = tpu.memref_squeeze %dma_wait3A_1878 : memref<1x1x128xi32, #tpu.memory_space<vmem>> -> memref<128xi32, #tpu.memory_space<vmem>>
    %dma_wait3A_1880 = tpu.memref_slice %arg2[%add3A_655] : memref<212992xi32, #tpu.memory_space<hbm>> -> memref<128xi32, #tpu.memory_space<hbm>>
    tpu.wait_dma2 semaphore(%arg8 : memref<!tpu.dma_semaphore, #tpu.memory_space<semaphore_mem>>) src(%dma_wait3A_1880 : memref<128xi32, #tpu.memory_space<hbm>>) dst(%dma_wait3A_1879 : memref<128xi32, #tpu.memory_space<vmem>>)
    %dma_wait3A_1881 = arith.constant 5 : i32
    %dma_wait3A_1882 = arith.constant 3 : i32
    %dma_wait3A_1883 = arith.constant 0 : i32
    %dma_wait3A_1884 = tpu.memref_slice %arg6[%dma_wait3A_1881, %dma_wait3A_1882, %dma_wait3A_1883] : memref<13x4x128xi32, #tpu.memory_space<vmem>> -> memref<1x1x128xi32, #tpu.memory_space<vmem>>
    %dma_wait3A_1885 = tpu.memref_squeeze %dma_wait3A_1884 : memref<1x1x128xi32, #tpu.memory_space<vmem>> -> memref<128xi32, #tpu.memory_space<vmem>>
    %dma_wait3A_1886 = tpu.memref_slice %arg2[%add3A_669] : memref<212992xi32, #tpu.memory_space<hbm>> -> memref<128xi32, #tpu.memory_space<hbm>>
    %dma_wait3A_1887 = arith.constant 0 : i32
    %dma_wait3A_1888 = tpu.memref_slice %arg6[%dma_wait3A_1881, %dma_wait3A_1882, %dma_wait3A_1887] : memref<13x4x128xi32, #tpu.memory_space<vmem>> -> memref<1x1x128xi32, #tpu.memory_space<vmem>>
    %dma_wait3A_1889 = tpu.memref_squeeze %dma_wait3A_1888 : memref<1x1x128xi32, #tpu.memory_space<vmem>> -> memref<128xi32, #tpu.memory_space<vmem>>
    %dma_wait3A_1890 = tpu.memref_slice %arg2[%add3A_669] : memref<212992xi32, #tpu.memory_space<hbm>> -> memref<128xi32, #tpu.memory_space<hbm>>
    tpu.wait_dma2 semaphore(%arg8 : memref<!tpu.dma_semaphore, #tpu.memory_space<semaphore_mem>>) src(%dma_wait3A_1890 : memref<128xi32, #tpu.memory_space<hbm>>) dst(%dma_wait3A_1889 : memref<128xi32, #tpu.memory_space<vmem>>)
    %dma_wait3A_1891 = arith.constant 6 : i32
    %dma_wait3A_1892 = arith.constant 3 : i32
    %dma_wait3A_1893 = arith.constant 0 : i32
    %dma_wait3A_1894 = tpu.memref_slice %arg6[%dma_wait3A_1891, %dma_wait3A_1892, %dma_wait3A_1893] : memref<13x4x128xi32, #tpu.memory_space<vmem>> -> memref<1x1x128xi32, #tpu.memory_space<vmem>>
    %dma_wait3A_1895 = tpu.memref_squeeze %dma_wait3A_1894 : memref<1x1x128xi32, #tpu.memory_space<vmem>> -> memref<128xi32, #tpu.memory_space<vmem>>
    %dma_wait3A_1896 = tpu.memref_slice %arg2[%add3A_683] : memref<212992xi32, #tpu.memory_space<hbm>> -> memref<128xi32, #tpu.memory_space<hbm>>
    %dma_wait3A_1897 = arith.constant 0 : i32
    %dma_wait3A_1898 = tpu.memref_slice %arg6[%dma_wait3A_1891, %dma_wait3A_1892, %dma_wait3A_1897] : memref<13x4x128xi32, #tpu.memory_space<vmem>> -> memref<1x1x128xi32, #tpu.memory_space<vmem>>
    %dma_wait3A_1899 = tpu.memref_squeeze %dma_wait3A_1898 : memref<1x1x128xi32, #tpu.memory_space<vmem>> -> memref<128xi32, #tpu.memory_space<vmem>>
    %dma_wait3A_1900 = tpu.memref_slice %arg2[%add3A_683] : memref<212992xi32, #tpu.memory_space<hbm>> -> memref<128xi32, #tpu.memory_space<hbm>>
    tpu.wait_dma2 semaphore(%arg8 : memref<!tpu.dma_semaphore, #tpu.memory_space<semaphore_mem>>) src(%dma_wait3A_1900 : memref<128xi32, #tpu.memory_space<hbm>>) dst(%dma_wait3A_1899 : memref<128xi32, #tpu.memory_space<vmem>>)
    %dma_wait3A_1901 = arith.constant 7 : i32
    %dma_wait3A_1902 = arith.constant 3 : i32
    %dma_wait3A_1903 = arith.constant 0 : i32
    %dma_wait3A_1904 = tpu.memref_slice %arg6[%dma_wait3A_1901, %dma_wait3A_1902, %dma_wait3A_1903] : memref<13x4x128xi32, #tpu.memory_space<vmem>> -> memref<1x1x128xi32, #tpu.memory_space<vmem>>
    %dma_wait3A_1905 = tpu.memref_squeeze %dma_wait3A_1904 : memref<1x1x128xi32, #tpu.memory_space<vmem>> -> memref<128xi32, #tpu.memory_space<vmem>>
    %dma_wait3A_1906 = tpu.memref_slice %arg2[%add3A_697] : memref<212992xi32, #tpu.memory_space<hbm>> -> memref<128xi32, #tpu.memory_space<hbm>>
    %dma_wait3A_1907 = arith.constant 0 : i32
    %dma_wait3A_1908 = tpu.memref_slice %arg6[%dma_wait3A_1901, %dma_wait3A_1902, %dma_wait3A_1907] : memref<13x4x128xi32, #tpu.memory_space<vmem>> -> memref<1x1x128xi32, #tpu.memory_space<vmem>>
    %dma_wait3A_1909 = tpu.memref_squeeze %dma_wait3A_1908 : memref<1x1x128xi32, #tpu.memory_space<vmem>> -> memref<128xi32, #tpu.memory_space<vmem>>
    %dma_wait3A_1910 = tpu.memref_slice %arg2[%add3A_697] : memref<212992xi32, #tpu.memory_space<hbm>> -> memref<128xi32, #tpu.memory_space<hbm>>
    tpu.wait_dma2 semaphore(%arg8 : memref<!tpu.dma_semaphore, #tpu.memory_space<semaphore_mem>>) src(%dma_wait3A_1910 : memref<128xi32, #tpu.memory_space<hbm>>) dst(%dma_wait3A_1909 : memref<128xi32, #tpu.memory_space<vmem>>)
    %dma_wait3A_1911 = arith.constant 8 : i32
    %dma_wait3A_1912 = arith.constant 3 : i32
    %dma_wait3A_1913 = arith.constant 0 : i32
    %dma_wait3A_1914 = tpu.memref_slice %arg6[%dma_wait3A_1911, %dma_wait3A_1912, %dma_wait3A_1913] : memref<13x4x128xi32, #tpu.memory_space<vmem>> -> memref<1x1x128xi32, #tpu.memory_space<vmem>>
    %dma_wait3A_1915 = tpu.memref_squeeze %dma_wait3A_1914 : memref<1x1x128xi32, #tpu.memory_space<vmem>> -> memref<128xi32, #tpu.memory_space<vmem>>
    %dma_wait3A_1916 = tpu.memref_slice %arg2[%add3A_711] : memref<212992xi32, #tpu.memory_space<hbm>> -> memref<128xi32, #tpu.memory_space<hbm>>
    %dma_wait3A_1917 = arith.constant 0 : i32
    %dma_wait3A_1918 = tpu.memref_slice %arg6[%dma_wait3A_1911, %dma_wait3A_1912, %dma_wait3A_1917] : memref<13x4x128xi32, #tpu.memory_space<vmem>> -> memref<1x1x128xi32, #tpu.memory_space<vmem>>
    %dma_wait3A_1919 = tpu.memref_squeeze %dma_wait3A_1918 : memref<1x1x128xi32, #tpu.memory_space<vmem>> -> memref<128xi32, #tpu.memory_space<vmem>>
    %dma_wait3A_1920 = tpu.memref_slice %arg2[%add3A_711] : memref<212992xi32, #tpu.memory_space<hbm>> -> memref<128xi32, #tpu.memory_space<hbm>>
    tpu.wait_dma2 semaphore(%arg8 : memref<!tpu.dma_semaphore, #tpu.memory_space<semaphore_mem>>) src(%dma_wait3A_1920 : memref<128xi32, #tpu.memory_space<hbm>>) dst(%dma_wait3A_1919 : memref<128xi32, #tpu.memory_space<vmem>>)
    %dma_wait3A_1921 = arith.constant 9 : i32
    %dma_wait3A_1922 = arith.constant 3 : i32
    %dma_wait3A_1923 = arith.constant 0 : i32
    %dma_wait3A_1924 = tpu.memref_slice %arg6[%dma_wait3A_1921, %dma_wait3A_1922, %dma_wait3A_1923] : memref<13x4x128xi32, #tpu.memory_space<vmem>> -> memref<1x1x128xi32, #tpu.memory_space<vmem>>
    %dma_wait3A_1925 = tpu.memref_squeeze %dma_wait3A_1924 : memref<1x1x128xi32, #tpu.memory_space<vmem>> -> memref<128xi32, #tpu.memory_space<vmem>>
    %dma_wait3A_1926 = tpu.memref_slice %arg2[%add3A_725] : memref<212992xi32, #tpu.memory_space<hbm>> -> memref<128xi32, #tpu.memory_space<hbm>>
    %dma_wait3A_1927 = arith.constant 0 : i32
    %dma_wait3A_1928 = tpu.memref_slice %arg6[%dma_wait3A_1921, %dma_wait3A_1922, %dma_wait3A_1927] : memref<13x4x128xi32, #tpu.memory_space<vmem>> -> memref<1x1x128xi32, #tpu.memory_space<vmem>>
    %dma_wait3A_1929 = tpu.memref_squeeze %dma_wait3A_1928 : memref<1x1x128xi32, #tpu.memory_space<vmem>> -> memref<128xi32, #tpu.memory_space<vmem>>
    %dma_wait3A_1930 = tpu.memref_slice %arg2[%add3A_725] : memref<212992xi32, #tpu.memory_space<hbm>> -> memref<128xi32, #tpu.memory_space<hbm>>
    tpu.wait_dma2 semaphore(%arg8 : memref<!tpu.dma_semaphore, #tpu.memory_space<semaphore_mem>>) src(%dma_wait3A_1930 : memref<128xi32, #tpu.memory_space<hbm>>) dst(%dma_wait3A_1929 : memref<128xi32, #tpu.memory_space<vmem>>)
    %dma_wait3A_1931 = arith.constant 10 : i32
    %dma_wait3A_1932 = arith.constant 3 : i32
    %dma_wait3A_1933 = arith.constant 0 : i32
    %dma_wait3A_1934 = tpu.memref_slice %arg6[%dma_wait3A_1931, %dma_wait3A_1932, %dma_wait3A_1933] : memref<13x4x128xi32, #tpu.memory_space<vmem>> -> memref<1x1x128xi32, #tpu.memory_space<vmem>>
    %dma_wait3A_1935 = tpu.memref_squeeze %dma_wait3A_1934 : memref<1x1x128xi32, #tpu.memory_space<vmem>> -> memref<128xi32, #tpu.memory_space<vmem>>
    %dma_wait3A_1936 = tpu.memref_slice %arg2[%add3A_739] : memref<212992xi32, #tpu.memory_space<hbm>> -> memref<128xi32, #tpu.memory_space<hbm>>
    %dma_wait3A_1937 = arith.constant 0 : i32
    %dma_wait3A_1938 = tpu.memref_slice %arg6[%dma_wait3A_1931, %dma_wait3A_1932, %dma_wait3A_1937] : memref<13x4x128xi32, #tpu.memory_space<vmem>> -> memref<1x1x128xi32, #tpu.memory_space<vmem>>
    %dma_wait3A_1939 = tpu.memref_squeeze %dma_wait3A_1938 : memref<1x1x128xi32, #tpu.memory_space<vmem>> -> memref<128xi32, #tpu.memory_space<vmem>>
    %dma_wait3A_1940 = tpu.memref_slice %arg2[%add3A_739] : memref<212992xi32, #tpu.memory_space<hbm>> -> memref<128xi32, #tpu.memory_space<hbm>>
    tpu.wait_dma2 semaphore(%arg8 : memref<!tpu.dma_semaphore, #tpu.memory_space<semaphore_mem>>) src(%dma_wait3A_1940 : memref<128xi32, #tpu.memory_space<hbm>>) dst(%dma_wait3A_1939 : memref<128xi32, #tpu.memory_space<vmem>>)
    %dma_wait3A_1941 = arith.constant 11 : i32
    %dma_wait3A_1942 = arith.constant 3 : i32
    %dma_wait3A_1943 = arith.constant 0 : i32
    %dma_wait3A_1944 = tpu.memref_slice %arg6[%dma_wait3A_1941, %dma_wait3A_1942, %dma_wait3A_1943] : memref<13x4x128xi32, #tpu.memory_space<vmem>> -> memref<1x1x128xi32, #tpu.memory_space<vmem>>
    %dma_wait3A_1945 = tpu.memref_squeeze %dma_wait3A_1944 : memref<1x1x128xi32, #tpu.memory_space<vmem>> -> memref<128xi32, #tpu.memory_space<vmem>>
    %dma_wait3A_1946 = tpu.memref_slice %arg2[%add3A_753] : memref<212992xi32, #tpu.memory_space<hbm>> -> memref<128xi32, #tpu.memory_space<hbm>>
    %dma_wait3A_1947 = arith.constant 0 : i32
    %dma_wait3A_1948 = tpu.memref_slice %arg6[%dma_wait3A_1941, %dma_wait3A_1942, %dma_wait3A_1947] : memref<13x4x128xi32, #tpu.memory_space<vmem>> -> memref<1x1x128xi32, #tpu.memory_space<vmem>>
    %dma_wait3A_1949 = tpu.memref_squeeze %dma_wait3A_1948 : memref<1x1x128xi32, #tpu.memory_space<vmem>> -> memref<128xi32, #tpu.memory_space<vmem>>
    %dma_wait3A_1950 = tpu.memref_slice %arg2[%add3A_753] : memref<212992xi32, #tpu.memory_space<hbm>> -> memref<128xi32, #tpu.memory_space<hbm>>
    tpu.wait_dma2 semaphore(%arg8 : memref<!tpu.dma_semaphore, #tpu.memory_space<semaphore_mem>>) src(%dma_wait3A_1950 : memref<128xi32, #tpu.memory_space<hbm>>) dst(%dma_wait3A_1949 : memref<128xi32, #tpu.memory_space<vmem>>)
    %dma_wait3A_1951 = arith.constant 12 : i32
    %dma_wait3A_1952 = arith.constant 3 : i32
    %dma_wait3A_1953 = arith.constant 0 : i32
    %dma_wait3A_1954 = tpu.memref_slice %arg6[%dma_wait3A_1951, %dma_wait3A_1952, %dma_wait3A_1953] : memref<13x4x128xi32, #tpu.memory_space<vmem>> -> memref<1x1x128xi32, #tpu.memory_space<vmem>>
    %dma_wait3A_1955 = tpu.memref_squeeze %dma_wait3A_1954 : memref<1x1x128xi32, #tpu.memory_space<vmem>> -> memref<128xi32, #tpu.memory_space<vmem>>
    %dma_wait3A_1956 = tpu.memref_slice %arg2[%add3A_767] : memref<212992xi32, #tpu.memory_space<hbm>> -> memref<128xi32, #tpu.memory_space<hbm>>
    %dma_wait3A_1957 = arith.constant 0 : i32
    %dma_wait3A_1958 = tpu.memref_slice %arg6[%dma_wait3A_1951, %dma_wait3A_1952, %dma_wait3A_1957] : memref<13x4x128xi32, #tpu.memory_space<vmem>> -> memref<1x1x128xi32, #tpu.memory_space<vmem>>
    %dma_wait3A_1959 = tpu.memref_squeeze %dma_wait3A_1958 : memref<1x1x128xi32, #tpu.memory_space<vmem>> -> memref<128xi32, #tpu.memory_space<vmem>>
    %dma_wait3A_1960 = tpu.memref_slice %arg2[%add3A_767] : memref<212992xi32, #tpu.memory_space<hbm>> -> memref<128xi32, #tpu.memory_space<hbm>>
    tpu.wait_dma2 semaphore(%arg8 : memref<!tpu.dma_semaphore, #tpu.memory_space<semaphore_mem>>) src(%dma_wait3A_1960 : memref<128xi32, #tpu.memory_space<hbm>>) dst(%dma_wait3A_1959 : memref<128xi32, #tpu.memory_space<vmem>>)
    %dma_start3A_1961 = arith.constant 0 : i32
    %dma_start3A_1962 = arith.constant 0 : i32
    %dma_start3A_1963 = arith.constant 3 : i32
    %dma_start3A_1964 = arith.constant 384 : i32
    %dma_start3A_1965 = arith.constant 0 : i32
    %dma_start3A_1966 = tpu.memref_slice %arg7[%dma_start3A_1964, %dma_start3A_1965] : memref<512x128xf32, #tpu.memory_space<vmem>> -> memref<128x128xf32, #tpu.memory_space<vmem>>
    %dma_start3A_1967 = arith.constant 0 : i32
    %dma_start3A_1968 = tpu.memref_slice %arg6[%dma_start3A_1962, %dma_start3A_1963, %dma_start3A_1967] : memref<13x4x128xi32, #tpu.memory_space<vmem>> -> memref<1x1x128xi32, #tpu.memory_space<vmem>>
    %dma_start3A_1969 = tpu.memref_squeeze %dma_start3A_1968 : memref<1x1x128xi32, #tpu.memory_space<vmem>> -> memref<128xi32, #tpu.memory_space<vmem>>
    %dma_start3A_1970 = arith.constant 0 : i32
    %dma_start3A_1971 = arith.constant 0 : i32
    %dma_start3A_1972 = tpu.memref_slice %arg3[%dma_start3A_1961, %dma_start3A_1970, %dma_start3A_1971] : memref<13x1001x128xf32, #tpu.memory_space<hbm>> -> memref<1x1001x128xf32, #tpu.memory_space<hbm>>
    %dma_start3A_1973 = tpu.memref_squeeze %dma_start3A_1972 : memref<1x1001x128xf32, #tpu.memory_space<hbm>> -> memref<1001x128xf32, #tpu.memory_space<hbm>>
    %dma_start3A_1974 = arith.constant 0 : i32
    %dma_start3A_1975 = arith.constant 0 : i32
    %dma_start3A_1976 = tpu.memref_slice %dma_start3A_1973[%dma_start3A_1974, %dma_start3A_1975] : memref<1001x128xf32, #tpu.memory_space<hbm>> -> memref<1001x128xf32, #tpu.memory_space<hbm>>
    tpu.enqueue_indirect_dma source(%dma_start3A_1976 : memref<1001x128xf32, #tpu.memory_space<hbm>>) target(%dma_start3A_1966 : memref<128x128xf32, #tpu.memory_space<vmem>>) offsets(%dma_start3A_1969 : memref<128xi32, #tpu.memory_space<vmem>>) semaphore(%arg9 : memref<!tpu.dma_semaphore, #tpu.memory_space<semaphore_mem>>) {add = true}
    %dma_start3A_1977 = arith.constant 1 : i32
    %dma_start3A_1978 = arith.constant 1 : i32
    %dma_start3A_1979 = arith.constant 3 : i32
    %dma_start3A_1980 = arith.constant 384 : i32
    %dma_start3A_1981 = arith.constant 0 : i32
    %dma_start3A_1982 = tpu.memref_slice %arg7[%dma_start3A_1980, %dma_start3A_1981] : memref<512x128xf32, #tpu.memory_space<vmem>> -> memref<128x128xf32, #tpu.memory_space<vmem>>
    %dma_start3A_1983 = arith.constant 0 : i32
    %dma_start3A_1984 = tpu.memref_slice %arg6[%dma_start3A_1978, %dma_start3A_1979, %dma_start3A_1983] : memref<13x4x128xi32, #tpu.memory_space<vmem>> -> memref<1x1x128xi32, #tpu.memory_space<vmem>>
    %dma_start3A_1985 = tpu.memref_squeeze %dma_start3A_1984 : memref<1x1x128xi32, #tpu.memory_space<vmem>> -> memref<128xi32, #tpu.memory_space<vmem>>
    %dma_start3A_1986 = arith.constant 0 : i32
    %dma_start3A_1987 = arith.constant 0 : i32
    %dma_start3A_1988 = tpu.memref_slice %arg3[%dma_start3A_1977, %dma_start3A_1986, %dma_start3A_1987] : memref<13x1001x128xf32, #tpu.memory_space<hbm>> -> memref<1x1001x128xf32, #tpu.memory_space<hbm>>
    %dma_start3A_1989 = tpu.memref_squeeze %dma_start3A_1988 : memref<1x1001x128xf32, #tpu.memory_space<hbm>> -> memref<1001x128xf32, #tpu.memory_space<hbm>>
    %dma_start3A_1990 = arith.constant 0 : i32
    %dma_start3A_1991 = arith.constant 0 : i32
    %dma_start3A_1992 = tpu.memref_slice %dma_start3A_1989[%dma_start3A_1990, %dma_start3A_1991] : memref<1001x128xf32, #tpu.memory_space<hbm>> -> memref<1001x128xf32, #tpu.memory_space<hbm>>
    tpu.enqueue_indirect_dma source(%dma_start3A_1992 : memref<1001x128xf32, #tpu.memory_space<hbm>>) target(%dma_start3A_1982 : memref<128x128xf32, #tpu.memory_space<vmem>>) offsets(%dma_start3A_1985 : memref<128xi32, #tpu.memory_space<vmem>>) semaphore(%arg9 : memref<!tpu.dma_semaphore, #tpu.memory_space<semaphore_mem>>) {add = true}
    %dma_start3A_1993 = arith.constant 2 : i32
    %dma_start3A_1994 = arith.constant 2 : i32
    %dma_start3A_1995 = arith.constant 3 : i32
    %dma_start3A_1996 = arith.constant 384 : i32
    %dma_start3A_1997 = arith.constant 0 : i32
    %dma_start3A_1998 = tpu.memref_slice %arg7[%dma_start3A_1996, %dma_start3A_1997] : memref<512x128xf32, #tpu.memory_space<vmem>> -> memref<128x128xf32, #tpu.memory_space<vmem>>
    %dma_start3A_1999 = arith.constant 0 : i32
    %dma_start3A_2000 = tpu.memref_slice %arg6[%dma_start3A_1994, %dma_start3A_1995, %dma_start3A_1999] : memref<13x4x128xi32, #tpu.memory_space<vmem>> -> memref<1x1x128xi32, #tpu.memory_space<vmem>>
    %dma_start3A_2001 = tpu.memref_squeeze %dma_start3A_2000 : memref<1x1x128xi32, #tpu.memory_space<vmem>> -> memref<128xi32, #tpu.memory_space<vmem>>
    %dma_start3A_2002 = arith.constant 0 : i32
    %dma_start3A_2003 = arith.constant 0 : i32
    %dma_start3A_2004 = tpu.memref_slice %arg3[%dma_start3A_1993, %dma_start3A_2002, %dma_start3A_2003] : memref<13x1001x128xf32, #tpu.memory_space<hbm>> -> memref<1x1001x128xf32, #tpu.memory_space<hbm>>
    %dma_start3A_2005 = tpu.memref_squeeze %dma_start3A_2004 : memref<1x1001x128xf32, #tpu.memory_space<hbm>> -> memref<1001x128xf32, #tpu.memory_space<hbm>>
    %dma_start3A_2006 = arith.constant 0 : i32
    %dma_start3A_2007 = arith.constant 0 : i32
    %dma_start3A_2008 = tpu.memref_slice %dma_start3A_2005[%dma_start3A_2006, %dma_start3A_2007] : memref<1001x128xf32, #tpu.memory_space<hbm>> -> memref<1001x128xf32, #tpu.memory_space<hbm>>
    tpu.enqueue_indirect_dma source(%dma_start3A_2008 : memref<1001x128xf32, #tpu.memory_space<hbm>>) target(%dma_start3A_1998 : memref<128x128xf32, #tpu.memory_space<vmem>>) offsets(%dma_start3A_2001 : memref<128xi32, #tpu.memory_space<vmem>>) semaphore(%arg9 : memref<!tpu.dma_semaphore, #tpu.memory_space<semaphore_mem>>) {add = true}
    %dma_start3A_2009 = arith.constant 3 : i32
    %dma_start3A_2010 = arith.constant 3 : i32
    %dma_start3A_2011 = arith.constant 3 : i32
    %dma_start3A_2012 = arith.constant 384 : i32
    %dma_start3A_2013 = arith.constant 0 : i32
    %dma_start3A_2014 = tpu.memref_slice %arg7[%dma_start3A_2012, %dma_start3A_2013] : memref<512x128xf32, #tpu.memory_space<vmem>> -> memref<128x128xf32, #tpu.memory_space<vmem>>
    %dma_start3A_2015 = arith.constant 0 : i32
    %dma_start3A_2016 = tpu.memref_slice %arg6[%dma_start3A_2010, %dma_start3A_2011, %dma_start3A_2015] : memref<13x4x128xi32, #tpu.memory_space<vmem>> -> memref<1x1x128xi32, #tpu.memory_space<vmem>>
    %dma_start3A_2017 = tpu.memref_squeeze %dma_start3A_2016 : memref<1x1x128xi32, #tpu.memory_space<vmem>> -> memref<128xi32, #tpu.memory_space<vmem>>
    %dma_start3A_2018 = arith.constant 0 : i32
    %dma_start3A_2019 = arith.constant 0 : i32
    %dma_start3A_2020 = tpu.memref_slice %arg3[%dma_start3A_2009, %dma_start3A_2018, %dma_start3A_2019] : memref<13x1001x128xf32, #tpu.memory_space<hbm>> -> memref<1x1001x128xf32, #tpu.memory_space<hbm>>
    %dma_start3A_2021 = tpu.memref_squeeze %dma_start3A_2020 : memref<1x1001x128xf32, #tpu.memory_space<hbm>> -> memref<1001x128xf32, #tpu.memory_space<hbm>>
    %dma_start3A_2022 = arith.constant 0 : i32
    %dma_start3A_2023 = arith.constant 0 : i32
    %dma_start3A_2024 = tpu.memref_slice %dma_start3A_2021[%dma_start3A_2022, %dma_start3A_2023] : memref<1001x128xf32, #tpu.memory_space<hbm>> -> memref<1001x128xf32, #tpu.memory_space<hbm>>
    tpu.enqueue_indirect_dma source(%dma_start3A_2024 : memref<1001x128xf32, #tpu.memory_space<hbm>>) target(%dma_start3A_2014 : memref<128x128xf32, #tpu.memory_space<vmem>>) offsets(%dma_start3A_2017 : memref<128xi32, #tpu.memory_space<vmem>>) semaphore(%arg9 : memref<!tpu.dma_semaphore, #tpu.memory_space<semaphore_mem>>) {add = true}
    %dma_start3A_2025 = arith.constant 4 : i32
    %dma_start3A_2026 = arith.constant 4 : i32
    %dma_start3A_2027 = arith.constant 3 : i32
    %dma_start3A_2028 = arith.constant 384 : i32
    %dma_start3A_2029 = arith.constant 0 : i32
    %dma_start3A_2030 = tpu.memref_slice %arg7[%dma_start3A_2028, %dma_start3A_2029] : memref<512x128xf32, #tpu.memory_space<vmem>> -> memref<128x128xf32, #tpu.memory_space<vmem>>
    %dma_start3A_2031 = arith.constant 0 : i32
    %dma_start3A_2032 = tpu.memref_slice %arg6[%dma_start3A_2026, %dma_start3A_2027, %dma_start3A_2031] : memref<13x4x128xi32, #tpu.memory_space<vmem>> -> memref<1x1x128xi32, #tpu.memory_space<vmem>>
    %dma_start3A_2033 = tpu.memref_squeeze %dma_start3A_2032 : memref<1x1x128xi32, #tpu.memory_space<vmem>> -> memref<128xi32, #tpu.memory_space<vmem>>
    %dma_start3A_2034 = arith.constant 0 : i32
    %dma_start3A_2035 = arith.constant 0 : i32
    %dma_start3A_2036 = tpu.memref_slice %arg3[%dma_start3A_2025, %dma_start3A_2034, %dma_start3A_2035] : memref<13x1001x128xf32, #tpu.memory_space<hbm>> -> memref<1x1001x128xf32, #tpu.memory_space<hbm>>
    %dma_start3A_2037 = tpu.memref_squeeze %dma_start3A_2036 : memref<1x1001x128xf32, #tpu.memory_space<hbm>> -> memref<1001x128xf32, #tpu.memory_space<hbm>>
    %dma_start3A_2038 = arith.constant 0 : i32
    %dma_start3A_2039 = arith.constant 0 : i32
    %dma_start3A_2040 = tpu.memref_slice %dma_start3A_2037[%dma_start3A_2038, %dma_start3A_2039] : memref<1001x128xf32, #tpu.memory_space<hbm>> -> memref<1001x128xf32, #tpu.memory_space<hbm>>
    tpu.enqueue_indirect_dma source(%dma_start3A_2040 : memref<1001x128xf32, #tpu.memory_space<hbm>>) target(%dma_start3A_2030 : memref<128x128xf32, #tpu.memory_space<vmem>>) offsets(%dma_start3A_2033 : memref<128xi32, #tpu.memory_space<vmem>>) semaphore(%arg9 : memref<!tpu.dma_semaphore, #tpu.memory_space<semaphore_mem>>) {add = true}
    %dma_start3A_2041 = arith.constant 5 : i32
    %dma_start3A_2042 = arith.constant 5 : i32
    %dma_start3A_2043 = arith.constant 3 : i32
    %dma_start3A_2044 = arith.constant 384 : i32
    %dma_start3A_2045 = arith.constant 0 : i32
    %dma_start3A_2046 = tpu.memref_slice %arg7[%dma_start3A_2044, %dma_start3A_2045] : memref<512x128xf32, #tpu.memory_space<vmem>> -> memref<128x128xf32, #tpu.memory_space<vmem>>
    %dma_start3A_2047 = arith.constant 0 : i32
    %dma_start3A_2048 = tpu.memref_slice %arg6[%dma_start3A_2042, %dma_start3A_2043, %dma_start3A_2047] : memref<13x4x128xi32, #tpu.memory_space<vmem>> -> memref<1x1x128xi32, #tpu.memory_space<vmem>>
    %dma_start3A_2049 = tpu.memref_squeeze %dma_start3A_2048 : memref<1x1x128xi32, #tpu.memory_space<vmem>> -> memref<128xi32, #tpu.memory_space<vmem>>
    %dma_start3A_2050 = arith.constant 0 : i32
    %dma_start3A_2051 = arith.constant 0 : i32
    %dma_start3A_2052 = tpu.memref_slice %arg3[%dma_start3A_2041, %dma_start3A_2050, %dma_start3A_2051] : memref<13x1001x128xf32, #tpu.memory_space<hbm>> -> memref<1x1001x128xf32, #tpu.memory_space<hbm>>
    %dma_start3A_2053 = tpu.memref_squeeze %dma_start3A_2052 : memref<1x1001x128xf32, #tpu.memory_space<hbm>> -> memref<1001x128xf32, #tpu.memory_space<hbm>>
    %dma_start3A_2054 = arith.constant 0 : i32
    %dma_start3A_2055 = arith.constant 0 : i32
    %dma_start3A_2056 = tpu.memref_slice %dma_start3A_2053[%dma_start3A_2054, %dma_start3A_2055] : memref<1001x128xf32, #tpu.memory_space<hbm>> -> memref<1001x128xf32, #tpu.memory_space<hbm>>
    tpu.enqueue_indirect_dma source(%dma_start3A_2056 : memref<1001x128xf32, #tpu.memory_space<hbm>>) target(%dma_start3A_2046 : memref<128x128xf32, #tpu.memory_space<vmem>>) offsets(%dma_start3A_2049 : memref<128xi32, #tpu.memory_space<vmem>>) semaphore(%arg9 : memref<!tpu.dma_semaphore, #tpu.memory_space<semaphore_mem>>) {add = true}
    %dma_start3A_2057 = arith.constant 6 : i32
    %dma_start3A_2058 = arith.constant 6 : i32
    %dma_start3A_2059 = arith.constant 3 : i32
    %dma_start3A_2060 = arith.constant 384 : i32
    %dma_start3A_2061 = arith.constant 0 : i32
    %dma_start3A_2062 = tpu.memref_slice %arg7[%dma_start3A_2060, %dma_start3A_2061] : memref<512x128xf32, #tpu.memory_space<vmem>> -> memref<128x128xf32, #tpu.memory_space<vmem>>
    %dma_start3A_2063 = arith.constant 0 : i32
    %dma_start3A_2064 = tpu.memref_slice %arg6[%dma_start3A_2058, %dma_start3A_2059, %dma_start3A_2063] : memref<13x4x128xi32, #tpu.memory_space<vmem>> -> memref<1x1x128xi32, #tpu.memory_space<vmem>>
    %dma_start3A_2065 = tpu.memref_squeeze %dma_start3A_2064 : memref<1x1x128xi32, #tpu.memory_space<vmem>> -> memref<128xi32, #tpu.memory_space<vmem>>
    %dma_start3A_2066 = arith.constant 0 : i32
    %dma_start3A_2067 = arith.constant 0 : i32
    %dma_start3A_2068 = tpu.memref_slice %arg3[%dma_start3A_2057, %dma_start3A_2066, %dma_start3A_2067] : memref<13x1001x128xf32, #tpu.memory_space<hbm>> -> memref<1x1001x128xf32, #tpu.memory_space<hbm>>
    %dma_start3A_2069 = tpu.memref_squeeze %dma_start3A_2068 : memref<1x1001x128xf32, #tpu.memory_space<hbm>> -> memref<1001x128xf32, #tpu.memory_space<hbm>>
    %dma_start3A_2070 = arith.constant 0 : i32
    %dma_start3A_2071 = arith.constant 0 : i32
    %dma_start3A_2072 = tpu.memref_slice %dma_start3A_2069[%dma_start3A_2070, %dma_start3A_2071] : memref<1001x128xf32, #tpu.memory_space<hbm>> -> memref<1001x128xf32, #tpu.memory_space<hbm>>
    tpu.enqueue_indirect_dma source(%dma_start3A_2072 : memref<1001x128xf32, #tpu.memory_space<hbm>>) target(%dma_start3A_2062 : memref<128x128xf32, #tpu.memory_space<vmem>>) offsets(%dma_start3A_2065 : memref<128xi32, #tpu.memory_space<vmem>>) semaphore(%arg9 : memref<!tpu.dma_semaphore, #tpu.memory_space<semaphore_mem>>) {add = true}
    %dma_start3A_2073 = arith.constant 7 : i32
    %dma_start3A_2074 = arith.constant 7 : i32
    %dma_start3A_2075 = arith.constant 3 : i32
    %dma_start3A_2076 = arith.constant 384 : i32
    %dma_start3A_2077 = arith.constant 0 : i32
    %dma_start3A_2078 = tpu.memref_slice %arg7[%dma_start3A_2076, %dma_start3A_2077] : memref<512x128xf32, #tpu.memory_space<vmem>> -> memref<128x128xf32, #tpu.memory_space<vmem>>
    %dma_start3A_2079 = arith.constant 0 : i32
    %dma_start3A_2080 = tpu.memref_slice %arg6[%dma_start3A_2074, %dma_start3A_2075, %dma_start3A_2079] : memref<13x4x128xi32, #tpu.memory_space<vmem>> -> memref<1x1x128xi32, #tpu.memory_space<vmem>>
    %dma_start3A_2081 = tpu.memref_squeeze %dma_start3A_2080 : memref<1x1x128xi32, #tpu.memory_space<vmem>> -> memref<128xi32, #tpu.memory_space<vmem>>
    %dma_start3A_2082 = arith.constant 0 : i32
    %dma_start3A_2083 = arith.constant 0 : i32
    %dma_start3A_2084 = tpu.memref_slice %arg3[%dma_start3A_2073, %dma_start3A_2082, %dma_start3A_2083] : memref<13x1001x128xf32, #tpu.memory_space<hbm>> -> memref<1x1001x128xf32, #tpu.memory_space<hbm>>
    %dma_start3A_2085 = tpu.memref_squeeze %dma_start3A_2084 : memref<1x1001x128xf32, #tpu.memory_space<hbm>> -> memref<1001x128xf32, #tpu.memory_space<hbm>>
    %dma_start3A_2086 = arith.constant 0 : i32
    %dma_start3A_2087 = arith.constant 0 : i32
    %dma_start3A_2088 = tpu.memref_slice %dma_start3A_2085[%dma_start3A_2086, %dma_start3A_2087] : memref<1001x128xf32, #tpu.memory_space<hbm>> -> memref<1001x128xf32, #tpu.memory_space<hbm>>
    tpu.enqueue_indirect_dma source(%dma_start3A_2088 : memref<1001x128xf32, #tpu.memory_space<hbm>>) target(%dma_start3A_2078 : memref<128x128xf32, #tpu.memory_space<vmem>>) offsets(%dma_start3A_2081 : memref<128xi32, #tpu.memory_space<vmem>>) semaphore(%arg9 : memref<!tpu.dma_semaphore, #tpu.memory_space<semaphore_mem>>) {add = true}
    %dma_start3A_2089 = arith.constant 8 : i32
    %dma_start3A_2090 = arith.constant 8 : i32
    %dma_start3A_2091 = arith.constant 3 : i32
    %dma_start3A_2092 = arith.constant 384 : i32
    %dma_start3A_2093 = arith.constant 0 : i32
    %dma_start3A_2094 = tpu.memref_slice %arg7[%dma_start3A_2092, %dma_start3A_2093] : memref<512x128xf32, #tpu.memory_space<vmem>> -> memref<128x128xf32, #tpu.memory_space<vmem>>
    %dma_start3A_2095 = arith.constant 0 : i32
    %dma_start3A_2096 = tpu.memref_slice %arg6[%dma_start3A_2090, %dma_start3A_2091, %dma_start3A_2095] : memref<13x4x128xi32, #tpu.memory_space<vmem>> -> memref<1x1x128xi32, #tpu.memory_space<vmem>>
    %dma_start3A_2097 = tpu.memref_squeeze %dma_start3A_2096 : memref<1x1x128xi32, #tpu.memory_space<vmem>> -> memref<128xi32, #tpu.memory_space<vmem>>
    %dma_start3A_2098 = arith.constant 0 : i32
    %dma_start3A_2099 = arith.constant 0 : i32
    %dma_start3A_2100 = tpu.memref_slice %arg3[%dma_start3A_2089, %dma_start3A_2098, %dma_start3A_2099] : memref<13x1001x128xf32, #tpu.memory_space<hbm>> -> memref<1x1001x128xf32, #tpu.memory_space<hbm>>
    %dma_start3A_2101 = tpu.memref_squeeze %dma_start3A_2100 : memref<1x1001x128xf32, #tpu.memory_space<hbm>> -> memref<1001x128xf32, #tpu.memory_space<hbm>>
    %dma_start3A_2102 = arith.constant 0 : i32
    %dma_start3A_2103 = arith.constant 0 : i32
    %dma_start3A_2104 = tpu.memref_slice %dma_start3A_2101[%dma_start3A_2102, %dma_start3A_2103] : memref<1001x128xf32, #tpu.memory_space<hbm>> -> memref<1001x128xf32, #tpu.memory_space<hbm>>
    tpu.enqueue_indirect_dma source(%dma_start3A_2104 : memref<1001x128xf32, #tpu.memory_space<hbm>>) target(%dma_start3A_2094 : memref<128x128xf32, #tpu.memory_space<vmem>>) offsets(%dma_start3A_2097 : memref<128xi32, #tpu.memory_space<vmem>>) semaphore(%arg9 : memref<!tpu.dma_semaphore, #tpu.memory_space<semaphore_mem>>) {add = true}
    %dma_start3A_2105 = arith.constant 9 : i32
    %dma_start3A_2106 = arith.constant 9 : i32
    %dma_start3A_2107 = arith.constant 3 : i32
    %dma_start3A_2108 = arith.constant 384 : i32
    %dma_start3A_2109 = arith.constant 0 : i32
    %dma_start3A_2110 = tpu.memref_slice %arg7[%dma_start3A_2108, %dma_start3A_2109] : memref<512x128xf32, #tpu.memory_space<vmem>> -> memref<128x128xf32, #tpu.memory_space<vmem>>
    %dma_start3A_2111 = arith.constant 0 : i32
    %dma_start3A_2112 = tpu.memref_slice %arg6[%dma_start3A_2106, %dma_start3A_2107, %dma_start3A_2111] : memref<13x4x128xi32, #tpu.memory_space<vmem>> -> memref<1x1x128xi32, #tpu.memory_space<vmem>>
    %dma_start3A_2113 = tpu.memref_squeeze %dma_start3A_2112 : memref<1x1x128xi32, #tpu.memory_space<vmem>> -> memref<128xi32, #tpu.memory_space<vmem>>
    %dma_start3A_2114 = arith.constant 0 : i32
    %dma_start3A_2115 = arith.constant 0 : i32
    %dma_start3A_2116 = tpu.memref_slice %arg3[%dma_start3A_2105, %dma_start3A_2114, %dma_start3A_2115] : memref<13x1001x128xf32, #tpu.memory_space<hbm>> -> memref<1x1001x128xf32, #tpu.memory_space<hbm>>
    %dma_start3A_2117 = tpu.memref_squeeze %dma_start3A_2116 : memref<1x1001x128xf32, #tpu.memory_space<hbm>> -> memref<1001x128xf32, #tpu.memory_space<hbm>>
    %dma_start3A_2118 = arith.constant 0 : i32
    %dma_start3A_2119 = arith.constant 0 : i32
    %dma_start3A_2120 = tpu.memref_slice %dma_start3A_2117[%dma_start3A_2118, %dma_start3A_2119] : memref<1001x128xf32, #tpu.memory_space<hbm>> -> memref<1001x128xf32, #tpu.memory_space<hbm>>
    tpu.enqueue_indirect_dma source(%dma_start3A_2120 : memref<1001x128xf32, #tpu.memory_space<hbm>>) target(%dma_start3A_2110 : memref<128x128xf32, #tpu.memory_space<vmem>>) offsets(%dma_start3A_2113 : memref<128xi32, #tpu.memory_space<vmem>>) semaphore(%arg9 : memref<!tpu.dma_semaphore, #tpu.memory_space<semaphore_mem>>) {add = true}
    %dma_start3A_2121 = arith.constant 10 : i32
    %dma_start3A_2122 = arith.constant 10 : i32
    %dma_start3A_2123 = arith.constant 3 : i32
    %dma_start3A_2124 = arith.constant 384 : i32
    %dma_start3A_2125 = arith.constant 0 : i32
    %dma_start3A_2126 = tpu.memref_slice %arg7[%dma_start3A_2124, %dma_start3A_2125] : memref<512x128xf32, #tpu.memory_space<vmem>> -> memref<128x128xf32, #tpu.memory_space<vmem>>
    %dma_start3A_2127 = arith.constant 0 : i32
    %dma_start3A_2128 = tpu.memref_slice %arg6[%dma_start3A_2122, %dma_start3A_2123, %dma_start3A_2127] : memref<13x4x128xi32, #tpu.memory_space<vmem>> -> memref<1x1x128xi32, #tpu.memory_space<vmem>>
    %dma_start3A_2129 = tpu.memref_squeeze %dma_start3A_2128 : memref<1x1x128xi32, #tpu.memory_space<vmem>> -> memref<128xi32, #tpu.memory_space<vmem>>
    %dma_start3A_2130 = arith.constant 0 : i32
    %dma_start3A_2131 = arith.constant 0 : i32
    %dma_start3A_2132 = tpu.memref_slice %arg3[%dma_start3A_2121, %dma_start3A_2130, %dma_start3A_2131] : memref<13x1001x128xf32, #tpu.memory_space<hbm>> -> memref<1x1001x128xf32, #tpu.memory_space<hbm>>
    %dma_start3A_2133 = tpu.memref_squeeze %dma_start3A_2132 : memref<1x1001x128xf32, #tpu.memory_space<hbm>> -> memref<1001x128xf32, #tpu.memory_space<hbm>>
    %dma_start3A_2134 = arith.constant 0 : i32
    %dma_start3A_2135 = arith.constant 0 : i32
    %dma_start3A_2136 = tpu.memref_slice %dma_start3A_2133[%dma_start3A_2134, %dma_start3A_2135] : memref<1001x128xf32, #tpu.memory_space<hbm>> -> memref<1001x128xf32, #tpu.memory_space<hbm>>
    tpu.enqueue_indirect_dma source(%dma_start3A_2136 : memref<1001x128xf32, #tpu.memory_space<hbm>>) target(%dma_start3A_2126 : memref<128x128xf32, #tpu.memory_space<vmem>>) offsets(%dma_start3A_2129 : memref<128xi32, #tpu.memory_space<vmem>>) semaphore(%arg9 : memref<!tpu.dma_semaphore, #tpu.memory_space<semaphore_mem>>) {add = true}
    %dma_start3A_2137 = arith.constant 11 : i32
    %dma_start3A_2138 = arith.constant 11 : i32
    %dma_start3A_2139 = arith.constant 3 : i32
    %dma_start3A_2140 = arith.constant 384 : i32
    %dma_start3A_2141 = arith.constant 0 : i32
    %dma_start3A_2142 = tpu.memref_slice %arg7[%dma_start3A_2140, %dma_start3A_2141] : memref<512x128xf32, #tpu.memory_space<vmem>> -> memref<128x128xf32, #tpu.memory_space<vmem>>
    %dma_start3A_2143 = arith.constant 0 : i32
    %dma_start3A_2144 = tpu.memref_slice %arg6[%dma_start3A_2138, %dma_start3A_2139, %dma_start3A_2143] : memref<13x4x128xi32, #tpu.memory_space<vmem>> -> memref<1x1x128xi32, #tpu.memory_space<vmem>>
    %dma_start3A_2145 = tpu.memref_squeeze %dma_start3A_2144 : memref<1x1x128xi32, #tpu.memory_space<vmem>> -> memref<128xi32, #tpu.memory_space<vmem>>
    %dma_start3A_2146 = arith.constant 0 : i32
    %dma_start3A_2147 = arith.constant 0 : i32
    %dma_start3A_2148 = tpu.memref_slice %arg3[%dma_start3A_2137, %dma_start3A_2146, %dma_start3A_2147] : memref<13x1001x128xf32, #tpu.memory_space<hbm>> -> memref<1x1001x128xf32, #tpu.memory_space<hbm>>
    %dma_start3A_2149 = tpu.memref_squeeze %dma_start3A_2148 : memref<1x1001x128xf32, #tpu.memory_space<hbm>> -> memref<1001x128xf32, #tpu.memory_space<hbm>>
    %dma_start3A_2150 = arith.constant 0 : i32
    %dma_start3A_2151 = arith.constant 0 : i32
    %dma_start3A_2152 = tpu.memref_slice %dma_start3A_2149[%dma_start3A_2150, %dma_start3A_2151] : memref<1001x128xf32, #tpu.memory_space<hbm>> -> memref<1001x128xf32, #tpu.memory_space<hbm>>
    tpu.enqueue_indirect_dma source(%dma_start3A_2152 : memref<1001x128xf32, #tpu.memory_space<hbm>>) target(%dma_start3A_2142 : memref<128x128xf32, #tpu.memory_space<vmem>>) offsets(%dma_start3A_2145 : memref<128xi32, #tpu.memory_space<vmem>>) semaphore(%arg9 : memref<!tpu.dma_semaphore, #tpu.memory_space<semaphore_mem>>) {add = true}
    %dma_start3A_2153 = arith.constant 12 : i32
    %dma_start3A_2154 = arith.constant 12 : i32
    %dma_start3A_2155 = arith.constant 3 : i32
    %dma_start3A_2156 = arith.constant 384 : i32
    %dma_start3A_2157 = arith.constant 0 : i32
    %dma_start3A_2158 = tpu.memref_slice %arg7[%dma_start3A_2156, %dma_start3A_2157] : memref<512x128xf32, #tpu.memory_space<vmem>> -> memref<128x128xf32, #tpu.memory_space<vmem>>
    %dma_start3A_2159 = arith.constant 0 : i32
    %dma_start3A_2160 = tpu.memref_slice %arg6[%dma_start3A_2154, %dma_start3A_2155, %dma_start3A_2159] : memref<13x4x128xi32, #tpu.memory_space<vmem>> -> memref<1x1x128xi32, #tpu.memory_space<vmem>>
    %dma_start3A_2161 = tpu.memref_squeeze %dma_start3A_2160 : memref<1x1x128xi32, #tpu.memory_space<vmem>> -> memref<128xi32, #tpu.memory_space<vmem>>
    %dma_start3A_2162 = arith.constant 0 : i32
    %dma_start3A_2163 = arith.constant 0 : i32
    %dma_start3A_2164 = tpu.memref_slice %arg3[%dma_start3A_2153, %dma_start3A_2162, %dma_start3A_2163] : memref<13x1001x128xf32, #tpu.memory_space<hbm>> -> memref<1x1001x128xf32, #tpu.memory_space<hbm>>
    %dma_start3A_2165 = tpu.memref_squeeze %dma_start3A_2164 : memref<1x1001x128xf32, #tpu.memory_space<hbm>> -> memref<1001x128xf32, #tpu.memory_space<hbm>>
    %dma_start3A_2166 = arith.constant 0 : i32
    %dma_start3A_2167 = arith.constant 0 : i32
    %dma_start3A_2168 = tpu.memref_slice %dma_start3A_2165[%dma_start3A_2166, %dma_start3A_2167] : memref<1001x128xf32, #tpu.memory_space<hbm>> -> memref<1001x128xf32, #tpu.memory_space<hbm>>
    tpu.enqueue_indirect_dma source(%dma_start3A_2168 : memref<1001x128xf32, #tpu.memory_space<hbm>>) target(%dma_start3A_2158 : memref<128x128xf32, #tpu.memory_space<vmem>>) offsets(%dma_start3A_2161 : memref<128xi32, #tpu.memory_space<vmem>>) semaphore(%arg9 : memref<!tpu.dma_semaphore, #tpu.memory_space<semaphore_mem>>) {add = true}
    %dma_wait3A_2169 = arith.constant 0 : i32
    %dma_wait3A_2170 = arith.constant 0 : i32
    %dma_wait3A_2171 = arith.constant 0 : i32
    %dma_wait3A_2172 = arith.constant 0 : i32
    %dma_wait3A_2173 = arith.constant 0 : i32
    %dma_wait3A_2174 = tpu.memref_slice %arg7[%dma_wait3A_2172, %dma_wait3A_2173] : memref<512x128xf32, #tpu.memory_space<vmem>> -> memref<128x128xf32, #tpu.memory_space<vmem>>
    %dma_wait3A_2175 = arith.constant 0 : i32
    %dma_wait3A_2176 = tpu.memref_slice %arg6[%dma_wait3A_2170, %dma_wait3A_2171, %dma_wait3A_2175] : memref<13x4x128xi32, #tpu.memory_space<vmem>> -> memref<1x1x128xi32, #tpu.memory_space<vmem>>
    %dma_wait3A_2177 = tpu.memref_squeeze %dma_wait3A_2176 : memref<1x1x128xi32, #tpu.memory_space<vmem>> -> memref<128xi32, #tpu.memory_space<vmem>>
    %dma_wait3A_2178 = arith.constant 0 : i32
    %dma_wait3A_2179 = arith.constant 0 : i32
    %dma_wait3A_2180 = tpu.memref_slice %arg3[%dma_wait3A_2169, %dma_wait3A_2178, %dma_wait3A_2179] : memref<13x1001x128xf32, #tpu.memory_space<hbm>> -> memref<1x1001x128xf32, #tpu.memory_space<hbm>>
    %dma_wait3A_2181 = tpu.memref_squeeze %dma_wait3A_2180 : memref<1x1001x128xf32, #tpu.memory_space<hbm>> -> memref<1001x128xf32, #tpu.memory_space<hbm>>
    %dma_wait3A_2182 = arith.constant 0 : i32
    %dma_wait3A_2183 = arith.constant 0 : i32
    %dma_wait3A_2184 = tpu.memref_slice %dma_wait3A_2181[%dma_wait3A_2182, %dma_wait3A_2183] : memref<1001x128xf32, #tpu.memory_space<hbm>> -> memref<1001x128xf32, #tpu.memory_space<hbm>>
    tpu.wait_indirect_dma semaphore(%arg9 : memref<!tpu.dma_semaphore, #tpu.memory_space<semaphore_mem>>) src(%dma_wait3A_2184 : memref<1001x128xf32, #tpu.memory_space<hbm>>) dst(%dma_wait3A_2174 : memref<128x128xf32, #tpu.memory_space<vmem>>)
    %dma_wait3A_2185 = arith.constant 1 : i32
    %dma_wait3A_2186 = arith.constant 1 : i32
    %dma_wait3A_2187 = arith.constant 0 : i32
    %dma_wait3A_2188 = arith.constant 0 : i32
    %dma_wait3A_2189 = arith.constant 0 : i32
    %dma_wait3A_2190 = tpu.memref_slice %arg7[%dma_wait3A_2188, %dma_wait3A_2189] : memref<512x128xf32, #tpu.memory_space<vmem>> -> memref<128x128xf32, #tpu.memory_space<vmem>>
    %dma_wait3A_2191 = arith.constant 0 : i32
    %dma_wait3A_2192 = tpu.memref_slice %arg6[%dma_wait3A_2186, %dma_wait3A_2187, %dma_wait3A_2191] : memref<13x4x128xi32, #tpu.memory_space<vmem>> -> memref<1x1x128xi32, #tpu.memory_space<vmem>>
    %dma_wait3A_2193 = tpu.memref_squeeze %dma_wait3A_2192 : memref<1x1x128xi32, #tpu.memory_space<vmem>> -> memref<128xi32, #tpu.memory_space<vmem>>
    %dma_wait3A_2194 = arith.constant 0 : i32
    %dma_wait3A_2195 = arith.constant 0 : i32
    %dma_wait3A_2196 = tpu.memref_slice %arg3[%dma_wait3A_2185, %dma_wait3A_2194, %dma_wait3A_2195] : memref<13x1001x128xf32, #tpu.memory_space<hbm>> -> memref<1x1001x128xf32, #tpu.memory_space<hbm>>
    %dma_wait3A_2197 = tpu.memref_squeeze %dma_wait3A_2196 : memref<1x1001x128xf32, #tpu.memory_space<hbm>> -> memref<1001x128xf32, #tpu.memory_space<hbm>>
    %dma_wait3A_2198 = arith.constant 0 : i32
    %dma_wait3A_2199 = arith.constant 0 : i32
    %dma_wait3A_2200 = tpu.memref_slice %dma_wait3A_2197[%dma_wait3A_2198, %dma_wait3A_2199] : memref<1001x128xf32, #tpu.memory_space<hbm>> -> memref<1001x128xf32, #tpu.memory_space<hbm>>
    tpu.wait_indirect_dma semaphore(%arg9 : memref<!tpu.dma_semaphore, #tpu.memory_space<semaphore_mem>>) src(%dma_wait3A_2200 : memref<1001x128xf32, #tpu.memory_space<hbm>>) dst(%dma_wait3A_2190 : memref<128x128xf32, #tpu.memory_space<vmem>>)
    %dma_wait3A_2201 = arith.constant 2 : i32
    %dma_wait3A_2202 = arith.constant 2 : i32
    %dma_wait3A_2203 = arith.constant 0 : i32
    %dma_wait3A_2204 = arith.constant 0 : i32
    %dma_wait3A_2205 = arith.constant 0 : i32
    %dma_wait3A_2206 = tpu.memref_slice %arg7[%dma_wait3A_2204, %dma_wait3A_2205] : memref<512x128xf32, #tpu.memory_space<vmem>> -> memref<128x128xf32, #tpu.memory_space<vmem>>
    %dma_wait3A_2207 = arith.constant 0 : i32
    %dma_wait3A_2208 = tpu.memref_slice %arg6[%dma_wait3A_2202, %dma_wait3A_2203, %dma_wait3A_2207] : memref<13x4x128xi32, #tpu.memory_space<vmem>> -> memref<1x1x128xi32, #tpu.memory_space<vmem>>
    %dma_wait3A_2209 = tpu.memref_squeeze %dma_wait3A_2208 : memref<1x1x128xi32, #tpu.memory_space<vmem>> -> memref<128xi32, #tpu.memory_space<vmem>>
    %dma_wait3A_2210 = arith.constant 0 : i32
    %dma_wait3A_2211 = arith.constant 0 : i32
    %dma_wait3A_2212 = tpu.memref_slice %arg3[%dma_wait3A_2201, %dma_wait3A_2210, %dma_wait3A_2211] : memref<13x1001x128xf32, #tpu.memory_space<hbm>> -> memref<1x1001x128xf32, #tpu.memory_space<hbm>>
    %dma_wait3A_2213 = tpu.memref_squeeze %dma_wait3A_2212 : memref<1x1001x128xf32, #tpu.memory_space<hbm>> -> memref<1001x128xf32, #tpu.memory_space<hbm>>
    %dma_wait3A_2214 = arith.constant 0 : i32
    %dma_wait3A_2215 = arith.constant 0 : i32
    %dma_wait3A_2216 = tpu.memref_slice %dma_wait3A_2213[%dma_wait3A_2214, %dma_wait3A_2215] : memref<1001x128xf32, #tpu.memory_space<hbm>> -> memref<1001x128xf32, #tpu.memory_space<hbm>>
    tpu.wait_indirect_dma semaphore(%arg9 : memref<!tpu.dma_semaphore, #tpu.memory_space<semaphore_mem>>) src(%dma_wait3A_2216 : memref<1001x128xf32, #tpu.memory_space<hbm>>) dst(%dma_wait3A_2206 : memref<128x128xf32, #tpu.memory_space<vmem>>)
    %dma_wait3A_2217 = arith.constant 3 : i32
    %dma_wait3A_2218 = arith.constant 3 : i32
    %dma_wait3A_2219 = arith.constant 0 : i32
    %dma_wait3A_2220 = arith.constant 0 : i32
    %dma_wait3A_2221 = arith.constant 0 : i32
    %dma_wait3A_2222 = tpu.memref_slice %arg7[%dma_wait3A_2220, %dma_wait3A_2221] : memref<512x128xf32, #tpu.memory_space<vmem>> -> memref<128x128xf32, #tpu.memory_space<vmem>>
    %dma_wait3A_2223 = arith.constant 0 : i32
    %dma_wait3A_2224 = tpu.memref_slice %arg6[%dma_wait3A_2218, %dma_wait3A_2219, %dma_wait3A_2223] : memref<13x4x128xi32, #tpu.memory_space<vmem>> -> memref<1x1x128xi32, #tpu.memory_space<vmem>>
    %dma_wait3A_2225 = tpu.memref_squeeze %dma_wait3A_2224 : memref<1x1x128xi32, #tpu.memory_space<vmem>> -> memref<128xi32, #tpu.memory_space<vmem>>
    %dma_wait3A_2226 = arith.constant 0 : i32
    %dma_wait3A_2227 = arith.constant 0 : i32
    %dma_wait3A_2228 = tpu.memref_slice %arg3[%dma_wait3A_2217, %dma_wait3A_2226, %dma_wait3A_2227] : memref<13x1001x128xf32, #tpu.memory_space<hbm>> -> memref<1x1001x128xf32, #tpu.memory_space<hbm>>
    %dma_wait3A_2229 = tpu.memref_squeeze %dma_wait3A_2228 : memref<1x1001x128xf32, #tpu.memory_space<hbm>> -> memref<1001x128xf32, #tpu.memory_space<hbm>>
    %dma_wait3A_2230 = arith.constant 0 : i32
    %dma_wait3A_2231 = arith.constant 0 : i32
    %dma_wait3A_2232 = tpu.memref_slice %dma_wait3A_2229[%dma_wait3A_2230, %dma_wait3A_2231] : memref<1001x128xf32, #tpu.memory_space<hbm>> -> memref<1001x128xf32, #tpu.memory_space<hbm>>
    tpu.wait_indirect_dma semaphore(%arg9 : memref<!tpu.dma_semaphore, #tpu.memory_space<semaphore_mem>>) src(%dma_wait3A_2232 : memref<1001x128xf32, #tpu.memory_space<hbm>>) dst(%dma_wait3A_2222 : memref<128x128xf32, #tpu.memory_space<vmem>>)
    %dma_wait3A_2233 = arith.constant 4 : i32
    %dma_wait3A_2234 = arith.constant 4 : i32
    %dma_wait3A_2235 = arith.constant 0 : i32
    %dma_wait3A_2236 = arith.constant 0 : i32
    %dma_wait3A_2237 = arith.constant 0 : i32
    %dma_wait3A_2238 = tpu.memref_slice %arg7[%dma_wait3A_2236, %dma_wait3A_2237] : memref<512x128xf32, #tpu.memory_space<vmem>> -> memref<128x128xf32, #tpu.memory_space<vmem>>
    %dma_wait3A_2239 = arith.constant 0 : i32
    %dma_wait3A_2240 = tpu.memref_slice %arg6[%dma_wait3A_2234, %dma_wait3A_2235, %dma_wait3A_2239] : memref<13x4x128xi32, #tpu.memory_space<vmem>> -> memref<1x1x128xi32, #tpu.memory_space<vmem>>
    %dma_wait3A_2241 = tpu.memref_squeeze %dma_wait3A_2240 : memref<1x1x128xi32, #tpu.memory_space<vmem>> -> memref<128xi32, #tpu.memory_space<vmem>>
    %dma_wait3A_2242 = arith.constant 0 : i32
    %dma_wait3A_2243 = arith.constant 0 : i32
    %dma_wait3A_2244 = tpu.memref_slice %arg3[%dma_wait3A_2233, %dma_wait3A_2242, %dma_wait3A_2243] : memref<13x1001x128xf32, #tpu.memory_space<hbm>> -> memref<1x1001x128xf32, #tpu.memory_space<hbm>>
    %dma_wait3A_2245 = tpu.memref_squeeze %dma_wait3A_2244 : memref<1x1001x128xf32, #tpu.memory_space<hbm>> -> memref<1001x128xf32, #tpu.memory_space<hbm>>
    %dma_wait3A_2246 = arith.constant 0 : i32
    %dma_wait3A_2247 = arith.constant 0 : i32
    %dma_wait3A_2248 = tpu.memref_slice %dma_wait3A_2245[%dma_wait3A_2246, %dma_wait3A_2247] : memref<1001x128xf32, #tpu.memory_space<hbm>> -> memref<1001x128xf32, #tpu.memory_space<hbm>>
    tpu.wait_indirect_dma semaphore(%arg9 : memref<!tpu.dma_semaphore, #tpu.memory_space<semaphore_mem>>) src(%dma_wait3A_2248 : memref<1001x128xf32, #tpu.memory_space<hbm>>) dst(%dma_wait3A_2238 : memref<128x128xf32, #tpu.memory_space<vmem>>)
    %dma_wait3A_2249 = arith.constant 5 : i32
    %dma_wait3A_2250 = arith.constant 5 : i32
    %dma_wait3A_2251 = arith.constant 0 : i32
    %dma_wait3A_2252 = arith.constant 0 : i32
    %dma_wait3A_2253 = arith.constant 0 : i32
    %dma_wait3A_2254 = tpu.memref_slice %arg7[%dma_wait3A_2252, %dma_wait3A_2253] : memref<512x128xf32, #tpu.memory_space<vmem>> -> memref<128x128xf32, #tpu.memory_space<vmem>>
    %dma_wait3A_2255 = arith.constant 0 : i32
    %dma_wait3A_2256 = tpu.memref_slice %arg6[%dma_wait3A_2250, %dma_wait3A_2251, %dma_wait3A_2255] : memref<13x4x128xi32, #tpu.memory_space<vmem>> -> memref<1x1x128xi32, #tpu.memory_space<vmem>>
    %dma_wait3A_2257 = tpu.memref_squeeze %dma_wait3A_2256 : memref<1x1x128xi32, #tpu.memory_space<vmem>> -> memref<128xi32, #tpu.memory_space<vmem>>
    %dma_wait3A_2258 = arith.constant 0 : i32
    %dma_wait3A_2259 = arith.constant 0 : i32
    %dma_wait3A_2260 = tpu.memref_slice %arg3[%dma_wait3A_2249, %dma_wait3A_2258, %dma_wait3A_2259] : memref<13x1001x128xf32, #tpu.memory_space<hbm>> -> memref<1x1001x128xf32, #tpu.memory_space<hbm>>
    %dma_wait3A_2261 = tpu.memref_squeeze %dma_wait3A_2260 : memref<1x1001x128xf32, #tpu.memory_space<hbm>> -> memref<1001x128xf32, #tpu.memory_space<hbm>>
    %dma_wait3A_2262 = arith.constant 0 : i32
    %dma_wait3A_2263 = arith.constant 0 : i32
    %dma_wait3A_2264 = tpu.memref_slice %dma_wait3A_2261[%dma_wait3A_2262, %dma_wait3A_2263] : memref<1001x128xf32, #tpu.memory_space<hbm>> -> memref<1001x128xf32, #tpu.memory_space<hbm>>
    tpu.wait_indirect_dma semaphore(%arg9 : memref<!tpu.dma_semaphore, #tpu.memory_space<semaphore_mem>>) src(%dma_wait3A_2264 : memref<1001x128xf32, #tpu.memory_space<hbm>>) dst(%dma_wait3A_2254 : memref<128x128xf32, #tpu.memory_space<vmem>>)
    %dma_wait3A_2265 = arith.constant 6 : i32
    %dma_wait3A_2266 = arith.constant 6 : i32
    %dma_wait3A_2267 = arith.constant 0 : i32
    %dma_wait3A_2268 = arith.constant 0 : i32
    %dma_wait3A_2269 = arith.constant 0 : i32
    %dma_wait3A_2270 = tpu.memref_slice %arg7[%dma_wait3A_2268, %dma_wait3A_2269] : memref<512x128xf32, #tpu.memory_space<vmem>> -> memref<128x128xf32, #tpu.memory_space<vmem>>
    %dma_wait3A_2271 = arith.constant 0 : i32
    %dma_wait3A_2272 = tpu.memref_slice %arg6[%dma_wait3A_2266, %dma_wait3A_2267, %dma_wait3A_2271] : memref<13x4x128xi32, #tpu.memory_space<vmem>> -> memref<1x1x128xi32, #tpu.memory_space<vmem>>
    %dma_wait3A_2273 = tpu.memref_squeeze %dma_wait3A_2272 : memref<1x1x128xi32, #tpu.memory_space<vmem>> -> memref<128xi32, #tpu.memory_space<vmem>>
    %dma_wait3A_2274 = arith.constant 0 : i32
    %dma_wait3A_2275 = arith.constant 0 : i32
    %dma_wait3A_2276 = tpu.memref_slice %arg3[%dma_wait3A_2265, %dma_wait3A_2274, %dma_wait3A_2275] : memref<13x1001x128xf32, #tpu.memory_space<hbm>> -> memref<1x1001x128xf32, #tpu.memory_space<hbm>>
    %dma_wait3A_2277 = tpu.memref_squeeze %dma_wait3A_2276 : memref<1x1001x128xf32, #tpu.memory_space<hbm>> -> memref<1001x128xf32, #tpu.memory_space<hbm>>
    %dma_wait3A_2278 = arith.constant 0 : i32
    %dma_wait3A_2279 = arith.constant 0 : i32
    %dma_wait3A_2280 = tpu.memref_slice %dma_wait3A_2277[%dma_wait3A_2278, %dma_wait3A_2279] : memref<1001x128xf32, #tpu.memory_space<hbm>> -> memref<1001x128xf32, #tpu.memory_space<hbm>>
    tpu.wait_indirect_dma semaphore(%arg9 : memref<!tpu.dma_semaphore, #tpu.memory_space<semaphore_mem>>) src(%dma_wait3A_2280 : memref<1001x128xf32, #tpu.memory_space<hbm>>) dst(%dma_wait3A_2270 : memref<128x128xf32, #tpu.memory_space<vmem>>)
    %dma_wait3A_2281 = arith.constant 7 : i32
    %dma_wait3A_2282 = arith.constant 7 : i32
    %dma_wait3A_2283 = arith.constant 0 : i32
    %dma_wait3A_2284 = arith.constant 0 : i32
    %dma_wait3A_2285 = arith.constant 0 : i32
    %dma_wait3A_2286 = tpu.memref_slice %arg7[%dma_wait3A_2284, %dma_wait3A_2285] : memref<512x128xf32, #tpu.memory_space<vmem>> -> memref<128x128xf32, #tpu.memory_space<vmem>>
    %dma_wait3A_2287 = arith.constant 0 : i32
    %dma_wait3A_2288 = tpu.memref_slice %arg6[%dma_wait3A_2282, %dma_wait3A_2283, %dma_wait3A_2287] : memref<13x4x128xi32, #tpu.memory_space<vmem>> -> memref<1x1x128xi32, #tpu.memory_space<vmem>>
    %dma_wait3A_2289 = tpu.memref_squeeze %dma_wait3A_2288 : memref<1x1x128xi32, #tpu.memory_space<vmem>> -> memref<128xi32, #tpu.memory_space<vmem>>
    %dma_wait3A_2290 = arith.constant 0 : i32
    %dma_wait3A_2291 = arith.constant 0 : i32
    %dma_wait3A_2292 = tpu.memref_slice %arg3[%dma_wait3A_2281, %dma_wait3A_2290, %dma_wait3A_2291] : memref<13x1001x128xf32, #tpu.memory_space<hbm>> -> memref<1x1001x128xf32, #tpu.memory_space<hbm>>
    %dma_wait3A_2293 = tpu.memref_squeeze %dma_wait3A_2292 : memref<1x1001x128xf32, #tpu.memory_space<hbm>> -> memref<1001x128xf32, #tpu.memory_space<hbm>>
    %dma_wait3A_2294 = arith.constant 0 : i32
    %dma_wait3A_2295 = arith.constant 0 : i32
    %dma_wait3A_2296 = tpu.memref_slice %dma_wait3A_2293[%dma_wait3A_2294, %dma_wait3A_2295] : memref<1001x128xf32, #tpu.memory_space<hbm>> -> memref<1001x128xf32, #tpu.memory_space<hbm>>
    tpu.wait_indirect_dma semaphore(%arg9 : memref<!tpu.dma_semaphore, #tpu.memory_space<semaphore_mem>>) src(%dma_wait3A_2296 : memref<1001x128xf32, #tpu.memory_space<hbm>>) dst(%dma_wait3A_2286 : memref<128x128xf32, #tpu.memory_space<vmem>>)
    %dma_wait3A_2297 = arith.constant 8 : i32
    %dma_wait3A_2298 = arith.constant 8 : i32
    %dma_wait3A_2299 = arith.constant 0 : i32
    %dma_wait3A_2300 = arith.constant 0 : i32
    %dma_wait3A_2301 = arith.constant 0 : i32
    %dma_wait3A_2302 = tpu.memref_slice %arg7[%dma_wait3A_2300, %dma_wait3A_2301] : memref<512x128xf32, #tpu.memory_space<vmem>> -> memref<128x128xf32, #tpu.memory_space<vmem>>
    %dma_wait3A_2303 = arith.constant 0 : i32
    %dma_wait3A_2304 = tpu.memref_slice %arg6[%dma_wait3A_2298, %dma_wait3A_2299, %dma_wait3A_2303] : memref<13x4x128xi32, #tpu.memory_space<vmem>> -> memref<1x1x128xi32, #tpu.memory_space<vmem>>
    %dma_wait3A_2305 = tpu.memref_squeeze %dma_wait3A_2304 : memref<1x1x128xi32, #tpu.memory_space<vmem>> -> memref<128xi32, #tpu.memory_space<vmem>>
    %dma_wait3A_2306 = arith.constant 0 : i32
    %dma_wait3A_2307 = arith.constant 0 : i32
    %dma_wait3A_2308 = tpu.memref_slice %arg3[%dma_wait3A_2297, %dma_wait3A_2306, %dma_wait3A_2307] : memref<13x1001x128xf32, #tpu.memory_space<hbm>> -> memref<1x1001x128xf32, #tpu.memory_space<hbm>>
    %dma_wait3A_2309 = tpu.memref_squeeze %dma_wait3A_2308 : memref<1x1001x128xf32, #tpu.memory_space<hbm>> -> memref<1001x128xf32, #tpu.memory_space<hbm>>
    %dma_wait3A_2310 = arith.constant 0 : i32
    %dma_wait3A_2311 = arith.constant 0 : i32
    %dma_wait3A_2312 = tpu.memref_slice %dma_wait3A_2309[%dma_wait3A_2310, %dma_wait3A_2311] : memref<1001x128xf32, #tpu.memory_space<hbm>> -> memref<1001x128xf32, #tpu.memory_space<hbm>>
    tpu.wait_indirect_dma semaphore(%arg9 : memref<!tpu.dma_semaphore, #tpu.memory_space<semaphore_mem>>) src(%dma_wait3A_2312 : memref<1001x128xf32, #tpu.memory_space<hbm>>) dst(%dma_wait3A_2302 : memref<128x128xf32, #tpu.memory_space<vmem>>)
    %dma_wait3A_2313 = arith.constant 9 : i32
    %dma_wait3A_2314 = arith.constant 9 : i32
    %dma_wait3A_2315 = arith.constant 0 : i32
    %dma_wait3A_2316 = arith.constant 0 : i32
    %dma_wait3A_2317 = arith.constant 0 : i32
    %dma_wait3A_2318 = tpu.memref_slice %arg7[%dma_wait3A_2316, %dma_wait3A_2317] : memref<512x128xf32, #tpu.memory_space<vmem>> -> memref<128x128xf32, #tpu.memory_space<vmem>>
    %dma_wait3A_2319 = arith.constant 0 : i32
    %dma_wait3A_2320 = tpu.memref_slice %arg6[%dma_wait3A_2314, %dma_wait3A_2315, %dma_wait3A_2319] : memref<13x4x128xi32, #tpu.memory_space<vmem>> -> memref<1x1x128xi32, #tpu.memory_space<vmem>>
    %dma_wait3A_2321 = tpu.memref_squeeze %dma_wait3A_2320 : memref<1x1x128xi32, #tpu.memory_space<vmem>> -> memref<128xi32, #tpu.memory_space<vmem>>
    %dma_wait3A_2322 = arith.constant 0 : i32
    %dma_wait3A_2323 = arith.constant 0 : i32
    %dma_wait3A_2324 = tpu.memref_slice %arg3[%dma_wait3A_2313, %dma_wait3A_2322, %dma_wait3A_2323] : memref<13x1001x128xf32, #tpu.memory_space<hbm>> -> memref<1x1001x128xf32, #tpu.memory_space<hbm>>
    %dma_wait3A_2325 = tpu.memref_squeeze %dma_wait3A_2324 : memref<1x1001x128xf32, #tpu.memory_space<hbm>> -> memref<1001x128xf32, #tpu.memory_space<hbm>>
    %dma_wait3A_2326 = arith.constant 0 : i32
    %dma_wait3A_2327 = arith.constant 0 : i32
    %dma_wait3A_2328 = tpu.memref_slice %dma_wait3A_2325[%dma_wait3A_2326, %dma_wait3A_2327] : memref<1001x128xf32, #tpu.memory_space<hbm>> -> memref<1001x128xf32, #tpu.memory_space<hbm>>
    tpu.wait_indirect_dma semaphore(%arg9 : memref<!tpu.dma_semaphore, #tpu.memory_space<semaphore_mem>>) src(%dma_wait3A_2328 : memref<1001x128xf32, #tpu.memory_space<hbm>>) dst(%dma_wait3A_2318 : memref<128x128xf32, #tpu.memory_space<vmem>>)
    %dma_wait3A_2329 = arith.constant 10 : i32
    %dma_wait3A_2330 = arith.constant 10 : i32
    %dma_wait3A_2331 = arith.constant 0 : i32
    %dma_wait3A_2332 = arith.constant 0 : i32
    %dma_wait3A_2333 = arith.constant 0 : i32
    %dma_wait3A_2334 = tpu.memref_slice %arg7[%dma_wait3A_2332, %dma_wait3A_2333] : memref<512x128xf32, #tpu.memory_space<vmem>> -> memref<128x128xf32, #tpu.memory_space<vmem>>
    %dma_wait3A_2335 = arith.constant 0 : i32
    %dma_wait3A_2336 = tpu.memref_slice %arg6[%dma_wait3A_2330, %dma_wait3A_2331, %dma_wait3A_2335] : memref<13x4x128xi32, #tpu.memory_space<vmem>> -> memref<1x1x128xi32, #tpu.memory_space<vmem>>
    %dma_wait3A_2337 = tpu.memref_squeeze %dma_wait3A_2336 : memref<1x1x128xi32, #tpu.memory_space<vmem>> -> memref<128xi32, #tpu.memory_space<vmem>>
    %dma_wait3A_2338 = arith.constant 0 : i32
    %dma_wait3A_2339 = arith.constant 0 : i32
    %dma_wait3A_2340 = tpu.memref_slice %arg3[%dma_wait3A_2329, %dma_wait3A_2338, %dma_wait3A_2339] : memref<13x1001x128xf32, #tpu.memory_space<hbm>> -> memref<1x1001x128xf32, #tpu.memory_space<hbm>>
    %dma_wait3A_2341 = tpu.memref_squeeze %dma_wait3A_2340 : memref<1x1001x128xf32, #tpu.memory_space<hbm>> -> memref<1001x128xf32, #tpu.memory_space<hbm>>
    %dma_wait3A_2342 = arith.constant 0 : i32
    %dma_wait3A_2343 = arith.constant 0 : i32
    %dma_wait3A_2344 = tpu.memref_slice %dma_wait3A_2341[%dma_wait3A_2342, %dma_wait3A_2343] : memref<1001x128xf32, #tpu.memory_space<hbm>> -> memref<1001x128xf32, #tpu.memory_space<hbm>>
    tpu.wait_indirect_dma semaphore(%arg9 : memref<!tpu.dma_semaphore, #tpu.memory_space<semaphore_mem>>) src(%dma_wait3A_2344 : memref<1001x128xf32, #tpu.memory_space<hbm>>) dst(%dma_wait3A_2334 : memref<128x128xf32, #tpu.memory_space<vmem>>)
    %dma_wait3A_2345 = arith.constant 11 : i32
    %dma_wait3A_2346 = arith.constant 11 : i32
    %dma_wait3A_2347 = arith.constant 0 : i32
    %dma_wait3A_2348 = arith.constant 0 : i32
    %dma_wait3A_2349 = arith.constant 0 : i32
    %dma_wait3A_2350 = tpu.memref_slice %arg7[%dma_wait3A_2348, %dma_wait3A_2349] : memref<512x128xf32, #tpu.memory_space<vmem>> -> memref<128x128xf32, #tpu.memory_space<vmem>>
    %dma_wait3A_2351 = arith.constant 0 : i32
    %dma_wait3A_2352 = tpu.memref_slice %arg6[%dma_wait3A_2346, %dma_wait3A_2347, %dma_wait3A_2351] : memref<13x4x128xi32, #tpu.memory_space<vmem>> -> memref<1x1x128xi32, #tpu.memory_space<vmem>>
    %dma_wait3A_2353 = tpu.memref_squeeze %dma_wait3A_2352 : memref<1x1x128xi32, #tpu.memory_space<vmem>> -> memref<128xi32, #tpu.memory_space<vmem>>
    %dma_wait3A_2354 = arith.constant 0 : i32
    %dma_wait3A_2355 = arith.constant 0 : i32
    %dma_wait3A_2356 = tpu.memref_slice %arg3[%dma_wait3A_2345, %dma_wait3A_2354, %dma_wait3A_2355] : memref<13x1001x128xf32, #tpu.memory_space<hbm>> -> memref<1x1001x128xf32, #tpu.memory_space<hbm>>
    %dma_wait3A_2357 = tpu.memref_squeeze %dma_wait3A_2356 : memref<1x1001x128xf32, #tpu.memory_space<hbm>> -> memref<1001x128xf32, #tpu.memory_space<hbm>>
    %dma_wait3A_2358 = arith.constant 0 : i32
    %dma_wait3A_2359 = arith.constant 0 : i32
    %dma_wait3A_2360 = tpu.memref_slice %dma_wait3A_2357[%dma_wait3A_2358, %dma_wait3A_2359] : memref<1001x128xf32, #tpu.memory_space<hbm>> -> memref<1001x128xf32, #tpu.memory_space<hbm>>
    tpu.wait_indirect_dma semaphore(%arg9 : memref<!tpu.dma_semaphore, #tpu.memory_space<semaphore_mem>>) src(%dma_wait3A_2360 : memref<1001x128xf32, #tpu.memory_space<hbm>>) dst(%dma_wait3A_2350 : memref<128x128xf32, #tpu.memory_space<vmem>>)
    %dma_wait3A_2361 = arith.constant 12 : i32
    %dma_wait3A_2362 = arith.constant 12 : i32
    %dma_wait3A_2363 = arith.constant 0 : i32
    %dma_wait3A_2364 = arith.constant 0 : i32
    %dma_wait3A_2365 = arith.constant 0 : i32
    %dma_wait3A_2366 = tpu.memref_slice %arg7[%dma_wait3A_2364, %dma_wait3A_2365] : memref<512x128xf32, #tpu.memory_space<vmem>> -> memref<128x128xf32, #tpu.memory_space<vmem>>
    %dma_wait3A_2367 = arith.constant 0 : i32
    %dma_wait3A_2368 = tpu.memref_slice %arg6[%dma_wait3A_2362, %dma_wait3A_2363, %dma_wait3A_2367] : memref<13x4x128xi32, #tpu.memory_space<vmem>> -> memref<1x1x128xi32, #tpu.memory_space<vmem>>
    %dma_wait3A_2369 = tpu.memref_squeeze %dma_wait3A_2368 : memref<1x1x128xi32, #tpu.memory_space<vmem>> -> memref<128xi32, #tpu.memory_space<vmem>>
    %dma_wait3A_2370 = arith.constant 0 : i32
    %dma_wait3A_2371 = arith.constant 0 : i32
    %dma_wait3A_2372 = tpu.memref_slice %arg3[%dma_wait3A_2361, %dma_wait3A_2370, %dma_wait3A_2371] : memref<13x1001x128xf32, #tpu.memory_space<hbm>> -> memref<1x1001x128xf32, #tpu.memory_space<hbm>>
    %dma_wait3A_2373 = tpu.memref_squeeze %dma_wait3A_2372 : memref<1x1001x128xf32, #tpu.memory_space<hbm>> -> memref<1001x128xf32, #tpu.memory_space<hbm>>
    %dma_wait3A_2374 = arith.constant 0 : i32
    %dma_wait3A_2375 = arith.constant 0 : i32
    %dma_wait3A_2376 = tpu.memref_slice %dma_wait3A_2373[%dma_wait3A_2374, %dma_wait3A_2375] : memref<1001x128xf32, #tpu.memory_space<hbm>> -> memref<1001x128xf32, #tpu.memory_space<hbm>>
    tpu.wait_indirect_dma semaphore(%arg9 : memref<!tpu.dma_semaphore, #tpu.memory_space<semaphore_mem>>) src(%dma_wait3A_2376 : memref<1001x128xf32, #tpu.memory_space<hbm>>) dst(%dma_wait3A_2366 : memref<128x128xf32, #tpu.memory_space<vmem>>)
    %add3A_2377 = arith.constant 0 : i32
    %add3A_2378 = arith.addi %mul3A_2, %add3A_2377 : i32
    %dma_start3A_2379 = arith.constant 0 : i32
    %dma_start3A_2380 = arith.constant 0 : i32
    %dma_start3A_2381 = tpu.memref_slice %arg7[%dma_start3A_2379, %dma_start3A_2380] : memref<512x128xf32, #tpu.memory_space<vmem>> -> memref<128x128xf32, #tpu.memory_space<vmem>>
    %dma_start3A_2382 = arith.constant 0 : i32
    %dma_start3A_2383 = tpu.memref_slice %arg5[%add3A_2378, %dma_start3A_2382] : memref<16384x128xf32, #tpu.memory_space<hbm>> -> memref<128x128xf32, #tpu.memory_space<hbm>>
    %dma_start3A_2384 = arith.constant 0 : i32
    %dma_start3A_2385 = tpu.memref_slice %arg5[%add3A_2378, %dma_start3A_2384] : memref<16384x128xf32, #tpu.memory_space<hbm>> -> memref<128x128xf32, #tpu.memory_space<hbm>>
    %dma_start3A_2386 = arith.constant 0 : i32
    %dma_start3A_2387 = arith.constant 0 : i32
    %dma_start3A_2388 = tpu.memref_slice %arg7[%dma_start3A_2386, %dma_start3A_2387] : memref<512x128xf32, #tpu.memory_space<vmem>> -> memref<128x128xf32, #tpu.memory_space<vmem>>
    tpu.enqueue_dma source(%dma_start3A_2388 : memref<128x128xf32, #tpu.memory_space<vmem>>) target(%dma_start3A_2385 : memref<128x128xf32, #tpu.memory_space<hbm>>) target_semaphore(%arg11 : memref<!tpu.dma_semaphore, #tpu.memory_space<semaphore_mem>>)
    %dma_wait3A_2389 = arith.constant 0 : i32
    %dma_wait3A_2390 = arith.constant 0 : i32
    %dma_wait3A_2391 = arith.constant 1 : i32
    %dma_wait3A_2392 = arith.constant 128 : i32
    %dma_wait3A_2393 = arith.constant 0 : i32
    %dma_wait3A_2394 = tpu.memref_slice %arg7[%dma_wait3A_2392, %dma_wait3A_2393] : memref<512x128xf32, #tpu.memory_space<vmem>> -> memref<128x128xf32, #tpu.memory_space<vmem>>
    %dma_wait3A_2395 = arith.constant 0 : i32
    %dma_wait3A_2396 = tpu.memref_slice %arg6[%dma_wait3A_2390, %dma_wait3A_2391, %dma_wait3A_2395] : memref<13x4x128xi32, #tpu.memory_space<vmem>> -> memref<1x1x128xi32, #tpu.memory_space<vmem>>
    %dma_wait3A_2397 = tpu.memref_squeeze %dma_wait3A_2396 : memref<1x1x128xi32, #tpu.memory_space<vmem>> -> memref<128xi32, #tpu.memory_space<vmem>>
    %dma_wait3A_2398 = arith.constant 0 : i32
    %dma_wait3A_2399 = arith.constant 0 : i32
    %dma_wait3A_2400 = tpu.memref_slice %arg3[%dma_wait3A_2389, %dma_wait3A_2398, %dma_wait3A_2399] : memref<13x1001x128xf32, #tpu.memory_space<hbm>> -> memref<1x1001x128xf32, #tpu.memory_space<hbm>>
    %dma_wait3A_2401 = tpu.memref_squeeze %dma_wait3A_2400 : memref<1x1001x128xf32, #tpu.memory_space<hbm>> -> memref<1001x128xf32, #tpu.memory_space<hbm>>
    %dma_wait3A_2402 = arith.constant 0 : i32
    %dma_wait3A_2403 = arith.constant 0 : i32
    %dma_wait3A_2404 = tpu.memref_slice %dma_wait3A_2401[%dma_wait3A_2402, %dma_wait3A_2403] : memref<1001x128xf32, #tpu.memory_space<hbm>> -> memref<1001x128xf32, #tpu.memory_space<hbm>>
    tpu.wait_indirect_dma semaphore(%arg9 : memref<!tpu.dma_semaphore, #tpu.memory_space<semaphore_mem>>) src(%dma_wait3A_2404 : memref<1001x128xf32, #tpu.memory_space<hbm>>) dst(%dma_wait3A_2394 : memref<128x128xf32, #tpu.memory_space<vmem>>)
    %dma_wait3A_2405 = arith.constant 1 : i32
    %dma_wait3A_2406 = arith.constant 1 : i32
    %dma_wait3A_2407 = arith.constant 1 : i32
    %dma_wait3A_2408 = arith.constant 128 : i32
    %dma_wait3A_2409 = arith.constant 0 : i32
    %dma_wait3A_2410 = tpu.memref_slice %arg7[%dma_wait3A_2408, %dma_wait3A_2409] : memref<512x128xf32, #tpu.memory_space<vmem>> -> memref<128x128xf32, #tpu.memory_space<vmem>>
    %dma_wait3A_2411 = arith.constant 0 : i32
    %dma_wait3A_2412 = tpu.memref_slice %arg6[%dma_wait3A_2406, %dma_wait3A_2407, %dma_wait3A_2411] : memref<13x4x128xi32, #tpu.memory_space<vmem>> -> memref<1x1x128xi32, #tpu.memory_space<vmem>>
    %dma_wait3A_2413 = tpu.memref_squeeze %dma_wait3A_2412 : memref<1x1x128xi32, #tpu.memory_space<vmem>> -> memref<128xi32, #tpu.memory_space<vmem>>
    %dma_wait3A_2414 = arith.constant 0 : i32
    %dma_wait3A_2415 = arith.constant 0 : i32
    %dma_wait3A_2416 = tpu.memref_slice %arg3[%dma_wait3A_2405, %dma_wait3A_2414, %dma_wait3A_2415] : memref<13x1001x128xf32, #tpu.memory_space<hbm>> -> memref<1x1001x128xf32, #tpu.memory_space<hbm>>
    %dma_wait3A_2417 = tpu.memref_squeeze %dma_wait3A_2416 : memref<1x1001x128xf32, #tpu.memory_space<hbm>> -> memref<1001x128xf32, #tpu.memory_space<hbm>>
    %dma_wait3A_2418 = arith.constant 0 : i32
    %dma_wait3A_2419 = arith.constant 0 : i32
    %dma_wait3A_2420 = tpu.memref_slice %dma_wait3A_2417[%dma_wait3A_2418, %dma_wait3A_2419] : memref<1001x128xf32, #tpu.memory_space<hbm>> -> memref<1001x128xf32, #tpu.memory_space<hbm>>
    tpu.wait_indirect_dma semaphore(%arg9 : memref<!tpu.dma_semaphore, #tpu.memory_space<semaphore_mem>>) src(%dma_wait3A_2420 : memref<1001x128xf32, #tpu.memory_space<hbm>>) dst(%dma_wait3A_2410 : memref<128x128xf32, #tpu.memory_space<vmem>>)
    %dma_wait3A_2421 = arith.constant 2 : i32
    %dma_wait3A_2422 = arith.constant 2 : i32
    %dma_wait3A_2423 = arith.constant 1 : i32
    %dma_wait3A_2424 = arith.constant 128 : i32
    %dma_wait3A_2425 = arith.constant 0 : i32
    %dma_wait3A_2426 = tpu.memref_slice %arg7[%dma_wait3A_2424, %dma_wait3A_2425] : memref<512x128xf32, #tpu.memory_space<vmem>> -> memref<128x128xf32, #tpu.memory_space<vmem>>
    %dma_wait3A_2427 = arith.constant 0 : i32
    %dma_wait3A_2428 = tpu.memref_slice %arg6[%dma_wait3A_2422, %dma_wait3A_2423, %dma_wait3A_2427] : memref<13x4x128xi32, #tpu.memory_space<vmem>> -> memref<1x1x128xi32, #tpu.memory_space<vmem>>
    %dma_wait3A_2429 = tpu.memref_squeeze %dma_wait3A_2428 : memref<1x1x128xi32, #tpu.memory_space<vmem>> -> memref<128xi32, #tpu.memory_space<vmem>>
    %dma_wait3A_2430 = arith.constant 0 : i32
    %dma_wait3A_2431 = arith.constant 0 : i32
    %dma_wait3A_2432 = tpu.memref_slice %arg3[%dma_wait3A_2421, %dma_wait3A_2430, %dma_wait3A_2431] : memref<13x1001x128xf32, #tpu.memory_space<hbm>> -> memref<1x1001x128xf32, #tpu.memory_space<hbm>>
    %dma_wait3A_2433 = tpu.memref_squeeze %dma_wait3A_2432 : memref<1x1001x128xf32, #tpu.memory_space<hbm>> -> memref<1001x128xf32, #tpu.memory_space<hbm>>
    %dma_wait3A_2434 = arith.constant 0 : i32
    %dma_wait3A_2435 = arith.constant 0 : i32
    %dma_wait3A_2436 = tpu.memref_slice %dma_wait3A_2433[%dma_wait3A_2434, %dma_wait3A_2435] : memref<1001x128xf32, #tpu.memory_space<hbm>> -> memref<1001x128xf32, #tpu.memory_space<hbm>>
    tpu.wait_indirect_dma semaphore(%arg9 : memref<!tpu.dma_semaphore, #tpu.memory_space<semaphore_mem>>) src(%dma_wait3A_2436 : memref<1001x128xf32, #tpu.memory_space<hbm>>) dst(%dma_wait3A_2426 : memref<128x128xf32, #tpu.memory_space<vmem>>)
    %dma_wait3A_2437 = arith.constant 3 : i32
    %dma_wait3A_2438 = arith.constant 3 : i32
    %dma_wait3A_2439 = arith.constant 1 : i32
    %dma_wait3A_2440 = arith.constant 128 : i32
    %dma_wait3A_2441 = arith.constant 0 : i32
    %dma_wait3A_2442 = tpu.memref_slice %arg7[%dma_wait3A_2440, %dma_wait3A_2441] : memref<512x128xf32, #tpu.memory_space<vmem>> -> memref<128x128xf32, #tpu.memory_space<vmem>>
    %dma_wait3A_2443 = arith.constant 0 : i32
    %dma_wait3A_2444 = tpu.memref_slice %arg6[%dma_wait3A_2438, %dma_wait3A_2439, %dma_wait3A_2443] : memref<13x4x128xi32, #tpu.memory_space<vmem>> -> memref<1x1x128xi32, #tpu.memory_space<vmem>>
    %dma_wait3A_2445 = tpu.memref_squeeze %dma_wait3A_2444 : memref<1x1x128xi32, #tpu.memory_space<vmem>> -> memref<128xi32, #tpu.memory_space<vmem>>
    %dma_wait3A_2446 = arith.constant 0 : i32
    %dma_wait3A_2447 = arith.constant 0 : i32
    %dma_wait3A_2448 = tpu.memref_slice %arg3[%dma_wait3A_2437, %dma_wait3A_2446, %dma_wait3A_2447] : memref<13x1001x128xf32, #tpu.memory_space<hbm>> -> memref<1x1001x128xf32, #tpu.memory_space<hbm>>
    %dma_wait3A_2449 = tpu.memref_squeeze %dma_wait3A_2448 : memref<1x1001x128xf32, #tpu.memory_space<hbm>> -> memref<1001x128xf32, #tpu.memory_space<hbm>>
    %dma_wait3A_2450 = arith.constant 0 : i32
    %dma_wait3A_2451 = arith.constant 0 : i32
    %dma_wait3A_2452 = tpu.memref_slice %dma_wait3A_2449[%dma_wait3A_2450, %dma_wait3A_2451] : memref<1001x128xf32, #tpu.memory_space<hbm>> -> memref<1001x128xf32, #tpu.memory_space<hbm>>
    tpu.wait_indirect_dma semaphore(%arg9 : memref<!tpu.dma_semaphore, #tpu.memory_space<semaphore_mem>>) src(%dma_wait3A_2452 : memref<1001x128xf32, #tpu.memory_space<hbm>>) dst(%dma_wait3A_2442 : memref<128x128xf32, #tpu.memory_space<vmem>>)
    %dma_wait3A_2453 = arith.constant 4 : i32
    %dma_wait3A_2454 = arith.constant 4 : i32
    %dma_wait3A_2455 = arith.constant 1 : i32
    %dma_wait3A_2456 = arith.constant 128 : i32
    %dma_wait3A_2457 = arith.constant 0 : i32
    %dma_wait3A_2458 = tpu.memref_slice %arg7[%dma_wait3A_2456, %dma_wait3A_2457] : memref<512x128xf32, #tpu.memory_space<vmem>> -> memref<128x128xf32, #tpu.memory_space<vmem>>
    %dma_wait3A_2459 = arith.constant 0 : i32
    %dma_wait3A_2460 = tpu.memref_slice %arg6[%dma_wait3A_2454, %dma_wait3A_2455, %dma_wait3A_2459] : memref<13x4x128xi32, #tpu.memory_space<vmem>> -> memref<1x1x128xi32, #tpu.memory_space<vmem>>
    %dma_wait3A_2461 = tpu.memref_squeeze %dma_wait3A_2460 : memref<1x1x128xi32, #tpu.memory_space<vmem>> -> memref<128xi32, #tpu.memory_space<vmem>>
    %dma_wait3A_2462 = arith.constant 0 : i32
    %dma_wait3A_2463 = arith.constant 0 : i32
    %dma_wait3A_2464 = tpu.memref_slice %arg3[%dma_wait3A_2453, %dma_wait3A_2462, %dma_wait3A_2463] : memref<13x1001x128xf32, #tpu.memory_space<hbm>> -> memref<1x1001x128xf32, #tpu.memory_space<hbm>>
    %dma_wait3A_2465 = tpu.memref_squeeze %dma_wait3A_2464 : memref<1x1001x128xf32, #tpu.memory_space<hbm>> -> memref<1001x128xf32, #tpu.memory_space<hbm>>
    %dma_wait3A_2466 = arith.constant 0 : i32
    %dma_wait3A_2467 = arith.constant 0 : i32
    %dma_wait3A_2468 = tpu.memref_slice %dma_wait3A_2465[%dma_wait3A_2466, %dma_wait3A_2467] : memref<1001x128xf32, #tpu.memory_space<hbm>> -> memref<1001x128xf32, #tpu.memory_space<hbm>>
    tpu.wait_indirect_dma semaphore(%arg9 : memref<!tpu.dma_semaphore, #tpu.memory_space<semaphore_mem>>) src(%dma_wait3A_2468 : memref<1001x128xf32, #tpu.memory_space<hbm>>) dst(%dma_wait3A_2458 : memref<128x128xf32, #tpu.memory_space<vmem>>)
    %dma_wait3A_2469 = arith.constant 5 : i32
    %dma_wait3A_2470 = arith.constant 5 : i32
    %dma_wait3A_2471 = arith.constant 1 : i32
    %dma_wait3A_2472 = arith.constant 128 : i32
    %dma_wait3A_2473 = arith.constant 0 : i32
    %dma_wait3A_2474 = tpu.memref_slice %arg7[%dma_wait3A_2472, %dma_wait3A_2473] : memref<512x128xf32, #tpu.memory_space<vmem>> -> memref<128x128xf32, #tpu.memory_space<vmem>>
    %dma_wait3A_2475 = arith.constant 0 : i32
    %dma_wait3A_2476 = tpu.memref_slice %arg6[%dma_wait3A_2470, %dma_wait3A_2471, %dma_wait3A_2475] : memref<13x4x128xi32, #tpu.memory_space<vmem>> -> memref<1x1x128xi32, #tpu.memory_space<vmem>>
    %dma_wait3A_2477 = tpu.memref_squeeze %dma_wait3A_2476 : memref<1x1x128xi32, #tpu.memory_space<vmem>> -> memref<128xi32, #tpu.memory_space<vmem>>
    %dma_wait3A_2478 = arith.constant 0 : i32
    %dma_wait3A_2479 = arith.constant 0 : i32
    %dma_wait3A_2480 = tpu.memref_slice %arg3[%dma_wait3A_2469, %dma_wait3A_2478, %dma_wait3A_2479] : memref<13x1001x128xf32, #tpu.memory_space<hbm>> -> memref<1x1001x128xf32, #tpu.memory_space<hbm>>
    %dma_wait3A_2481 = tpu.memref_squeeze %dma_wait3A_2480 : memref<1x1001x128xf32, #tpu.memory_space<hbm>> -> memref<1001x128xf32, #tpu.memory_space<hbm>>
    %dma_wait3A_2482 = arith.constant 0 : i32
    %dma_wait3A_2483 = arith.constant 0 : i32
    %dma_wait3A_2484 = tpu.memref_slice %dma_wait3A_2481[%dma_wait3A_2482, %dma_wait3A_2483] : memref<1001x128xf32, #tpu.memory_space<hbm>> -> memref<1001x128xf32, #tpu.memory_space<hbm>>
    tpu.wait_indirect_dma semaphore(%arg9 : memref<!tpu.dma_semaphore, #tpu.memory_space<semaphore_mem>>) src(%dma_wait3A_2484 : memref<1001x128xf32, #tpu.memory_space<hbm>>) dst(%dma_wait3A_2474 : memref<128x128xf32, #tpu.memory_space<vmem>>)
    %dma_wait3A_2485 = arith.constant 6 : i32
    %dma_wait3A_2486 = arith.constant 6 : i32
    %dma_wait3A_2487 = arith.constant 1 : i32
    %dma_wait3A_2488 = arith.constant 128 : i32
    %dma_wait3A_2489 = arith.constant 0 : i32
    %dma_wait3A_2490 = tpu.memref_slice %arg7[%dma_wait3A_2488, %dma_wait3A_2489] : memref<512x128xf32, #tpu.memory_space<vmem>> -> memref<128x128xf32, #tpu.memory_space<vmem>>
    %dma_wait3A_2491 = arith.constant 0 : i32
    %dma_wait3A_2492 = tpu.memref_slice %arg6[%dma_wait3A_2486, %dma_wait3A_2487, %dma_wait3A_2491] : memref<13x4x128xi32, #tpu.memory_space<vmem>> -> memref<1x1x128xi32, #tpu.memory_space<vmem>>
    %dma_wait3A_2493 = tpu.memref_squeeze %dma_wait3A_2492 : memref<1x1x128xi32, #tpu.memory_space<vmem>> -> memref<128xi32, #tpu.memory_space<vmem>>
    %dma_wait3A_2494 = arith.constant 0 : i32
    %dma_wait3A_2495 = arith.constant 0 : i32
    %dma_wait3A_2496 = tpu.memref_slice %arg3[%dma_wait3A_2485, %dma_wait3A_2494, %dma_wait3A_2495] : memref<13x1001x128xf32, #tpu.memory_space<hbm>> -> memref<1x1001x128xf32, #tpu.memory_space<hbm>>
    %dma_wait3A_2497 = tpu.memref_squeeze %dma_wait3A_2496 : memref<1x1001x128xf32, #tpu.memory_space<hbm>> -> memref<1001x128xf32, #tpu.memory_space<hbm>>
    %dma_wait3A_2498 = arith.constant 0 : i32
    %dma_wait3A_2499 = arith.constant 0 : i32
    %dma_wait3A_2500 = tpu.memref_slice %dma_wait3A_2497[%dma_wait3A_2498, %dma_wait3A_2499] : memref<1001x128xf32, #tpu.memory_space<hbm>> -> memref<1001x128xf32, #tpu.memory_space<hbm>>
    tpu.wait_indirect_dma semaphore(%arg9 : memref<!tpu.dma_semaphore, #tpu.memory_space<semaphore_mem>>) src(%dma_wait3A_2500 : memref<1001x128xf32, #tpu.memory_space<hbm>>) dst(%dma_wait3A_2490 : memref<128x128xf32, #tpu.memory_space<vmem>>)
    %dma_wait3A_2501 = arith.constant 7 : i32
    %dma_wait3A_2502 = arith.constant 7 : i32
    %dma_wait3A_2503 = arith.constant 1 : i32
    %dma_wait3A_2504 = arith.constant 128 : i32
    %dma_wait3A_2505 = arith.constant 0 : i32
    %dma_wait3A_2506 = tpu.memref_slice %arg7[%dma_wait3A_2504, %dma_wait3A_2505] : memref<512x128xf32, #tpu.memory_space<vmem>> -> memref<128x128xf32, #tpu.memory_space<vmem>>
    %dma_wait3A_2507 = arith.constant 0 : i32
    %dma_wait3A_2508 = tpu.memref_slice %arg6[%dma_wait3A_2502, %dma_wait3A_2503, %dma_wait3A_2507] : memref<13x4x128xi32, #tpu.memory_space<vmem>> -> memref<1x1x128xi32, #tpu.memory_space<vmem>>
    %dma_wait3A_2509 = tpu.memref_squeeze %dma_wait3A_2508 : memref<1x1x128xi32, #tpu.memory_space<vmem>> -> memref<128xi32, #tpu.memory_space<vmem>>
    %dma_wait3A_2510 = arith.constant 0 : i32
    %dma_wait3A_2511 = arith.constant 0 : i32
    %dma_wait3A_2512 = tpu.memref_slice %arg3[%dma_wait3A_2501, %dma_wait3A_2510, %dma_wait3A_2511] : memref<13x1001x128xf32, #tpu.memory_space<hbm>> -> memref<1x1001x128xf32, #tpu.memory_space<hbm>>
    %dma_wait3A_2513 = tpu.memref_squeeze %dma_wait3A_2512 : memref<1x1001x128xf32, #tpu.memory_space<hbm>> -> memref<1001x128xf32, #tpu.memory_space<hbm>>
    %dma_wait3A_2514 = arith.constant 0 : i32
    %dma_wait3A_2515 = arith.constant 0 : i32
    %dma_wait3A_2516 = tpu.memref_slice %dma_wait3A_2513[%dma_wait3A_2514, %dma_wait3A_2515] : memref<1001x128xf32, #tpu.memory_space<hbm>> -> memref<1001x128xf32, #tpu.memory_space<hbm>>
    tpu.wait_indirect_dma semaphore(%arg9 : memref<!tpu.dma_semaphore, #tpu.memory_space<semaphore_mem>>) src(%dma_wait3A_2516 : memref<1001x128xf32, #tpu.memory_space<hbm>>) dst(%dma_wait3A_2506 : memref<128x128xf32, #tpu.memory_space<vmem>>)
    %dma_wait3A_2517 = arith.constant 8 : i32
    %dma_wait3A_2518 = arith.constant 8 : i32
    %dma_wait3A_2519 = arith.constant 1 : i32
    %dma_wait3A_2520 = arith.constant 128 : i32
    %dma_wait3A_2521 = arith.constant 0 : i32
    %dma_wait3A_2522 = tpu.memref_slice %arg7[%dma_wait3A_2520, %dma_wait3A_2521] : memref<512x128xf32, #tpu.memory_space<vmem>> -> memref<128x128xf32, #tpu.memory_space<vmem>>
    %dma_wait3A_2523 = arith.constant 0 : i32
    %dma_wait3A_2524 = tpu.memref_slice %arg6[%dma_wait3A_2518, %dma_wait3A_2519, %dma_wait3A_2523] : memref<13x4x128xi32, #tpu.memory_space<vmem>> -> memref<1x1x128xi32, #tpu.memory_space<vmem>>
    %dma_wait3A_2525 = tpu.memref_squeeze %dma_wait3A_2524 : memref<1x1x128xi32, #tpu.memory_space<vmem>> -> memref<128xi32, #tpu.memory_space<vmem>>
    %dma_wait3A_2526 = arith.constant 0 : i32
    %dma_wait3A_2527 = arith.constant 0 : i32
    %dma_wait3A_2528 = tpu.memref_slice %arg3[%dma_wait3A_2517, %dma_wait3A_2526, %dma_wait3A_2527] : memref<13x1001x128xf32, #tpu.memory_space<hbm>> -> memref<1x1001x128xf32, #tpu.memory_space<hbm>>
    %dma_wait3A_2529 = tpu.memref_squeeze %dma_wait3A_2528 : memref<1x1001x128xf32, #tpu.memory_space<hbm>> -> memref<1001x128xf32, #tpu.memory_space<hbm>>
    %dma_wait3A_2530 = arith.constant 0 : i32
    %dma_wait3A_2531 = arith.constant 0 : i32
    %dma_wait3A_2532 = tpu.memref_slice %dma_wait3A_2529[%dma_wait3A_2530, %dma_wait3A_2531] : memref<1001x128xf32, #tpu.memory_space<hbm>> -> memref<1001x128xf32, #tpu.memory_space<hbm>>
    tpu.wait_indirect_dma semaphore(%arg9 : memref<!tpu.dma_semaphore, #tpu.memory_space<semaphore_mem>>) src(%dma_wait3A_2532 : memref<1001x128xf32, #tpu.memory_space<hbm>>) dst(%dma_wait3A_2522 : memref<128x128xf32, #tpu.memory_space<vmem>>)
    %dma_wait3A_2533 = arith.constant 9 : i32
    %dma_wait3A_2534 = arith.constant 9 : i32
    %dma_wait3A_2535 = arith.constant 1 : i32
    %dma_wait3A_2536 = arith.constant 128 : i32
    %dma_wait3A_2537 = arith.constant 0 : i32
    %dma_wait3A_2538 = tpu.memref_slice %arg7[%dma_wait3A_2536, %dma_wait3A_2537] : memref<512x128xf32, #tpu.memory_space<vmem>> -> memref<128x128xf32, #tpu.memory_space<vmem>>
    %dma_wait3A_2539 = arith.constant 0 : i32
    %dma_wait3A_2540 = tpu.memref_slice %arg6[%dma_wait3A_2534, %dma_wait3A_2535, %dma_wait3A_2539] : memref<13x4x128xi32, #tpu.memory_space<vmem>> -> memref<1x1x128xi32, #tpu.memory_space<vmem>>
    %dma_wait3A_2541 = tpu.memref_squeeze %dma_wait3A_2540 : memref<1x1x128xi32, #tpu.memory_space<vmem>> -> memref<128xi32, #tpu.memory_space<vmem>>
    %dma_wait3A_2542 = arith.constant 0 : i32
    %dma_wait3A_2543 = arith.constant 0 : i32
    %dma_wait3A_2544 = tpu.memref_slice %arg3[%dma_wait3A_2533, %dma_wait3A_2542, %dma_wait3A_2543] : memref<13x1001x128xf32, #tpu.memory_space<hbm>> -> memref<1x1001x128xf32, #tpu.memory_space<hbm>>
    %dma_wait3A_2545 = tpu.memref_squeeze %dma_wait3A_2544 : memref<1x1001x128xf32, #tpu.memory_space<hbm>> -> memref<1001x128xf32, #tpu.memory_space<hbm>>
    %dma_wait3A_2546 = arith.constant 0 : i32
    %dma_wait3A_2547 = arith.constant 0 : i32
    %dma_wait3A_2548 = tpu.memref_slice %dma_wait3A_2545[%dma_wait3A_2546, %dma_wait3A_2547] : memref<1001x128xf32, #tpu.memory_space<hbm>> -> memref<1001x128xf32, #tpu.memory_space<hbm>>
    tpu.wait_indirect_dma semaphore(%arg9 : memref<!tpu.dma_semaphore, #tpu.memory_space<semaphore_mem>>) src(%dma_wait3A_2548 : memref<1001x128xf32, #tpu.memory_space<hbm>>) dst(%dma_wait3A_2538 : memref<128x128xf32, #tpu.memory_space<vmem>>)
    %dma_wait3A_2549 = arith.constant 10 : i32
    %dma_wait3A_2550 = arith.constant 10 : i32
    %dma_wait3A_2551 = arith.constant 1 : i32
    %dma_wait3A_2552 = arith.constant 128 : i32
    %dma_wait3A_2553 = arith.constant 0 : i32
    %dma_wait3A_2554 = tpu.memref_slice %arg7[%dma_wait3A_2552, %dma_wait3A_2553] : memref<512x128xf32, #tpu.memory_space<vmem>> -> memref<128x128xf32, #tpu.memory_space<vmem>>
    %dma_wait3A_2555 = arith.constant 0 : i32
    %dma_wait3A_2556 = tpu.memref_slice %arg6[%dma_wait3A_2550, %dma_wait3A_2551, %dma_wait3A_2555] : memref<13x4x128xi32, #tpu.memory_space<vmem>> -> memref<1x1x128xi32, #tpu.memory_space<vmem>>
    %dma_wait3A_2557 = tpu.memref_squeeze %dma_wait3A_2556 : memref<1x1x128xi32, #tpu.memory_space<vmem>> -> memref<128xi32, #tpu.memory_space<vmem>>
    %dma_wait3A_2558 = arith.constant 0 : i32
    %dma_wait3A_2559 = arith.constant 0 : i32
    %dma_wait3A_2560 = tpu.memref_slice %arg3[%dma_wait3A_2549, %dma_wait3A_2558, %dma_wait3A_2559] : memref<13x1001x128xf32, #tpu.memory_space<hbm>> -> memref<1x1001x128xf32, #tpu.memory_space<hbm>>
    %dma_wait3A_2561 = tpu.memref_squeeze %dma_wait3A_2560 : memref<1x1001x128xf32, #tpu.memory_space<hbm>> -> memref<1001x128xf32, #tpu.memory_space<hbm>>
    %dma_wait3A_2562 = arith.constant 0 : i32
    %dma_wait3A_2563 = arith.constant 0 : i32
    %dma_wait3A_2564 = tpu.memref_slice %dma_wait3A_2561[%dma_wait3A_2562, %dma_wait3A_2563] : memref<1001x128xf32, #tpu.memory_space<hbm>> -> memref<1001x128xf32, #tpu.memory_space<hbm>>
    tpu.wait_indirect_dma semaphore(%arg9 : memref<!tpu.dma_semaphore, #tpu.memory_space<semaphore_mem>>) src(%dma_wait3A_2564 : memref<1001x128xf32, #tpu.memory_space<hbm>>) dst(%dma_wait3A_2554 : memref<128x128xf32, #tpu.memory_space<vmem>>)
    %dma_wait3A_2565 = arith.constant 11 : i32
    %dma_wait3A_2566 = arith.constant 11 : i32
    %dma_wait3A_2567 = arith.constant 1 : i32
    %dma_wait3A_2568 = arith.constant 128 : i32
    %dma_wait3A_2569 = arith.constant 0 : i32
    %dma_wait3A_2570 = tpu.memref_slice %arg7[%dma_wait3A_2568, %dma_wait3A_2569] : memref<512x128xf32, #tpu.memory_space<vmem>> -> memref<128x128xf32, #tpu.memory_space<vmem>>
    %dma_wait3A_2571 = arith.constant 0 : i32
    %dma_wait3A_2572 = tpu.memref_slice %arg6[%dma_wait3A_2566, %dma_wait3A_2567, %dma_wait3A_2571] : memref<13x4x128xi32, #tpu.memory_space<vmem>> -> memref<1x1x128xi32, #tpu.memory_space<vmem>>
    %dma_wait3A_2573 = tpu.memref_squeeze %dma_wait3A_2572 : memref<1x1x128xi32, #tpu.memory_space<vmem>> -> memref<128xi32, #tpu.memory_space<vmem>>
    %dma_wait3A_2574 = arith.constant 0 : i32
    %dma_wait3A_2575 = arith.constant 0 : i32
    %dma_wait3A_2576 = tpu.memref_slice %arg3[%dma_wait3A_2565, %dma_wait3A_2574, %dma_wait3A_2575] : memref<13x1001x128xf32, #tpu.memory_space<hbm>> -> memref<1x1001x128xf32, #tpu.memory_space<hbm>>
    %dma_wait3A_2577 = tpu.memref_squeeze %dma_wait3A_2576 : memref<1x1001x128xf32, #tpu.memory_space<hbm>> -> memref<1001x128xf32, #tpu.memory_space<hbm>>
    %dma_wait3A_2578 = arith.constant 0 : i32
    %dma_wait3A_2579 = arith.constant 0 : i32
    %dma_wait3A_2580 = tpu.memref_slice %dma_wait3A_2577[%dma_wait3A_2578, %dma_wait3A_2579] : memref<1001x128xf32, #tpu.memory_space<hbm>> -> memref<1001x128xf32, #tpu.memory_space<hbm>>
    tpu.wait_indirect_dma semaphore(%arg9 : memref<!tpu.dma_semaphore, #tpu.memory_space<semaphore_mem>>) src(%dma_wait3A_2580 : memref<1001x128xf32, #tpu.memory_space<hbm>>) dst(%dma_wait3A_2570 : memref<128x128xf32, #tpu.memory_space<vmem>>)
    %dma_wait3A_2581 = arith.constant 12 : i32
    %dma_wait3A_2582 = arith.constant 12 : i32
    %dma_wait3A_2583 = arith.constant 1 : i32
    %dma_wait3A_2584 = arith.constant 128 : i32
    %dma_wait3A_2585 = arith.constant 0 : i32
    %dma_wait3A_2586 = tpu.memref_slice %arg7[%dma_wait3A_2584, %dma_wait3A_2585] : memref<512x128xf32, #tpu.memory_space<vmem>> -> memref<128x128xf32, #tpu.memory_space<vmem>>
    %dma_wait3A_2587 = arith.constant 0 : i32
    %dma_wait3A_2588 = tpu.memref_slice %arg6[%dma_wait3A_2582, %dma_wait3A_2583, %dma_wait3A_2587] : memref<13x4x128xi32, #tpu.memory_space<vmem>> -> memref<1x1x128xi32, #tpu.memory_space<vmem>>
    %dma_wait3A_2589 = tpu.memref_squeeze %dma_wait3A_2588 : memref<1x1x128xi32, #tpu.memory_space<vmem>> -> memref<128xi32, #tpu.memory_space<vmem>>
    %dma_wait3A_2590 = arith.constant 0 : i32
    %dma_wait3A_2591 = arith.constant 0 : i32
    %dma_wait3A_2592 = tpu.memref_slice %arg3[%dma_wait3A_2581, %dma_wait3A_2590, %dma_wait3A_2591] : memref<13x1001x128xf32, #tpu.memory_space<hbm>> -> memref<1x1001x128xf32, #tpu.memory_space<hbm>>
    %dma_wait3A_2593 = tpu.memref_squeeze %dma_wait3A_2592 : memref<1x1001x128xf32, #tpu.memory_space<hbm>> -> memref<1001x128xf32, #tpu.memory_space<hbm>>
    %dma_wait3A_2594 = arith.constant 0 : i32
    %dma_wait3A_2595 = arith.constant 0 : i32
    %dma_wait3A_2596 = tpu.memref_slice %dma_wait3A_2593[%dma_wait3A_2594, %dma_wait3A_2595] : memref<1001x128xf32, #tpu.memory_space<hbm>> -> memref<1001x128xf32, #tpu.memory_space<hbm>>
    tpu.wait_indirect_dma semaphore(%arg9 : memref<!tpu.dma_semaphore, #tpu.memory_space<semaphore_mem>>) src(%dma_wait3A_2596 : memref<1001x128xf32, #tpu.memory_space<hbm>>) dst(%dma_wait3A_2586 : memref<128x128xf32, #tpu.memory_space<vmem>>)
    %add3A_2597 = arith.constant 128 : i32
    %add3A_2598 = arith.addi %mul3A_2, %add3A_2597 : i32
    %dma_start3A_2599 = arith.constant 128 : i32
    %dma_start3A_2600 = arith.constant 0 : i32
    %dma_start3A_2601 = tpu.memref_slice %arg7[%dma_start3A_2599, %dma_start3A_2600] : memref<512x128xf32, #tpu.memory_space<vmem>> -> memref<128x128xf32, #tpu.memory_space<vmem>>
    %dma_start3A_2602 = arith.constant 0 : i32
    %dma_start3A_2603 = tpu.memref_slice %arg5[%add3A_2598, %dma_start3A_2602] : memref<16384x128xf32, #tpu.memory_space<hbm>> -> memref<128x128xf32, #tpu.memory_space<hbm>>
    %dma_start3A_2604 = arith.constant 0 : i32
    %dma_start3A_2605 = tpu.memref_slice %arg5[%add3A_2598, %dma_start3A_2604] : memref<16384x128xf32, #tpu.memory_space<hbm>> -> memref<128x128xf32, #tpu.memory_space<hbm>>
    %dma_start3A_2606 = arith.constant 128 : i32
    %dma_start3A_2607 = arith.constant 0 : i32
    %dma_start3A_2608 = tpu.memref_slice %arg7[%dma_start3A_2606, %dma_start3A_2607] : memref<512x128xf32, #tpu.memory_space<vmem>> -> memref<128x128xf32, #tpu.memory_space<vmem>>
    tpu.enqueue_dma source(%dma_start3A_2608 : memref<128x128xf32, #tpu.memory_space<vmem>>) target(%dma_start3A_2605 : memref<128x128xf32, #tpu.memory_space<hbm>>) target_semaphore(%arg11 : memref<!tpu.dma_semaphore, #tpu.memory_space<semaphore_mem>>)
    %dma_wait3A_2609 = arith.constant 0 : i32
    %dma_wait3A_2610 = arith.constant 0 : i32
    %dma_wait3A_2611 = arith.constant 2 : i32
    %dma_wait3A_2612 = arith.constant 256 : i32
    %dma_wait3A_2613 = arith.constant 0 : i32
    %dma_wait3A_2614 = tpu.memref_slice %arg7[%dma_wait3A_2612, %dma_wait3A_2613] : memref<512x128xf32, #tpu.memory_space<vmem>> -> memref<128x128xf32, #tpu.memory_space<vmem>>
    %dma_wait3A_2615 = arith.constant 0 : i32
    %dma_wait3A_2616 = tpu.memref_slice %arg6[%dma_wait3A_2610, %dma_wait3A_2611, %dma_wait3A_2615] : memref<13x4x128xi32, #tpu.memory_space<vmem>> -> memref<1x1x128xi32, #tpu.memory_space<vmem>>
    %dma_wait3A_2617 = tpu.memref_squeeze %dma_wait3A_2616 : memref<1x1x128xi32, #tpu.memory_space<vmem>> -> memref<128xi32, #tpu.memory_space<vmem>>
    %dma_wait3A_2618 = arith.constant 0 : i32
    %dma_wait3A_2619 = arith.constant 0 : i32
    %dma_wait3A_2620 = tpu.memref_slice %arg3[%dma_wait3A_2609, %dma_wait3A_2618, %dma_wait3A_2619] : memref<13x1001x128xf32, #tpu.memory_space<hbm>> -> memref<1x1001x128xf32, #tpu.memory_space<hbm>>
    %dma_wait3A_2621 = tpu.memref_squeeze %dma_wait3A_2620 : memref<1x1001x128xf32, #tpu.memory_space<hbm>> -> memref<1001x128xf32, #tpu.memory_space<hbm>>
    %dma_wait3A_2622 = arith.constant 0 : i32
    %dma_wait3A_2623 = arith.constant 0 : i32
    %dma_wait3A_2624 = tpu.memref_slice %dma_wait3A_2621[%dma_wait3A_2622, %dma_wait3A_2623] : memref<1001x128xf32, #tpu.memory_space<hbm>> -> memref<1001x128xf32, #tpu.memory_space<hbm>>
    tpu.wait_indirect_dma semaphore(%arg9 : memref<!tpu.dma_semaphore, #tpu.memory_space<semaphore_mem>>) src(%dma_wait3A_2624 : memref<1001x128xf32, #tpu.memory_space<hbm>>) dst(%dma_wait3A_2614 : memref<128x128xf32, #tpu.memory_space<vmem>>)
    %dma_wait3A_2625 = arith.constant 1 : i32
    %dma_wait3A_2626 = arith.constant 1 : i32
    %dma_wait3A_2627 = arith.constant 2 : i32
    %dma_wait3A_2628 = arith.constant 256 : i32
    %dma_wait3A_2629 = arith.constant 0 : i32
    %dma_wait3A_2630 = tpu.memref_slice %arg7[%dma_wait3A_2628, %dma_wait3A_2629] : memref<512x128xf32, #tpu.memory_space<vmem>> -> memref<128x128xf32, #tpu.memory_space<vmem>>
    %dma_wait3A_2631 = arith.constant 0 : i32
    %dma_wait3A_2632 = tpu.memref_slice %arg6[%dma_wait3A_2626, %dma_wait3A_2627, %dma_wait3A_2631] : memref<13x4x128xi32, #tpu.memory_space<vmem>> -> memref<1x1x128xi32, #tpu.memory_space<vmem>>
    %dma_wait3A_2633 = tpu.memref_squeeze %dma_wait3A_2632 : memref<1x1x128xi32, #tpu.memory_space<vmem>> -> memref<128xi32, #tpu.memory_space<vmem>>
    %dma_wait3A_2634 = arith.constant 0 : i32
    %dma_wait3A_2635 = arith.constant 0 : i32
    %dma_wait3A_2636 = tpu.memref_slice %arg3[%dma_wait3A_2625, %dma_wait3A_2634, %dma_wait3A_2635] : memref<13x1001x128xf32, #tpu.memory_space<hbm>> -> memref<1x1001x128xf32, #tpu.memory_space<hbm>>
    %dma_wait3A_2637 = tpu.memref_squeeze %dma_wait3A_2636 : memref<1x1001x128xf32, #tpu.memory_space<hbm>> -> memref<1001x128xf32, #tpu.memory_space<hbm>>
    %dma_wait3A_2638 = arith.constant 0 : i32
    %dma_wait3A_2639 = arith.constant 0 : i32
    %dma_wait3A_2640 = tpu.memref_slice %dma_wait3A_2637[%dma_wait3A_2638, %dma_wait3A_2639] : memref<1001x128xf32, #tpu.memory_space<hbm>> -> memref<1001x128xf32, #tpu.memory_space<hbm>>
    tpu.wait_indirect_dma semaphore(%arg9 : memref<!tpu.dma_semaphore, #tpu.memory_space<semaphore_mem>>) src(%dma_wait3A_2640 : memref<1001x128xf32, #tpu.memory_space<hbm>>) dst(%dma_wait3A_2630 : memref<128x128xf32, #tpu.memory_space<vmem>>)
    %dma_wait3A_2641 = arith.constant 2 : i32
    %dma_wait3A_2642 = arith.constant 2 : i32
    %dma_wait3A_2643 = arith.constant 2 : i32
    %dma_wait3A_2644 = arith.constant 256 : i32
    %dma_wait3A_2645 = arith.constant 0 : i32
    %dma_wait3A_2646 = tpu.memref_slice %arg7[%dma_wait3A_2644, %dma_wait3A_2645] : memref<512x128xf32, #tpu.memory_space<vmem>> -> memref<128x128xf32, #tpu.memory_space<vmem>>
    %dma_wait3A_2647 = arith.constant 0 : i32
    %dma_wait3A_2648 = tpu.memref_slice %arg6[%dma_wait3A_2642, %dma_wait3A_2643, %dma_wait3A_2647] : memref<13x4x128xi32, #tpu.memory_space<vmem>> -> memref<1x1x128xi32, #tpu.memory_space<vmem>>
    %dma_wait3A_2649 = tpu.memref_squeeze %dma_wait3A_2648 : memref<1x1x128xi32, #tpu.memory_space<vmem>> -> memref<128xi32, #tpu.memory_space<vmem>>
    %dma_wait3A_2650 = arith.constant 0 : i32
    %dma_wait3A_2651 = arith.constant 0 : i32
    %dma_wait3A_2652 = tpu.memref_slice %arg3[%dma_wait3A_2641, %dma_wait3A_2650, %dma_wait3A_2651] : memref<13x1001x128xf32, #tpu.memory_space<hbm>> -> memref<1x1001x128xf32, #tpu.memory_space<hbm>>
    %dma_wait3A_2653 = tpu.memref_squeeze %dma_wait3A_2652 : memref<1x1001x128xf32, #tpu.memory_space<hbm>> -> memref<1001x128xf32, #tpu.memory_space<hbm>>
    %dma_wait3A_2654 = arith.constant 0 : i32
    %dma_wait3A_2655 = arith.constant 0 : i32
    %dma_wait3A_2656 = tpu.memref_slice %dma_wait3A_2653[%dma_wait3A_2654, %dma_wait3A_2655] : memref<1001x128xf32, #tpu.memory_space<hbm>> -> memref<1001x128xf32, #tpu.memory_space<hbm>>
    tpu.wait_indirect_dma semaphore(%arg9 : memref<!tpu.dma_semaphore, #tpu.memory_space<semaphore_mem>>) src(%dma_wait3A_2656 : memref<1001x128xf32, #tpu.memory_space<hbm>>) dst(%dma_wait3A_2646 : memref<128x128xf32, #tpu.memory_space<vmem>>)
    %dma_wait3A_2657 = arith.constant 3 : i32
    %dma_wait3A_2658 = arith.constant 3 : i32
    %dma_wait3A_2659 = arith.constant 2 : i32
    %dma_wait3A_2660 = arith.constant 256 : i32
    %dma_wait3A_2661 = arith.constant 0 : i32
    %dma_wait3A_2662 = tpu.memref_slice %arg7[%dma_wait3A_2660, %dma_wait3A_2661] : memref<512x128xf32, #tpu.memory_space<vmem>> -> memref<128x128xf32, #tpu.memory_space<vmem>>
    %dma_wait3A_2663 = arith.constant 0 : i32
    %dma_wait3A_2664 = tpu.memref_slice %arg6[%dma_wait3A_2658, %dma_wait3A_2659, %dma_wait3A_2663] : memref<13x4x128xi32, #tpu.memory_space<vmem>> -> memref<1x1x128xi32, #tpu.memory_space<vmem>>
    %dma_wait3A_2665 = tpu.memref_squeeze %dma_wait3A_2664 : memref<1x1x128xi32, #tpu.memory_space<vmem>> -> memref<128xi32, #tpu.memory_space<vmem>>
    %dma_wait3A_2666 = arith.constant 0 : i32
    %dma_wait3A_2667 = arith.constant 0 : i32
    %dma_wait3A_2668 = tpu.memref_slice %arg3[%dma_wait3A_2657, %dma_wait3A_2666, %dma_wait3A_2667] : memref<13x1001x128xf32, #tpu.memory_space<hbm>> -> memref<1x1001x128xf32, #tpu.memory_space<hbm>>
    %dma_wait3A_2669 = tpu.memref_squeeze %dma_wait3A_2668 : memref<1x1001x128xf32, #tpu.memory_space<hbm>> -> memref<1001x128xf32, #tpu.memory_space<hbm>>
    %dma_wait3A_2670 = arith.constant 0 : i32
    %dma_wait3A_2671 = arith.constant 0 : i32
    %dma_wait3A_2672 = tpu.memref_slice %dma_wait3A_2669[%dma_wait3A_2670, %dma_wait3A_2671] : memref<1001x128xf32, #tpu.memory_space<hbm>> -> memref<1001x128xf32, #tpu.memory_space<hbm>>
    tpu.wait_indirect_dma semaphore(%arg9 : memref<!tpu.dma_semaphore, #tpu.memory_space<semaphore_mem>>) src(%dma_wait3A_2672 : memref<1001x128xf32, #tpu.memory_space<hbm>>) dst(%dma_wait3A_2662 : memref<128x128xf32, #tpu.memory_space<vmem>>)
    %dma_wait3A_2673 = arith.constant 4 : i32
    %dma_wait3A_2674 = arith.constant 4 : i32
    %dma_wait3A_2675 = arith.constant 2 : i32
    %dma_wait3A_2676 = arith.constant 256 : i32
    %dma_wait3A_2677 = arith.constant 0 : i32
    %dma_wait3A_2678 = tpu.memref_slice %arg7[%dma_wait3A_2676, %dma_wait3A_2677] : memref<512x128xf32, #tpu.memory_space<vmem>> -> memref<128x128xf32, #tpu.memory_space<vmem>>
    %dma_wait3A_2679 = arith.constant 0 : i32
    %dma_wait3A_2680 = tpu.memref_slice %arg6[%dma_wait3A_2674, %dma_wait3A_2675, %dma_wait3A_2679] : memref<13x4x128xi32, #tpu.memory_space<vmem>> -> memref<1x1x128xi32, #tpu.memory_space<vmem>>
    %dma_wait3A_2681 = tpu.memref_squeeze %dma_wait3A_2680 : memref<1x1x128xi32, #tpu.memory_space<vmem>> -> memref<128xi32, #tpu.memory_space<vmem>>
    %dma_wait3A_2682 = arith.constant 0 : i32
    %dma_wait3A_2683 = arith.constant 0 : i32
    %dma_wait3A_2684 = tpu.memref_slice %arg3[%dma_wait3A_2673, %dma_wait3A_2682, %dma_wait3A_2683] : memref<13x1001x128xf32, #tpu.memory_space<hbm>> -> memref<1x1001x128xf32, #tpu.memory_space<hbm>>
    %dma_wait3A_2685 = tpu.memref_squeeze %dma_wait3A_2684 : memref<1x1001x128xf32, #tpu.memory_space<hbm>> -> memref<1001x128xf32, #tpu.memory_space<hbm>>
    %dma_wait3A_2686 = arith.constant 0 : i32
    %dma_wait3A_2687 = arith.constant 0 : i32
    %dma_wait3A_2688 = tpu.memref_slice %dma_wait3A_2685[%dma_wait3A_2686, %dma_wait3A_2687] : memref<1001x128xf32, #tpu.memory_space<hbm>> -> memref<1001x128xf32, #tpu.memory_space<hbm>>
    tpu.wait_indirect_dma semaphore(%arg9 : memref<!tpu.dma_semaphore, #tpu.memory_space<semaphore_mem>>) src(%dma_wait3A_2688 : memref<1001x128xf32, #tpu.memory_space<hbm>>) dst(%dma_wait3A_2678 : memref<128x128xf32, #tpu.memory_space<vmem>>)
    %dma_wait3A_2689 = arith.constant 5 : i32
    %dma_wait3A_2690 = arith.constant 5 : i32
    %dma_wait3A_2691 = arith.constant 2 : i32
    %dma_wait3A_2692 = arith.constant 256 : i32
    %dma_wait3A_2693 = arith.constant 0 : i32
    %dma_wait3A_2694 = tpu.memref_slice %arg7[%dma_wait3A_2692, %dma_wait3A_2693] : memref<512x128xf32, #tpu.memory_space<vmem>> -> memref<128x128xf32, #tpu.memory_space<vmem>>
    %dma_wait3A_2695 = arith.constant 0 : i32
    %dma_wait3A_2696 = tpu.memref_slice %arg6[%dma_wait3A_2690, %dma_wait3A_2691, %dma_wait3A_2695] : memref<13x4x128xi32, #tpu.memory_space<vmem>> -> memref<1x1x128xi32, #tpu.memory_space<vmem>>
    %dma_wait3A_2697 = tpu.memref_squeeze %dma_wait3A_2696 : memref<1x1x128xi32, #tpu.memory_space<vmem>> -> memref<128xi32, #tpu.memory_space<vmem>>
    %dma_wait3A_2698 = arith.constant 0 : i32
    %dma_wait3A_2699 = arith.constant 0 : i32
    %dma_wait3A_2700 = tpu.memref_slice %arg3[%dma_wait3A_2689, %dma_wait3A_2698, %dma_wait3A_2699] : memref<13x1001x128xf32, #tpu.memory_space<hbm>> -> memref<1x1001x128xf32, #tpu.memory_space<hbm>>
    %dma_wait3A_2701 = tpu.memref_squeeze %dma_wait3A_2700 : memref<1x1001x128xf32, #tpu.memory_space<hbm>> -> memref<1001x128xf32, #tpu.memory_space<hbm>>
    %dma_wait3A_2702 = arith.constant 0 : i32
    %dma_wait3A_2703 = arith.constant 0 : i32
    %dma_wait3A_2704 = tpu.memref_slice %dma_wait3A_2701[%dma_wait3A_2702, %dma_wait3A_2703] : memref<1001x128xf32, #tpu.memory_space<hbm>> -> memref<1001x128xf32, #tpu.memory_space<hbm>>
    tpu.wait_indirect_dma semaphore(%arg9 : memref<!tpu.dma_semaphore, #tpu.memory_space<semaphore_mem>>) src(%dma_wait3A_2704 : memref<1001x128xf32, #tpu.memory_space<hbm>>) dst(%dma_wait3A_2694 : memref<128x128xf32, #tpu.memory_space<vmem>>)
    %dma_wait3A_2705 = arith.constant 6 : i32
    %dma_wait3A_2706 = arith.constant 6 : i32
    %dma_wait3A_2707 = arith.constant 2 : i32
    %dma_wait3A_2708 = arith.constant 256 : i32
    %dma_wait3A_2709 = arith.constant 0 : i32
    %dma_wait3A_2710 = tpu.memref_slice %arg7[%dma_wait3A_2708, %dma_wait3A_2709] : memref<512x128xf32, #tpu.memory_space<vmem>> -> memref<128x128xf32, #tpu.memory_space<vmem>>
    %dma_wait3A_2711 = arith.constant 0 : i32
    %dma_wait3A_2712 = tpu.memref_slice %arg6[%dma_wait3A_2706, %dma_wait3A_2707, %dma_wait3A_2711] : memref<13x4x128xi32, #tpu.memory_space<vmem>> -> memref<1x1x128xi32, #tpu.memory_space<vmem>>
    %dma_wait3A_2713 = tpu.memref_squeeze %dma_wait3A_2712 : memref<1x1x128xi32, #tpu.memory_space<vmem>> -> memref<128xi32, #tpu.memory_space<vmem>>
    %dma_wait3A_2714 = arith.constant 0 : i32
    %dma_wait3A_2715 = arith.constant 0 : i32
    %dma_wait3A_2716 = tpu.memref_slice %arg3[%dma_wait3A_2705, %dma_wait3A_2714, %dma_wait3A_2715] : memref<13x1001x128xf32, #tpu.memory_space<hbm>> -> memref<1x1001x128xf32, #tpu.memory_space<hbm>>
    %dma_wait3A_2717 = tpu.memref_squeeze %dma_wait3A_2716 : memref<1x1001x128xf32, #tpu.memory_space<hbm>> -> memref<1001x128xf32, #tpu.memory_space<hbm>>
    %dma_wait3A_2718 = arith.constant 0 : i32
    %dma_wait3A_2719 = arith.constant 0 : i32
    %dma_wait3A_2720 = tpu.memref_slice %dma_wait3A_2717[%dma_wait3A_2718, %dma_wait3A_2719] : memref<1001x128xf32, #tpu.memory_space<hbm>> -> memref<1001x128xf32, #tpu.memory_space<hbm>>
    tpu.wait_indirect_dma semaphore(%arg9 : memref<!tpu.dma_semaphore, #tpu.memory_space<semaphore_mem>>) src(%dma_wait3A_2720 : memref<1001x128xf32, #tpu.memory_space<hbm>>) dst(%dma_wait3A_2710 : memref<128x128xf32, #tpu.memory_space<vmem>>)
    %dma_wait3A_2721 = arith.constant 7 : i32
    %dma_wait3A_2722 = arith.constant 7 : i32
    %dma_wait3A_2723 = arith.constant 2 : i32
    %dma_wait3A_2724 = arith.constant 256 : i32
    %dma_wait3A_2725 = arith.constant 0 : i32
    %dma_wait3A_2726 = tpu.memref_slice %arg7[%dma_wait3A_2724, %dma_wait3A_2725] : memref<512x128xf32, #tpu.memory_space<vmem>> -> memref<128x128xf32, #tpu.memory_space<vmem>>
    %dma_wait3A_2727 = arith.constant 0 : i32
    %dma_wait3A_2728 = tpu.memref_slice %arg6[%dma_wait3A_2722, %dma_wait3A_2723, %dma_wait3A_2727] : memref<13x4x128xi32, #tpu.memory_space<vmem>> -> memref<1x1x128xi32, #tpu.memory_space<vmem>>
    %dma_wait3A_2729 = tpu.memref_squeeze %dma_wait3A_2728 : memref<1x1x128xi32, #tpu.memory_space<vmem>> -> memref<128xi32, #tpu.memory_space<vmem>>
    %dma_wait3A_2730 = arith.constant 0 : i32
    %dma_wait3A_2731 = arith.constant 0 : i32
    %dma_wait3A_2732 = tpu.memref_slice %arg3[%dma_wait3A_2721, %dma_wait3A_2730, %dma_wait3A_2731] : memref<13x1001x128xf32, #tpu.memory_space<hbm>> -> memref<1x1001x128xf32, #tpu.memory_space<hbm>>
    %dma_wait3A_2733 = tpu.memref_squeeze %dma_wait3A_2732 : memref<1x1001x128xf32, #tpu.memory_space<hbm>> -> memref<1001x128xf32, #tpu.memory_space<hbm>>
    %dma_wait3A_2734 = arith.constant 0 : i32
    %dma_wait3A_2735 = arith.constant 0 : i32
    %dma_wait3A_2736 = tpu.memref_slice %dma_wait3A_2733[%dma_wait3A_2734, %dma_wait3A_2735] : memref<1001x128xf32, #tpu.memory_space<hbm>> -> memref<1001x128xf32, #tpu.memory_space<hbm>>
    tpu.wait_indirect_dma semaphore(%arg9 : memref<!tpu.dma_semaphore, #tpu.memory_space<semaphore_mem>>) src(%dma_wait3A_2736 : memref<1001x128xf32, #tpu.memory_space<hbm>>) dst(%dma_wait3A_2726 : memref<128x128xf32, #tpu.memory_space<vmem>>)
    %dma_wait3A_2737 = arith.constant 8 : i32
    %dma_wait3A_2738 = arith.constant 8 : i32
    %dma_wait3A_2739 = arith.constant 2 : i32
    %dma_wait3A_2740 = arith.constant 256 : i32
    %dma_wait3A_2741 = arith.constant 0 : i32
    %dma_wait3A_2742 = tpu.memref_slice %arg7[%dma_wait3A_2740, %dma_wait3A_2741] : memref<512x128xf32, #tpu.memory_space<vmem>> -> memref<128x128xf32, #tpu.memory_space<vmem>>
    %dma_wait3A_2743 = arith.constant 0 : i32
    %dma_wait3A_2744 = tpu.memref_slice %arg6[%dma_wait3A_2738, %dma_wait3A_2739, %dma_wait3A_2743] : memref<13x4x128xi32, #tpu.memory_space<vmem>> -> memref<1x1x128xi32, #tpu.memory_space<vmem>>
    %dma_wait3A_2745 = tpu.memref_squeeze %dma_wait3A_2744 : memref<1x1x128xi32, #tpu.memory_space<vmem>> -> memref<128xi32, #tpu.memory_space<vmem>>
    %dma_wait3A_2746 = arith.constant 0 : i32
    %dma_wait3A_2747 = arith.constant 0 : i32
    %dma_wait3A_2748 = tpu.memref_slice %arg3[%dma_wait3A_2737, %dma_wait3A_2746, %dma_wait3A_2747] : memref<13x1001x128xf32, #tpu.memory_space<hbm>> -> memref<1x1001x128xf32, #tpu.memory_space<hbm>>
    %dma_wait3A_2749 = tpu.memref_squeeze %dma_wait3A_2748 : memref<1x1001x128xf32, #tpu.memory_space<hbm>> -> memref<1001x128xf32, #tpu.memory_space<hbm>>
    %dma_wait3A_2750 = arith.constant 0 : i32
    %dma_wait3A_2751 = arith.constant 0 : i32
    %dma_wait3A_2752 = tpu.memref_slice %dma_wait3A_2749[%dma_wait3A_2750, %dma_wait3A_2751] : memref<1001x128xf32, #tpu.memory_space<hbm>> -> memref<1001x128xf32, #tpu.memory_space<hbm>>
    tpu.wait_indirect_dma semaphore(%arg9 : memref<!tpu.dma_semaphore, #tpu.memory_space<semaphore_mem>>) src(%dma_wait3A_2752 : memref<1001x128xf32, #tpu.memory_space<hbm>>) dst(%dma_wait3A_2742 : memref<128x128xf32, #tpu.memory_space<vmem>>)
    %dma_wait3A_2753 = arith.constant 9 : i32
    %dma_wait3A_2754 = arith.constant 9 : i32
    %dma_wait3A_2755 = arith.constant 2 : i32
    %dma_wait3A_2756 = arith.constant 256 : i32
    %dma_wait3A_2757 = arith.constant 0 : i32
    %dma_wait3A_2758 = tpu.memref_slice %arg7[%dma_wait3A_2756, %dma_wait3A_2757] : memref<512x128xf32, #tpu.memory_space<vmem>> -> memref<128x128xf32, #tpu.memory_space<vmem>>
    %dma_wait3A_2759 = arith.constant 0 : i32
    %dma_wait3A_2760 = tpu.memref_slice %arg6[%dma_wait3A_2754, %dma_wait3A_2755, %dma_wait3A_2759] : memref<13x4x128xi32, #tpu.memory_space<vmem>> -> memref<1x1x128xi32, #tpu.memory_space<vmem>>
    %dma_wait3A_2761 = tpu.memref_squeeze %dma_wait3A_2760 : memref<1x1x128xi32, #tpu.memory_space<vmem>> -> memref<128xi32, #tpu.memory_space<vmem>>
    %dma_wait3A_2762 = arith.constant 0 : i32
    %dma_wait3A_2763 = arith.constant 0 : i32
    %dma_wait3A_2764 = tpu.memref_slice %arg3[%dma_wait3A_2753, %dma_wait3A_2762, %dma_wait3A_2763] : memref<13x1001x128xf32, #tpu.memory_space<hbm>> -> memref<1x1001x128xf32, #tpu.memory_space<hbm>>
    %dma_wait3A_2765 = tpu.memref_squeeze %dma_wait3A_2764 : memref<1x1001x128xf32, #tpu.memory_space<hbm>> -> memref<1001x128xf32, #tpu.memory_space<hbm>>
    %dma_wait3A_2766 = arith.constant 0 : i32
    %dma_wait3A_2767 = arith.constant 0 : i32
    %dma_wait3A_2768 = tpu.memref_slice %dma_wait3A_2765[%dma_wait3A_2766, %dma_wait3A_2767] : memref<1001x128xf32, #tpu.memory_space<hbm>> -> memref<1001x128xf32, #tpu.memory_space<hbm>>
    tpu.wait_indirect_dma semaphore(%arg9 : memref<!tpu.dma_semaphore, #tpu.memory_space<semaphore_mem>>) src(%dma_wait3A_2768 : memref<1001x128xf32, #tpu.memory_space<hbm>>) dst(%dma_wait3A_2758 : memref<128x128xf32, #tpu.memory_space<vmem>>)
    %dma_wait3A_2769 = arith.constant 10 : i32
    %dma_wait3A_2770 = arith.constant 10 : i32
    %dma_wait3A_2771 = arith.constant 2 : i32
    %dma_wait3A_2772 = arith.constant 256 : i32
    %dma_wait3A_2773 = arith.constant 0 : i32
    %dma_wait3A_2774 = tpu.memref_slice %arg7[%dma_wait3A_2772, %dma_wait3A_2773] : memref<512x128xf32, #tpu.memory_space<vmem>> -> memref<128x128xf32, #tpu.memory_space<vmem>>
    %dma_wait3A_2775 = arith.constant 0 : i32
    %dma_wait3A_2776 = tpu.memref_slice %arg6[%dma_wait3A_2770, %dma_wait3A_2771, %dma_wait3A_2775] : memref<13x4x128xi32, #tpu.memory_space<vmem>> -> memref<1x1x128xi32, #tpu.memory_space<vmem>>
    %dma_wait3A_2777 = tpu.memref_squeeze %dma_wait3A_2776 : memref<1x1x128xi32, #tpu.memory_space<vmem>> -> memref<128xi32, #tpu.memory_space<vmem>>
    %dma_wait3A_2778 = arith.constant 0 : i32
    %dma_wait3A_2779 = arith.constant 0 : i32
    %dma_wait3A_2780 = tpu.memref_slice %arg3[%dma_wait3A_2769, %dma_wait3A_2778, %dma_wait3A_2779] : memref<13x1001x128xf32, #tpu.memory_space<hbm>> -> memref<1x1001x128xf32, #tpu.memory_space<hbm>>
    %dma_wait3A_2781 = tpu.memref_squeeze %dma_wait3A_2780 : memref<1x1001x128xf32, #tpu.memory_space<hbm>> -> memref<1001x128xf32, #tpu.memory_space<hbm>>
    %dma_wait3A_2782 = arith.constant 0 : i32
    %dma_wait3A_2783 = arith.constant 0 : i32
    %dma_wait3A_2784 = tpu.memref_slice %dma_wait3A_2781[%dma_wait3A_2782, %dma_wait3A_2783] : memref<1001x128xf32, #tpu.memory_space<hbm>> -> memref<1001x128xf32, #tpu.memory_space<hbm>>
    tpu.wait_indirect_dma semaphore(%arg9 : memref<!tpu.dma_semaphore, #tpu.memory_space<semaphore_mem>>) src(%dma_wait3A_2784 : memref<1001x128xf32, #tpu.memory_space<hbm>>) dst(%dma_wait3A_2774 : memref<128x128xf32, #tpu.memory_space<vmem>>)
    %dma_wait3A_2785 = arith.constant 11 : i32
    %dma_wait3A_2786 = arith.constant 11 : i32
    %dma_wait3A_2787 = arith.constant 2 : i32
    %dma_wait3A_2788 = arith.constant 256 : i32
    %dma_wait3A_2789 = arith.constant 0 : i32
    %dma_wait3A_2790 = tpu.memref_slice %arg7[%dma_wait3A_2788, %dma_wait3A_2789] : memref<512x128xf32, #tpu.memory_space<vmem>> -> memref<128x128xf32, #tpu.memory_space<vmem>>
    %dma_wait3A_2791 = arith.constant 0 : i32
    %dma_wait3A_2792 = tpu.memref_slice %arg6[%dma_wait3A_2786, %dma_wait3A_2787, %dma_wait3A_2791] : memref<13x4x128xi32, #tpu.memory_space<vmem>> -> memref<1x1x128xi32, #tpu.memory_space<vmem>>
    %dma_wait3A_2793 = tpu.memref_squeeze %dma_wait3A_2792 : memref<1x1x128xi32, #tpu.memory_space<vmem>> -> memref<128xi32, #tpu.memory_space<vmem>>
    %dma_wait3A_2794 = arith.constant 0 : i32
    %dma_wait3A_2795 = arith.constant 0 : i32
    %dma_wait3A_2796 = tpu.memref_slice %arg3[%dma_wait3A_2785, %dma_wait3A_2794, %dma_wait3A_2795] : memref<13x1001x128xf32, #tpu.memory_space<hbm>> -> memref<1x1001x128xf32, #tpu.memory_space<hbm>>
    %dma_wait3A_2797 = tpu.memref_squeeze %dma_wait3A_2796 : memref<1x1001x128xf32, #tpu.memory_space<hbm>> -> memref<1001x128xf32, #tpu.memory_space<hbm>>
    %dma_wait3A_2798 = arith.constant 0 : i32
    %dma_wait3A_2799 = arith.constant 0 : i32
    %dma_wait3A_2800 = tpu.memref_slice %dma_wait3A_2797[%dma_wait3A_2798, %dma_wait3A_2799] : memref<1001x128xf32, #tpu.memory_space<hbm>> -> memref<1001x128xf32, #tpu.memory_space<hbm>>
    tpu.wait_indirect_dma semaphore(%arg9 : memref<!tpu.dma_semaphore, #tpu.memory_space<semaphore_mem>>) src(%dma_wait3A_2800 : memref<1001x128xf32, #tpu.memory_space<hbm>>) dst(%dma_wait3A_2790 : memref<128x128xf32, #tpu.memory_space<vmem>>)
    %dma_wait3A_2801 = arith.constant 12 : i32
    %dma_wait3A_2802 = arith.constant 12 : i32
    %dma_wait3A_2803 = arith.constant 2 : i32
    %dma_wait3A_2804 = arith.constant 256 : i32
    %dma_wait3A_2805 = arith.constant 0 : i32
    %dma_wait3A_2806 = tpu.memref_slice %arg7[%dma_wait3A_2804, %dma_wait3A_2805] : memref<512x128xf32, #tpu.memory_space<vmem>> -> memref<128x128xf32, #tpu.memory_space<vmem>>
    %dma_wait3A_2807 = arith.constant 0 : i32
    %dma_wait3A_2808 = tpu.memref_slice %arg6[%dma_wait3A_2802, %dma_wait3A_2803, %dma_wait3A_2807] : memref<13x4x128xi32, #tpu.memory_space<vmem>> -> memref<1x1x128xi32, #tpu.memory_space<vmem>>
    %dma_wait3A_2809 = tpu.memref_squeeze %dma_wait3A_2808 : memref<1x1x128xi32, #tpu.memory_space<vmem>> -> memref<128xi32, #tpu.memory_space<vmem>>
    %dma_wait3A_2810 = arith.constant 0 : i32
    %dma_wait3A_2811 = arith.constant 0 : i32
    %dma_wait3A_2812 = tpu.memref_slice %arg3[%dma_wait3A_2801, %dma_wait3A_2810, %dma_wait3A_2811] : memref<13x1001x128xf32, #tpu.memory_space<hbm>> -> memref<1x1001x128xf32, #tpu.memory_space<hbm>>
    %dma_wait3A_2813 = tpu.memref_squeeze %dma_wait3A_2812 : memref<1x1001x128xf32, #tpu.memory_space<hbm>> -> memref<1001x128xf32, #tpu.memory_space<hbm>>
    %dma_wait3A_2814 = arith.constant 0 : i32
    %dma_wait3A_2815 = arith.constant 0 : i32
    %dma_wait3A_2816 = tpu.memref_slice %dma_wait3A_2813[%dma_wait3A_2814, %dma_wait3A_2815] : memref<1001x128xf32, #tpu.memory_space<hbm>> -> memref<1001x128xf32, #tpu.memory_space<hbm>>
    tpu.wait_indirect_dma semaphore(%arg9 : memref<!tpu.dma_semaphore, #tpu.memory_space<semaphore_mem>>) src(%dma_wait3A_2816 : memref<1001x128xf32, #tpu.memory_space<hbm>>) dst(%dma_wait3A_2806 : memref<128x128xf32, #tpu.memory_space<vmem>>)
    %add3A_2817 = arith.constant 256 : i32
    %add3A_2818 = arith.addi %mul3A_2, %add3A_2817 : i32
    %dma_start3A_2819 = arith.constant 256 : i32
    %dma_start3A_2820 = arith.constant 0 : i32
    %dma_start3A_2821 = tpu.memref_slice %arg7[%dma_start3A_2819, %dma_start3A_2820] : memref<512x128xf32, #tpu.memory_space<vmem>> -> memref<128x128xf32, #tpu.memory_space<vmem>>
    %dma_start3A_2822 = arith.constant 0 : i32
    %dma_start3A_2823 = tpu.memref_slice %arg5[%add3A_2818, %dma_start3A_2822] : memref<16384x128xf32, #tpu.memory_space<hbm>> -> memref<128x128xf32, #tpu.memory_space<hbm>>
    %dma_start3A_2824 = arith.constant 0 : i32
    %dma_start3A_2825 = tpu.memref_slice %arg5[%add3A_2818, %dma_start3A_2824] : memref<16384x128xf32, #tpu.memory_space<hbm>> -> memref<128x128xf32, #tpu.memory_space<hbm>>
    %dma_start3A_2826 = arith.constant 256 : i32
    %dma_start3A_2827 = arith.constant 0 : i32
    %dma_start3A_2828 = tpu.memref_slice %arg7[%dma_start3A_2826, %dma_start3A_2827] : memref<512x128xf32, #tpu.memory_space<vmem>> -> memref<128x128xf32, #tpu.memory_space<vmem>>
    tpu.enqueue_dma source(%dma_start3A_2828 : memref<128x128xf32, #tpu.memory_space<vmem>>) target(%dma_start3A_2825 : memref<128x128xf32, #tpu.memory_space<hbm>>) target_semaphore(%arg11 : memref<!tpu.dma_semaphore, #tpu.memory_space<semaphore_mem>>)
    %dma_wait3A_2829 = arith.constant 0 : i32
    %dma_wait3A_2830 = arith.constant 0 : i32
    %dma_wait3A_2831 = arith.constant 3 : i32
    %dma_wait3A_2832 = arith.constant 384 : i32
    %dma_wait3A_2833 = arith.constant 0 : i32
    %dma_wait3A_2834 = tpu.memref_slice %arg7[%dma_wait3A_2832, %dma_wait3A_2833] : memref<512x128xf32, #tpu.memory_space<vmem>> -> memref<128x128xf32, #tpu.memory_space<vmem>>
    %dma_wait3A_2835 = arith.constant 0 : i32
    %dma_wait3A_2836 = tpu.memref_slice %arg6[%dma_wait3A_2830, %dma_wait3A_2831, %dma_wait3A_2835] : memref<13x4x128xi32, #tpu.memory_space<vmem>> -> memref<1x1x128xi32, #tpu.memory_space<vmem>>
    %dma_wait3A_2837 = tpu.memref_squeeze %dma_wait3A_2836 : memref<1x1x128xi32, #tpu.memory_space<vmem>> -> memref<128xi32, #tpu.memory_space<vmem>>
    %dma_wait3A_2838 = arith.constant 0 : i32
    %dma_wait3A_2839 = arith.constant 0 : i32
    %dma_wait3A_2840 = tpu.memref_slice %arg3[%dma_wait3A_2829, %dma_wait3A_2838, %dma_wait3A_2839] : memref<13x1001x128xf32, #tpu.memory_space<hbm>> -> memref<1x1001x128xf32, #tpu.memory_space<hbm>>
    %dma_wait3A_2841 = tpu.memref_squeeze %dma_wait3A_2840 : memref<1x1001x128xf32, #tpu.memory_space<hbm>> -> memref<1001x128xf32, #tpu.memory_space<hbm>>
    %dma_wait3A_2842 = arith.constant 0 : i32
    %dma_wait3A_2843 = arith.constant 0 : i32
    %dma_wait3A_2844 = tpu.memref_slice %dma_wait3A_2841[%dma_wait3A_2842, %dma_wait3A_2843] : memref<1001x128xf32, #tpu.memory_space<hbm>> -> memref<1001x128xf32, #tpu.memory_space<hbm>>
    tpu.wait_indirect_dma semaphore(%arg9 : memref<!tpu.dma_semaphore, #tpu.memory_space<semaphore_mem>>) src(%dma_wait3A_2844 : memref<1001x128xf32, #tpu.memory_space<hbm>>) dst(%dma_wait3A_2834 : memref<128x128xf32, #tpu.memory_space<vmem>>)
    %dma_wait3A_2845 = arith.constant 1 : i32
    %dma_wait3A_2846 = arith.constant 1 : i32
    %dma_wait3A_2847 = arith.constant 3 : i32
    %dma_wait3A_2848 = arith.constant 384 : i32
    %dma_wait3A_2849 = arith.constant 0 : i32
    %dma_wait3A_2850 = tpu.memref_slice %arg7[%dma_wait3A_2848, %dma_wait3A_2849] : memref<512x128xf32, #tpu.memory_space<vmem>> -> memref<128x128xf32, #tpu.memory_space<vmem>>
    %dma_wait3A_2851 = arith.constant 0 : i32
    %dma_wait3A_2852 = tpu.memref_slice %arg6[%dma_wait3A_2846, %dma_wait3A_2847, %dma_wait3A_2851] : memref<13x4x128xi32, #tpu.memory_space<vmem>> -> memref<1x1x128xi32, #tpu.memory_space<vmem>>
    %dma_wait3A_2853 = tpu.memref_squeeze %dma_wait3A_2852 : memref<1x1x128xi32, #tpu.memory_space<vmem>> -> memref<128xi32, #tpu.memory_space<vmem>>
    %dma_wait3A_2854 = arith.constant 0 : i32
    %dma_wait3A_2855 = arith.constant 0 : i32
    %dma_wait3A_2856 = tpu.memref_slice %arg3[%dma_wait3A_2845, %dma_wait3A_2854, %dma_wait3A_2855] : memref<13x1001x128xf32, #tpu.memory_space<hbm>> -> memref<1x1001x128xf32, #tpu.memory_space<hbm>>
    %dma_wait3A_2857 = tpu.memref_squeeze %dma_wait3A_2856 : memref<1x1001x128xf32, #tpu.memory_space<hbm>> -> memref<1001x128xf32, #tpu.memory_space<hbm>>
    %dma_wait3A_2858 = arith.constant 0 : i32
    %dma_wait3A_2859 = arith.constant 0 : i32
    %dma_wait3A_2860 = tpu.memref_slice %dma_wait3A_2857[%dma_wait3A_2858, %dma_wait3A_2859] : memref<1001x128xf32, #tpu.memory_space<hbm>> -> memref<1001x128xf32, #tpu.memory_space<hbm>>
    tpu.wait_indirect_dma semaphore(%arg9 : memref<!tpu.dma_semaphore, #tpu.memory_space<semaphore_mem>>) src(%dma_wait3A_2860 : memref<1001x128xf32, #tpu.memory_space<hbm>>) dst(%dma_wait3A_2850 : memref<128x128xf32, #tpu.memory_space<vmem>>)
    %dma_wait3A_2861 = arith.constant 2 : i32
    %dma_wait3A_2862 = arith.constant 2 : i32
    %dma_wait3A_2863 = arith.constant 3 : i32
    %dma_wait3A_2864 = arith.constant 384 : i32
    %dma_wait3A_2865 = arith.constant 0 : i32
    %dma_wait3A_2866 = tpu.memref_slice %arg7[%dma_wait3A_2864, %dma_wait3A_2865] : memref<512x128xf32, #tpu.memory_space<vmem>> -> memref<128x128xf32, #tpu.memory_space<vmem>>
    %dma_wait3A_2867 = arith.constant 0 : i32
    %dma_wait3A_2868 = tpu.memref_slice %arg6[%dma_wait3A_2862, %dma_wait3A_2863, %dma_wait3A_2867] : memref<13x4x128xi32, #tpu.memory_space<vmem>> -> memref<1x1x128xi32, #tpu.memory_space<vmem>>
    %dma_wait3A_2869 = tpu.memref_squeeze %dma_wait3A_2868 : memref<1x1x128xi32, #tpu.memory_space<vmem>> -> memref<128xi32, #tpu.memory_space<vmem>>
    %dma_wait3A_2870 = arith.constant 0 : i32
    %dma_wait3A_2871 = arith.constant 0 : i32
    %dma_wait3A_2872 = tpu.memref_slice %arg3[%dma_wait3A_2861, %dma_wait3A_2870, %dma_wait3A_2871] : memref<13x1001x128xf32, #tpu.memory_space<hbm>> -> memref<1x1001x128xf32, #tpu.memory_space<hbm>>
    %dma_wait3A_2873 = tpu.memref_squeeze %dma_wait3A_2872 : memref<1x1001x128xf32, #tpu.memory_space<hbm>> -> memref<1001x128xf32, #tpu.memory_space<hbm>>
    %dma_wait3A_2874 = arith.constant 0 : i32
    %dma_wait3A_2875 = arith.constant 0 : i32
    %dma_wait3A_2876 = tpu.memref_slice %dma_wait3A_2873[%dma_wait3A_2874, %dma_wait3A_2875] : memref<1001x128xf32, #tpu.memory_space<hbm>> -> memref<1001x128xf32, #tpu.memory_space<hbm>>
    tpu.wait_indirect_dma semaphore(%arg9 : memref<!tpu.dma_semaphore, #tpu.memory_space<semaphore_mem>>) src(%dma_wait3A_2876 : memref<1001x128xf32, #tpu.memory_space<hbm>>) dst(%dma_wait3A_2866 : memref<128x128xf32, #tpu.memory_space<vmem>>)
    %dma_wait3A_2877 = arith.constant 3 : i32
    %dma_wait3A_2878 = arith.constant 3 : i32
    %dma_wait3A_2879 = arith.constant 3 : i32
    %dma_wait3A_2880 = arith.constant 384 : i32
    %dma_wait3A_2881 = arith.constant 0 : i32
    %dma_wait3A_2882 = tpu.memref_slice %arg7[%dma_wait3A_2880, %dma_wait3A_2881] : memref<512x128xf32, #tpu.memory_space<vmem>> -> memref<128x128xf32, #tpu.memory_space<vmem>>
    %dma_wait3A_2883 = arith.constant 0 : i32
    %dma_wait3A_2884 = tpu.memref_slice %arg6[%dma_wait3A_2878, %dma_wait3A_2879, %dma_wait3A_2883] : memref<13x4x128xi32, #tpu.memory_space<vmem>> -> memref<1x1x128xi32, #tpu.memory_space<vmem>>
    %dma_wait3A_2885 = tpu.memref_squeeze %dma_wait3A_2884 : memref<1x1x128xi32, #tpu.memory_space<vmem>> -> memref<128xi32, #tpu.memory_space<vmem>>
    %dma_wait3A_2886 = arith.constant 0 : i32
    %dma_wait3A_2887 = arith.constant 0 : i32
    %dma_wait3A_2888 = tpu.memref_slice %arg3[%dma_wait3A_2877, %dma_wait3A_2886, %dma_wait3A_2887] : memref<13x1001x128xf32, #tpu.memory_space<hbm>> -> memref<1x1001x128xf32, #tpu.memory_space<hbm>>
    %dma_wait3A_2889 = tpu.memref_squeeze %dma_wait3A_2888 : memref<1x1001x128xf32, #tpu.memory_space<hbm>> -> memref<1001x128xf32, #tpu.memory_space<hbm>>
    %dma_wait3A_2890 = arith.constant 0 : i32
    %dma_wait3A_2891 = arith.constant 0 : i32
    %dma_wait3A_2892 = tpu.memref_slice %dma_wait3A_2889[%dma_wait3A_2890, %dma_wait3A_2891] : memref<1001x128xf32, #tpu.memory_space<hbm>> -> memref<1001x128xf32, #tpu.memory_space<hbm>>
    tpu.wait_indirect_dma semaphore(%arg9 : memref<!tpu.dma_semaphore, #tpu.memory_space<semaphore_mem>>) src(%dma_wait3A_2892 : memref<1001x128xf32, #tpu.memory_space<hbm>>) dst(%dma_wait3A_2882 : memref<128x128xf32, #tpu.memory_space<vmem>>)
    %dma_wait3A_2893 = arith.constant 4 : i32
    %dma_wait3A_2894 = arith.constant 4 : i32
    %dma_wait3A_2895 = arith.constant 3 : i32
    %dma_wait3A_2896 = arith.constant 384 : i32
    %dma_wait3A_2897 = arith.constant 0 : i32
    %dma_wait3A_2898 = tpu.memref_slice %arg7[%dma_wait3A_2896, %dma_wait3A_2897] : memref<512x128xf32, #tpu.memory_space<vmem>> -> memref<128x128xf32, #tpu.memory_space<vmem>>
    %dma_wait3A_2899 = arith.constant 0 : i32
    %dma_wait3A_2900 = tpu.memref_slice %arg6[%dma_wait3A_2894, %dma_wait3A_2895, %dma_wait3A_2899] : memref<13x4x128xi32, #tpu.memory_space<vmem>> -> memref<1x1x128xi32, #tpu.memory_space<vmem>>
    %dma_wait3A_2901 = tpu.memref_squeeze %dma_wait3A_2900 : memref<1x1x128xi32, #tpu.memory_space<vmem>> -> memref<128xi32, #tpu.memory_space<vmem>>
    %dma_wait3A_2902 = arith.constant 0 : i32
    %dma_wait3A_2903 = arith.constant 0 : i32
    %dma_wait3A_2904 = tpu.memref_slice %arg3[%dma_wait3A_2893, %dma_wait3A_2902, %dma_wait3A_2903] : memref<13x1001x128xf32, #tpu.memory_space<hbm>> -> memref<1x1001x128xf32, #tpu.memory_space<hbm>>
    %dma_wait3A_2905 = tpu.memref_squeeze %dma_wait3A_2904 : memref<1x1001x128xf32, #tpu.memory_space<hbm>> -> memref<1001x128xf32, #tpu.memory_space<hbm>>
    %dma_wait3A_2906 = arith.constant 0 : i32
    %dma_wait3A_2907 = arith.constant 0 : i32
    %dma_wait3A_2908 = tpu.memref_slice %dma_wait3A_2905[%dma_wait3A_2906, %dma_wait3A_2907] : memref<1001x128xf32, #tpu.memory_space<hbm>> -> memref<1001x128xf32, #tpu.memory_space<hbm>>
    tpu.wait_indirect_dma semaphore(%arg9 : memref<!tpu.dma_semaphore, #tpu.memory_space<semaphore_mem>>) src(%dma_wait3A_2908 : memref<1001x128xf32, #tpu.memory_space<hbm>>) dst(%dma_wait3A_2898 : memref<128x128xf32, #tpu.memory_space<vmem>>)
    %dma_wait3A_2909 = arith.constant 5 : i32
    %dma_wait3A_2910 = arith.constant 5 : i32
    %dma_wait3A_2911 = arith.constant 3 : i32
    %dma_wait3A_2912 = arith.constant 384 : i32
    %dma_wait3A_2913 = arith.constant 0 : i32
    %dma_wait3A_2914 = tpu.memref_slice %arg7[%dma_wait3A_2912, %dma_wait3A_2913] : memref<512x128xf32, #tpu.memory_space<vmem>> -> memref<128x128xf32, #tpu.memory_space<vmem>>
    %dma_wait3A_2915 = arith.constant 0 : i32
    %dma_wait3A_2916 = tpu.memref_slice %arg6[%dma_wait3A_2910, %dma_wait3A_2911, %dma_wait3A_2915] : memref<13x4x128xi32, #tpu.memory_space<vmem>> -> memref<1x1x128xi32, #tpu.memory_space<vmem>>
    %dma_wait3A_2917 = tpu.memref_squeeze %dma_wait3A_2916 : memref<1x1x128xi32, #tpu.memory_space<vmem>> -> memref<128xi32, #tpu.memory_space<vmem>>
    %dma_wait3A_2918 = arith.constant 0 : i32
    %dma_wait3A_2919 = arith.constant 0 : i32
    %dma_wait3A_2920 = tpu.memref_slice %arg3[%dma_wait3A_2909, %dma_wait3A_2918, %dma_wait3A_2919] : memref<13x1001x128xf32, #tpu.memory_space<hbm>> -> memref<1x1001x128xf32, #tpu.memory_space<hbm>>
    %dma_wait3A_2921 = tpu.memref_squeeze %dma_wait3A_2920 : memref<1x1001x128xf32, #tpu.memory_space<hbm>> -> memref<1001x128xf32, #tpu.memory_space<hbm>>
    %dma_wait3A_2922 = arith.constant 0 : i32
    %dma_wait3A_2923 = arith.constant 0 : i32
    %dma_wait3A_2924 = tpu.memref_slice %dma_wait3A_2921[%dma_wait3A_2922, %dma_wait3A_2923] : memref<1001x128xf32, #tpu.memory_space<hbm>> -> memref<1001x128xf32, #tpu.memory_space<hbm>>
    tpu.wait_indirect_dma semaphore(%arg9 : memref<!tpu.dma_semaphore, #tpu.memory_space<semaphore_mem>>) src(%dma_wait3A_2924 : memref<1001x128xf32, #tpu.memory_space<hbm>>) dst(%dma_wait3A_2914 : memref<128x128xf32, #tpu.memory_space<vmem>>)
    %dma_wait3A_2925 = arith.constant 6 : i32
    %dma_wait3A_2926 = arith.constant 6 : i32
    %dma_wait3A_2927 = arith.constant 3 : i32
    %dma_wait3A_2928 = arith.constant 384 : i32
    %dma_wait3A_2929 = arith.constant 0 : i32
    %dma_wait3A_2930 = tpu.memref_slice %arg7[%dma_wait3A_2928, %dma_wait3A_2929] : memref<512x128xf32, #tpu.memory_space<vmem>> -> memref<128x128xf32, #tpu.memory_space<vmem>>
    %dma_wait3A_2931 = arith.constant 0 : i32
    %dma_wait3A_2932 = tpu.memref_slice %arg6[%dma_wait3A_2926, %dma_wait3A_2927, %dma_wait3A_2931] : memref<13x4x128xi32, #tpu.memory_space<vmem>> -> memref<1x1x128xi32, #tpu.memory_space<vmem>>
    %dma_wait3A_2933 = tpu.memref_squeeze %dma_wait3A_2932 : memref<1x1x128xi32, #tpu.memory_space<vmem>> -> memref<128xi32, #tpu.memory_space<vmem>>
    %dma_wait3A_2934 = arith.constant 0 : i32
    %dma_wait3A_2935 = arith.constant 0 : i32
    %dma_wait3A_2936 = tpu.memref_slice %arg3[%dma_wait3A_2925, %dma_wait3A_2934, %dma_wait3A_2935] : memref<13x1001x128xf32, #tpu.memory_space<hbm>> -> memref<1x1001x128xf32, #tpu.memory_space<hbm>>
    %dma_wait3A_2937 = tpu.memref_squeeze %dma_wait3A_2936 : memref<1x1001x128xf32, #tpu.memory_space<hbm>> -> memref<1001x128xf32, #tpu.memory_space<hbm>>
    %dma_wait3A_2938 = arith.constant 0 : i32
    %dma_wait3A_2939 = arith.constant 0 : i32
    %dma_wait3A_2940 = tpu.memref_slice %dma_wait3A_2937[%dma_wait3A_2938, %dma_wait3A_2939] : memref<1001x128xf32, #tpu.memory_space<hbm>> -> memref<1001x128xf32, #tpu.memory_space<hbm>>
    tpu.wait_indirect_dma semaphore(%arg9 : memref<!tpu.dma_semaphore, #tpu.memory_space<semaphore_mem>>) src(%dma_wait3A_2940 : memref<1001x128xf32, #tpu.memory_space<hbm>>) dst(%dma_wait3A_2930 : memref<128x128xf32, #tpu.memory_space<vmem>>)
    %dma_wait3A_2941 = arith.constant 7 : i32
    %dma_wait3A_2942 = arith.constant 7 : i32
    %dma_wait3A_2943 = arith.constant 3 : i32
    %dma_wait3A_2944 = arith.constant 384 : i32
    %dma_wait3A_2945 = arith.constant 0 : i32
    %dma_wait3A_2946 = tpu.memref_slice %arg7[%dma_wait3A_2944, %dma_wait3A_2945] : memref<512x128xf32, #tpu.memory_space<vmem>> -> memref<128x128xf32, #tpu.memory_space<vmem>>
    %dma_wait3A_2947 = arith.constant 0 : i32
    %dma_wait3A_2948 = tpu.memref_slice %arg6[%dma_wait3A_2942, %dma_wait3A_2943, %dma_wait3A_2947] : memref<13x4x128xi32, #tpu.memory_space<vmem>> -> memref<1x1x128xi32, #tpu.memory_space<vmem>>
    %dma_wait3A_2949 = tpu.memref_squeeze %dma_wait3A_2948 : memref<1x1x128xi32, #tpu.memory_space<vmem>> -> memref<128xi32, #tpu.memory_space<vmem>>
    %dma_wait3A_2950 = arith.constant 0 : i32
    %dma_wait3A_2951 = arith.constant 0 : i32
    %dma_wait3A_2952 = tpu.memref_slice %arg3[%dma_wait3A_2941, %dma_wait3A_2950, %dma_wait3A_2951] : memref<13x1001x128xf32, #tpu.memory_space<hbm>> -> memref<1x1001x128xf32, #tpu.memory_space<hbm>>
    %dma_wait3A_2953 = tpu.memref_squeeze %dma_wait3A_2952 : memref<1x1001x128xf32, #tpu.memory_space<hbm>> -> memref<1001x128xf32, #tpu.memory_space<hbm>>
    %dma_wait3A_2954 = arith.constant 0 : i32
    %dma_wait3A_2955 = arith.constant 0 : i32
    %dma_wait3A_2956 = tpu.memref_slice %dma_wait3A_2953[%dma_wait3A_2954, %dma_wait3A_2955] : memref<1001x128xf32, #tpu.memory_space<hbm>> -> memref<1001x128xf32, #tpu.memory_space<hbm>>
    tpu.wait_indirect_dma semaphore(%arg9 : memref<!tpu.dma_semaphore, #tpu.memory_space<semaphore_mem>>) src(%dma_wait3A_2956 : memref<1001x128xf32, #tpu.memory_space<hbm>>) dst(%dma_wait3A_2946 : memref<128x128xf32, #tpu.memory_space<vmem>>)
    %dma_wait3A_2957 = arith.constant 8 : i32
    %dma_wait3A_2958 = arith.constant 8 : i32
    %dma_wait3A_2959 = arith.constant 3 : i32
    %dma_wait3A_2960 = arith.constant 384 : i32
    %dma_wait3A_2961 = arith.constant 0 : i32
    %dma_wait3A_2962 = tpu.memref_slice %arg7[%dma_wait3A_2960, %dma_wait3A_2961] : memref<512x128xf32, #tpu.memory_space<vmem>> -> memref<128x128xf32, #tpu.memory_space<vmem>>
    %dma_wait3A_2963 = arith.constant 0 : i32
    %dma_wait3A_2964 = tpu.memref_slice %arg6[%dma_wait3A_2958, %dma_wait3A_2959, %dma_wait3A_2963] : memref<13x4x128xi32, #tpu.memory_space<vmem>> -> memref<1x1x128xi32, #tpu.memory_space<vmem>>
    %dma_wait3A_2965 = tpu.memref_squeeze %dma_wait3A_2964 : memref<1x1x128xi32, #tpu.memory_space<vmem>> -> memref<128xi32, #tpu.memory_space<vmem>>
    %dma_wait3A_2966 = arith.constant 0 : i32
    %dma_wait3A_2967 = arith.constant 0 : i32
    %dma_wait3A_2968 = tpu.memref_slice %arg3[%dma_wait3A_2957, %dma_wait3A_2966, %dma_wait3A_2967] : memref<13x1001x128xf32, #tpu.memory_space<hbm>> -> memref<1x1001x128xf32, #tpu.memory_space<hbm>>
    %dma_wait3A_2969 = tpu.memref_squeeze %dma_wait3A_2968 : memref<1x1001x128xf32, #tpu.memory_space<hbm>> -> memref<1001x128xf32, #tpu.memory_space<hbm>>
    %dma_wait3A_2970 = arith.constant 0 : i32
    %dma_wait3A_2971 = arith.constant 0 : i32
    %dma_wait3A_2972 = tpu.memref_slice %dma_wait3A_2969[%dma_wait3A_2970, %dma_wait3A_2971] : memref<1001x128xf32, #tpu.memory_space<hbm>> -> memref<1001x128xf32, #tpu.memory_space<hbm>>
    tpu.wait_indirect_dma semaphore(%arg9 : memref<!tpu.dma_semaphore, #tpu.memory_space<semaphore_mem>>) src(%dma_wait3A_2972 : memref<1001x128xf32, #tpu.memory_space<hbm>>) dst(%dma_wait3A_2962 : memref<128x128xf32, #tpu.memory_space<vmem>>)
    %dma_wait3A_2973 = arith.constant 9 : i32
    %dma_wait3A_2974 = arith.constant 9 : i32
    %dma_wait3A_2975 = arith.constant 3 : i32
    %dma_wait3A_2976 = arith.constant 384 : i32
    %dma_wait3A_2977 = arith.constant 0 : i32
    %dma_wait3A_2978 = tpu.memref_slice %arg7[%dma_wait3A_2976, %dma_wait3A_2977] : memref<512x128xf32, #tpu.memory_space<vmem>> -> memref<128x128xf32, #tpu.memory_space<vmem>>
    %dma_wait3A_2979 = arith.constant 0 : i32
    %dma_wait3A_2980 = tpu.memref_slice %arg6[%dma_wait3A_2974, %dma_wait3A_2975, %dma_wait3A_2979] : memref<13x4x128xi32, #tpu.memory_space<vmem>> -> memref<1x1x128xi32, #tpu.memory_space<vmem>>
    %dma_wait3A_2981 = tpu.memref_squeeze %dma_wait3A_2980 : memref<1x1x128xi32, #tpu.memory_space<vmem>> -> memref<128xi32, #tpu.memory_space<vmem>>
    %dma_wait3A_2982 = arith.constant 0 : i32
    %dma_wait3A_2983 = arith.constant 0 : i32
    %dma_wait3A_2984 = tpu.memref_slice %arg3[%dma_wait3A_2973, %dma_wait3A_2982, %dma_wait3A_2983] : memref<13x1001x128xf32, #tpu.memory_space<hbm>> -> memref<1x1001x128xf32, #tpu.memory_space<hbm>>
    %dma_wait3A_2985 = tpu.memref_squeeze %dma_wait3A_2984 : memref<1x1001x128xf32, #tpu.memory_space<hbm>> -> memref<1001x128xf32, #tpu.memory_space<hbm>>
    %dma_wait3A_2986 = arith.constant 0 : i32
    %dma_wait3A_2987 = arith.constant 0 : i32
    %dma_wait3A_2988 = tpu.memref_slice %dma_wait3A_2985[%dma_wait3A_2986, %dma_wait3A_2987] : memref<1001x128xf32, #tpu.memory_space<hbm>> -> memref<1001x128xf32, #tpu.memory_space<hbm>>
    tpu.wait_indirect_dma semaphore(%arg9 : memref<!tpu.dma_semaphore, #tpu.memory_space<semaphore_mem>>) src(%dma_wait3A_2988 : memref<1001x128xf32, #tpu.memory_space<hbm>>) dst(%dma_wait3A_2978 : memref<128x128xf32, #tpu.memory_space<vmem>>)
    %dma_wait3A_2989 = arith.constant 10 : i32
    %dma_wait3A_2990 = arith.constant 10 : i32
    %dma_wait3A_2991 = arith.constant 3 : i32
    %dma_wait3A_2992 = arith.constant 384 : i32
    %dma_wait3A_2993 = arith.constant 0 : i32
    %dma_wait3A_2994 = tpu.memref_slice %arg7[%dma_wait3A_2992, %dma_wait3A_2993] : memref<512x128xf32, #tpu.memory_space<vmem>> -> memref<128x128xf32, #tpu.memory_space<vmem>>
    %dma_wait3A_2995 = arith.constant 0 : i32
    %dma_wait3A_2996 = tpu.memref_slice %arg6[%dma_wait3A_2990, %dma_wait3A_2991, %dma_wait3A_2995] : memref<13x4x128xi32, #tpu.memory_space<vmem>> -> memref<1x1x128xi32, #tpu.memory_space<vmem>>
    %dma_wait3A_2997 = tpu.memref_squeeze %dma_wait3A_2996 : memref<1x1x128xi32, #tpu.memory_space<vmem>> -> memref<128xi32, #tpu.memory_space<vmem>>
    %dma_wait3A_2998 = arith.constant 0 : i32
    %dma_wait3A_2999 = arith.constant 0 : i32
    %dma_wait3A_3000 = tpu.memref_slice %arg3[%dma_wait3A_2989, %dma_wait3A_2998, %dma_wait3A_2999] : memref<13x1001x128xf32, #tpu.memory_space<hbm>> -> memref<1x1001x128xf32, #tpu.memory_space<hbm>>
    %dma_wait3A_3001 = tpu.memref_squeeze %dma_wait3A_3000 : memref<1x1001x128xf32, #tpu.memory_space<hbm>> -> memref<1001x128xf32, #tpu.memory_space<hbm>>
    %dma_wait3A_3002 = arith.constant 0 : i32
    %dma_wait3A_3003 = arith.constant 0 : i32
    %dma_wait3A_3004 = tpu.memref_slice %dma_wait3A_3001[%dma_wait3A_3002, %dma_wait3A_3003] : memref<1001x128xf32, #tpu.memory_space<hbm>> -> memref<1001x128xf32, #tpu.memory_space<hbm>>
    tpu.wait_indirect_dma semaphore(%arg9 : memref<!tpu.dma_semaphore, #tpu.memory_space<semaphore_mem>>) src(%dma_wait3A_3004 : memref<1001x128xf32, #tpu.memory_space<hbm>>) dst(%dma_wait3A_2994 : memref<128x128xf32, #tpu.memory_space<vmem>>)
    %dma_wait3A_3005 = arith.constant 11 : i32
    %dma_wait3A_3006 = arith.constant 11 : i32
    %dma_wait3A_3007 = arith.constant 3 : i32
    %dma_wait3A_3008 = arith.constant 384 : i32
    %dma_wait3A_3009 = arith.constant 0 : i32
    %dma_wait3A_3010 = tpu.memref_slice %arg7[%dma_wait3A_3008, %dma_wait3A_3009] : memref<512x128xf32, #tpu.memory_space<vmem>> -> memref<128x128xf32, #tpu.memory_space<vmem>>
    %dma_wait3A_3011 = arith.constant 0 : i32
    %dma_wait3A_3012 = tpu.memref_slice %arg6[%dma_wait3A_3006, %dma_wait3A_3007, %dma_wait3A_3011] : memref<13x4x128xi32, #tpu.memory_space<vmem>> -> memref<1x1x128xi32, #tpu.memory_space<vmem>>
    %dma_wait3A_3013 = tpu.memref_squeeze %dma_wait3A_3012 : memref<1x1x128xi32, #tpu.memory_space<vmem>> -> memref<128xi32, #tpu.memory_space<vmem>>
    %dma_wait3A_3014 = arith.constant 0 : i32
    %dma_wait3A_3015 = arith.constant 0 : i32
    %dma_wait3A_3016 = tpu.memref_slice %arg3[%dma_wait3A_3005, %dma_wait3A_3014, %dma_wait3A_3015] : memref<13x1001x128xf32, #tpu.memory_space<hbm>> -> memref<1x1001x128xf32, #tpu.memory_space<hbm>>
    %dma_wait3A_3017 = tpu.memref_squeeze %dma_wait3A_3016 : memref<1x1001x128xf32, #tpu.memory_space<hbm>> -> memref<1001x128xf32, #tpu.memory_space<hbm>>
    %dma_wait3A_3018 = arith.constant 0 : i32
    %dma_wait3A_3019 = arith.constant 0 : i32
    %dma_wait3A_3020 = tpu.memref_slice %dma_wait3A_3017[%dma_wait3A_3018, %dma_wait3A_3019] : memref<1001x128xf32, #tpu.memory_space<hbm>> -> memref<1001x128xf32, #tpu.memory_space<hbm>>
    tpu.wait_indirect_dma semaphore(%arg9 : memref<!tpu.dma_semaphore, #tpu.memory_space<semaphore_mem>>) src(%dma_wait3A_3020 : memref<1001x128xf32, #tpu.memory_space<hbm>>) dst(%dma_wait3A_3010 : memref<128x128xf32, #tpu.memory_space<vmem>>)
    %dma_wait3A_3021 = arith.constant 12 : i32
    %dma_wait3A_3022 = arith.constant 12 : i32
    %dma_wait3A_3023 = arith.constant 3 : i32
    %dma_wait3A_3024 = arith.constant 384 : i32
    %dma_wait3A_3025 = arith.constant 0 : i32
    %dma_wait3A_3026 = tpu.memref_slice %arg7[%dma_wait3A_3024, %dma_wait3A_3025] : memref<512x128xf32, #tpu.memory_space<vmem>> -> memref<128x128xf32, #tpu.memory_space<vmem>>
    %dma_wait3A_3027 = arith.constant 0 : i32
    %dma_wait3A_3028 = tpu.memref_slice %arg6[%dma_wait3A_3022, %dma_wait3A_3023, %dma_wait3A_3027] : memref<13x4x128xi32, #tpu.memory_space<vmem>> -> memref<1x1x128xi32, #tpu.memory_space<vmem>>
    %dma_wait3A_3029 = tpu.memref_squeeze %dma_wait3A_3028 : memref<1x1x128xi32, #tpu.memory_space<vmem>> -> memref<128xi32, #tpu.memory_space<vmem>>
    %dma_wait3A_3030 = arith.constant 0 : i32
    %dma_wait3A_3031 = arith.constant 0 : i32
    %dma_wait3A_3032 = tpu.memref_slice %arg3[%dma_wait3A_3021, %dma_wait3A_3030, %dma_wait3A_3031] : memref<13x1001x128xf32, #tpu.memory_space<hbm>> -> memref<1x1001x128xf32, #tpu.memory_space<hbm>>
    %dma_wait3A_3033 = tpu.memref_squeeze %dma_wait3A_3032 : memref<1x1001x128xf32, #tpu.memory_space<hbm>> -> memref<1001x128xf32, #tpu.memory_space<hbm>>
    %dma_wait3A_3034 = arith.constant 0 : i32
    %dma_wait3A_3035 = arith.constant 0 : i32
    %dma_wait3A_3036 = tpu.memref_slice %dma_wait3A_3033[%dma_wait3A_3034, %dma_wait3A_3035] : memref<1001x128xf32, #tpu.memory_space<hbm>> -> memref<1001x128xf32, #tpu.memory_space<hbm>>
    tpu.wait_indirect_dma semaphore(%arg9 : memref<!tpu.dma_semaphore, #tpu.memory_space<semaphore_mem>>) src(%dma_wait3A_3036 : memref<1001x128xf32, #tpu.memory_space<hbm>>) dst(%dma_wait3A_3026 : memref<128x128xf32, #tpu.memory_space<vmem>>)
    %add3A_3037 = arith.constant 384 : i32
    %add3A_3038 = arith.addi %mul3A_2, %add3A_3037 : i32
    %dma_start3A_3039 = arith.constant 384 : i32
    %dma_start3A_3040 = arith.constant 0 : i32
    %dma_start3A_3041 = tpu.memref_slice %arg7[%dma_start3A_3039, %dma_start3A_3040] : memref<512x128xf32, #tpu.memory_space<vmem>> -> memref<128x128xf32, #tpu.memory_space<vmem>>
    %dma_start3A_3042 = arith.constant 0 : i32
    %dma_start3A_3043 = tpu.memref_slice %arg5[%add3A_3038, %dma_start3A_3042] : memref<16384x128xf32, #tpu.memory_space<hbm>> -> memref<128x128xf32, #tpu.memory_space<hbm>>
    %dma_start3A_3044 = arith.constant 0 : i32
    %dma_start3A_3045 = tpu.memref_slice %arg5[%add3A_3038, %dma_start3A_3044] : memref<16384x128xf32, #tpu.memory_space<hbm>> -> memref<128x128xf32, #tpu.memory_space<hbm>>
    %dma_start3A_3046 = arith.constant 384 : i32
    %dma_start3A_3047 = arith.constant 0 : i32
    %dma_start3A_3048 = tpu.memref_slice %arg7[%dma_start3A_3046, %dma_start3A_3047] : memref<512x128xf32, #tpu.memory_space<vmem>> -> memref<128x128xf32, #tpu.memory_space<vmem>>
    tpu.enqueue_dma source(%dma_start3A_3048 : memref<128x128xf32, #tpu.memory_space<vmem>>) target(%dma_start3A_3045 : memref<128x128xf32, #tpu.memory_space<hbm>>) target_semaphore(%arg11 : memref<!tpu.dma_semaphore, #tpu.memory_space<semaphore_mem>>)
    %dma_wait3A_3049 = arith.constant 0 : i32
    %dma_wait3A_3050 = arith.constant 0 : i32
    %dma_wait3A_3051 = tpu.memref_slice %arg7[%dma_wait3A_3049, %dma_wait3A_3050] : memref<512x128xf32, #tpu.memory_space<vmem>> -> memref<128x128xf32, #tpu.memory_space<vmem>>
    %dma_wait3A_3052 = arith.constant 0 : i32
    %dma_wait3A_3053 = tpu.memref_slice %arg5[%add3A_2378, %dma_wait3A_3052] : memref<16384x128xf32, #tpu.memory_space<hbm>> -> memref<128x128xf32, #tpu.memory_space<hbm>>
    %dma_wait3A_3054 = arith.constant 0 : i32
    %dma_wait3A_3055 = tpu.memref_slice %arg5[%add3A_2378, %dma_wait3A_3054] : memref<16384x128xf32, #tpu.memory_space<hbm>> -> memref<128x128xf32, #tpu.memory_space<hbm>>
    %dma_wait3A_3056 = arith.constant 0 : i32
    %dma_wait3A_3057 = arith.constant 0 : i32
    %dma_wait3A_3058 = tpu.memref_slice %arg7[%dma_wait3A_3056, %dma_wait3A_3057] : memref<512x128xf32, #tpu.memory_space<vmem>> -> memref<128x128xf32, #tpu.memory_space<vmem>>
    tpu.wait_dma2 semaphore(%arg11 : memref<!tpu.dma_semaphore, #tpu.memory_space<semaphore_mem>>) src(%dma_wait3A_3058 : memref<128x128xf32, #tpu.memory_space<vmem>>) dst(%dma_wait3A_3055 : memref<128x128xf32, #tpu.memory_space<hbm>>)
    %dma_wait3A_3059 = arith.constant 128 : i32
    %dma_wait3A_3060 = arith.constant 0 : i32
    %dma_wait3A_3061 = tpu.memref_slice %arg7[%dma_wait3A_3059, %dma_wait3A_3060] : memref<512x128xf32, #tpu.memory_space<vmem>> -> memref<128x128xf32, #tpu.memory_space<vmem>>
    %dma_wait3A_3062 = arith.constant 0 : i32
    %dma_wait3A_3063 = tpu.memref_slice %arg5[%add3A_2598, %dma_wait3A_3062] : memref<16384x128xf32, #tpu.memory_space<hbm>> -> memref<128x128xf32, #tpu.memory_space<hbm>>
    %dma_wait3A_3064 = arith.constant 0 : i32
    %dma_wait3A_3065 = tpu.memref_slice %arg5[%add3A_2598, %dma_wait3A_3064] : memref<16384x128xf32, #tpu.memory_space<hbm>> -> memref<128x128xf32, #tpu.memory_space<hbm>>
    %dma_wait3A_3066 = arith.constant 128 : i32
    %dma_wait3A_3067 = arith.constant 0 : i32
    %dma_wait3A_3068 = tpu.memref_slice %arg7[%dma_wait3A_3066, %dma_wait3A_3067] : memref<512x128xf32, #tpu.memory_space<vmem>> -> memref<128x128xf32, #tpu.memory_space<vmem>>
    tpu.wait_dma2 semaphore(%arg11 : memref<!tpu.dma_semaphore, #tpu.memory_space<semaphore_mem>>) src(%dma_wait3A_3068 : memref<128x128xf32, #tpu.memory_space<vmem>>) dst(%dma_wait3A_3065 : memref<128x128xf32, #tpu.memory_space<hbm>>)
    %dma_wait3A_3069 = arith.constant 256 : i32
    %dma_wait3A_3070 = arith.constant 0 : i32
    %dma_wait3A_3071 = tpu.memref_slice %arg7[%dma_wait3A_3069, %dma_wait3A_3070] : memref<512x128xf32, #tpu.memory_space<vmem>> -> memref<128x128xf32, #tpu.memory_space<vmem>>
    %dma_wait3A_3072 = arith.constant 0 : i32
    %dma_wait3A_3073 = tpu.memref_slice %arg5[%add3A_2818, %dma_wait3A_3072] : memref<16384x128xf32, #tpu.memory_space<hbm>> -> memref<128x128xf32, #tpu.memory_space<hbm>>
    %dma_wait3A_3074 = arith.constant 0 : i32
    %dma_wait3A_3075 = tpu.memref_slice %arg5[%add3A_2818, %dma_wait3A_3074] : memref<16384x128xf32, #tpu.memory_space<hbm>> -> memref<128x128xf32, #tpu.memory_space<hbm>>
    %dma_wait3A_3076 = arith.constant 256 : i32
    %dma_wait3A_3077 = arith.constant 0 : i32
    %dma_wait3A_3078 = tpu.memref_slice %arg7[%dma_wait3A_3076, %dma_wait3A_3077] : memref<512x128xf32, #tpu.memory_space<vmem>> -> memref<128x128xf32, #tpu.memory_space<vmem>>
    tpu.wait_dma2 semaphore(%arg11 : memref<!tpu.dma_semaphore, #tpu.memory_space<semaphore_mem>>) src(%dma_wait3A_3078 : memref<128x128xf32, #tpu.memory_space<vmem>>) dst(%dma_wait3A_3075 : memref<128x128xf32, #tpu.memory_space<hbm>>)
    %dma_wait3A_3079 = arith.constant 384 : i32
    %dma_wait3A_3080 = arith.constant 0 : i32
    %dma_wait3A_3081 = tpu.memref_slice %arg7[%dma_wait3A_3079, %dma_wait3A_3080] : memref<512x128xf32, #tpu.memory_space<vmem>> -> memref<128x128xf32, #tpu.memory_space<vmem>>
    %dma_wait3A_3082 = arith.constant 0 : i32
    %dma_wait3A_3083 = tpu.memref_slice %arg5[%add3A_3038, %dma_wait3A_3082] : memref<16384x128xf32, #tpu.memory_space<hbm>> -> memref<128x128xf32, #tpu.memory_space<hbm>>
    %dma_wait3A_3084 = arith.constant 0 : i32
    %dma_wait3A_3085 = tpu.memref_slice %arg5[%add3A_3038, %dma_wait3A_3084] : memref<16384x128xf32, #tpu.memory_space<hbm>> -> memref<128x128xf32, #tpu.memory_space<hbm>>
    %dma_wait3A_3086 = arith.constant 384 : i32
    %dma_wait3A_3087 = arith.constant 0 : i32
    %dma_wait3A_3088 = tpu.memref_slice %arg7[%dma_wait3A_3086, %dma_wait3A_3087] : memref<512x128xf32, #tpu.memory_space<vmem>> -> memref<128x128xf32, #tpu.memory_space<vmem>>
    tpu.wait_dma2 semaphore(%arg11 : memref<!tpu.dma_semaphore, #tpu.memory_space<semaphore_mem>>) src(%dma_wait3A_3088 : memref<128x128xf32, #tpu.memory_space<vmem>>) dst(%dma_wait3A_3085 : memref<128x128xf32, #tpu.memory_space<hbm>>)
    return
  }
}

module attributes {stable_mosaic.version = 14 : i64} {
  func.func @_tc_body(%arg0: i32, %arg1: memref<4096x26xf32, #tpu.memory_space<vmem>>, %arg2: memref<13x128xf32, #tpu.memory_space<vmem>>, %arg3: memref<13x128xf32, #tpu.memory_space<vmem>>, %arg4: memref<4096x128xf32, #tpu.memory_space<vmem>>, %arg5: memref<13x4096xi32, #tpu.memory_space<vmem>>) attributes {dimension_semantics = [#tpu.dimension_semantics<arbitrary>], iteration_bounds = array<i64: 4>, scalar_prefetch = 0 : i64, scratch_operands = 0 : i64, tpu.core_type = #tpu.core_type<tc>, window_params = [{transform_indices = @transform_0, window_bounds = array<i64: 4096, 26>}, {pipeline_mode = #tpu.pipeline_mode<synchronous>, transform_indices = @transform_1, window_bounds = array<i64: 13, 128>}, {pipeline_mode = #tpu.pipeline_mode<synchronous>, transform_indices = @transform_2, window_bounds = array<i64: 13, 128>}, {transform_indices = @transform_3, window_bounds = array<i64: 4096, 128>}, {transform_indices = @transform_4, window_bounds = array<i64: 13, 4096>}]} {
    %get3A = arith.constant 0 : index
    %get3A_0 = arith.constant 0 : index
    %get3A_1 = vector.load %arg1[%get3A, %get3A_0] : memref<4096x26xf32, #tpu.memory_space<vmem>>, vector<4096x26xf32>
    %sub3A = arith.constant 4.995000e+02 : f32
    %sub3A_2 = vector.broadcast %sub3A : f32 to vector<4096x26xf32>
    %sub3A_3 = arith.subf %get3A_1, %sub3A_2 : vector<4096x26xf32>
    %div3A = arith.constant 2.886700e+02 : f32
    %div3A_4 = vector.broadcast %div3A : f32 to vector<4096x26xf32>
    %div3A_5 = arith.divf %sub3A_3, %div3A_4 : vector<4096x26xf32>
    %logistic3A = arith.negf %div3A_5 : vector<4096x26xf32>
    %logistic3A_6 = math.exp %logistic3A : vector<4096x26xf32>
    %logistic3A_7 = arith.constant 1.000000e+00 : f32
    %logistic3A_8 = vector.broadcast %logistic3A_7 : f32 to vector<4096x26xf32>
    %logistic3A_9 = arith.addf %logistic3A_8, %logistic3A_6 : vector<4096x26xf32>
    %logistic3A_10 = arith.divf %logistic3A_8, %logistic3A_9 : vector<4096x26xf32>
    %get3A_11 = arith.constant 0 : index
    %get3A_12 = arith.constant 0 : index
    %get3A_13 = vector.load %arg2[%get3A_11, %get3A_12] : memref<13x128xf32, #tpu.memory_space<vmem>>, vector<13x128xf32>
    %broadcast_in_dim3A = arith.constant 0.000000e+00 : f32
    %broadcast_in_dim3A_14 = vector.broadcast %broadcast_in_dim3A : f32 to vector<13x128xf32>
    %stack3A = vector.shape_cast %get3A_13 : vector<13x128xf32> to vector<13x1x128xf32>
    %stack3A_15 = vector.shape_cast %broadcast_in_dim3A_14 : vector<13x128xf32> to vector<13x1x128xf32>
    %stack3A_16 = tpu.concatenate %stack3A, %stack3A_15 in 1 : vector<13x1x128xf32>, vector<13x1x128xf32> -> vector<13x2x128xf32>
    %reshape3A = vector.shape_cast %stack3A_16 : vector<13x2x128xf32> to vector<26x128xf32>
    %dot_general3A = arith.constant dense<0.000000e+00> : vector<4096x128xf32>
    %dot_general3A_17 = tpu.matmul %logistic3A_10, %reshape3A, %dot_general3A {dimension_numbers = #tpu.dot_dimension_numbers<[1], [0], [0], [1], [0, 0, 1, 1], [], []>, transpose_lhs_hint = false} : vector<4096x26xf32>, vector<26x128xf32>, vector<4096x128xf32> -> vector<4096x128xf32>
    %get3A_18 = arith.constant 0 : index
    %get3A_19 = arith.constant 0 : index
    %get3A_20 = vector.load %arg3[%get3A_18, %get3A_19] : memref<13x128xf32, #tpu.memory_space<vmem>>, vector<13x128xf32>
    %reduce_sum3A = arith.constant dense<0.000000e+00> : vector<128xf32>
    %reduce_sum3A_21 = vector.multi_reduction <add>, %get3A_20, %reduce_sum3A [0] : vector<13x128xf32> to vector<128xf32>
    %broadcast_in_dim3A_22 = vector.shape_cast %reduce_sum3A_21 : vector<128xf32> to vector<1x128xf32>
    %add3A = vector.broadcast %broadcast_in_dim3A_22 : vector<1x128xf32> to vector<4096x128xf32>
    %add3A_23 = arith.addf %dot_general3A_17, %add3A : vector<4096x128xf32>
    %swap3A = arith.constant 0 : index
    %swap3A_24 = arith.constant 0 : index
    %swap3A_25 = vector.load %arg4[%swap3A, %swap3A_24] : memref<4096x128xf32, #tpu.memory_space<vmem>>, vector<4096x128xf32>
    tpu.vector_store %arg4[%swap3A, %swap3A_24], %add3A_23 {strides = array<i32>} : memref<4096x128xf32, #tpu.memory_space<vmem>>, vector<4096x128xf32>,
    %iota3A = tpu.iota {dimensions = array<i32: 0>} : vector<13x26xi32>
    %iota3A_26 = tpu.iota {dimensions = array<i32: 1>} : vector<13x26xi32>
    %mul3A = arith.constant 2 : i32
    %mul3A_27 = vector.broadcast %mul3A : i32 to vector<13x26xi32>
    %mul3A_28 = arith.muli %mul3A_27, %iota3A : vector<13x26xi32>
    %add3A_29 = arith.constant 1 : i32
    %add3A_30 = vector.broadcast %add3A_29 : i32 to vector<13x26xi32>
    %add3A_31 = arith.addi %mul3A_28, %add3A_30 : vector<13x26xi32>
    %eq3A = arith.cmpi eq, %iota3A_26, %add3A_31 : vector<13x26xi32>
    %convert_element_type3A = arith.extui %eq3A : vector<13x26xi1> to vector<13x26xi32>
    %convert_element_type3A_32 = arith.sitofp %convert_element_type3A : vector<13x26xi32> to vector<13x26xf32>
    %dot_general3A_33 = arith.constant dense<0.000000e+00> : vector<13x4096xf32>
    %dot_general3A_34 = tpu.matmul %convert_element_type3A_32, %get3A_1, %dot_general3A_33 {dimension_numbers = #tpu.dot_dimension_numbers<[1], [1], [0], [0], [0, 0, 1, 0], [], []>, precision = #tpu.contract_precision<fp32>, transpose_lhs_hint = false} : vector<13x26xf32>, vector<4096x26xf32>, vector<13x4096xf32> -> vector<13x4096xf32>
    %convert_element_type3A_35 = arith.fptosi %dot_general3A_34 : vector<13x4096xf32> to vector<13x4096xi32>
    %swap3A_36 = arith.constant 0 : index
    %swap3A_37 = arith.constant 0 : index
    %swap3A_38 = vector.load %arg5[%swap3A_36, %swap3A_37] : memref<13x4096xi32, #tpu.memory_space<vmem>>, vector<13x4096xi32>
    tpu.vector_store %arg5[%swap3A_36, %swap3A_37], %convert_element_type3A_35 {strides = array<i32>} : memref<13x4096xi32, #tpu.memory_space<vmem>>, vector<13x4096xi32>,
    return
  }
  func.func @transform_0(%arg0: i32) -> (i32, i32) {
    %c0_i32 = arith.constant 0 : i32
    %c0_i32_0 = arith.constant 0 : i32
    return %arg0, %c0_i32 : i32, i32
  }
  func.func @transform_1(%arg0: i32) -> (i32, i32) {
    %c0_i32 = arith.constant 0 : i32
    %c0_i32_0 = arith.constant 0 : i32
    %c0_i32_1 = arith.constant 0 : i32
    return %c0_i32, %c0_i32_0 : i32, i32
  }
  func.func @transform_2(%arg0: i32) -> (i32, i32) {
    %c0_i32 = arith.constant 0 : i32
    %c0_i32_0 = arith.constant 0 : i32
    %c0_i32_1 = arith.constant 0 : i32
    return %c0_i32, %c0_i32_0 : i32, i32
  }
  func.func @transform_3(%arg0: i32) -> (i32, i32) {
    %c0_i32 = arith.constant 0 : i32
    %c0_i32_0 = arith.constant 0 : i32
    return %arg0, %c0_i32 : i32, i32
  }
  func.func @transform_4(%arg0: i32) -> (i32, i32) {
    %c0_i32 = arith.constant 0 : i32
    %c0_i32_0 = arith.constant 0 : i32
    return %c0_i32, %arg0 : i32, i32
  }
}

</mosaic_0001>

<sc_bundles>
// kernel: kernel.4.cloned.1.call-start
scs
__scs_entry_jumppad:
0x0: {  	(pc) =	sbr.rel $0x88, $3  }
0x1: {  	(tag) =	ssettag $0x0;
	lr =	simm.s32 $0x1  }
0x2: {  	[smem:$0x3F9D] =	sst lr;
	_ =	strace $0xD0000000  }
0x3: {  	_ = 	snop  }
0x4: {  	_ = 	snop  }
0x5: {  	_ = 	snop  }
0x6: {  	_ = 	snop  }
0x7: {  	_ = 	snop  }
__scs_overlays_trampoline_lowered:
0x8: {  	[smem:$0x3FAC] =	sst s0  }
0x9: {  	[smem:$0x3FAD] =	sst s1  }
0xa: {  	[smem:$0x3FAE] =	sst s2  }
0xb: {  	[smem:$0x3FAF] =	sst s3  }
0xc: {  	[smem:$0x3FB0] =	sst s4  }
0xd: {  	[smem:$0x3FB1] =	sst s5  }
0xe: {  	[smem:$0x3FB2] =	sst s6  }
0xf: {  	[smem:$0x3FB3] =	sst s7  }
0x10: {  	[smem:$0x3FB4] =	sst s8  }
0x11: {  	[smem:$0x3FB5] =	sst s9;
	s0 =	simm.s32 @!p0 $0x0  }
0x12: {  	s1 =	sld [smem:$0x3F9B];
	s0 =	simm.s32 @p0 $0x1  }
0x13: {  	[smem:$0x3FB6] =	sst s0;
	s0 =	simm.s32 @!p1 $0x0  }
0x14: {  	s2 =	sld [smem:$0x3F9A];
	s0 =	simm.s32 @p1 $0x1  }
0x15: {  	[smem:$0x3FB7] =	sst s0;
	s0 =	simm.s32 @!p2 $0x0  }
0x16: {  	s3 =	sld [smem:$0x3FDB];
	s0 =	simm.s32 @p2 $0x1  }
0x17: {  	s4 =	simm.s32 $0x1BF5;
	[smem:$0x3FB9] =	sst s0  }
0x18: {  	s0 =	sld [smem:$0x3F9C];
	_ =	swait.ge [sflag:s4], $0x0  }
0x19: {  	s7 =	sld [smem:$0x3F9D]  }
0x1a: {  	s8 =	sadd.s32 $0xFFFFE003, lr  }
0x1b: {  	s9 =	sadd.s32 $0xFFFFFEF7, lr;
	s5 =	simm.s32 $0xFFFFFFFF;
	p2 =	slt.u32 s8, $0xFFFFF086  }
0x1c: {  	p1 =	slt.u32 s9, $0xF7A;
	s5 =	simm.s32 @!p2 $0x0  }
0x1d: {  	s5 =	simm.s32 @p1 $0x1;
	p0 =	seq.s32 s7, s2  }
0x1e: {  	s7 =	smul.u32 @!p0 $0xF7A, s2;
	p2 =	seq.s32 @!p0 s5, $0x0  }
0x1f: {  	s9 =	smul.u32 $0xF7A, s1;
	s8 =	simm.s32 @!p0 $0x1BF5;
	p2 =	por !p2, p0  }
0x20: {  	[sflag:s8] =	ssyncset.s32 @!p0 $0xFFFFF086;
	s6 =	sadd.s32 @!p0 s3, s7;
	s7 =	simm.s32 @!p0 $0x108  }
0x21: {  	s3 =	sadd.s32 s3, s9;
	s6 =	sadd.s32 @!p0 $0x88, s6;
	s7 =	simm.s32 @p2 $0x1082  }
0x22: {  	[simem:s7], [sflag:s8] =	dma.local @!p0 [hbm:s6], $0xF7A  }
0x23: {  	s9 =	sor.u32 $0xD0000000, s2;
	s6 =	simm.s32 $0x108;
	_ =	swait.ge @!p0 [sflag:s8], $0x0  }
0x24: {  	s3 =	sadd.s32 $0x88, s3;
	s6 =	simm.s32 @!p1 $0x1082;
	[sflag:s4] =	ssyncset.s32 $0xFFFFF086  }
0x25: {  	[simem:s6], [sflag:s4] =	dma.local [hbm:s3], $0xF7A  }
0x26: {  	[smem:$0x3F9D] =	sst s1;
	(tag) =	ssettag s2;
	_ =	strace s9  }
0x27: {  	s1 =	sld [smem:$0x3FAD]  }
0x28: {  	s2 =	sld [smem:$0x3FAE]  }
0x29: {  	s4 =	sld [smem:$0x3FB0]  }
0x2a: {  	p0 =	seq.s32 s5, $0x0;
	s5 =	sld [smem:$0x3FB1]  }
0x2b: {  	s6 =	sld [smem:$0x3FB2]  }
0x2c: {  	s7 =	sld [smem:$0x3FB3]  }
0x2d: {  	s3 =	simm.s32 $0x108;
	s8 =	sld [smem:$0x3FB4]  }
0x2e: {  	s3 =	simm.s32 @!p0 $0x1082;
	s9 =	sld [smem:$0x3FB5]  }
0x2f: {  	lr =	sadd.s32 s0, s3;
	s0 =	sld [smem:$0x3FAC]  }
0x30: {  	s3 =	sld [smem:$0x3FAF]  }
0x31: {  	[smem:$0x3FB8] =	sst s10  }
0x32: {  	s10 =	sld [smem:$0x3FB6];
	_ =	sdelay $0x3  }
0x33: {  	p0 =	seq.s32 s10, $0x1;
	s10 =	sld [smem:$0x3FB8];
	_ =	sdelay $0x3  }
0x34: {  	[smem:$0x3FB8] =	sst s10  }
0x35: {  	s10 =	sld [smem:$0x3FB7];
	_ =	sdelay $0x3  }
0x36: {  	p1 =	seq.s32 s10, $0x1;
	s10 =	sld [smem:$0x3FB8];
	_ =	sdelay $0x3  }
0x37: {  	[smem:$0x3FB8] =	sst s10  }
0x38: {  	s10 =	sld [smem:$0x3FB9]  }
0x39: {  	_ = 	snop;
	(pc) =	sbr.ind lr, $3  }
0x3a: {  	_ = 	snop  }
0x3b: {  	_ = 	snop  }
0x3c: {  	p2 =	seq.s32 s10, $0x1;
	s10 =	sld [smem:$0x3FB8]  }
0x3d: {  	_ =	shalt  }
0x3e: {  	_ =	shalt  }
0x3f: {  	_ =	shalt  }
0x40: {  	_ =	shalt  }
0x41: {  	_ =	shalt  }
0x42: {  	_ =	shalt  }
0x43: {  	_ =	shalt  }
0x44: {  	_ =	shalt  }
0x45: {  	_ =	shalt  }
0x46: {  	_ =	shalt  }
0x47: {  	_ =	shalt  }
0x48: {  	_ =	shalt  }
0x49: {  	_ =	shalt  }
0x4a: {  	_ =	shalt  }
0x4b: {  	_ =	shalt  }
0x4c: {  	_ =	shalt  }
0x4d: {  	_ =	shalt  }
0x4e: {  	_ =	shalt  }
0x4f: {  	_ =	shalt  }
0x50: {  	_ =	shalt  }
0x51: {  	_ =	shalt  }
0x52: {  	_ =	shalt  }
0x53: {  	_ =	shalt  }
0x54: {  	_ =	shalt  }
0x55: {  	_ =	shalt  }
0x56: {  	_ =	shalt  }
0x57: {  	_ =	shalt  }
0x58: {  	_ =	shalt  }
0x59: {  	_ =	shalt  }
0x5a: {  	_ =	shalt  }
0x5b: {  	_ =	shalt  }
0x5c: {  	_ =	shalt  }
0x5d: {  	_ =	shalt  }
0x5e: {  	_ =	shalt  }
0x5f: {  	_ =	shalt  }
0x60: {  	_ =	shalt  }
0x61: {  	_ =	shalt  }
0x62: {  	_ =	shalt  }
0x63: {  	_ =	shalt  }
0x64: {  	_ =	shalt  }
0x65: {  	_ =	shalt  }
0x66: {  	_ =	shalt  }
0x67: {  	_ =	shalt  }
0x68: {  	_ =	shalt  }
0x69: {  	_ =	shalt  }
0x6a: {  	_ =	shalt  }
0x6b: {  	_ =	shalt  }
0x6c: {  	_ =	shalt  }
0x6d: {  	_ =	shalt  }
0x6e: {  	_ =	shalt  }
0x6f: {  	_ =	shalt  }
0x70: {  	_ =	shalt  }
0x71: {  	_ =	shalt  }
0x72: {  	_ =	shalt  }
0x73: {  	_ =	shalt  }
0x74: {  	_ =	shalt  }
0x75: {  	_ =	shalt  }
0x76: {  	_ =	shalt  }
0x77: {  	_ =	shalt  }
0x78: {  	_ =	shalt  }
0x79: {  	_ =	shalt  }
0x7a: {  	_ =	shalt  }
0x7b: {  	_ =	shalt  }
0x7c: {  	_ =	shalt  }
0x7d: {  	_ =	shalt  }
0x7e: {  	_ =	shalt  }
0x7f: {  	_ =	shalt  }
0x80: {  	_ =	shalt  }
0x81: {  	_ =	shalt  }
0x82: {  	_ =	shalt  }
0x83: {  	_ =	shalt  }
0x84: {  	_ =	shalt  }
0x85: {  	_ =	shalt  }
0x86: {  	_ =	shalt  }
0x87: {  	_ =	shalt  }
.Lfunc_end0:
.L_simem_size_0:
called_computation_lowered:
.L_overlay_start_0:
0x88: {  	s2 =	sld [smem:$0x3FD9]  }
0x89: {  	s3 =	sld [smem:$0x3FFE];
	_ =	sdelay $0x1  }
0x8a: {  	s1 =	srdreg.scid  }
0x8b: {  	s0 =	sand.u32 $0x1, s1  }
0x8c: {  	s17 =	sshll.u32 s0, $0xA;
	s2 =	sadd.s32 s3, s2  }
0x8d: {  	s2 =	sadd.s32 s2, s17  }
0x8e: {  	[smem:$0x3FC4] =	sst s2  }
0x8f: {  	_ = 	snop  }
0x90: {  	s2 =	sld [smem:$0x3FC6]  }
0x91: {  	s18 =	sld [smem:$0x3FD0];
	(tm) =	ssettm $0x1  }
0x92: {  	s4 =	sld [smem:$0x3FFB];
	_ =	sdelay $0x3  }
0x93: {  	_ =	strace s4  }
0x94: {  	s4 =	sld [smem:$0x3FFC];
	_ =	sdelay $0x3  }
0x95: {  	_ =	strace s4  }
0x96: {  	s4 =	sld [smem:$0x3FFD];
	_ =	sdelay $0x3  }
0x97: {  	_ =	strace s4  }
0x98: {  	_ =	strace $0x8FFFFFFF  }
0x99: {  	s19 =	sld [smem:$0x3FDB];
	_ =	sdelay $0x1  }
0x9a: {  	s5 =	simm.s32 $_scs_section_size  }
0x9b: {  	s6 =	simm.s32 $_size__tile_overlayer_lowered;
	s7 =	simm.s32 $_tile_overlayer_lowered  }
0x9c: {  	s22 =	simm.s32 $0x1BFF;
	s21 =	sshll.u32 s7, $0x1;
	s4 =	sadd.s32 s5, s19  }
0x9d: {  	s8 =	simm.s32 $0x0;
	s20 =	sshll.u32 s6, $0x1;
	s6 =	sadd.s32 s21, s4  }
0x9e: {  	[timem:s8], [sflag:s22] =	dma.local [hbm:s6], s20  }
0x9f: {  	_ =	swait.ge [sflag:s22], s20  }
0xa0: {  	s5 =	ssub.s32 $0x0, s20;
	[sflag:s22] =	ssyncset.done $0x0  }
0xa1: {  	[sflag:s22] =	ssyncadd.s32 s5;
	_ =	sdelay $0x1  }
0xa2: {  	s23 =	simm.s32 $0x1B8B  }
0xa3: {  	_ =	swait.ge [sflag:s23], $0x1  }
0xa4: {  	[sflag:s23] =	ssyncset.done $0x0  }
0xa5: {  	s25 =	simm.s32 $0x1B8E;
	s24 =	sld [smem:$0x3FFE];
	[sflag:s23] =	ssyncadd.s32 $0xFFFFFFFF  }
0xa6: {  	s26 =	simm.s32 $execute0_lowered;
	[smem:$0x3FD2] =	sst s25  }
0xa7: {  	s6 =	sshll.u32 s26, $0x1;
	_ =	strace $0x80000046;
	[dreg:$0x1] =	wrdreg $0xFFFFFFFF  }
0xa8: {  	s28 =	simm.s32 $_size_execute0_lowered;
	s4 =	sadd.s32 s4, s6;
	[dreg:$0x0] =	wrdreg $0x0  }
0xa9: {  	s6 =	sshll.u32 s28, $0x1;
	[dreg:$0x2] =	wrdreg s4  }
0xaa: {  	[dreg:$0x3] =	wrdreg s6  }
0xab: {  	[dreg:$0x4] =	wrdreg $0xC0  }
0xac: {  	_ =	task [dreg:s8], $0x5FFFF  }
0xad: {  	[dreg:$0x1] =	wrdreg $0xFFFFFFFF  }
0xae: {  	[dreg:$0x0] =	wrdreg $0x60  }
0xaf: {  	[dreg:$0x2] =	wrdreg s24  }
0xb0: {  	[dreg:$0x3] =	wrdreg s2  }
0xb1: {  	[dreg:$0x4] =	wrdreg s18  }
0xb2: {  	[dreg:$0x5] =	wrdreg $0x9  }
0xb3: {  	_ =	task.clear_ibuf [dreg:s8], $0x6FFFF;
	_ =	strace $0x90000046  }
0xb4: {  	s29 =	simm.s32 $0x9;
	_ =	strace $0x80000048  }
0xb5: {  	_ =	swait.ge [sflag:s29], $0x1  }
0xb6: {  	[sflag:s29] =	ssyncadd.s32 $0xFFFFFFFF  }
0xb7: {  	_ =	strace $0x90000048  }
0xb8: {  	_ =	sfence  }
0xb9: {  	s30 =	sld [smem:$0x0];
	_ =	sdelay $0x2  }
0xba: {  	s31 =	sshll.u32 s1, $0xD;
	s1 =	sshrl.u32 s1, $0x2  }
0xbb: {  	s3 =	sand.u32 $0x4000, s31;
	s1 =	sadd.s32 s1, s30  }
0xbc: {  	s0 =	sor.u32 s3, s0;
	s1 =	sshll.u32 s1, $0x11  }
0xbd: {  	s0 =	sor.u32 s1, s0  }
0xbe: {  	s0 =	sadd.s32 $0x8F2B, s0  }
0xbf: {  	[sflag:s0] =	ssyncadd.remote.s32 $0x1  }
0xc0: {  	_ =	sfence.sel $0xFFFF  }
0xc1: {  	[dreg:$0x0] =	wrdreg $0xFFFFFFFF;
	(pc) =	sbr.abs _section_cstart, $3  }
0xc2: {  	[dreg:$0x1] =	wrdreg $0xFFFFFFFF  }
0xc3: {  	_ =	task.clear_ibuf [dreg:s8], $0x2FFFF;
	_ =	strace $0x9FFFFFFF  }
0xc4: {  	(tm) =	ssettm $0x7FFFFFFF  }
0xc5: {  	_ =	shalt  }
tec
execute0_lowered:
.L_overlay_start_1:
0x0: {  	(tag) =	ssettag $0x1  }
0x1: {  	s3 =	rddreg [dreg:$0x0]  }
0x2: {  	s4 =	rddreg [dreg:$0x1]  }
0x3: {  	s0 =	rddreg [dreg:$0x2];
	s1 =	srdreg.scid  }
0x4: {  	s2 =	simm.s32 $0x0;
	s5 =	stileid.u32;
	s7 =	sand.u32 $0x1, s1  }
0x5: {  	[smem:$0x7FF] =	sst s2;
	s17 =	sshll.u32 s5, $0xA;
	s18 =	sshll.u32 s7, $0x9  }
0x6: {  	s11 =	sadd.s32 $0xC00, s3;
	s8 =	sadd.s32 $0x40C00, s3;
	s10 =	sor.u32 s18, s17  }
0x7: {  	_ =	strace $0x80000047;
	s1 =	sshll.u32 s10, $0x4;
	s12 =	sor.u32 $0x80, s10  }
0x8: {  	s13 =	sor.u32 $0x100, s10;
	s9 =	sor.u32 $0x180, s10;
	s19 =	sadd.s32 s11, s1  }
0x9: {  	s3 =	sshll.u32 s12, $0x4;
	s1 =	sadd.s32 s0, s1;
	[dreg:$0x4] =	wrdreg s19  }
0xa: {  	s5 =	sshll.u32 s13, $0x4;
	s20 =	sadd.s32 s11, s3;
	[smem:$0x7FA] =	sst s1  }
0xb: {  	s6 =	sshll.u32 s9, $0x4;
	s14 =	sadd.s32 s11, s5;
	[dreg:$0x5] =	wrdreg s20  }
0xc: {  	s17 =	sshrl.u32 s12, $0x3;
	s11 =	sadd.s32 s11, s6;
	[dreg:$0x6] =	wrdreg s14  }
0xd: {  	s10 =	sshrl.u32 s10, $0x3;
	s18 =	sadd.s32 s8, s17;
	[dreg:$0x7] =	wrdreg s11  }
0xe: {  	s14 =	sadd.s32 s8, s10;
	[dreg:$0x14] =	wrdreg s18  }
0xf: {  	s10 =	sadd.s32 $0x800, s14;
	[smem:$0x7F4] =	sst s14  }
0x10: {  	s21 =	sadd.s32 $0x1000, s14;
	[dreg:$0x8] =	wrdreg s10  }
0x11: {  	s22 =	sadd.s32 $0x1800, s14;
	[dreg:$0x9] =	wrdreg s21  }
0x12: {  	s23 =	sadd.s32 $0x2000, s14;
	[dreg:$0xa] =	wrdreg s22  }
0x13: {  	s24 =	sadd.s32 $0x2800, s14;
	[dreg:$0xb] =	wrdreg s23  }
0x14: {  	s25 =	sadd.s32 $0x3000, s14;
	[dreg:$0xc] =	wrdreg s24  }
0x15: {  	s26 =	sadd.s32 $0x3800, s14;
	[dreg:$0xd] =	wrdreg s25  }
0x16: {  	s29 =	sadd.s32 $0x4000, s14;
	[dreg:$0xe] =	wrdreg s26  }
0x17: {  	s30 =	sadd.s32 $0x4800, s14;
	[dreg:$0xf] =	wrdreg s29  }
0x18: {  	s11 =	sadd.s32 $0x5000, s14;
	[dreg:$0x10] =	wrdreg s30  }
0x19: {  	s15 =	sadd.s32 $0x5800, s14;
	[dreg:$0x11] =	wrdreg s11  }
0x1a: {  	s16 =	sadd.s32 $0x6000, s14;
	[dreg:$0x12] =	wrdreg s15  }
0x1b: {  	s19 =	sadd.s32 $0x810, s14;
	[dreg:$0x13] =	wrdreg s16  }
0x1c: {  	s20 =	sadd.s32 $0x1010, s14;
	[dreg:$0x15] =	wrdreg s19  }
0x1d: {  	s12 =	sadd.s32 $0x6010, s14;
	[dreg:$0x16] =	wrdreg s20  }
0x1e: {  	s17 =	sadd.s32 $0x1020, s14;
	[smem:$0x7DA] =	sst s12  }
0x1f: {  	s18 =	sadd.s32 $0x1820, s14;
	[smem:$0x7DD] =	sst s17  }
0x20: {  	s21 =	sadd.s32 $0x1810, s14;
	[smem:$0x7DE] =	sst s18  }
0x21: {  	s22 =	sadd.s32 $0x2010, s14;
	[dreg:$0x17] =	wrdreg s21  }
0x22: {  	s23 =	sadd.s32 $0x2810, s14;
	[dreg:$0x18] =	wrdreg s22  }
0x23: {  	s24 =	sadd.s32 $0x3010, s14;
	[dreg:$0x19] =	wrdreg s23  }
0x24: {  	s25 =	sadd.s32 $0x3810, s14;
	[dreg:$0x1a] =	wrdreg s24  }
0x25: {  	s26 =	sadd.s32 $0x4010, s14;
	[dreg:$0x1b] =	wrdreg s25  }
0x26: {  	s29 =	sadd.s32 $0x4810, s14;
	[dreg:$0x1c] =	wrdreg s26  }
0x27: {  	s30 =	sadd.s32 $0x5010, s14;
	[dreg:$0x1d] =	wrdreg s29  }
0x28: {  	s13 =	sshrl.u32 s13, $0x3;
	s11 =	sadd.s32 $0x5810, s14;
	[dreg:$0x1e] =	wrdreg s30  }
0x29: {  	s15 =	sadd.s32 s8, s13;
	[dreg:$0x1f] =	wrdreg s11  }
0x2a: {  	s16 =	sadd.s32 $0x820, s14;
	[smem:$0x7DB] =	sst s15  }
0x2b: {  	s19 =	sadd.s32 $0x2020, s14;
	[smem:$0x7DC] =	sst s16  }
0x2c: {  	s9 =	sshrl.u32 s9, $0x3;
	s20 =	sadd.s32 $0x2820, s14;
	[smem:$0x7DF] =	sst s19  }
0x2d: {  	s8 =	sadd.s32 s8, s9;
	[smem:$0x7E0] =	sst s20  }
0x2e: {  	s9 =	sadd.s32 $0x1030, s14;
	[smem:$0x7E8] =	sst s8  }
0x2f: {  	s10 =	sadd.s32 $0x1830, s14;
	[smem:$0x7EA] =	sst s9  }
0x30: {  	s12 =	sadd.s32 $0x2830, s14;
	[smem:$0x7EB] =	sst s10  }
0x31: {  	s13 =	sadd.s32 $0x3030, s14;
	[smem:$0x7ED] =	sst s12  }
0x32: {  	s17 =	sadd.s32 $0x4830, s14;
	[smem:$0x7EE] =	sst s13  }
0x33: {  	s18 =	sadd.s32 $0x5030, s14;
	[smem:$0x7F1] =	sst s17  }
0x34: {  	s21 =	sadd.s32 $0x3020, s14;
	[smem:$0x7F2] =	sst s18  }
0x35: {  	s22 =	sadd.s32 $0x3820, s14;
	[smem:$0x7E1] =	sst s21  }
0x36: {  	s28 =	simm.s32 $0x1A00;
	s23 =	sadd.s32 $0x4020, s14;
	[smem:$0x7E2] =	sst s22  }
0x37: {  	p0 =	por $0x0, $0x0;
	s24 =	sadd.s32 $0x4820, s14;
	[smem:$0x7E3] =	sst s23  }
0x38: {  	s31 =	sadd.s32 $0x1B900, s4;
	s25 =	sadd.s32 $0x5020, s14;
	[smem:$0x7E4] =	sst s24  }
0x39: {  	s7 =	ssub.s32 $0x2, s7;
	s26 =	sadd.s32 $0x5820, s14;
	[smem:$0x7E5] =	sst s25  }
0x3a: {  	s1 =	simm.s32 $0x3;
	s29 =	sadd.s32 $0x6020, s14;
	[smem:$0x7E6] =	sst s26  }
0x3b: {  	s30 =	sadd.s32 $0x830, s14;
	s11 =	sadd.s32 $0x2030, s14;
	[smem:$0x7E7] =	sst s29  }
0x3c: {  	s15 =	sadd.s32 $0x3830, s14;
	s16 =	sadd.s32 $0x4030, s14;
	[smem:$0x7E9] =	sst s30  }
0x3d: {  	s19 =	sadd.s32 $0x5830, s14;
	s20 =	sshrl.u32 s7, $0x1;
	[smem:$0x7EC] =	sst s11  }
0x3e: {  	s13 =	sadd.s32 $0x23700, s4;
	s18 =	sadd.s32 $0x27600, s4;
	[smem:$0x7EF] =	sst s15  }
0x3f: {  	s12 =	sadd.s32 $0x2B500, s4;
	s8 =	simm.s32 $0x5A00;
	[smem:$0x7F0] =	sst s16  }
0x40: {  	s17 =	simm.s32 $0xDA00;
	[smem:$0x7F3] =	sst s19;
	s21 =	sadd.s32 $0x6030, s14  }
0x41: {  	s7 =	ssub.s32 s7, s20;
	s22 =	sadd.s32 $0x3F00, s4;
	s23 =	sadd.s32 $0x7E00, s4  }
0x42: {  	s24 =	sadd.s32 $0xBD00, s4;
	s25 =	sadd.s32 $0xFC00, s4;
	[smem:$0x7F5] =	sst s21  }
0x43: {  	s14 =	sadd.s32 $0x13B00, s4;
	s15 =	sadd.s32 $0x17A00, s4;
	[smem:$0x7F6] =	sst s22  }
0x44: {  	s19 =	sadd.s32 $0x1F800, s4;
	[smem:$0x7F7] =	sst s23;
	s30 =	smax.u32 s7, $0x1  }
0x45: {  	s26 =	sadd.s32 s0, s3;
	[smem:$0x7F8] =	sst s24;
	p1 =	sne.s32 s30, $0x1  }
.Ltmp0:
0x46: {  	s29 =	sadd.s32 s0, s5;
	[smem:$0x7F9] =	sst s25;
	(pc) =	sbr.rel @!p1 .LBB2_1-.Ltmp0, $4  }
0x47: {  	s0 =	sadd.s32 s0, s6;
	s5 =	simm.s32 $0x9A00;
	[smem:$0x7FB] =	sst s26  }
0x48: {  	s20 =	simm.s32 $0x4;
	[smem:$0x7FC] =	sst s29;
	s21 =	sadd.s32 $0x2F400, s4  }
0x49: {  	[smem:$0x7FD] =	sst s0;
	s22 =	simm.s32 $0x80;
	s0 =	simm.s32 $0x1  }
0x4a: {  	s7 =	simm.s32 $0x2;
	s25 =	rddreg [dreg:$0x4];
	s3 =	sadd.s32 $0xFFFFFFFF, s30  }
0x4b: {  	s24 =	rddreg [dreg:$0x5]  }
0x4c: {  	[tilespmem:s28], [sflag:$0x3] =	stream.linear.gather [hbm4b:s25+s2], $0x4000, $0x38;
	[tilespmem:$0x11A00] =	vst v63  }
0x4d: {  	s29 =	rddreg [dreg:$0x6]  }
0x4e: {  	s30 =	rddreg [dreg:$0x7]  }
0x4f: {  	s1 =	rddreg [dreg:$0x8]  }
0x50: {  	[tilespmem:s8], [sflag:$0x3] =	stream.linear.gather [hbm4b:s24+s2], $0x4000, $0x38;
	[tilespmem:$0x11A00] =	vst v63  }
0x51: {  	s4 =	sld [smem:$0x7F4]  }
0x52: {  	[tilespmem:s5], [sflag:$0x3] =	stream.linear.gather [hbm4b:s29+s2], $0x4000, $0x38;
	[tilespmem:$0x11A00] =	vst v63  }
0x53: {  	s6 =	rddreg [dreg:$0xa]  }
0x54: {  	[tilespmem:s17], [sflag:$0x3] =	stream.linear.gather [hbm4b:s30+s2], $0x4000, $0x38;
	[tilespmem:$0x11A00] =	vst v63  }
0x55: {  	s10 =	rddreg [dreg:$0xc]  }
0x56: {  	[tilespmem:s2], [sflag:$0x1] =	stream.linear.gather [hbm4b:s4+s2], $0x80, $0x38;
	[tilespmem:$0x11A00] =	vst v63  }
0x57: {  	s26 =	simm.s32 $0x200;
	s16 =	rddreg [dreg:$0xd]  }
0x58: {  	[tilespmem:s26], [sflag:$0x1] =	stream.linear.gather [hbm4b:s1+s2], $0x80, $0x38;
	[tilespmem:$0x11A00] =	vst v63  }
0x59: {  	s5 =	rddreg [dreg:$0x9];
	s1 =	simm.s32 $0x400  }
0x5a: {  	[tilespmem:s1], [sflag:$0x1] =	stream.linear.gather [hbm4b:s5+s2], $0x80, $0x38;
	[tilespmem:$0x11A00] =	vst v63  }
0x5b: {  	s9 =	simm.s32 $0x600;
	s25 =	rddreg [dreg:$0x13]  }
0x5c: {  	[tilespmem:s9], [sflag:$0x1] =	stream.linear.gather [hbm4b:s6+s2], $0x80, $0x38;
	[tilespmem:$0x11A00] =	vst v63  }
0x5d: {  	s11 =	simm.s32 $0x800;
	s8 =	rddreg [dreg:$0xb]  }
0x5e: {  	[tilespmem:s11], [sflag:$0x1] =	stream.linear.gather [hbm4b:s8+s2], $0x80, $0x38;
	[tilespmem:$0x11A00] =	vst v63  }
0x5f: {  	[smem:$0x7D1] =	sst s14;
	s30 =	simm.s32 $0xA00  }
0x60: {  	[tilespmem:s30], [sflag:$0x1] =	stream.linear.gather [hbm4b:s10+s2], $0x80, $0x38;
	[tilespmem:$0x11A00] =	vst v63  }
0x61: {  	[smem:$0x7D2] =	sst s15;
	s29 =	simm.s32 $0xC00  }
0x62: {  	[tilespmem:s29], [sflag:$0x1] =	stream.linear.gather [hbm4b:s16+s2], $0x80, $0x38;
	[tilespmem:$0x11A00] =	vst v63  }
0x63: {  	s17 =	rddreg [dreg:$0xe];
	s29 =	simm.s32 $0xE00  }
0x64: {  	[tilespmem:s29], [sflag:$0x1] =	stream.linear.gather [hbm4b:s17+s2], $0x80, $0x38;
	[tilespmem:$0x11A00] =	vst v63  }
0x65: {  	s6 =	rddreg [dreg:$0xf];
	s16 =	simm.s32 $0x1000  }
0x66: {  	[tilespmem:s16], [sflag:$0x1] =	stream.linear.gather [hbm4b:s6+s2], $0x80, $0x38;
	[tilespmem:$0x11A00] =	vst v63  }
0x67: {  	s9 =	rddreg [dreg:$0x10];
	s17 =	simm.s32 $0x1200  }
0x68: {  	[tilespmem:s17], [sflag:$0x1] =	stream.linear.gather [hbm4b:s9+s2], $0x80, $0x38;
	[tilespmem:$0x11A00] =	vst v63  }
0x69: {  	s1 =	rddreg [dreg:$0x11];
	s9 =	simm.s32 $0x1400  }
0x6a: {  	[tilespmem:s9], [sflag:$0x1] =	stream.linear.gather [hbm4b:s1+s2], $0x80, $0x38;
	[tilespmem:$0x11A00] =	vst v63  }
0x6b: {  	s28 =	simm.s32 $0x1600;
	s6 =	rddreg [dreg:$0x12]  }
0x6c: {  	[tilespmem:s28], [sflag:$0x1] =	stream.linear.gather [hbm4b:s6+s2], $0x80, $0x38;
	[tilespmem:$0x11A00] =	vst v63  }
0x6d: {  	s24 =	rddreg [dreg:$0x16];
	s6 =	simm.s32 $0x1800  }
0x6e: {  	[tilespmem:s6], [sflag:$0x1] =	stream.linear.gather [hbm4b:s25+s2], $0x80, $0x38;
	[tilespmem:$0x11A00] =	vst v63  }
0x6f: {  	s1 =	rddreg [dreg:$0x14]  }
0x70: {  	[tilespmem:s22], [sflag:$0x1] =	stream.linear.gather [hbm4b:s1+s2], $0x80, $0x38;
	[tilespmem:$0x11A00] =	vst v63  }
0x71: {  	s25 =	rddreg [dreg:$0x15];
	s1 =	simm.s32 $0x280  }
0x72: {  	[tilespmem:s1], [sflag:$0x1] =	stream.linear.gather [hbm4b:s25+s2], $0x80, $0x38;
	[tilespmem:$0x11A00] =	vst v63  }
0x73: {  	s25 =	rddreg [dreg:$0x17];
	s1 =	simm.s32 $0x480  }
0x74: {  	[tilespmem:s1], [sflag:$0x1] =	stream.linear.gather [hbm4b:s24+s2], $0x80, $0x38;
	[tilespmem:$0x11A00] =	vst v63  }
0x75: {  	s14 =	simm.s32 $0x680;
	s24 =	rddreg [dreg:$0x18]  }
0x76: {  	[tilespmem:s14], [sflag:$0x1] =	stream.linear.gather [hbm4b:s25+s2], $0x80, $0x38;
	[tilespmem:$0x11A00] =	vst v63  }
0x77: {  	s25 =	rddreg [dreg:$0x19];
	s14 =	simm.s32 $0x880  }
0x78: {  	[tilespmem:s14], [sflag:$0x1] =	stream.linear.gather [hbm4b:s24+s2], $0x80, $0x38;
	[tilespmem:$0x11A00] =	vst v63  }
0x79: {  	s24 =	rddreg [dreg:$0x1a];
	s14 =	simm.s32 $0xA80  }
0x7a: {  	[tilespmem:s14], [sflag:$0x1] =	stream.linear.gather [hbm4b:s25+s2], $0x80, $0x38;
	[tilespmem:$0x11A00] =	vst v63  }
0x7b: {  	s25 =	rddreg [dreg:$0x1b];
	s14 =	simm.s32 $0xC80  }
0x7c: {  	[tilespmem:s14], [sflag:$0x1] =	stream.linear.gather [hbm4b:s24+s2], $0x80, $0x38;
	[tilespmem:$0x11A00] =	vst v63  }
0x7d: {  	s24 =	rddreg [dreg:$0x1c];
	s14 =	simm.s32 $0xE80  }
0x7e: {  	[tilespmem:s14], [sflag:$0x1] =	stream.linear.gather [hbm4b:s25+s2], $0x80, $0x38;
	[tilespmem:$0x11A00] =	vst v63  }
0x7f: {  	s25 =	rddreg [dreg:$0x1d];
	s14 =	simm.s32 $0x1080  }
0x80: {  	[tilespmem:s14], [sflag:$0x1] =	stream.linear.gather [hbm4b:s24+s2], $0x80, $0x38;
	[tilespmem:$0x11A00] =	vst v63  }
0x81: {  	s24 =	rddreg [dreg:$0x1e];
	s14 =	simm.s32 $0x1280  }
0x82: {  	[tilespmem:s14], [sflag:$0x1] =	stream.linear.gather [hbm4b:s25+s2], $0x80, $0x38;
	[tilespmem:$0x11A00] =	vst v63  }
0x83: {  	s25 =	rddreg [dreg:$0x1f];
	s14 =	simm.s32 $0x1480  }
0x84: {  	[tilespmem:s14], [sflag:$0x1] =	stream.linear.gather [hbm4b:s24+s2], $0x80, $0x38;
	[tilespmem:$0x11A00] =	vst v63  }
0x85: {  	s24 =	sld [smem:$0x7DA];
	s14 =	simm.s32 $0x1680  }
0x86: {  	[tilespmem:s14], [sflag:$0x1] =	stream.linear.gather [hbm4b:s25+s2], $0x80, $0x38;
	[tilespmem:$0x11A00] =	vst v63  }
0x87: {  	s25 =	sld [smem:$0x7DB];
	s14 =	simm.s32 $0x1880  }
0x88: {  	[tilespmem:s14], [sflag:$0x1] =	stream.linear.gather [hbm4b:s24+s2], $0x80, $0x38;
	[tilespmem:$0x11A00] =	vst v63  }
0x89: {  	s24 =	sld [smem:$0x7DC];
	s14 =	simm.s32 $0x100  }
0x8a: {  	[tilespmem:s14], [sflag:$0x1] =	stream.linear.gather [hbm4b:s25+s2], $0x80, $0x38;
	[tilespmem:$0x11A00] =	vst v63  }
0x8b: {  	s25 =	sld [smem:$0x7DD];
	s14 =	simm.s32 $0x300  }
0x8c: {  	[tilespmem:s14], [sflag:$0x1] =	stream.linear.gather [hbm4b:s24+s2], $0x80, $0x38;
	[tilespmem:$0x11A00] =	vst v63  }
0x8d: {  	s24 =	sld [smem:$0x7DE];
	s14 =	simm.s32 $0x500  }
0x8e: {  	[tilespmem:s14], [sflag:$0x1] =	stream.linear.gather [hbm4b:s25+s2], $0x80, $0x38;
	[tilespmem:$0x11A00] =	vst v63  }
0x8f: {  	s15 =	simm.s32 $0x700;
	s25 =	sld [smem:$0x7DF]  }
0x90: {  	[tilespmem:s15], [sflag:$0x1] =	stream.linear.gather [hbm4b:s24+s2], $0x80, $0x38;
	[tilespmem:$0x11A00] =	vst v63  }
0x91: {  	s24 =	sld [smem:$0x7E0];
	s15 =	simm.s32 $0x900  }
0x92: {  	[tilespmem:s15], [sflag:$0x1] =	stream.linear.gather [hbm4b:s25+s2], $0x80, $0x38;
	[tilespmem:$0x11A00] =	vst v63  }
0x93: {  	s25 =	sld [smem:$0x7E1];
	s15 =	simm.s32 $0xB00  }
0x94: {  	[tilespmem:s15], [sflag:$0x1] =	stream.linear.gather [hbm4b:s24+s2], $0x80, $0x38;
	[tilespmem:$0x11A00] =	vst v63  }
0x95: {  	s24 =	sld [smem:$0x7E2];
	s15 =	simm.s32 $0xD00  }
0x96: {  	[tilespmem:s15], [sflag:$0x1] =	stream.linear.gather [hbm4b:s25+s2], $0x80, $0x38;
	[tilespmem:$0x11A00] =	vst v63  }
0x97: {  	s25 =	sld [smem:$0x7E3];
	s15 =	simm.s32 $0xF00  }
0x98: {  	[tilespmem:s15], [sflag:$0x1] =	stream.linear.gather [hbm4b:s24+s2], $0x80, $0x38;
	[tilespmem:$0x11A00] =	vst v63  }
0x99: {  	s24 =	sld [smem:$0x7E4];
	s15 =	simm.s32 $0x1100  }
0x9a: {  	[tilespmem:s15], [sflag:$0x1] =	stream.linear.gather [hbm4b:s25+s2], $0x80, $0x38;
	[tilespmem:$0x11A00] =	vst v63  }
0x9b: {  	s25 =	sld [smem:$0x7E5];
	s15 =	simm.s32 $0x1300  }
0x9c: {  	[tilespmem:s15], [sflag:$0x1] =	stream.linear.gather [hbm4b:s24+s2], $0x80, $0x38;
	[tilespmem:$0x11A00] =	vst v63  }
0x9d: {  	s24 =	sld [smem:$0x7E6];
	s15 =	simm.s32 $0x1500  }
0x9e: {  	[tilespmem:s15], [sflag:$0x1] =	stream.linear.gather [hbm4b:s25+s2], $0x80, $0x38;
	[tilespmem:$0x11A00] =	vst v63  }
0x9f: {  	s25 =	sld [smem:$0x7E7];
	s15 =	simm.s32 $0x1700  }
0xa0: {  	[tilespmem:s15], [sflag:$0x1] =	stream.linear.gather [hbm4b:s24+s2], $0x80, $0x38;
	[tilespmem:$0x11A00] =	vst v63  }
0xa1: {  	s24 =	sld [smem:$0x7E8];
	s15 =	simm.s32 $0x1900  }
0xa2: {  	[tilespmem:s15], [sflag:$0x1] =	stream.linear.gather [hbm4b:s25+s2], $0x80, $0x38;
	[tilespmem:$0x11A00] =	vst v63  }
0xa3: {  	s14 =	simm.s32 $0x180;
	s25 =	sld [smem:$0x7E9]  }
0xa4: {  	[tilespmem:s14], [sflag:$0x1] =	stream.linear.gather [hbm4b:s24+s2], $0x80, $0x38;
	[tilespmem:$0x11A00] =	vst v63  }
0xa5: {  	s24 =	sld [smem:$0x7EA];
	s14 =	simm.s32 $0x380  }
0xa6: {  	[tilespmem:s14], [sflag:$0x1] =	stream.linear.gather [hbm4b:s25+s2], $0x80, $0x38;
	[tilespmem:$0x11A00] =	vst v63  }
0xa7: {  	s25 =	sld [smem:$0x7EB];
	s14 =	simm.s32 $0x580  }
0xa8: {  	[tilespmem:s14], [sflag:$0x1] =	stream.linear.gather [hbm4b:s24+s2], $0x80, $0x38;
	[tilespmem:$0x11A00] =	vst v63  }
0xa9: {  	s24 =	sld [smem:$0x7EC];
	s14 =	simm.s32 $0x780  }
0xaa: {  	[tilespmem:s14], [sflag:$0x1] =	stream.linear.gather [hbm4b:s25+s2], $0x80, $0x38;
	[tilespmem:$0x11A00] =	vst v63  }
0xab: {  	s25 =	sld [smem:$0x7ED];
	s14 =	simm.s32 $0x980  }
0xac: {  	[tilespmem:s14], [sflag:$0x1] =	stream.linear.gather [hbm4b:s24+s2], $0x80, $0x38;
	[tilespmem:$0x11A00] =	vst v63  }
0xad: {  	s24 =	sld [smem:$0x7EE];
	s14 =	simm.s32 $0xB80  }
0xae: {  	[tilespmem:s14], [sflag:$0x1] =	stream.linear.gather [hbm4b:s25+s2], $0x80, $0x38;
	[tilespmem:$0x11A00] =	vst v63  }
0xaf: {  	s4 =	simm.s32 $0xD80;
	s15 =	sld [smem:$0x7EF]  }
0xb0: {  	[tilespmem:s4], [sflag:$0x1] =	stream.linear.gather [hbm4b:s24+s2], $0x80, $0x38;
	[tilespmem:$0x11A00] =	vst v63  }
0xb1: {  	s5 =	simm.s32 $0xF80;
	s4 =	sld [smem:$0x7F0]  }
0xb2: {  	[tilespmem:s5], [sflag:$0x1] =	stream.linear.gather [hbm4b:s15+s2], $0x80, $0x38;
	[tilespmem:$0x11A00] =	vst v63  }
0xb3: {  	s8 =	simm.s32 $0x1180;
	s5 =	sld [smem:$0x7F1]  }
0xb4: {  	[tilespmem:s8], [sflag:$0x1] =	stream.linear.gather [hbm4b:s4+s2], $0x80, $0x38;
	[tilespmem:$0x11A00] =	vst v63  }
0xb5: {  	s10 =	simm.s32 $0x1380;
	s8 =	sld [smem:$0x7F2]  }
0xb6: {  	[tilespmem:s10], [sflag:$0x1] =	stream.linear.gather [hbm4b:s5+s2], $0x80, $0x38;
	[tilespmem:$0x11A00] =	vst v63  }
0xb7: {  	s11 =	simm.s32 $0x1580;
	s10 =	sld [smem:$0x7F3]  }
0xb8: {  	[tilespmem:s11], [sflag:$0x1] =	stream.linear.gather [hbm4b:s8+s2], $0x80, $0x38;
	[tilespmem:$0x11A00] =	vst v63  }
0xb9: {  	s23 =	simm.s32 $0x1780;
	s14 =	sld [smem:$0x7F5]  }
0xba: {  	[tilespmem:s23], [sflag:$0x1] =	stream.linear.gather [hbm4b:s10+s2], $0x80, $0x38;
	[tilespmem:$0x11A00] =	vst v63  }
0xbb: {  	[smem:$0x7D9] =	sst s3;
	s3 =	simm.s32 $0x3;
	s23 =	simm.s32 $0x1980  }
0xbc: {  	[tilespmem:s23], [sflag:$0x1] =	stream.linear.gather [hbm4b:s14+s2], $0x80, $0x38;
	[tilespmem:$0x11A00] =	vst v63  }
0xbd: {  	_ =	swait.ge [sflag:s3], $0x4000  }
0xbe: {  	[sflag:s3] =	ssyncset.done $0x0  }
0xbf: {  	[sflag:s3] =	ssyncadd.s32 $0xFFFFC000  }
0xc0: {  	_ =	swait.ge [sflag:s0], $0x80  }
0xc1: {  	[sflag:s0] =	ssyncset.done $0x0  }
0xc2: {  	[sflag:s0] =	ssyncadd.s32 $0xFFFFFF80  }
0xc3: {  	_ =	swait.ge [sflag:s0], $0x80  }
0xc4: {  	[sflag:s0] =	ssyncset.done $0x0  }
0xc5: {  	[sflag:s0] =	ssyncadd.s32 $0xFFFFFF80  }
0xc6: {  	_ =	swait.ge [sflag:s0], $0x80  }
0xc7: {  	[sflag:s0] =	ssyncset.done $0x0  }
0xc8: {  	[sflag:s0] =	ssyncadd.s32 $0xFFFFFF80  }
0xc9: {  	_ =	swait.ge [sflag:s0], $0x80  }
0xca: {  	[sflag:s0] =	ssyncset.done $0x0  }
0xcb: {  	[sflag:s0] =	ssyncadd.s32 $0xFFFFFF80  }
0xcc: {  	_ =	swait.ge [sflag:s0], $0x80  }
0xcd: {  	[sflag:s0] =	ssyncset.done $0x0  }
0xce: {  	[sflag:s0] =	ssyncadd.s32 $0xFFFFFF80  }
0xcf: {  	_ =	swait.ge [sflag:s0], $0x80  }
0xd0: {  	[sflag:s0] =	ssyncset.done $0x0  }
0xd1: {  	[sflag:s0] =	ssyncadd.s32 $0xFFFFFF80  }
0xd2: {  	_ =	swait.ge [sflag:s0], $0x80  }
0xd3: {  	[sflag:s0] =	ssyncset.done $0x0  }
0xd4: {  	[sflag:s0] =	ssyncadd.s32 $0xFFFFFF80  }
0xd5: {  	_ =	swait.ge [sflag:s0], $0x80  }
0xd6: {  	[sflag:s0] =	ssyncset.done $0x0  }
0xd7: {  	[sflag:s0] =	ssyncadd.s32 $0xFFFFFF80  }
0xd8: {  	_ =	swait.ge [sflag:s0], $0x80  }
0xd9: {  	[sflag:s0] =	ssyncset.done $0x0  }
0xda: {  	[sflag:s0] =	ssyncadd.s32 $0xFFFFFF80  }
0xdb: {  	_ =	swait.ge [sflag:s0], $0x80  }
0xdc: {  	[sflag:s0] =	ssyncset.done $0x0  }
0xdd: {  	[sflag:s0] =	ssyncadd.s32 $0xFFFFFF80  }
0xde: {  	_ =	swait.ge [sflag:s0], $0x80  }
0xdf: {  	[sflag:s0] =	ssyncset.done $0x0  }
0xe0: {  	[sflag:s0] =	ssyncadd.s32 $0xFFFFFF80  }
0xe1: {  	_ =	swait.ge [sflag:s0], $0x80  }
0xe2: {  	[sflag:s0] =	ssyncset.done $0x0  }
0xe3: {  	[sflag:s0] =	ssyncadd.s32 $0xFFFFFF80  }
0xe4: {  	_ =	swait.ge [sflag:s0], $0x80  }
0xe5: {  	[sflag:s0] =	ssyncset.done $0x0  }
0xe6: {  	s25 =	sld [smem:$0x7F6];
	[sflag:s0] =	ssyncadd.s32 $0xFFFFFF80  }
0xe7: {  	s1 =	simm.s32 $0x1A00;
	s15 =	rddreg [dreg:$0x1]  }
0xe8: {  	[tilespmem:s1], [sflag:$0x2] =	stream.indirect.gather.add.f32 [hbm:s15], $0x80, s2, s22, $0xb8;
	[tilespmem:$0x11A00] =	vst v63  }
0xe9: {  	s4 =	sld [smem:$0x7F7]  }
0xea: {  	[tilespmem:s1], [sflag:$0x2] =	stream.indirect.gather.add.f32 [hbm:s25], $0x80, s26, s22, $0xb8;
	[tilespmem:$0x11A00] =	vst v63  }
0xeb: {  	s5 =	simm.s32 $0x400;
	s8 =	sld [smem:$0x7F8]  }
0xec: {  	[tilespmem:s1], [sflag:$0x2] =	stream.indirect.gather.add.f32 [hbm:s4], $0x80, s5, s22, $0xb8;
	[tilespmem:$0x11A00] =	vst v63  }
0xed: {  	s10 =	simm.s32 $0x600;
	s11 =	sld [smem:$0x7F9]  }
0xee: {  	[tilespmem:s1], [sflag:$0x2] =	stream.indirect.gather.add.f32 [hbm:s8], $0x80, s10, s22, $0xb8;
	[tilespmem:$0x11A00] =	vst v63  }
0xef: {  	s14 =	simm.s32 $0x800;
	s15 =	sld [smem:$0x7D1]  }
0xf0: {  	[tilespmem:s1], [sflag:$0x2] =	stream.indirect.gather.add.f32 [hbm:s11], $0x80, s14, s22, $0xb8;
	[tilespmem:$0x11A00] =	vst v63  }
0xf1: {  	s24 =	sld [smem:$0x7D2]  }
0xf2: {  	[tilespmem:s1], [sflag:$0x2] =	stream.indirect.gather.add.f32 [hbm:s15], $0x80, s30, s22, $0xb8;
	[tilespmem:$0x11A00] =	vst v63  }
0xf3: {  	s30 =	simm.s32 $0xC00  }
0xf4: {  	[tilespmem:s1], [sflag:$0x2] =	stream.indirect.gather.add.f32 [hbm:s24], $0x80, s30, s22, $0xb8;
	[tilespmem:$0x11A00] =	vst v63  }
0xf5: {  	_ = 	snop  }
0xf6: {  	[tilespmem:s1], [sflag:$0x2] =	stream.indirect.gather.add.f32 [hbm:s31], $0x80, s29, s22, $0xb8;
	[tilespmem:$0x11A00] =	vst v63  }
0xf7: {  	_ = 	snop  }
0xf8: {  	[tilespmem:s1], [sflag:$0x2] =	stream.indirect.gather.add.f32 [hbm:s19], $0x80, s16, s22, $0xb8;
	[tilespmem:$0x11A00] =	vst v63  }
0xf9: {  	_ = 	snop  }
0xfa: {  	[tilespmem:s1], [sflag:$0x2] =	stream.indirect.gather.add.f32 [hbm:s13], $0x80, s17, s22, $0xb8;
	[tilespmem:$0x11A00] =	vst v63  }
0xfb: {  	_ = 	snop  }
0xfc: {  	[tilespmem:s1], [sflag:$0x2] =	stream.indirect.gather.add.f32 [hbm:s18], $0x80, s9, s22, $0xb8;
	[tilespmem:$0x11A00] =	vst v63  }
0xfd: {  	_ = 	snop  }
0xfe: {  	[tilespmem:s1], [sflag:$0x2] =	stream.indirect.gather.add.f32 [hbm:s12], $0x80, s28, s22, $0xb8;
	[tilespmem:$0x11A00] =	vst v63  }
0xff: {  	s26 =	sld [smem:$0x7F7]  }
0x100: {  	[tilespmem:s1], [sflag:$0x2] =	stream.indirect.gather.add.f32 [hbm:s21], $0x80, s6, s22, $0xb8;
	[tilespmem:$0x11A00] =	vst v63  }
0x101: {  	s25 =	sld [smem:$0x7F6];
	_ =	swait.ge [sflag:s3], $0x4000  }
0x102: {  	[sflag:s3] =	ssyncset.done $0x0  }
0x103: {  	[sflag:s3] =	ssyncadd.s32 $0xFFFFC000  }
0x104: {  	_ =	swait.ge [sflag:s0], $0x80  }
0x105: {  	[sflag:s0] =	ssyncset.done $0x0  }
0x106: {  	[sflag:s0] =	ssyncadd.s32 $0xFFFFFF80  }
0x107: {  	_ =	swait.ge [sflag:s0], $0x80  }
0x108: {  	[sflag:s0] =	ssyncset.done $0x0  }
0x109: {  	[sflag:s0] =	ssyncadd.s32 $0xFFFFFF80  }
0x10a: {  	_ =	swait.ge [sflag:s0], $0x80  }
0x10b: {  	[sflag:s0] =	ssyncset.done $0x0  }
0x10c: {  	[sflag:s0] =	ssyncadd.s32 $0xFFFFFF80  }
0x10d: {  	_ =	swait.ge [sflag:s0], $0x80  }
0x10e: {  	[sflag:s0] =	ssyncset.done $0x0  }
0x10f: {  	[sflag:s0] =	ssyncadd.s32 $0xFFFFFF80  }
0x110: {  	_ =	swait.ge [sflag:s0], $0x80  }
0x111: {  	[sflag:s0] =	ssyncset.done $0x0  }
0x112: {  	[sflag:s0] =	ssyncadd.s32 $0xFFFFFF80  }
0x113: {  	_ =	swait.ge [sflag:s0], $0x80  }
0x114: {  	[sflag:s0] =	ssyncset.done $0x0  }
0x115: {  	[sflag:s0] =	ssyncadd.s32 $0xFFFFFF80  }
0x116: {  	_ =	swait.ge [sflag:s0], $0x80  }
0x117: {  	[sflag:s0] =	ssyncset.done $0x0  }
0x118: {  	[sflag:s0] =	ssyncadd.s32 $0xFFFFFF80  }
0x119: {  	_ =	swait.ge [sflag:s0], $0x80  }
0x11a: {  	[sflag:s0] =	ssyncset.done $0x0  }
0x11b: {  	[sflag:s0] =	ssyncadd.s32 $0xFFFFFF80  }
0x11c: {  	_ =	swait.ge [sflag:s0], $0x80  }
0x11d: {  	[sflag:s0] =	ssyncset.done $0x0  }
0x11e: {  	[sflag:s0] =	ssyncadd.s32 $0xFFFFFF80  }
0x11f: {  	_ =	swait.ge [sflag:s0], $0x80  }
0x120: {  	[sflag:s0] =	ssyncset.done $0x0  }
0x121: {  	[sflag:s0] =	ssyncadd.s32 $0xFFFFFF80  }
0x122: {  	_ =	swait.ge [sflag:s0], $0x80  }
0x123: {  	[sflag:s0] =	ssyncset.done $0x0  }
0x124: {  	[sflag:s0] =	ssyncadd.s32 $0xFFFFFF80  }
0x125: {  	_ =	swait.ge [sflag:s0], $0x80  }
0x126: {  	[sflag:s0] =	ssyncset.done $0x0  }
0x127: {  	[sflag:s0] =	ssyncadd.s32 $0xFFFFFF80  }
0x128: {  	_ =	swait.ge [sflag:s0], $0x80  }
0x129: {  	[sflag:s0] =	ssyncset.done $0x0  }
0x12a: {  	[sflag:s0] =	ssyncadd.s32 $0xFFFFFF80  }
0x12b: {  	s8 =	simm.s32 $0x5A00;
	s1 =	rddreg [dreg:$0x1]  }
0x12c: {  	[tilespmem:s8], [sflag:$0x2] =	stream.indirect.gather.add.f32 [hbm:s1], $0x80, s22, s22, $0xb8;
	[tilespmem:$0x11A00] =	vst v63  }
0x12d: {  	s4 =	simm.s32 $0x280  }
0x12e: {  	[tilespmem:s8], [sflag:$0x2] =	stream.indirect.gather.add.f32 [hbm:s25], $0x80, s4, s22, $0xb8;
	[tilespmem:$0x11A00] =	vst v63  }
0x12f: {  	s5 =	simm.s32 $0x480;
	s11 =	sld [smem:$0x7F8]  }
0x130: {  	[tilespmem:s8], [sflag:$0x2] =	stream.indirect.gather.add.f32 [hbm:s26], $0x80, s5, s22, $0xb8;
	[tilespmem:$0x11A00] =	vst v63  }
0x131: {  	s6 =	simm.s32 $0x680;
	s9 =	sld [smem:$0x7F9]  }
0x132: {  	[tilespmem:s8], [sflag:$0x2] =	stream.indirect.gather.add.f32 [hbm:s11], $0x80, s6, s22, $0xb8;
	[tilespmem:$0x11A00] =	vst v63  }
0x133: {  	s15 =	simm.s32 $0x880;
	s14 =	sld [smem:$0x7D1]  }
0x134: {  	[tilespmem:s8], [sflag:$0x2] =	stream.indirect.gather.add.f32 [hbm:s9], $0x80, s15, s22, $0xb8;
	[tilespmem:$0x11A00] =	vst v63  }
0x135: {  	s16 =	simm.s32 $0xA80;
	s24 =	sld [smem:$0x7D2]  }
0x136: {  	[tilespmem:s8], [sflag:$0x2] =	stream.indirect.gather.add.f32 [hbm:s14], $0x80, s16, s22, $0xb8;
	[tilespmem:$0x11A00] =	vst v63  }
0x137: {  	s29 =	simm.s32 $0xC80  }
0x138: {  	[tilespmem:s8], [sflag:$0x2] =	stream.indirect.gather.add.f32 [hbm:s24], $0x80, s29, s22, $0xb8;
	[tilespmem:$0x11A00] =	vst v63  }
0x139: {  	s30 =	simm.s32 $0xE80  }
0x13a: {  	[tilespmem:s8], [sflag:$0x2] =	stream.indirect.gather.add.f32 [hbm:s31], $0x80, s30, s22, $0xb8;
	[tilespmem:$0x11A00] =	vst v63  }
0x13b: {  	s4 =	simm.s32 $0x1080  }
0x13c: {  	[tilespmem:s8], [sflag:$0x2] =	stream.indirect.gather.add.f32 [hbm:s19], $0x80, s4, s22, $0xb8;
	[tilespmem:$0x11A00] =	vst v63  }
0x13d: {  	s5 =	simm.s32 $0x1280  }
0x13e: {  	[tilespmem:s8], [sflag:$0x2] =	stream.indirect.gather.add.f32 [hbm:s13], $0x80, s5, s22, $0xb8;
	[tilespmem:$0x11A00] =	vst v63  }
0x13f: {  	s6 =	simm.s32 $0x1480  }
0x140: {  	[tilespmem:s8], [sflag:$0x2] =	stream.indirect.gather.add.f32 [hbm:s18], $0x80, s6, s22, $0xb8;
	[tilespmem:$0x11A00] =	vst v63  }
0x141: {  	s9 =	simm.s32 $0x1680  }
0x142: {  	[tilespmem:s8], [sflag:$0x2] =	stream.indirect.gather.add.f32 [hbm:s12], $0x80, s9, s22, $0xb8;
	[tilespmem:$0x11A00] =	vst v63  }
0x143: {  	s10 =	simm.s32 $0x1880  }
0x144: {  	[tilespmem:s8], [sflag:$0x2] =	stream.indirect.gather.add.f32 [hbm:s21], $0x80, s10, s22, $0xb8;
	[tilespmem:$0x11A00] =	vst v63  }
0x145: {  	_ =	swait.ge [sflag:s3], $0x4000  }
0x146: {  	[sflag:s3] =	ssyncset.done $0x0  }
0x147: {  	[sflag:s3] =	ssyncadd.s32 $0xFFFFC000  }
0x148: {  	_ =	swait.ge [sflag:s0], $0x80  }
0x149: {  	[sflag:s0] =	ssyncset.done $0x0  }
0x14a: {  	[sflag:s0] =	ssyncadd.s32 $0xFFFFFF80  }
0x14b: {  	_ =	swait.ge [sflag:s0], $0x80  }
0x14c: {  	[sflag:s0] =	ssyncset.done $0x0  }
0x14d: {  	[sflag:s0] =	ssyncadd.s32 $0xFFFFFF80  }
0x14e: {  	_ =	swait.ge [sflag:s0], $0x80  }
0x14f: {  	[sflag:s0] =	ssyncset.done $0x0  }
0x150: {  	[sflag:s0] =	ssyncadd.s32 $0xFFFFFF80  }
0x151: {  	_ =	swait.ge [sflag:s0], $0x80  }
0x152: {  	[sflag:s0] =	ssyncset.done $0x0  }
0x153: {  	[sflag:s0] =	ssyncadd.s32 $0xFFFFFF80  }
0x154: {  	_ =	swait.ge [sflag:s0], $0x80  }
0x155: {  	[sflag:s0] =	ssyncset.done $0x0  }
0x156: {  	[sflag:s0] =	ssyncadd.s32 $0xFFFFFF80  }
0x157: {  	_ =	swait.ge [sflag:s0], $0x80  }
0x158: {  	[sflag:s0] =	ssyncset.done $0x0  }
0x159: {  	[sflag:s0] =	ssyncadd.s32 $0xFFFFFF80  }
0x15a: {  	_ =	swait.ge [sflag:s0], $0x80  }
0x15b: {  	[sflag:s0] =	ssyncset.done $0x0  }
0x15c: {  	[sflag:s0] =	ssyncadd.s32 $0xFFFFFF80  }
0x15d: {  	_ =	swait.ge [sflag:s0], $0x80  }
0x15e: {  	[sflag:s0] =	ssyncset.done $0x0  }
0x15f: {  	[sflag:s0] =	ssyncadd.s32 $0xFFFFFF80  }
0x160: {  	_ =	swait.ge [sflag:s0], $0x80  }
0x161: {  	[sflag:s0] =	ssyncset.done $0x0  }
0x162: {  	[sflag:s0] =	ssyncadd.s32 $0xFFFFFF80  }
0x163: {  	_ =	swait.ge [sflag:s0], $0x80  }
0x164: {  	[sflag:s0] =	ssyncset.done $0x0  }
0x165: {  	[sflag:s0] =	ssyncadd.s32 $0xFFFFFF80  }
0x166: {  	_ =	swait.ge [sflag:s0], $0x80  }
0x167: {  	[sflag:s0] =	ssyncset.done $0x0  }
0x168: {  	[sflag:s0] =	ssyncadd.s32 $0xFFFFFF80  }
0x169: {  	_ =	swait.ge [sflag:s0], $0x80  }
0x16a: {  	[sflag:s0] =	ssyncset.done $0x0  }
0x16b: {  	[sflag:s0] =	ssyncadd.s32 $0xFFFFFF80  }
0x16c: {  	_ =	swait.ge [sflag:s0], $0x80  }
0x16d: {  	[sflag:s0] =	ssyncset.done $0x0  }
0x16e: {  	[sflag:s0] =	ssyncadd.s32 $0xFFFFFF80  }
0x16f: {  	s16 =	simm.s32 $0x100;
	s5 =	simm.s32 $0x9A00;
	s15 =	rddreg [dreg:$0x1]  }
0x170: {  	[tilespmem:s5], [sflag:$0x2] =	stream.indirect.gather.add.f32 [hbm:s15], $0x80, s16, s22, $0xb8;
	[tilespmem:$0x11A00] =	vst v63  }
0x171: {  	s24 =	simm.s32 $0x300  }
0x172: {  	[tilespmem:s5], [sflag:$0x2] =	stream.indirect.gather.add.f32 [hbm:s25], $0x80, s24, s22, $0xb8;
	[tilespmem:$0x11A00] =	vst v63  }
0x173: {  	s29 =	simm.s32 $0x500  }
0x174: {  	[tilespmem:s5], [sflag:$0x2] =	stream.indirect.gather.add.f32 [hbm:s26], $0x80, s29, s22, $0xb8;
	[tilespmem:$0x11A00] =	vst v63  }
0x175: {  	s30 =	simm.s32 $0x700;
	s6 =	sld [smem:$0x7F9]  }
0x176: {  	[tilespmem:s5], [sflag:$0x2] =	stream.indirect.gather.add.f32 [hbm:s11], $0x80, s30, s22, $0xb8;
	[tilespmem:$0x11A00] =	vst v63  }
0x177: {  	s9 =	simm.s32 $0x900  }
0x178: {  	[tilespmem:s5], [sflag:$0x2] =	stream.indirect.gather.add.f32 [hbm:s6], $0x80, s9, s22, $0xb8;
	[tilespmem:$0x11A00] =	vst v63  }
0x179: {  	s10 =	simm.s32 $0xB00;
	s15 =	sld [smem:$0x7D2]  }
0x17a: {  	[tilespmem:s5], [sflag:$0x2] =	stream.indirect.gather.add.f32 [hbm:s14], $0x80, s10, s22, $0xb8;
	[tilespmem:$0x11A00] =	vst v63  }
0x17b: {  	s16 =	simm.s32 $0xD00  }
0x17c: {  	[tilespmem:s5], [sflag:$0x2] =	stream.indirect.gather.add.f32 [hbm:s15], $0x80, s16, s22, $0xb8;
	[tilespmem:$0x11A00] =	vst v63  }
0x17d: {  	s24 =	simm.s32 $0xF00  }
0x17e: {  	[tilespmem:s5], [sflag:$0x2] =	stream.indirect.gather.add.f32 [hbm:s31], $0x80, s24, s22, $0xb8;
	[tilespmem:$0x11A00] =	vst v63  }
0x17f: {  	s29 =	simm.s32 $0x1100  }
0x180: {  	[tilespmem:s5], [sflag:$0x2] =	stream.indirect.gather.add.f32 [hbm:s19], $0x80, s29, s22, $0xb8;
	[tilespmem:$0x11A00] =	vst v63  }
0x181: {  	s30 =	simm.s32 $0x1300  }
0x182: {  	[tilespmem:s5], [sflag:$0x2] =	stream.indirect.gather.add.f32 [hbm:s13], $0x80, s30, s22, $0xb8;
	[tilespmem:$0x11A00] =	vst v63  }
0x183: {  	s6 =	simm.s32 $0x1500  }
0x184: {  	[tilespmem:s5], [sflag:$0x2] =	stream.indirect.gather.add.f32 [hbm:s18], $0x80, s6, s22, $0xb8;
	[tilespmem:$0x11A00] =	vst v63  }
0x185: {  	s9 =	simm.s32 $0x1700  }
0x186: {  	[tilespmem:s5], [sflag:$0x2] =	stream.indirect.gather.add.f32 [hbm:s12], $0x80, s9, s22, $0xb8;
	[tilespmem:$0x11A00] =	vst v63  }
0x187: {  	s10 =	simm.s32 $0x1900  }
0x188: {  	[tilespmem:s5], [sflag:$0x2] =	stream.indirect.gather.add.f32 [hbm:s21], $0x80, s10, s22, $0xb8;
	[tilespmem:$0x11A00] =	vst v63  }
0x189: {  	s4 =	rddreg [dreg:$0x1];
	_ =	swait.ge [sflag:s3], $0x4000  }
0x18a: {  	[sflag:s3] =	ssyncset.done $0x0  }
0x18b: {  	[sflag:s3] =	ssyncadd.s32 $0xFFFFC000  }
0x18c: {  	_ =	swait.ge [sflag:s0], $0x80  }
0x18d: {  	[sflag:s0] =	ssyncset.done $0x0  }
0x18e: {  	[sflag:s0] =	ssyncadd.s32 $0xFFFFFF80  }
0x18f: {  	_ =	swait.ge [sflag:s0], $0x80  }
0x190: {  	[sflag:s0] =	ssyncset.done $0x0  }
0x191: {  	[sflag:s0] =	ssyncadd.s32 $0xFFFFFF80  }
0x192: {  	_ =	swait.ge [sflag:s0], $0x80  }
0x193: {  	[sflag:s0] =	ssyncset.done $0x0  }
0x194: {  	[sflag:s0] =	ssyncadd.s32 $0xFFFFFF80  }
0x195: {  	_ =	swait.ge [sflag:s0], $0x80  }
0x196: {  	[sflag:s0] =	ssyncset.done $0x0  }
0x197: {  	[sflag:s0] =	ssyncadd.s32 $0xFFFFFF80  }
0x198: {  	_ =	swait.ge [sflag:s0], $0x80  }
0x199: {  	[sflag:s0] =	ssyncset.done $0x0  }
0x19a: {  	[sflag:s0] =	ssyncadd.s32 $0xFFFFFF80  }
0x19b: {  	_ =	swait.ge [sflag:s0], $0x80  }
0x19c: {  	[sflag:s0] =	ssyncset.done $0x0  }
0x19d: {  	[sflag:s0] =	ssyncadd.s32 $0xFFFFFF80  }
0x19e: {  	_ =	swait.ge [sflag:s0], $0x80  }
0x19f: {  	[sflag:s0] =	ssyncset.done $0x0  }
0x1a0: {  	[sflag:s0] =	ssyncadd.s32 $0xFFFFFF80  }
0x1a1: {  	_ =	swait.ge [sflag:s0], $0x80  }
0x1a2: {  	[sflag:s0] =	ssyncset.done $0x0  }
0x1a3: {  	[sflag:s0] =	ssyncadd.s32 $0xFFFFFF80  }
0x1a4: {  	_ =	swait.ge [sflag:s0], $0x80  }
0x1a5: {  	[sflag:s0] =	ssyncset.done $0x0  }
0x1a6: {  	[sflag:s0] =	ssyncadd.s32 $0xFFFFFF80  }
0x1a7: {  	_ =	swait.ge [sflag:s0], $0x80  }
0x1a8: {  	[sflag:s0] =	ssyncset.done $0x0  }
0x1a9: {  	[sflag:s0] =	ssyncadd.s32 $0xFFFFFF80  }
0x1aa: {  	_ =	swait.ge [sflag:s0], $0x80  }
0x1ab: {  	[sflag:s0] =	ssyncset.done $0x0  }
0x1ac: {  	[sflag:s0] =	ssyncadd.s32 $0xFFFFFF80  }
0x1ad: {  	_ =	swait.ge [sflag:s0], $0x80  }
0x1ae: {  	[sflag:s0] =	ssyncset.done $0x0  }
0x1af: {  	[sflag:s0] =	ssyncadd.s32 $0xFFFFFF80  }
0x1b0: {  	_ =	swait.ge [sflag:s0], $0x80  }
0x1b1: {  	[sflag:s0] =	ssyncset.done $0x0  }
0x1b2: {  	s17 =	simm.s32 $0xDA00;
	s16 =	simm.s32 $0x180;
	[sflag:s0] =	ssyncadd.s32 $0xFFFFFF80  }
0x1b3: {  	[tilespmem:s17], [sflag:$0x2] =	stream.indirect.gather.add.f32 [hbm:s4], $0x80, s16, s22, $0xb8;
	[tilespmem:$0x11A00] =	vst v63  }
0x1b4: {  	s24 =	simm.s32 $0x380  }
0x1b5: {  	[tilespmem:s17], [sflag:$0x2] =	stream.indirect.gather.add.f32 [hbm:s25], $0x80, s24, s22, $0xb8;
	[tilespmem:$0x11A00] =	vst v63  }
0x1b6: {  	s29 =	simm.s32 $0x580  }
0x1b7: {  	[tilespmem:s17], [sflag:$0x2] =	stream.indirect.gather.add.f32 [hbm:s26], $0x80, s29, s22, $0xb8;
	[tilespmem:$0x11A00] =	vst v63  }
0x1b8: {  	s30 =	simm.s32 $0x780;
	s1 =	sld [smem:$0x7F9]  }
0x1b9: {  	[tilespmem:s17], [sflag:$0x2] =	stream.indirect.gather.add.f32 [hbm:s11], $0x80, s30, s22, $0xb8;
	[tilespmem:$0x11A00] =	vst v63  }
0x1ba: {  	s3 =	simm.s32 $0x980  }
0x1bb: {  	[tilespmem:s17], [sflag:$0x2] =	stream.indirect.gather.add.f32 [hbm:s1], $0x80, s3, s22, $0xb8;
	[tilespmem:$0x11A00] =	vst v63  }
0x1bc: {  	s6 =	simm.s32 $0xB80  }
0x1bd: {  	[tilespmem:s17], [sflag:$0x2] =	stream.indirect.gather.add.f32 [hbm:s14], $0x80, s6, s22, $0xb8;
	[tilespmem:$0x11A00] =	vst v63  }
0x1be: {  	s9 =	simm.s32 $0xD80  }
0x1bf: {  	[tilespmem:s17], [sflag:$0x2] =	stream.indirect.gather.add.f32 [hbm:s15], $0x80, s9, s22, $0xb8;
	[tilespmem:$0x11A00] =	vst v63  }
0x1c0: {  	s10 =	simm.s32 $0xF80;
	[smem:$0x7D3] =	sst s31  }
0x1c1: {  	[tilespmem:s17], [sflag:$0x2] =	stream.indirect.gather.add.f32 [hbm:s31], $0x80, s10, s22, $0xb8;
	[tilespmem:$0x11A00] =	vst v63  }
0x1c2: {  	[smem:$0x7D4] =	sst s19;
	s11 =	simm.s32 $0x1180  }
0x1c3: {  	[tilespmem:s17], [sflag:$0x2] =	stream.indirect.gather.add.f32 [hbm:s19], $0x80, s11, s22, $0xb8;
	[tilespmem:$0x11A00] =	vst v63  }
0x1c4: {  	[smem:$0x7D5] =	sst s13;
	s16 =	simm.s32 $0x1380  }
0x1c5: {  	[tilespmem:s17], [sflag:$0x2] =	stream.indirect.gather.add.f32 [hbm:s13], $0x80, s16, s22, $0xb8;
	[tilespmem:$0x11A00] =	vst v63  }
0x1c6: {  	[smem:$0x7D6] =	sst s18;
	s19 =	simm.s32 $0x1580  }
0x1c7: {  	[tilespmem:s17], [sflag:$0x2] =	stream.indirect.gather.add.f32 [hbm:s18], $0x80, s19, s22, $0xb8;
	[tilespmem:$0x11A00] =	vst v63  }
0x1c8: {  	[smem:$0x7D7] =	sst s12;
	s24 =	simm.s32 $0x1780  }
0x1c9: {  	[tilespmem:s17], [sflag:$0x2] =	stream.indirect.gather.add.f32 [hbm:s12], $0x80, s24, s22, $0xb8;
	[tilespmem:$0x11A00] =	vst v63  }
0x1ca: {  	[smem:$0x7D8] =	sst s21  }
0x1cb: {  	[tilespmem:s17], [sflag:$0x2] =	stream.indirect.gather.add.f32 [hbm:s21], $0x80, s23, s22, $0xb8;
	[tilespmem:$0x11A00] =	vst v63  }
0x1cc: {  	_ =	swait.ge [sflag:s7], $0x4000  }
0x1cd: {  	[sflag:s7] =	ssyncset.done $0x0  }
0x1ce: {  	[sflag:s7] =	ssyncadd.s32 $0xFFFFC000  }
0x1cf: {  	_ =	swait.ge [sflag:s7], $0x4000  }
0x1d0: {  	[sflag:s7] =	ssyncset.done $0x0  }
0x1d1: {  	[sflag:s7] =	ssyncadd.s32 $0xFFFFC000  }
0x1d2: {  	_ =	swait.ge [sflag:s7], $0x4000  }
0x1d3: {  	[sflag:s7] =	ssyncset.done $0x0  }
0x1d4: {  	[sflag:s7] =	ssyncadd.s32 $0xFFFFC000  }
0x1d5: {  	_ =	swait.ge [sflag:s7], $0x4000  }
0x1d6: {  	[sflag:s7] =	ssyncset.done $0x0  }
0x1d7: {  	[sflag:s7] =	ssyncadd.s32 $0xFFFFC000  }
0x1d8: {  	_ =	swait.ge [sflag:s7], $0x4000  }
0x1d9: {  	[sflag:s7] =	ssyncset.done $0x0  }
0x1da: {  	[sflag:s7] =	ssyncadd.s32 $0xFFFFC000  }
0x1db: {  	_ =	swait.ge [sflag:s7], $0x4000  }
0x1dc: {  	[sflag:s7] =	ssyncset.done $0x0  }
0x1dd: {  	[sflag:s7] =	ssyncadd.s32 $0xFFFFC000  }
0x1de: {  	_ =	swait.ge [sflag:s7], $0x4000  }
0x1df: {  	[sflag:s7] =	ssyncset.done $0x0  }
0x1e0: {  	[sflag:s7] =	ssyncadd.s32 $0xFFFFC000  }
0x1e1: {  	_ =	swait.ge [sflag:s7], $0x4000  }
0x1e2: {  	[sflag:s7] =	ssyncset.done $0x0  }
0x1e3: {  	[sflag:s7] =	ssyncadd.s32 $0xFFFFC000  }
0x1e4: {  	_ =	swait.ge [sflag:s7], $0x4000  }
0x1e5: {  	[sflag:s7] =	ssyncset.done $0x0  }
0x1e6: {  	[sflag:s7] =	ssyncadd.s32 $0xFFFFC000  }
0x1e7: {  	_ =	swait.ge [sflag:s7], $0x4000  }
0x1e8: {  	[sflag:s7] =	ssyncset.done $0x0  }
0x1e9: {  	[sflag:s7] =	ssyncadd.s32 $0xFFFFC000  }
0x1ea: {  	_ =	swait.ge [sflag:s7], $0x4000  }
0x1eb: {  	[sflag:s7] =	ssyncset.done $0x0  }
0x1ec: {  	[sflag:s7] =	ssyncadd.s32 $0xFFFFC000  }
0x1ed: {  	_ =	swait.ge [sflag:s7], $0x4000  }
0x1ee: {  	[sflag:s7] =	ssyncset.done $0x0  }
0x1ef: {  	[sflag:s7] =	ssyncadd.s32 $0xFFFFC000  }
0x1f0: {  	_ =	swait.ge [sflag:s7], $0x4000  }
0x1f1: {  	s25 =	sld [smem:$0x7FA]  }
0x1f2: {  	[sflag:s7] =	ssyncset.done $0x0  }
0x1f3: {  	s28 =	simm.s32 $0x1A00;
	[sflag:s7] =	ssyncadd.s32 $0xFFFFC000  }
0x1f4: {  	[hbm4b:s25+s2] =	stream.linear.scatter [tilespmem:s28], [sflag:$0x4], $0x4000, $0x38;
	[tilespmem:$0x11A00] =	vst v63  }
0x1f5: {  	_ =	swait.ge [sflag:s7], $0x4000  }
0x1f6: {  	[sflag:s7] =	ssyncset.done $0x0  }
0x1f7: {  	[sflag:s7] =	ssyncadd.s32 $0xFFFFC000  }
0x1f8: {  	_ =	swait.ge [sflag:s7], $0x4000  }
0x1f9: {  	[sflag:s7] =	ssyncset.done $0x0  }
0x1fa: {  	[sflag:s7] =	ssyncadd.s32 $0xFFFFC000  }
0x1fb: {  	_ =	swait.ge [sflag:s7], $0x4000  }
0x1fc: {  	[sflag:s7] =	ssyncset.done $0x0  }
0x1fd: {  	[sflag:s7] =	ssyncadd.s32 $0xFFFFC000  }
0x1fe: {  	_ =	swait.ge [sflag:s7], $0x4000  }
0x1ff: {  	[sflag:s7] =	ssyncset.done $0x0  }
0x200: {  	[sflag:s7] =	ssyncadd.s32 $0xFFFFC000  }
0x201: {  	_ =	swait.ge [sflag:s7], $0x4000  }
0x202: {  	[sflag:s7] =	ssyncset.done $0x0  }
0x203: {  	[sflag:s7] =	ssyncadd.s32 $0xFFFFC000  }
0x204: {  	_ =	swait.ge [sflag:s7], $0x4000  }
0x205: {  	[sflag:s7] =	ssyncset.done $0x0  }
0x206: {  	[sflag:s7] =	ssyncadd.s32 $0xFFFFC000  }
0x207: {  	_ =	swait.ge [sflag:s7], $0x4000  }
0x208: {  	[sflag:s7] =	ssyncset.done $0x0  }
0x209: {  	[sflag:s7] =	ssyncadd.s32 $0xFFFFC000  }
0x20a: {  	_ =	swait.ge [sflag:s7], $0x4000  }
0x20b: {  	[sflag:s7] =	ssyncset.done $0x0  }
0x20c: {  	[sflag:s7] =	ssyncadd.s32 $0xFFFFC000  }
0x20d: {  	_ =	swait.ge [sflag:s7], $0x4000  }
0x20e: {  	[sflag:s7] =	ssyncset.done $0x0  }
0x20f: {  	[sflag:s7] =	ssyncadd.s32 $0xFFFFC000  }
0x210: {  	_ =	swait.ge [sflag:s7], $0x4000  }
0x211: {  	[sflag:s7] =	ssyncset.done $0x0  }
0x212: {  	[sflag:s7] =	ssyncadd.s32 $0xFFFFC000  }
0x213: {  	_ =	swait.ge [sflag:s7], $0x4000  }
0x214: {  	[sflag:s7] =	ssyncset.done $0x0  }
0x215: {  	[sflag:s7] =	ssyncadd.s32 $0xFFFFC000  }
0x216: {  	_ =	swait.ge [sflag:s7], $0x4000  }
0x217: {  	[sflag:s7] =	ssyncset.done $0x0  }
0x218: {  	[sflag:s7] =	ssyncadd.s32 $0xFFFFC000  }
0x219: {  	_ =	swait.ge [sflag:s7], $0x4000  }
0x21a: {  	s26 =	sld [smem:$0x7FB]  }
0x21b: {  	[sflag:s7] =	ssyncset.done $0x0  }
0x21c: {  	[sflag:s7] =	ssyncadd.s32 $0xFFFFC000  }
0x21d: {  	[hbm4b:s26+s2] =	stream.linear.scatter [tilespmem:s8], [sflag:$0x4], $0x4000, $0x38;
	[tilespmem:$0x11A00] =	vst v63  }
0x21e: {  	_ =	swait.ge [sflag:s7], $0x4000  }
0x21f: {  	[sflag:s7] =	ssyncset.done $0x0  }
0x220: {  	[sflag:s7] =	ssyncadd.s32 $0xFFFFC000  }
0x221: {  	_ =	swait.ge [sflag:s7], $0x4000  }
0x222: {  	[sflag:s7] =	ssyncset.done $0x0  }
0x223: {  	[sflag:s7] =	ssyncadd.s32 $0xFFFFC000  }
0x224: {  	_ =	swait.ge [sflag:s7], $0x4000  }
0x225: {  	[sflag:s7] =	ssyncset.done $0x0  }
0x226: {  	[sflag:s7] =	ssyncadd.s32 $0xFFFFC000  }
0x227: {  	_ =	swait.ge [sflag:s7], $0x4000  }
0x228: {  	[sflag:s7] =	ssyncset.done $0x0  }
0x229: {  	[sflag:s7] =	ssyncadd.s32 $0xFFFFC000  }
0x22a: {  	_ =	swait.ge [sflag:s7], $0x4000  }
0x22b: {  	[sflag:s7] =	ssyncset.done $0x0  }
0x22c: {  	[sflag:s7] =	ssyncadd.s32 $0xFFFFC000  }
0x22d: {  	_ =	swait.ge [sflag:s7], $0x4000  }
0x22e: {  	[sflag:s7] =	ssyncset.done $0x0  }
0x22f: {  	[sflag:s7] =	ssyncadd.s32 $0xFFFFC000  }
0x230: {  	_ =	swait.ge [sflag:s7], $0x4000  }
0x231: {  	[sflag:s7] =	ssyncset.done $0x0  }
0x232: {  	[sflag:s7] =	ssyncadd.s32 $0xFFFFC000  }
0x233: {  	_ =	swait.ge [sflag:s7], $0x4000  }
0x234: {  	[sflag:s7] =	ssyncset.done $0x0  }
0x235: {  	[sflag:s7] =	ssyncadd.s32 $0xFFFFC000  }
0x236: {  	_ =	swait.ge [sflag:s7], $0x4000  }
0x237: {  	[sflag:s7] =	ssyncset.done $0x0  }
0x238: {  	[sflag:s7] =	ssyncadd.s32 $0xFFFFC000  }
0x239: {  	_ =	swait.ge [sflag:s7], $0x4000  }
0x23a: {  	[sflag:s7] =	ssyncset.done $0x0  }
0x23b: {  	[sflag:s7] =	ssyncadd.s32 $0xFFFFC000  }
0x23c: {  	_ =	swait.ge [sflag:s7], $0x4000  }
0x23d: {  	[sflag:s7] =	ssyncset.done $0x0  }
0x23e: {  	[sflag:s7] =	ssyncadd.s32 $0xFFFFC000  }
0x23f: {  	_ =	swait.ge [sflag:s7], $0x4000  }
0x240: {  	[sflag:s7] =	ssyncset.done $0x0  }
0x241: {  	[sflag:s7] =	ssyncadd.s32 $0xFFFFC000  }
0x242: {  	_ =	swait.ge [sflag:s7], $0x4000  }
0x243: {  	s29 =	sld [smem:$0x7FC]  }
0x244: {  	[sflag:s7] =	ssyncset.done $0x0  }
0x245: {  	[sflag:s7] =	ssyncadd.s32 $0xFFFFC000  }
0x246: {  	[hbm4b:s29+s2] =	stream.linear.scatter [tilespmem:s5], [sflag:$0x4], $0x4000, $0x38;
	[tilespmem:$0x11A00] =	vst v63  }
0x247: {  	_ =	swait.ge [sflag:s7], $0x4000  }
0x248: {  	[sflag:s7] =	ssyncset.done $0x0  }
0x249: {  	[sflag:s7] =	ssyncadd.s32 $0xFFFFC000  }
0x24a: {  	_ =	swait.ge [sflag:s7], $0x4000  }
0x24b: {  	[sflag:s7] =	ssyncset.done $0x0  }
0x24c: {  	[sflag:s7] =	ssyncadd.s32 $0xFFFFC000  }
0x24d: {  	_ =	swait.ge [sflag:s7], $0x4000  }
0x24e: {  	[sflag:s7] =	ssyncset.done $0x0  }
0x24f: {  	[sflag:s7] =	ssyncadd.s32 $0xFFFFC000  }
0x250: {  	_ =	swait.ge [sflag:s7], $0x4000  }
0x251: {  	[sflag:s7] =	ssyncset.done $0x0  }
0x252: {  	[sflag:s7] =	ssyncadd.s32 $0xFFFFC000  }
0x253: {  	_ =	swait.ge [sflag:s7], $0x4000  }
0x254: {  	[sflag:s7] =	ssyncset.done $0x0  }
0x255: {  	[sflag:s7] =	ssyncadd.s32 $0xFFFFC000  }
0x256: {  	_ =	swait.ge [sflag:s7], $0x4000  }
0x257: {  	[sflag:s7] =	ssyncset.done $0x0  }
0x258: {  	[sflag:s7] =	ssyncadd.s32 $0xFFFFC000  }
0x259: {  	_ =	swait.ge [sflag:s7], $0x4000  }
0x25a: {  	[sflag:s7] =	ssyncset.done $0x0  }
0x25b: {  	[sflag:s7] =	ssyncadd.s32 $0xFFFFC000  }
0x25c: {  	_ =	swait.ge [sflag:s7], $0x4000  }
0x25d: {  	[sflag:s7] =	ssyncset.done $0x0  }
0x25e: {  	[sflag:s7] =	ssyncadd.s32 $0xFFFFC000  }
0x25f: {  	_ =	swait.ge [sflag:s7], $0x4000  }
0x260: {  	[sflag:s7] =	ssyncset.done $0x0  }
0x261: {  	[sflag:s7] =	ssyncadd.s32 $0xFFFFC000  }
0x262: {  	_ =	swait.ge [sflag:s7], $0x4000  }
0x263: {  	[sflag:s7] =	ssyncset.done $0x0  }
0x264: {  	[sflag:s7] =	ssyncadd.s32 $0xFFFFC000  }
0x265: {  	_ =	swait.ge [sflag:s7], $0x4000  }
0x266: {  	[sflag:s7] =	ssyncset.done $0x0  }
0x267: {  	[sflag:s7] =	ssyncadd.s32 $0xFFFFC000  }
0x268: {  	_ =	swait.ge [sflag:s7], $0x4000  }
0x269: {  	[sflag:s7] =	ssyncset.done $0x0  }
0x26a: {  	[sflag:s7] =	ssyncadd.s32 $0xFFFFC000  }
0x26b: {  	_ =	swait.ge [sflag:s7], $0x4000  }
0x26c: {  	s30 =	sld [smem:$0x7FD]  }
0x26d: {  	[sflag:s7] =	ssyncset.done $0x0  }
0x26e: {  	[sflag:s7] =	ssyncadd.s32 $0xFFFFC000  }
0x26f: {  	[hbm4b:s30+s2] =	stream.linear.scatter [tilespmem:s17], [sflag:$0x4], $0x4000, $0x38;
	[tilespmem:$0x11A00] =	vst v63  }
0x270: {  	_ =	swait.ge [sflag:s20], $0x4000  }
0x271: {  	[sflag:s20] =	ssyncset.done $0x0  }
0x272: {  	[sflag:s20] =	ssyncadd.s32 $0xFFFFC000  }
0x273: {  	_ =	swait.ge [sflag:s20], $0x4000  }
0x274: {  	[sflag:s20] =	ssyncset.done $0x0  }
0x275: {  	[sflag:s20] =	ssyncadd.s32 $0xFFFFC000  }
0x276: {  	_ =	swait.ge [sflag:s20], $0x4000  }
0x277: {  	s31 =	sld [smem:$0x7D9];
	_ =	sdelay $0x2  }
0x278: {  	p1 =	sne.s32 s31, $0x1  }
.Ltmp1:
0x279: {  	_ = 	snop;
	(pc) =	sbr.rel @!p1 .LBB2_7-.Ltmp1, $4  }
0x27a: {  	[sflag:s20] =	ssyncset.done $0x0  }
0x27b: {  	[sflag:s20] =	ssyncadd.s32 $0xFFFFC000  }
0x27c: {  	p0 =	por $0x1, $0x1;
	_ =	swait.ge [sflag:s20], $0x4000  }
0x27d: {  	s18 =	sadd.s32 $0xFFFFFFFF, s31;
	s25 =	rddreg [dreg:$0x4];
	[sflag:s20] =	ssyncset.done $0x0  }
0x27e: {  	s19 =	simm.s32 $0x1080;
	s23 =	simm.s32 $0x1A00  }
0x27f: {  	s13 =	simm.s32 $0x1480;
	s9 =	simm.s32 $0x1680;
	s24 =	simm.s32 $0x3  }
.LBB2_4:
0x280: {  	[sflag:s20] =	ssyncadd.s32 $0xFFFFC000;
	s26 =	rddreg [dreg:$0x5]  }
0x281: {  	[tilespmem:s28], [sflag:$0x3] =	stream.linear.gather [hbm4b:s25+s2], $0x4000, $0x38;
	[tilespmem:$0x11A00] =	vst v63  }
0x282: {  	s1 =	rddreg [dreg:$0x6]  }
0x283: {  	[tilespmem:s8], [sflag:$0x3] =	stream.linear.gather [hbm4b:s26+s2], $0x4000, $0x38;
	[tilespmem:$0x11A00] =	vst v63  }
0x284: {  	s3 =	rddreg [dreg:$0x7]  }
0x285: {  	[tilespmem:s5], [sflag:$0x3] =	stream.linear.gather [hbm4b:s1+s2], $0x4000, $0x38;
	[tilespmem:$0x11A00] =	vst v63  }
0x286: {  	s5 =	sld [smem:$0x7F4]  }
0x287: {  	[tilespmem:s17], [sflag:$0x3] =	stream.linear.gather [hbm4b:s3+s2], $0x4000, $0x38;
	[tilespmem:$0x11A00] =	vst v63  }
0x288: {  	s4 =	rddreg [dreg:$0x8]  }
0x289: {  	[tilespmem:s2], [sflag:$0x1] =	stream.linear.gather [hbm4b:s5+s2], $0x80, $0x38;
	[tilespmem:$0x11A00] =	vst v63  }
0x28a: {  	s6 =	rddreg [dreg:$0x9];
	s29 =	simm.s32 $0x200  }
0x28b: {  	[tilespmem:s29], [sflag:$0x1] =	stream.linear.gather [hbm4b:s4+s2], $0x80, $0x38;
	[tilespmem:$0x11A00] =	vst v63  }
0x28c: {  	s31 =	simm.s32 $0x400;
	s10 =	rddreg [dreg:$0xb]  }
0x28d: {  	[tilespmem:s31], [sflag:$0x1] =	stream.linear.gather [hbm4b:s6+s2], $0x80, $0x38;
	[tilespmem:$0x11A00] =	vst v63  }
0x28e: {  	s30 =	simm.s32 $0x600;
	s8 =	rddreg [dreg:$0xa]  }
0x28f: {  	[tilespmem:s30], [sflag:$0x1] =	stream.linear.gather [hbm4b:s8+s2], $0x80, $0x38;
	[tilespmem:$0x11A00] =	vst v63  }
0x290: {  	s12 =	rddreg [dreg:$0xc];
	s11 =	simm.s32 $0x800  }
0x291: {  	[tilespmem:s11], [sflag:$0x1] =	stream.linear.gather [hbm4b:s10+s2], $0x80, $0x38;
	[tilespmem:$0x11A00] =	vst v63  }
0x292: {  	s14 =	rddreg [dreg:$0xd];
	s21 =	simm.s32 $0xA00  }
0x293: {  	[tilespmem:s21], [sflag:$0x1] =	stream.linear.gather [hbm4b:s12+s2], $0x80, $0x38;
	[tilespmem:$0x11A00] =	vst v63  }
0x294: {  	s15 =	rddreg [dreg:$0xe];
	s1 =	simm.s32 $0xC00  }
0x295: {  	[tilespmem:s1], [sflag:$0x1] =	stream.linear.gather [hbm4b:s14+s2], $0x80, $0x38;
	[tilespmem:$0x11A00] =	vst v63  }
0x296: {  	s16 =	simm.s32 $0xE00;
	s20 =	rddreg [dreg:$0x10]  }
0x297: {  	[tilespmem:s16], [sflag:$0x1] =	stream.linear.gather [hbm4b:s15+s2], $0x80, $0x38;
	[tilespmem:$0x11A00] =	vst v63  }
0x298: {  	s17 =	rddreg [dreg:$0xf];
	s12 =	simm.s32 $0x1000  }
0x299: {  	[tilespmem:s12], [sflag:$0x1] =	stream.linear.gather [hbm4b:s17+s2], $0x80, $0x38;
	[tilespmem:$0x11A00] =	vst v63  }
0x29a: {  	s3 =	rddreg [dreg:$0x11];
	s17 =	simm.s32 $0x1200  }
0x29b: {  	[tilespmem:s17], [sflag:$0x1] =	stream.linear.gather [hbm4b:s20+s2], $0x80, $0x38;
	[tilespmem:$0x11A00] =	vst v63  }
0x29c: {  	s5 =	rddreg [dreg:$0x13];
	s8 =	simm.s32 $0x1400  }
0x29d: {  	[tilespmem:s8], [sflag:$0x1] =	stream.linear.gather [hbm4b:s3+s2], $0x80, $0x38;
	[tilespmem:$0x11A00] =	vst v63  }
0x29e: {  	s28 =	simm.s32 $0x1600;
	s4 =	rddreg [dreg:$0x12]  }
0x29f: {  	[tilespmem:s28], [sflag:$0x1] =	stream.linear.gather [hbm4b:s4+s2], $0x80, $0x38;
	[tilespmem:$0x11A00] =	vst v63  }
0x2a0: {  	s6 =	rddreg [dreg:$0x14];
	s4 =	simm.s32 $0x1800  }
0x2a1: {  	[tilespmem:s4], [sflag:$0x1] =	stream.linear.gather [hbm4b:s5+s2], $0x80, $0x38;
	[tilespmem:$0x11A00] =	vst v63  }
0x2a2: {  	s10 =	rddreg [dreg:$0x15]  }
0x2a3: {  	[tilespmem:s22], [sflag:$0x1] =	stream.linear.gather [hbm4b:s6+s2], $0x80, $0x38;
	[tilespmem:$0x11A00] =	vst v63  }
0x2a4: {  	s14 =	rddreg [dreg:$0x16];
	s3 =	simm.s32 $0x280  }
0x2a5: {  	[tilespmem:s3], [sflag:$0x1] =	stream.linear.gather [hbm4b:s10+s2], $0x80, $0x38;
	[tilespmem:$0x11A00] =	vst v63  }
0x2a6: {  	s15 =	rddreg [dreg:$0x17];
	s20 =	simm.s32 $0x480  }
0x2a7: {  	[tilespmem:s20], [sflag:$0x1] =	stream.linear.gather [hbm4b:s14+s2], $0x80, $0x38;
	[tilespmem:$0x11A00] =	vst v63  }
0x2a8: {  	s5 =	rddreg [dreg:$0x18];
	s14 =	simm.s32 $0x680  }
0x2a9: {  	[tilespmem:s14], [sflag:$0x1] =	stream.linear.gather [hbm4b:s15+s2], $0x80, $0x38;
	[tilespmem:$0x11A00] =	vst v63  }
0x2aa: {  	s6 =	rddreg [dreg:$0x19];
	s10 =	simm.s32 $0x880  }
0x2ab: {  	[tilespmem:s10], [sflag:$0x1] =	stream.linear.gather [hbm4b:s5+s2], $0x80, $0x38;
	[tilespmem:$0x11A00] =	vst v63  }
0x2ac: {  	s3 =	rddreg [dreg:$0x1b];
	s10 =	simm.s32 $0xA80  }
0x2ad: {  	[tilespmem:s10], [sflag:$0x1] =	stream.linear.gather [hbm4b:s6+s2], $0x80, $0x38;
	[tilespmem:$0x11A00] =	vst v63  }
0x2ae: {  	s20 =	simm.s32 $0xC80;
	s15 =	rddreg [dreg:$0x1a]  }
0x2af: {  	[tilespmem:s20], [sflag:$0x1] =	stream.linear.gather [hbm4b:s15+s2], $0x80, $0x38;
	[tilespmem:$0x11A00] =	vst v63  }
0x2b0: {  	s5 =	rddreg [dreg:$0x1c];
	s15 =	simm.s32 $0xE80  }
0x2b1: {  	[tilespmem:s15], [sflag:$0x1] =	stream.linear.gather [hbm4b:s3+s2], $0x80, $0x38;
	[tilespmem:$0x11A00] =	vst v63  }
0x2b2: {  	s6 =	rddreg [dreg:$0x1d]  }
0x2b3: {  	[tilespmem:s19], [sflag:$0x1] =	stream.linear.gather [hbm4b:s5+s2], $0x80, $0x38;
	[tilespmem:$0x11A00] =	vst v63  }
0x2b4: {  	s3 =	rddreg [dreg:$0x1e];
	s5 =	simm.s32 $0x1280  }
0x2b5: {  	[tilespmem:s5], [sflag:$0x1] =	stream.linear.gather [hbm4b:s6+s2], $0x80, $0x38;
	[tilespmem:$0x11A00] =	vst v63  }
0x2b6: {  	s6 =	rddreg [dreg:$0x1f]  }
0x2b7: {  	[tilespmem:s13], [sflag:$0x1] =	stream.linear.gather [hbm4b:s3+s2], $0x80, $0x38;
	[tilespmem:$0x11A00] =	vst v63  }
0x2b8: {  	s3 =	sld [smem:$0x7DA]  }
0x2b9: {  	[tilespmem:s9], [sflag:$0x1] =	stream.linear.gather [hbm4b:s6+s2], $0x80, $0x38;
	[tilespmem:$0x11A00] =	vst v63  }
0x2ba: {  	s26 =	sld [smem:$0x7DB];
	s6 =	simm.s32 $0x1880  }
0x2bb: {  	[tilespmem:s6], [sflag:$0x1] =	stream.linear.gather [hbm4b:s3+s2], $0x80, $0x38;
	[tilespmem:$0x11A00] =	vst v63  }
0x2bc: {  	s25 =	sld [smem:$0x7DC];
	s3 =	simm.s32 $0x100  }
0x2bd: {  	[tilespmem:s3], [sflag:$0x1] =	stream.linear.gather [hbm4b:s26+s2], $0x80, $0x38;
	[tilespmem:$0x11A00] =	vst v63  }
0x2be: {  	s26 =	sld [smem:$0x7DD];
	s3 =	simm.s32 $0x300  }
0x2bf: {  	[tilespmem:s3], [sflag:$0x1] =	stream.linear.gather [hbm4b:s25+s2], $0x80, $0x38;
	[tilespmem:$0x11A00] =	vst v63  }
0x2c0: {  	s25 =	sld [smem:$0x7DE];
	s3 =	simm.s32 $0x500  }
0x2c1: {  	[tilespmem:s3], [sflag:$0x1] =	stream.linear.gather [hbm4b:s26+s2], $0x80, $0x38;
	[tilespmem:$0x11A00] =	vst v63  }
0x2c2: {  	s26 =	sld [smem:$0x7DF];
	s3 =	simm.s32 $0x700  }
0x2c3: {  	[tilespmem:s3], [sflag:$0x1] =	stream.linear.gather [hbm4b:s25+s2], $0x80, $0x38;
	[tilespmem:$0x11A00] =	vst v63  }
0x2c4: {  	s25 =	sld [smem:$0x7E0];
	s3 =	simm.s32 $0x900  }
0x2c5: {  	[tilespmem:s3], [sflag:$0x1] =	stream.linear.gather [hbm4b:s26+s2], $0x80, $0x38;
	[tilespmem:$0x11A00] =	vst v63  }
0x2c6: {  	s26 =	sld [smem:$0x7E1];
	s3 =	simm.s32 $0xB00  }
0x2c7: {  	[tilespmem:s3], [sflag:$0x1] =	stream.linear.gather [hbm4b:s25+s2], $0x80, $0x38;
	[tilespmem:$0x11A00] =	vst v63  }
0x2c8: {  	s25 =	sld [smem:$0x7E2];
	s3 =	simm.s32 $0xD00  }
0x2c9: {  	[tilespmem:s3], [sflag:$0x1] =	stream.linear.gather [hbm4b:s26+s2], $0x80, $0x38;
	[tilespmem:$0x11A00] =	vst v63  }
0x2ca: {  	s26 =	sld [smem:$0x7E3];
	s3 =	simm.s32 $0xF00  }
0x2cb: {  	[tilespmem:s3], [sflag:$0x1] =	stream.linear.gather [hbm4b:s25+s2], $0x80, $0x38;
	[tilespmem:$0x11A00] =	vst v63  }
0x2cc: {  	s25 =	sld [smem:$0x7E4];
	s3 =	simm.s32 $0x1100  }
0x2cd: {  	[tilespmem:s3], [sflag:$0x1] =	stream.linear.gather [hbm4b:s26+s2], $0x80, $0x38;
	[tilespmem:$0x11A00] =	vst v63  }
0x2ce: {  	s26 =	sld [smem:$0x7E5];
	s3 =	simm.s32 $0x1300  }
0x2cf: {  	[tilespmem:s3], [sflag:$0x1] =	stream.linear.gather [hbm4b:s25+s2], $0x80, $0x38;
	[tilespmem:$0x11A00] =	vst v63  }
0x2d0: {  	s25 =	sld [smem:$0x7E6];
	s3 =	simm.s32 $0x1500  }
0x2d1: {  	[tilespmem:s3], [sflag:$0x1] =	stream.linear.gather [hbm4b:s26+s2], $0x80, $0x38;
	[tilespmem:$0x11A00] =	vst v63  }
0x2d2: {  	s26 =	sld [smem:$0x7E7];
	s3 =	simm.s32 $0x1700  }
0x2d3: {  	[tilespmem:s3], [sflag:$0x1] =	stream.linear.gather [hbm4b:s25+s2], $0x80, $0x38;
	[tilespmem:$0x11A00] =	vst v63  }
0x2d4: {  	s25 =	sld [smem:$0x7E8];
	s3 =	simm.s32 $0x1900  }
0x2d5: {  	[tilespmem:s3], [sflag:$0x1] =	stream.linear.gather [hbm4b:s26+s2], $0x80, $0x38;
	[tilespmem:$0x11A00] =	vst v63  }
0x2d6: {  	s26 =	sld [smem:$0x7E9];
	s3 =	simm.s32 $0x180  }
0x2d7: {  	[tilespmem:s3], [sflag:$0x1] =	stream.linear.gather [hbm4b:s25+s2], $0x80, $0x38;
	[tilespmem:$0x11A00] =	vst v63  }
0x2d8: {  	s25 =	sld [smem:$0x7EA];
	s3 =	simm.s32 $0x380  }
0x2d9: {  	[tilespmem:s3], [sflag:$0x1] =	stream.linear.gather [hbm4b:s26+s2], $0x80, $0x38;
	[tilespmem:$0x11A00] =	vst v63  }
0x2da: {  	s26 =	sld [smem:$0x7EB];
	s3 =	simm.s32 $0x580  }
0x2db: {  	[tilespmem:s3], [sflag:$0x1] =	stream.linear.gather [hbm4b:s25+s2], $0x80, $0x38;
	[tilespmem:$0x11A00] =	vst v63  }
0x2dc: {  	s25 =	sld [smem:$0x7EC];
	s3 =	simm.s32 $0x780  }
0x2dd: {  	[tilespmem:s3], [sflag:$0x1] =	stream.linear.gather [hbm4b:s26+s2], $0x80, $0x38;
	[tilespmem:$0x11A00] =	vst v63  }
0x2de: {  	s26 =	sld [smem:$0x7ED];
	s3 =	simm.s32 $0x980  }
0x2df: {  	[tilespmem:s3], [sflag:$0x1] =	stream.linear.gather [hbm4b:s25+s2], $0x80, $0x38;
	[tilespmem:$0x11A00] =	vst v63  }
0x2e0: {  	s25 =	sld [smem:$0x7EE];
	s3 =	simm.s32 $0xB80  }
0x2e1: {  	[tilespmem:s3], [sflag:$0x1] =	stream.linear.gather [hbm4b:s26+s2], $0x80, $0x38;
	[tilespmem:$0x11A00] =	vst v63  }
0x2e2: {  	s26 =	sld [smem:$0x7EF];
	s3 =	simm.s32 $0xD80  }
0x2e3: {  	[tilespmem:s3], [sflag:$0x1] =	stream.linear.gather [hbm4b:s25+s2], $0x80, $0x38;
	[tilespmem:$0x11A00] =	vst v63  }
0x2e4: {  	s25 =	sld [smem:$0x7F0];
	s3 =	simm.s32 $0xF80  }
0x2e5: {  	[tilespmem:s3], [sflag:$0x1] =	stream.linear.gather [hbm4b:s26+s2], $0x80, $0x38;
	[tilespmem:$0x11A00] =	vst v63  }
0x2e6: {  	s26 =	sld [smem:$0x7F1];
	s3 =	simm.s32 $0x1180  }
0x2e7: {  	[tilespmem:s3], [sflag:$0x1] =	stream.linear.gather [hbm4b:s25+s2], $0x80, $0x38;
	[tilespmem:$0x11A00] =	vst v63  }
0x2e8: {  	s25 =	sld [smem:$0x7F2];
	s3 =	simm.s32 $0x1380  }
0x2e9: {  	[tilespmem:s3], [sflag:$0x1] =	stream.linear.gather [hbm4b:s26+s2], $0x80, $0x38;
	[tilespmem:$0x11A00] =	vst v63  }
0x2ea: {  	s26 =	sld [smem:$0x7F3];
	s3 =	simm.s32 $0x1580  }
0x2eb: {  	[tilespmem:s3], [sflag:$0x1] =	stream.linear.gather [hbm4b:s25+s2], $0x80, $0x38;
	[tilespmem:$0x11A00] =	vst v63  }
0x2ec: {  	s25 =	sld [smem:$0x7F5];
	s3 =	simm.s32 $0x1780  }
0x2ed: {  	[tilespmem:s3], [sflag:$0x1] =	stream.linear.gather [hbm4b:s26+s2], $0x80, $0x38;
	[tilespmem:$0x11A00] =	vst v63  }
0x2ee: {  	s26 =	simm.s32 $0x1980  }
0x2ef: {  	[tilespmem:s26], [sflag:$0x1] =	stream.linear.gather [hbm4b:s25+s2], $0x80, $0x38;
	[tilespmem:$0x11A00] =	vst v63  }
0x2f0: {  	_ =	swait.ge [sflag:s24], $0x4000  }
0x2f1: {  	[sflag:s24] =	ssyncset.done $0x0  }
0x2f2: {  	[sflag:s24] =	ssyncadd.s32 $0xFFFFC000  }
0x2f3: {  	_ =	swait.ge [sflag:s0], $0x80  }
0x2f4: {  	[sflag:s0] =	ssyncset.done $0x0  }
0x2f5: {  	[sflag:s0] =	ssyncadd.s32 $0xFFFFFF80  }
0x2f6: {  	_ =	swait.ge [sflag:s0], $0x80  }
0x2f7: {  	[sflag:s0] =	ssyncset.done $0x0  }
0x2f8: {  	[sflag:s0] =	ssyncadd.s32 $0xFFFFFF80  }
0x2f9: {  	_ =	swait.ge [sflag:s0], $0x80  }
0x2fa: {  	[sflag:s0] =	ssyncset.done $0x0  }
0x2fb: {  	[sflag:s0] =	ssyncadd.s32 $0xFFFFFF80  }
0x2fc: {  	_ =	swait.ge [sflag:s0], $0x80  }
0x2fd: {  	[sflag:s0] =	ssyncset.done $0x0  }
0x2fe: {  	[sflag:s0] =	ssyncadd.s32 $0xFFFFFF80  }
0x2ff: {  	_ =	swait.ge [sflag:s0], $0x80  }
0x300: {  	[sflag:s0] =	ssyncset.done $0x0  }
0x301: {  	[sflag:s0] =	ssyncadd.s32 $0xFFFFFF80  }
0x302: {  	_ =	swait.ge [sflag:s0], $0x80  }
0x303: {  	[sflag:s0] =	ssyncset.done $0x0  }
0x304: {  	[sflag:s0] =	ssyncadd.s32 $0xFFFFFF80  }
0x305: {  	_ =	swait.ge [sflag:s0], $0x80  }
0x306: {  	[sflag:s0] =	ssyncset.done $0x0  }
0x307: {  	[sflag:s0] =	ssyncadd.s32 $0xFFFFFF80  }
0x308: {  	_ =	swait.ge [sflag:s0], $0x80  }
0x309: {  	[sflag:s0] =	ssyncset.done $0x0  }
0x30a: {  	[sflag:s0] =	ssyncadd.s32 $0xFFFFFF80  }
0x30b: {  	_ =	swait.ge [sflag:s0], $0x80  }
0x30c: {  	[sflag:s0] =	ssyncset.done $0x0  }
0x30d: {  	[sflag:s0] =	ssyncadd.s32 $0xFFFFFF80  }
0x30e: {  	_ =	swait.ge [sflag:s0], $0x80  }
0x30f: {  	[sflag:s0] =	ssyncset.done $0x0  }
0x310: {  	[sflag:s0] =	ssyncadd.s32 $0xFFFFFF80  }
0x311: {  	_ =	swait.ge [sflag:s0], $0x80  }
0x312: {  	[sflag:s0] =	ssyncset.done $0x0  }
0x313: {  	[sflag:s0] =	ssyncadd.s32 $0xFFFFFF80  }
0x314: {  	_ =	swait.ge [sflag:s0], $0x80  }
0x315: {  	[sflag:s0] =	ssyncset.done $0x0  }
0x316: {  	[sflag:s0] =	ssyncadd.s32 $0xFFFFFF80  }
0x317: {  	_ =	swait.ge [sflag:s0], $0x80  }
0x318: {  	[sflag:s0] =	ssyncset.done $0x0  }
0x319: {  	s26 =	sld [smem:$0x7F6];
	[sflag:s0] =	ssyncadd.s32 $0xFFFFFF80  }
0x31a: {  	s3 =	rddreg [dreg:$0x1]  }
0x31b: {  	[tilespmem:s23], [sflag:$0x2] =	stream.indirect.gather.add.f32 [hbm:s3], $0x80, s2, s22, $0xb8;
	[tilespmem:$0x11A00] =	vst v63  }
0x31c: {  	_ = 	snop  }
0x31d: {  	[tilespmem:s23], [sflag:$0x2] =	stream.indirect.gather.add.f32 [hbm:s26], $0x80, s29, s22, $0xb8;
	[tilespmem:$0x11A00] =	vst v63  }
0x31e: {  	s29 =	sld [smem:$0x7F7];
	_ =	sdelay $0x2  }
0x31f: {  	[tilespmem:s23], [sflag:$0x2] =	stream.indirect.gather.add.f32 [hbm:s29], $0x80, s31, s22, $0xb8;
	[tilespmem:$0x11A00] =	vst v63  }
0x320: {  	s31 =	sld [smem:$0x7F8];
	_ =	sdelay $0x1  }
0x321: {  	s3 =	sld [smem:$0x7F9]  }
0x322: {  	[tilespmem:s23], [sflag:$0x2] =	stream.indirect.gather.add.f32 [hbm:s31], $0x80, s30, s22, $0xb8;
	[tilespmem:$0x11A00] =	vst v63  }
0x323: {  	s31 =	sld [smem:$0x7D1]  }
0x324: {  	[tilespmem:s23], [sflag:$0x2] =	stream.indirect.gather.add.f32 [hbm:s3], $0x80, s11, s22, $0xb8;
	[tilespmem:$0x11A00] =	vst v63  }
0x325: {  	s3 =	sld [smem:$0x7D2]  }
0x326: {  	[tilespmem:s23], [sflag:$0x2] =	stream.indirect.gather.add.f32 [hbm:s31], $0x80, s21, s22, $0xb8;
	[tilespmem:$0x11A00] =	vst v63  }
0x327: {  	_ = 	snop  }
0x328: {  	[tilespmem:s23], [sflag:$0x2] =	stream.indirect.gather.add.f32 [hbm:s3], $0x80, s1, s22, $0xb8;
	[tilespmem:$0x11A00] =	vst v63  }
0x329: {  	s3 =	sld [smem:$0x7D3]  }
0x32a: {  	s26 =	sld [smem:$0x7F6]  }
0x32b: {  	s31 =	sld [smem:$0x7D4]  }
0x32c: {  	[tilespmem:s23], [sflag:$0x2] =	stream.indirect.gather.add.f32 [hbm:s3], $0x80, s16, s22, $0xb8;
	[tilespmem:$0x11A00] =	vst v63  }
0x32d: {  	s21 =	sld [smem:$0x7D5]  }
0x32e: {  	[tilespmem:s23], [sflag:$0x2] =	stream.indirect.gather.add.f32 [hbm:s31], $0x80, s12, s22, $0xb8;
	[tilespmem:$0x11A00] =	vst v63  }
0x32f: {  	s16 =	sld [smem:$0x7D6]  }
0x330: {  	[tilespmem:s23], [sflag:$0x2] =	stream.indirect.gather.add.f32 [hbm:s21], $0x80, s17, s22, $0xb8;
	[tilespmem:$0x11A00] =	vst v63  }
0x331: {  	s12 =	sld [smem:$0x7D7]  }
0x332: {  	[tilespmem:s23], [sflag:$0x2] =	stream.indirect.gather.add.f32 [hbm:s16], $0x80, s8, s22, $0xb8;
	[tilespmem:$0x11A00] =	vst v63  }
0x333: {  	s1 =	sld [smem:$0x7D8]  }
0x334: {  	[tilespmem:s23], [sflag:$0x2] =	stream.indirect.gather.add.f32 [hbm:s12], $0x80, s28, s22, $0xb8;
	[tilespmem:$0x11A00] =	vst v63  }
0x335: {  	s30 =	sld [smem:$0x7F8]  }
0x336: {  	[tilespmem:s23], [sflag:$0x2] =	stream.indirect.gather.add.f32 [hbm:s1], $0x80, s4, s22, $0xb8;
	[tilespmem:$0x11A00] =	vst v63  }
0x337: {  	s11 =	sld [smem:$0x7F9];
	_ =	swait.ge [sflag:s24], $0x4000  }
0x338: {  	[sflag:s24] =	ssyncset.done $0x0  }
0x339: {  	[sflag:s24] =	ssyncadd.s32 $0xFFFFC000  }
0x33a: {  	_ =	swait.ge [sflag:s0], $0x80  }
0x33b: {  	[sflag:s0] =	ssyncset.done $0x0  }
0x33c: {  	[sflag:s0] =	ssyncadd.s32 $0xFFFFFF80  }
0x33d: {  	_ =	swait.ge [sflag:s0], $0x80  }
0x33e: {  	[sflag:s0] =	ssyncset.done $0x0  }
0x33f: {  	[sflag:s0] =	ssyncadd.s32 $0xFFFFFF80  }
0x340: {  	_ =	swait.ge [sflag:s0], $0x80  }
0x341: {  	[sflag:s0] =	ssyncset.done $0x0  }
0x342: {  	[sflag:s0] =	ssyncadd.s32 $0xFFFFFF80  }
0x343: {  	_ =	swait.ge [sflag:s0], $0x80  }
0x344: {  	[sflag:s0] =	ssyncset.done $0x0  }
0x345: {  	[sflag:s0] =	ssyncadd.s32 $0xFFFFFF80  }
0x346: {  	_ =	swait.ge [sflag:s0], $0x80  }
0x347: {  	[sflag:s0] =	ssyncset.done $0x0  }
0x348: {  	[sflag:s0] =	ssyncadd.s32 $0xFFFFFF80  }
0x349: {  	_ =	swait.ge [sflag:s0], $0x80  }
0x34a: {  	[sflag:s0] =	ssyncset.done $0x0  }
0x34b: {  	[sflag:s0] =	ssyncadd.s32 $0xFFFFFF80  }
0x34c: {  	_ =	swait.ge [sflag:s0], $0x80  }
0x34d: {  	[sflag:s0] =	ssyncset.done $0x0  }
0x34e: {  	[sflag:s0] =	ssyncadd.s32 $0xFFFFFF80  }
0x34f: {  	_ =	swait.ge [sflag:s0], $0x80  }
0x350: {  	[sflag:s0] =	ssyncset.done $0x0  }
0x351: {  	[sflag:s0] =	ssyncadd.s32 $0xFFFFFF80  }
0x352: {  	_ =	swait.ge [sflag:s0], $0x80  }
0x353: {  	[sflag:s0] =	ssyncset.done $0x0  }
0x354: {  	[sflag:s0] =	ssyncadd.s32 $0xFFFFFF80  }
0x355: {  	_ =	swait.ge [sflag:s0], $0x80  }
0x356: {  	[sflag:s0] =	ssyncset.done $0x0  }
0x357: {  	[sflag:s0] =	ssyncadd.s32 $0xFFFFFF80  }
0x358: {  	_ =	swait.ge [sflag:s0], $0x80  }
0x359: {  	[sflag:s0] =	ssyncset.done $0x0  }
0x35a: {  	[sflag:s0] =	ssyncadd.s32 $0xFFFFFF80  }
0x35b: {  	_ =	swait.ge [sflag:s0], $0x80  }
0x35c: {  	[sflag:s0] =	ssyncset.done $0x0  }
0x35d: {  	[sflag:s0] =	ssyncadd.s32 $0xFFFFFF80  }
0x35e: {  	_ =	swait.ge [sflag:s0], $0x80  }
0x35f: {  	[sflag:s0] =	ssyncset.done $0x0  }
0x360: {  	[sflag:s0] =	ssyncadd.s32 $0xFFFFFF80  }
0x361: {  	s8 =	simm.s32 $0x5A00;
	s4 =	rddreg [dreg:$0x1]  }
0x362: {  	[tilespmem:s8], [sflag:$0x2] =	stream.indirect.gather.add.f32 [hbm:s4], $0x80, s22, s22, $0xb8;
	[tilespmem:$0x11A00] =	vst v63  }
0x363: {  	s25 =	simm.s32 $0x280  }
0x364: {  	[tilespmem:s8], [sflag:$0x2] =	stream.indirect.gather.add.f32 [hbm:s26], $0x80, s25, s22, $0xb8;
	[tilespmem:$0x11A00] =	vst v63  }
0x365: {  	s25 =	simm.s32 $0x480  }
0x366: {  	[tilespmem:s8], [sflag:$0x2] =	stream.indirect.gather.add.f32 [hbm:s29], $0x80, s25, s22, $0xb8;
	[tilespmem:$0x11A00] =	vst v63  }
0x367: {  	_ = 	snop  }
0x368: {  	[tilespmem:s8], [sflag:$0x2] =	stream.indirect.gather.add.f32 [hbm:s30], $0x80, s14, s22, $0xb8;
	[tilespmem:$0x11A00] =	vst v63  }
0x369: {  	s25 =	simm.s32 $0x880;
	s14 =	sld [smem:$0x7D1]  }
0x36a: {  	[tilespmem:s8], [sflag:$0x2] =	stream.indirect.gather.add.f32 [hbm:s11], $0x80, s25, s22, $0xb8;
	[tilespmem:$0x11A00] =	vst v63  }
0x36b: {  	s4 =	sld [smem:$0x7D2]  }
0x36c: {  	[tilespmem:s8], [sflag:$0x2] =	stream.indirect.gather.add.f32 [hbm:s14], $0x80, s10, s22, $0xb8;
	[tilespmem:$0x11A00] =	vst v63  }
0x36d: {  	_ = 	snop  }
0x36e: {  	[tilespmem:s8], [sflag:$0x2] =	stream.indirect.gather.add.f32 [hbm:s4], $0x80, s20, s22, $0xb8;
	[tilespmem:$0x11A00] =	vst v63  }
0x36f: {  	_ = 	snop  }
0x370: {  	[tilespmem:s8], [sflag:$0x2] =	stream.indirect.gather.add.f32 [hbm:s3], $0x80, s15, s22, $0xb8;
	[tilespmem:$0x11A00] =	vst v63  }
0x371: {  	_ = 	snop  }
0x372: {  	[tilespmem:s8], [sflag:$0x2] =	stream.indirect.gather.add.f32 [hbm:s31], $0x80, s19, s22, $0xb8;
	[tilespmem:$0x11A00] =	vst v63  }
0x373: {  	_ = 	snop  }
0x374: {  	[tilespmem:s8], [sflag:$0x2] =	stream.indirect.gather.add.f32 [hbm:s21], $0x80, s5, s22, $0xb8;
	[tilespmem:$0x11A00] =	vst v63  }
0x375: {  	_ = 	snop  }
0x376: {  	[tilespmem:s8], [sflag:$0x2] =	stream.indirect.gather.add.f32 [hbm:s16], $0x80, s13, s22, $0xb8;
	[tilespmem:$0x11A00] =	vst v63  }
0x377: {  	_ = 	snop  }
0x378: {  	[tilespmem:s8], [sflag:$0x2] =	stream.indirect.gather.add.f32 [hbm:s12], $0x80, s9, s22, $0xb8;
	[tilespmem:$0x11A00] =	vst v63  }
0x379: {  	_ = 	snop  }
0x37a: {  	[tilespmem:s8], [sflag:$0x2] =	stream.indirect.gather.add.f32 [hbm:s1], $0x80, s6, s22, $0xb8;
	[tilespmem:$0x11A00] =	vst v63  }
0x37b: {  	_ =	swait.ge [sflag:s24], $0x4000  }
0x37c: {  	[sflag:s24] =	ssyncset.done $0x0  }
0x37d: {  	[sflag:s24] =	ssyncadd.s32 $0xFFFFC000  }
0x37e: {  	_ =	swait.ge [sflag:s0], $0x80  }
0x37f: {  	[sflag:s0] =	ssyncset.done $0x0  }
0x380: {  	[sflag:s0] =	ssyncadd.s32 $0xFFFFFF80  }
0x381: {  	_ =	swait.ge [sflag:s0], $0x80  }
0x382: {  	[sflag:s0] =	ssyncset.done $0x0  }
0x383: {  	[sflag:s0] =	ssyncadd.s32 $0xFFFFFF80  }
0x384: {  	_ =	swait.ge [sflag:s0], $0x80  }
0x385: {  	[sflag:s0] =	ssyncset.done $0x0  }
0x386: {  	[sflag:s0] =	ssyncadd.s32 $0xFFFFFF80  }
0x387: {  	_ =	swait.ge [sflag:s0], $0x80  }
0x388: {  	[sflag:s0] =	ssyncset.done $0x0  }
0x389: {  	[sflag:s0] =	ssyncadd.s32 $0xFFFFFF80  }
0x38a: {  	_ =	swait.ge [sflag:s0], $0x80  }
0x38b: {  	[sflag:s0] =	ssyncset.done $0x0  }
0x38c: {  	[sflag:s0] =	ssyncadd.s32 $0xFFFFFF80  }
0x38d: {  	_ =	swait.ge [sflag:s0], $0x80  }
0x38e: {  	[sflag:s0] =	ssyncset.done $0x0  }
0x38f: {  	[sflag:s0] =	ssyncadd.s32 $0xFFFFFF80  }
0x390: {  	_ =	swait.ge [sflag:s0], $0x80  }
0x391: {  	[sflag:s0] =	ssyncset.done $0x0  }
0x392: {  	[sflag:s0] =	ssyncadd.s32 $0xFFFFFF80  }
0x393: {  	_ =	swait.ge [sflag:s0], $0x80  }
0x394: {  	[sflag:s0] =	ssyncset.done $0x0  }
0x395: {  	[sflag:s0] =	ssyncadd.s32 $0xFFFFFF80  }
0x396: {  	_ =	swait.ge [sflag:s0], $0x80  }
0x397: {  	[sflag:s0] =	ssyncset.done $0x0  }
0x398: {  	[sflag:s0] =	ssyncadd.s32 $0xFFFFFF80  }
0x399: {  	_ =	swait.ge [sflag:s0], $0x80  }
0x39a: {  	[sflag:s0] =	ssyncset.done $0x0  }
0x39b: {  	[sflag:s0] =	ssyncadd.s32 $0xFFFFFF80  }
0x39c: {  	_ =	swait.ge [sflag:s0], $0x80  }
0x39d: {  	[sflag:s0] =	ssyncset.done $0x0  }
0x39e: {  	[sflag:s0] =	ssyncadd.s32 $0xFFFFFF80  }
0x39f: {  	_ =	swait.ge [sflag:s0], $0x80  }
0x3a0: {  	[sflag:s0] =	ssyncset.done $0x0  }
0x3a1: {  	[sflag:s0] =	ssyncadd.s32 $0xFFFFFF80  }
0x3a2: {  	_ =	swait.ge [sflag:s0], $0x80  }
0x3a3: {  	[sflag:s0] =	ssyncset.done $0x0  }
0x3a4: {  	[sflag:s0] =	ssyncadd.s32 $0xFFFFFF80  }
0x3a5: {  	s10 =	simm.s32 $0x100;
	s5 =	simm.s32 $0x9A00;
	s6 =	rddreg [dreg:$0x1]  }
0x3a6: {  	[tilespmem:s5], [sflag:$0x2] =	stream.indirect.gather.add.f32 [hbm:s6], $0x80, s10, s22, $0xb8;
	[tilespmem:$0x11A00] =	vst v63  }
0x3a7: {  	s15 =	simm.s32 $0x300  }
0x3a8: {  	[tilespmem:s5], [sflag:$0x2] =	stream.indirect.gather.add.f32 [hbm:s26], $0x80, s15, s22, $0xb8;
	[tilespmem:$0x11A00] =	vst v63  }
0x3a9: {  	s20 =	simm.s32 $0x500  }
0x3aa: {  	[tilespmem:s5], [sflag:$0x2] =	stream.indirect.gather.add.f32 [hbm:s29], $0x80, s20, s22, $0xb8;
	[tilespmem:$0x11A00] =	vst v63  }
0x3ab: {  	s25 =	simm.s32 $0x700  }
0x3ac: {  	[tilespmem:s5], [sflag:$0x2] =	stream.indirect.gather.add.f32 [hbm:s30], $0x80, s25, s22, $0xb8;
	[tilespmem:$0x11A00] =	vst v63  }
0x3ad: {  	s10 =	simm.s32 $0x900  }
0x3ae: {  	[tilespmem:s5], [sflag:$0x2] =	stream.indirect.gather.add.f32 [hbm:s11], $0x80, s10, s22, $0xb8;
	[tilespmem:$0x11A00] =	vst v63  }
0x3af: {  	s15 =	sld [smem:$0x7D2];
	s20 =	simm.s32 $0xB00  }
0x3b0: {  	[tilespmem:s5], [sflag:$0x2] =	stream.indirect.gather.add.f32 [hbm:s14], $0x80, s20, s22, $0xb8;
	[tilespmem:$0x11A00] =	vst v63  }
0x3b1: {  	s25 =	simm.s32 $0xD00  }
0x3b2: {  	[tilespmem:s5], [sflag:$0x2] =	stream.indirect.gather.add.f32 [hbm:s15], $0x80, s25, s22, $0xb8;
	[tilespmem:$0x11A00] =	vst v63  }
0x3b3: {  	s10 =	simm.s32 $0xF00  }
0x3b4: {  	[tilespmem:s5], [sflag:$0x2] =	stream.indirect.gather.add.f32 [hbm:s3], $0x80, s10, s22, $0xb8;
	[tilespmem:$0x11A00] =	vst v63  }
0x3b5: {  	s25 =	simm.s32 $0x1100  }
0x3b6: {  	[tilespmem:s5], [sflag:$0x2] =	stream.indirect.gather.add.f32 [hbm:s31], $0x80, s25, s22, $0xb8;
	[tilespmem:$0x11A00] =	vst v63  }
0x3b7: {  	s10 =	simm.s32 $0x1300  }
0x3b8: {  	[tilespmem:s5], [sflag:$0x2] =	stream.indirect.gather.add.f32 [hbm:s21], $0x80, s10, s22, $0xb8;
	[tilespmem:$0x11A00] =	vst v63  }
0x3b9: {  	s25 =	simm.s32 $0x1500  }
0x3ba: {  	[tilespmem:s5], [sflag:$0x2] =	stream.indirect.gather.add.f32 [hbm:s16], $0x80, s25, s22, $0xb8;
	[tilespmem:$0x11A00] =	vst v63  }
0x3bb: {  	s10 =	simm.s32 $0x1700  }
0x3bc: {  	[tilespmem:s5], [sflag:$0x2] =	stream.indirect.gather.add.f32 [hbm:s12], $0x80, s10, s22, $0xb8;
	[tilespmem:$0x11A00] =	vst v63  }
0x3bd: {  	s25 =	simm.s32 $0x1900  }
0x3be: {  	[tilespmem:s5], [sflag:$0x2] =	stream.indirect.gather.add.f32 [hbm:s1], $0x80, s25, s22, $0xb8;
	[tilespmem:$0x11A00] =	vst v63  }
0x3bf: {  	s4 =	rddreg [dreg:$0x1];
	_ =	swait.ge [sflag:s24], $0x4000  }
0x3c0: {  	[sflag:s24] =	ssyncset.done $0x0  }
0x3c1: {  	[sflag:s24] =	ssyncadd.s32 $0xFFFFC000  }
0x3c2: {  	_ =	swait.ge [sflag:s0], $0x80  }
0x3c3: {  	[sflag:s0] =	ssyncset.done $0x0  }
0x3c4: {  	[sflag:s0] =	ssyncadd.s32 $0xFFFFFF80  }
0x3c5: {  	_ =	swait.ge [sflag:s0], $0x80  }
0x3c6: {  	[sflag:s0] =	ssyncset.done $0x0  }
0x3c7: {  	[sflag:s0] =	ssyncadd.s32 $0xFFFFFF80  }
0x3c8: {  	_ =	swait.ge [sflag:s0], $0x80  }
0x3c9: {  	[sflag:s0] =	ssyncset.done $0x0  }
0x3ca: {  	[sflag:s0] =	ssyncadd.s32 $0xFFFFFF80  }
0x3cb: {  	_ =	swait.ge [sflag:s0], $0x80  }
0x3cc: {  	[sflag:s0] =	ssyncset.done $0x0  }
0x3cd: {  	[sflag:s0] =	ssyncadd.s32 $0xFFFFFF80  }
0x3ce: {  	_ =	swait.ge [sflag:s0], $0x80  }
0x3cf: {  	[sflag:s0] =	ssyncset.done $0x0  }
0x3d0: {  	[sflag:s0] =	ssyncadd.s32 $0xFFFFFF80  }
0x3d1: {  	_ =	swait.ge [sflag:s0], $0x80  }
0x3d2: {  	[sflag:s0] =	ssyncset.done $0x0  }
0x3d3: {  	[sflag:s0] =	ssyncadd.s32 $0xFFFFFF80  }
0x3d4: {  	_ =	swait.ge [sflag:s0], $0x80  }
0x3d5: {  	[sflag:s0] =	ssyncset.done $0x0  }
0x3d6: {  	[sflag:s0] =	ssyncadd.s32 $0xFFFFFF80  }
0x3d7: {  	_ =	swait.ge [sflag:s0], $0x80  }
0x3d8: {  	[sflag:s0] =	ssyncset.done $0x0  }
0x3d9: {  	[sflag:s0] =	ssyncadd.s32 $0xFFFFFF80  }
0x3da: {  	_ =	swait.ge [sflag:s0], $0x80  }
0x3db: {  	[sflag:s0] =	ssyncset.done $0x0  }
0x3dc: {  	[sflag:s0] =	ssyncadd.s32 $0xFFFFFF80  }
0x3dd: {  	_ =	swait.ge [sflag:s0], $0x80  }
0x3de: {  	[sflag:s0] =	ssyncset.done $0x0  }
0x3df: {  	[sflag:s0] =	ssyncadd.s32 $0xFFFFFF80  }
0x3e0: {  	_ =	swait.ge [sflag:s0], $0x80  }
0x3e1: {  	[sflag:s0] =	ssyncset.done $0x0  }
0x3e2: {  	[sflag:s0] =	ssyncadd.s32 $0xFFFFFF80  }
0x3e3: {  	_ =	swait.ge [sflag:s0], $0x80  }
0x3e4: {  	[sflag:s0] =	ssyncset.done $0x0  }
0x3e5: {  	[sflag:s0] =	ssyncadd.s32 $0xFFFFFF80  }
0x3e6: {  	_ =	swait.ge [sflag:s0], $0x80  }
0x3e7: {  	[sflag:s0] =	ssyncset.done $0x0  }
0x3e8: {  	s17 =	simm.s32 $0xDA00;
	s10 =	simm.s32 $0x180;
	[sflag:s0] =	ssyncadd.s32 $0xFFFFFF80  }
0x3e9: {  	[tilespmem:s17], [sflag:$0x2] =	stream.indirect.gather.add.f32 [hbm:s4], $0x80, s10, s22, $0xb8;
	[tilespmem:$0x11A00] =	vst v63  }
0x3ea: {  	s25 =	simm.s32 $0x380  }
0x3eb: {  	[tilespmem:s17], [sflag:$0x2] =	stream.indirect.gather.add.f32 [hbm:s26], $0x80, s25, s22, $0xb8;
	[tilespmem:$0x11A00] =	vst v63  }
0x3ec: {  	s26 =	simm.s32 $0x580  }
0x3ed: {  	[tilespmem:s17], [sflag:$0x2] =	stream.indirect.gather.add.f32 [hbm:s29], $0x80, s26, s22, $0xb8;
	[tilespmem:$0x11A00] =	vst v63  }
0x3ee: {  	s10 =	simm.s32 $0x780  }
0x3ef: {  	[tilespmem:s17], [sflag:$0x2] =	stream.indirect.gather.add.f32 [hbm:s30], $0x80, s10, s22, $0xb8;
	[tilespmem:$0x11A00] =	vst v63  }
0x3f0: {  	s25 =	simm.s32 $0x980  }
0x3f1: {  	[tilespmem:s17], [sflag:$0x2] =	stream.indirect.gather.add.f32 [hbm:s11], $0x80, s25, s22, $0xb8;
	[tilespmem:$0x11A00] =	vst v63  }
0x3f2: {  	s26 =	simm.s32 $0xB80  }
0x3f3: {  	[tilespmem:s17], [sflag:$0x2] =	stream.indirect.gather.add.f32 [hbm:s14], $0x80, s26, s22, $0xb8;
	[tilespmem:$0x11A00] =	vst v63  }
0x3f4: {  	s29 =	simm.s32 $0xD80  }
0x3f5: {  	[tilespmem:s17], [sflag:$0x2] =	stream.indirect.gather.add.f32 [hbm:s15], $0x80, s29, s22, $0xb8;
	[tilespmem:$0x11A00] =	vst v63  }
0x3f6: {  	s30 =	simm.s32 $0xF80  }
0x3f7: {  	[tilespmem:s17], [sflag:$0x2] =	stream.indirect.gather.add.f32 [hbm:s3], $0x80, s30, s22, $0xb8;
	[tilespmem:$0x11A00] =	vst v63  }
0x3f8: {  	s6 =	simm.s32 $0x1180  }
0x3f9: {  	[tilespmem:s17], [sflag:$0x2] =	stream.indirect.gather.add.f32 [hbm:s31], $0x80, s6, s22, $0xb8;
	[tilespmem:$0x11A00] =	vst v63  }
0x3fa: {  	s10 =	simm.s32 $0x1380  }
0x3fb: {  	[tilespmem:s17], [sflag:$0x2] =	stream.indirect.gather.add.f32 [hbm:s21], $0x80, s10, s22, $0xb8;
	[tilespmem:$0x11A00] =	vst v63  }
0x3fc: {  	s11 =	simm.s32 $0x1580  }
0x3fd: {  	[tilespmem:s17], [sflag:$0x2] =	stream.indirect.gather.add.f32 [hbm:s16], $0x80, s11, s22, $0xb8;
	[tilespmem:$0x11A00] =	vst v63  }
0x3fe: {  	s21 =	simm.s32 $0x1780  }
0x3ff: {  	[tilespmem:s17], [sflag:$0x2] =	stream.indirect.gather.add.f32 [hbm:s12], $0x80, s21, s22, $0xb8;
	[tilespmem:$0x11A00] =	vst v63  }
0x400: {  	s25 =	simm.s32 $0x1980  }
0x401: {  	[tilespmem:s17], [sflag:$0x2] =	stream.indirect.gather.add.f32 [hbm:s1], $0x80, s25, s22, $0xb8;
	[tilespmem:$0x11A00] =	vst v63  }
0x402: {  	_ =	swait.ge [sflag:s7], $0x4000  }
0x403: {  	[sflag:s7] =	ssyncset.done $0x0  }
0x404: {  	[sflag:s7] =	ssyncadd.s32 $0xFFFFC000  }
0x405: {  	_ =	swait.ge [sflag:s7], $0x4000  }
0x406: {  	[sflag:s7] =	ssyncset.done $0x0  }
0x407: {  	[sflag:s7] =	ssyncadd.s32 $0xFFFFC000  }
0x408: {  	_ =	swait.ge [sflag:s7], $0x4000  }
0x409: {  	[sflag:s7] =	ssyncset.done $0x0  }
0x40a: {  	[sflag:s7] =	ssyncadd.s32 $0xFFFFC000  }
0x40b: {  	_ =	swait.ge [sflag:s7], $0x4000  }
0x40c: {  	[sflag:s7] =	ssyncset.done $0x0  }
0x40d: {  	[sflag:s7] =	ssyncadd.s32 $0xFFFFC000  }
0x40e: {  	_ =	swait.ge [sflag:s7], $0x4000  }
0x40f: {  	[sflag:s7] =	ssyncset.done $0x0  }
0x410: {  	[sflag:s7] =	ssyncadd.s32 $0xFFFFC000  }
0x411: {  	_ =	swait.ge [sflag:s7], $0x4000  }
0x412: {  	[sflag:s7] =	ssyncset.done $0x0  }
0x413: {  	[sflag:s7] =	ssyncadd.s32 $0xFFFFC000  }
0x414: {  	_ =	swait.ge [sflag:s7], $0x4000  }
0x415: {  	[sflag:s7] =	ssyncset.done $0x0  }
0x416: {  	[sflag:s7] =	ssyncadd.s32 $0xFFFFC000  }
0x417: {  	_ =	swait.ge [sflag:s7], $0x4000  }
0x418: {  	[sflag:s7] =	ssyncset.done $0x0  }
0x419: {  	[sflag:s7] =	ssyncadd.s32 $0xFFFFC000  }
0x41a: {  	_ =	swait.ge [sflag:s7], $0x4000  }
0x41b: {  	[sflag:s7] =	ssyncset.done $0x0  }
0x41c: {  	[sflag:s7] =	ssyncadd.s32 $0xFFFFC000  }
0x41d: {  	_ =	swait.ge [sflag:s7], $0x4000  }
0x41e: {  	[sflag:s7] =	ssyncset.done $0x0  }
0x41f: {  	[sflag:s7] =	ssyncadd.s32 $0xFFFFC000  }
0x420: {  	_ =	swait.ge [sflag:s7], $0x4000  }
0x421: {  	[sflag:s7] =	ssyncset.done $0x0  }
0x422: {  	[sflag:s7] =	ssyncadd.s32 $0xFFFFC000  }
0x423: {  	_ =	swait.ge [sflag:s7], $0x4000  }
0x424: {  	[sflag:s7] =	ssyncset.done $0x0  }
0x425: {  	[sflag:s7] =	ssyncadd.s32 $0xFFFFC000  }
0x426: {  	_ =	swait.ge [sflag:s7], $0x4000  }
0x427: {  	s26 =	sld [smem:$0x7FA]  }
0x428: {  	[sflag:s7] =	ssyncset.done $0x0  }
0x429: {  	s28 =	simm.s32 $0x1A00;
	[sflag:s7] =	ssyncadd.s32 $0xFFFFC000  }
0x42a: {  	[hbm4b:s26+s2] =	stream.linear.scatter [tilespmem:s28], [sflag:$0x4], $0x4000, $0x38;
	[tilespmem:$0x11A00] =	vst v63  }
0x42b: {  	_ =	swait.ge [sflag:s7], $0x4000  }
0x42c: {  	[sflag:s7] =	ssyncset.done $0x0  }
0x42d: {  	[sflag:s7] =	ssyncadd.s32 $0xFFFFC000  }
0x42e: {  	_ =	swait.ge [sflag:s7], $0x4000  }
0x42f: {  	[sflag:s7] =	ssyncset.done $0x0  }
0x430: {  	[sflag:s7] =	ssyncadd.s32 $0xFFFFC000  }
0x431: {  	_ =	swait.ge [sflag:s7], $0x4000  }
0x432: {  	[sflag:s7] =	ssyncset.done $0x0  }
0x433: {  	[sflag:s7] =	ssyncadd.s32 $0xFFFFC000  }
0x434: {  	_ =	swait.ge [sflag:s7], $0x4000  }
0x435: {  	[sflag:s7] =	ssyncset.done $0x0  }
0x436: {  	[sflag:s7] =	ssyncadd.s32 $0xFFFFC000  }
0x437: {  	_ =	swait.ge [sflag:s7], $0x4000  }
0x438: {  	[sflag:s7] =	ssyncset.done $0x0  }
0x439: {  	[sflag:s7] =	ssyncadd.s32 $0xFFFFC000  }
0x43a: {  	_ =	swait.ge [sflag:s7], $0x4000  }
0x43b: {  	[sflag:s7] =	ssyncset.done $0x0  }
0x43c: {  	[sflag:s7] =	ssyncadd.s32 $0xFFFFC000  }
0x43d: {  	_ =	swait.ge [sflag:s7], $0x4000  }
0x43e: {  	[sflag:s7] =	ssyncset.done $0x0  }
0x43f: {  	[sflag:s7] =	ssyncadd.s32 $0xFFFFC000  }
0x440: {  	_ =	swait.ge [sflag:s7], $0x4000  }
0x441: {  	[sflag:s7] =	ssyncset.done $0x0  }
0x442: {  	[sflag:s7] =	ssyncadd.s32 $0xFFFFC000  }
0x443: {  	_ =	swait.ge [sflag:s7], $0x4000  }
0x444: {  	[sflag:s7] =	ssyncset.done $0x0  }
0x445: {  	[sflag:s7] =	ssyncadd.s32 $0xFFFFC000  }
0x446: {  	_ =	swait.ge [sflag:s7], $0x4000  }
0x447: {  	[sflag:s7] =	ssyncset.done $0x0  }
0x448: {  	[sflag:s7] =	ssyncadd.s32 $0xFFFFC000  }
0x449: {  	_ =	swait.ge [sflag:s7], $0x4000  }
0x44a: {  	[sflag:s7] =	ssyncset.done $0x0  }
0x44b: {  	[sflag:s7] =	ssyncadd.s32 $0xFFFFC000  }
0x44c: {  	_ =	swait.ge [sflag:s7], $0x4000  }
0x44d: {  	[sflag:s7] =	ssyncset.done $0x0  }
0x44e: {  	[sflag:s7] =	ssyncadd.s32 $0xFFFFC000  }
0x44f: {  	_ =	swait.ge [sflag:s7], $0x4000  }
0x450: {  	s29 =	sld [smem:$0x7FB]  }
0x451: {  	[sflag:s7] =	ssyncset.done $0x0  }
0x452: {  	[sflag:s7] =	ssyncadd.s32 $0xFFFFC000  }
0x453: {  	[hbm4b:s29+s2] =	stream.linear.scatter [tilespmem:s8], [sflag:$0x4], $0x4000, $0x38;
	[tilespmem:$0x11A00] =	vst v63  }
0x454: {  	_ =	swait.ge [sflag:s7], $0x4000  }
0x455: {  	[sflag:s7] =	ssyncset.done $0x0  }
0x456: {  	[sflag:s7] =	ssyncadd.s32 $0xFFFFC000  }
0x457: {  	_ =	swait.ge [sflag:s7], $0x4000  }
0x458: {  	[sflag:s7] =	ssyncset.done $0x0  }
0x459: {  	[sflag:s7] =	ssyncadd.s32 $0xFFFFC000  }
0x45a: {  	_ =	swait.ge [sflag:s7], $0x4000  }
0x45b: {  	[sflag:s7] =	ssyncset.done $0x0  }
0x45c: {  	[sflag:s7] =	ssyncadd.s32 $0xFFFFC000  }
0x45d: {  	_ =	swait.ge [sflag:s7], $0x4000  }
0x45e: {  	[sflag:s7] =	ssyncset.done $0x0  }
0x45f: {  	[sflag:s7] =	ssyncadd.s32 $0xFFFFC000  }
0x460: {  	_ =	swait.ge [sflag:s7], $0x4000  }
0x461: {  	[sflag:s7] =	ssyncset.done $0x0  }
0x462: {  	[sflag:s7] =	ssyncadd.s32 $0xFFFFC000  }
0x463: {  	_ =	swait.ge [sflag:s7], $0x4000  }
0x464: {  	[sflag:s7] =	ssyncset.done $0x0  }
0x465: {  	[sflag:s7] =	ssyncadd.s32 $0xFFFFC000  }
0x466: {  	_ =	swait.ge [sflag:s7], $0x4000  }
0x467: {  	[sflag:s7] =	ssyncset.done $0x0  }
0x468: {  	[sflag:s7] =	ssyncadd.s32 $0xFFFFC000  }
0x469: {  	_ =	swait.ge [sflag:s7], $0x4000  }
0x46a: {  	[sflag:s7] =	ssyncset.done $0x0  }
0x46b: {  	[sflag:s7] =	ssyncadd.s32 $0xFFFFC000  }
0x46c: {  	_ =	swait.ge [sflag:s7], $0x4000  }
0x46d: {  	[sflag:s7] =	ssyncset.done $0x0  }
0x46e: {  	[sflag:s7] =	ssyncadd.s32 $0xFFFFC000  }
0x46f: {  	_ =	swait.ge [sflag:s7], $0x4000  }
0x470: {  	[sflag:s7] =	ssyncset.done $0x0  }
0x471: {  	[sflag:s7] =	ssyncadd.s32 $0xFFFFC000  }
0x472: {  	_ =	swait.ge [sflag:s7], $0x4000  }
0x473: {  	[sflag:s7] =	ssyncset.done $0x0  }
0x474: {  	[sflag:s7] =	ssyncadd.s32 $0xFFFFC000  }
0x475: {  	_ =	swait.ge [sflag:s7], $0x4000  }
0x476: {  	[sflag:s7] =	ssyncset.done $0x0  }
0x477: {  	[sflag:s7] =	ssyncadd.s32 $0xFFFFC000  }
0x478: {  	_ =	swait.ge [sflag:s7], $0x4000  }
0x479: {  	s30 =	sld [smem:$0x7FC]  }
0x47a: {  	[sflag:s7] =	ssyncset.done $0x0  }
0x47b: {  	[sflag:s7] =	ssyncadd.s32 $0xFFFFC000  }
0x47c: {  	[hbm4b:s30+s2] =	stream.linear.scatter [tilespmem:s5], [sflag:$0x4], $0x4000, $0x38;
	[tilespmem:$0x11A00] =	vst v63  }
0x47d: {  	_ =	swait.ge [sflag:s7], $0x4000  }
0x47e: {  	[sflag:s7] =	ssyncset.done $0x0  }
0x47f: {  	[sflag:s7] =	ssyncadd.s32 $0xFFFFC000  }
0x480: {  	_ =	swait.ge [sflag:s7], $0x4000  }
0x481: {  	[sflag:s7] =	ssyncset.done $0x0  }
0x482: {  	[sflag:s7] =	ssyncadd.s32 $0xFFFFC000  }
0x483: {  	_ =	swait.ge [sflag:s7], $0x4000  }
0x484: {  	[sflag:s7] =	ssyncset.done $0x0  }
0x485: {  	[sflag:s7] =	ssyncadd.s32 $0xFFFFC000  }
0x486: {  	_ =	swait.ge [sflag:s7], $0x4000  }
0x487: {  	[sflag:s7] =	ssyncset.done $0x0  }
0x488: {  	[sflag:s7] =	ssyncadd.s32 $0xFFFFC000  }
0x489: {  	_ =	swait.ge [sflag:s7], $0x4000  }
0x48a: {  	[sflag:s7] =	ssyncset.done $0x0  }
0x48b: {  	[sflag:s7] =	ssyncadd.s32 $0xFFFFC000  }
0x48c: {  	_ =	swait.ge [sflag:s7], $0x4000  }
0x48d: {  	[sflag:s7] =	ssyncset.done $0x0  }
0x48e: {  	[sflag:s7] =	ssyncadd.s32 $0xFFFFC000  }
0x48f: {  	_ =	swait.ge [sflag:s7], $0x4000  }
0x490: {  	[sflag:s7] =	ssyncset.done $0x0  }
0x491: {  	[sflag:s7] =	ssyncadd.s32 $0xFFFFC000  }
0x492: {  	_ =	swait.ge [sflag:s7], $0x4000  }
0x493: {  	[sflag:s7] =	ssyncset.done $0x0  }
0x494: {  	[sflag:s7] =	ssyncadd.s32 $0xFFFFC000  }
0x495: {  	_ =	swait.ge [sflag:s7], $0x4000  }
0x496: {  	[sflag:s7] =	ssyncset.done $0x0  }
0x497: {  	[sflag:s7] =	ssyncadd.s32 $0xFFFFC000  }
0x498: {  	_ =	swait.ge [sflag:s7], $0x4000  }
0x499: {  	[sflag:s7] =	ssyncset.done $0x0  }
0x49a: {  	[sflag:s7] =	ssyncadd.s32 $0xFFFFC000  }
0x49b: {  	_ =	swait.ge [sflag:s7], $0x4000  }
0x49c: {  	[sflag:s7] =	ssyncset.done $0x0  }
0x49d: {  	[sflag:s7] =	ssyncadd.s32 $0xFFFFC000  }
0x49e: {  	_ =	swait.ge [sflag:s7], $0x4000  }
0x49f: {  	[sflag:s7] =	ssyncset.done $0x0  }
0x4a0: {  	[sflag:s7] =	ssyncadd.s32 $0xFFFFC000  }
0x4a1: {  	_ =	swait.ge [sflag:s7], $0x4000  }
0x4a2: {  	s31 =	sld [smem:$0x7FD]  }
0x4a3: {  	[sflag:s7] =	ssyncset.done $0x0  }
0x4a4: {  	s20 =	simm.s32 $0x4;
	[sflag:s7] =	ssyncadd.s32 $0xFFFFC000  }
0x4a5: {  	[hbm4b:s31+s2] =	stream.linear.scatter [tilespmem:s17], [sflag:$0x4], $0x4000, $0x38;
	[tilespmem:$0x11A00] =	vst v63  }
0x4a6: {  	_ =	swait.ge [sflag:s20], $0x4000  }
0x4a7: {  	[sflag:s20] =	ssyncset.done $0x0  }
0x4a8: {  	[sflag:s20] =	ssyncadd.s32 $0xFFFFC000  }
0x4a9: {  	_ =	swait.ge [sflag:s20], $0x4000  }
0x4aa: {  	[sflag:s20] =	ssyncset.done $0x0  }
0x4ab: {  	p1 =	sne.s32 s18, $0x1;
	[sflag:s20] =	ssyncadd.s32 $0xFFFFC000  }
.Ltmp2:
0x4ac: {  	_ =	swait.ge [sflag:s20], $0x4000;
	(pc) =	sbr.rel @p1 .LBB2_4-.Ltmp2, $4  }
0x4ad: {  	[sflag:s20] =	ssyncset.done $0x0  }
0x4ae: {  	[sflag:s20] =	ssyncadd.s32 $0xFFFFC000  }
0x4af: {  	_ =	swait.ge [sflag:s20], $0x4000  }
0x4b0: {  	s18 =	sadd.s32 $0xFFFFFFFF, s18;
	s25 =	rddreg [dreg:$0x4];
	[sflag:s20] =	ssyncset.done $0x0  }
0x4b1: {  	s23 =	sld [smem:$0x7F4]  }
0x4b2: {  	s31 =	sld [smem:$0x7D3]  }
0x4b3: {  	s19 =	sld [smem:$0x7D4]  }
0x4b4: {  	s13 =	sld [smem:$0x7D5]  }
0x4b5: {  	s18 =	sld [smem:$0x7D6]  }
0x4b6: {  	s12 =	sld [smem:$0x7D7]  }
0x4b7: {  	s21 =	sld [smem:$0x7D8];
	s1 =	simm.s32 $0x3  }
.LBB2_6:
0x4b8: {  	[sflag:s20] =	ssyncadd.s32 @p0 $0xFFFFC000  }
0x4b9: {  	[tilespmem:s28], [sflag:$0x3] =	stream.linear.gather [hbm4b:s25+s2], $0x4000, $0x38;
	[tilespmem:$0x11A00] =	vst v63  }
0x4ba: {  	s24 =	rddreg [dreg:$0x5]  }
0x4bb: {  	[tilespmem:s8], [sflag:$0x3] =	stream.linear.gather [hbm4b:s24+s2], $0x4000, $0x38;
	[tilespmem:$0x11A00] =	vst v63  }
0x4bc: {  	s30 =	rddreg [dreg:$0x6]  }
0x4bd: {  	[tilespmem:s5], [sflag:$0x3] =	stream.linear.gather [hbm4b:s30+s2], $0x4000, $0x38;
	[tilespmem:$0x11A00] =	vst v63  }
0x4be: {  	s3 =	rddreg [dreg:$0x7]  }
0x4bf: {  	[tilespmem:s17], [sflag:$0x3] =	stream.linear.gather [hbm4b:s3+s2], $0x4000, $0x38;
	[tilespmem:$0x11A00] =	vst v63  }
0x4c0: {  	s6 =	rddreg [dreg:$0x8]  }
0x4c1: {  	[tilespmem:s2], [sflag:$0x1] =	stream.linear.gather [hbm4b:s23+s2], $0x80, $0x38;
	[tilespmem:$0x11A00] =	vst v63  }
0x4c2: {  	s9 =	rddreg [dreg:$0x9];
	s11 =	simm.s32 $0x200  }
0x4c3: {  	[tilespmem:s11], [sflag:$0x1] =	stream.linear.gather [hbm4b:s6+s2], $0x80, $0x38;
	[tilespmem:$0x11A00] =	vst v63  }
0x4c4: {  	s10 =	rddreg [dreg:$0xa];
	s3 =	simm.s32 $0x400  }
0x4c5: {  	[tilespmem:s3], [sflag:$0x1] =	stream.linear.gather [hbm4b:s9+s2], $0x80, $0x38;
	[tilespmem:$0x11A00] =	vst v63  }
0x4c6: {  	s16 =	rddreg [dreg:$0xb];
	s25 =	simm.s32 $0x600  }
0x4c7: {  	[tilespmem:s25], [sflag:$0x1] =	stream.linear.gather [hbm4b:s10+s2], $0x80, $0x38;
	[tilespmem:$0x11A00] =	vst v63  }
0x4c8: {  	s26 =	rddreg [dreg:$0xc];
	s29 =	simm.s32 $0x800  }
0x4c9: {  	[tilespmem:s29], [sflag:$0x1] =	stream.linear.gather [hbm4b:s16+s2], $0x80, $0x38;
	[tilespmem:$0x11A00] =	vst v63  }
0x4ca: {  	s24 =	rddreg [dreg:$0x16];
	s6 =	simm.s32 $0xA00  }
0x4cb: {  	[tilespmem:s6], [sflag:$0x1] =	stream.linear.gather [hbm4b:s26+s2], $0x80, $0x38;
	[tilespmem:$0x11A00] =	vst v63  }
0x4cc: {  	s30 =	rddreg [dreg:$0xd];
	s10 =	simm.s32 $0xC00  }
0x4cd: {  	[tilespmem:s10], [sflag:$0x1] =	stream.linear.gather [hbm4b:s30+s2], $0x80, $0x38;
	[tilespmem:$0x11A00] =	vst v63  }
0x4ce: {  	s9 =	rddreg [dreg:$0xe];
	s6 =	simm.s32 $0xE00  }
0x4cf: {  	[tilespmem:s6], [sflag:$0x1] =	stream.linear.gather [hbm4b:s9+s2], $0x80, $0x38;
	[tilespmem:$0x11A00] =	vst v63  }
0x4d0: {  	s16 =	rddreg [dreg:$0xf];
	s30 =	simm.s32 $0x1000  }
0x4d1: {  	[tilespmem:s30], [sflag:$0x1] =	stream.linear.gather [hbm4b:s16+s2], $0x80, $0x38;
	[tilespmem:$0x11A00] =	vst v63  }
0x4d2: {  	s25 =	rddreg [dreg:$0x10];
	s29 =	simm.s32 $0x1200  }
0x4d3: {  	[tilespmem:s29], [sflag:$0x1] =	stream.linear.gather [hbm4b:s25+s2], $0x80, $0x38;
	[tilespmem:$0x11A00] =	vst v63  }
0x4d4: {  	s26 =	rddreg [dreg:$0x11];
	s9 =	simm.s32 $0x1400  }
0x4d5: {  	[tilespmem:s9], [sflag:$0x1] =	stream.linear.gather [hbm4b:s26+s2], $0x80, $0x38;
	[tilespmem:$0x11A00] =	vst v63  }
0x4d6: {  	s3 =	rddreg [dreg:$0x12];
	s26 =	simm.s32 $0x1600  }
0x4d7: {  	[tilespmem:s26], [sflag:$0x1] =	stream.linear.gather [hbm4b:s3+s2], $0x80, $0x38;
	[tilespmem:$0x11A00] =	vst v63  }
0x4d8: {  	s10 =	rddreg [dreg:$0x13];
	s25 =	simm.s32 $0x1800  }
0x4d9: {  	[tilespmem:s25], [sflag:$0x1] =	stream.linear.gather [hbm4b:s10+s2], $0x80, $0x38;
	[tilespmem:$0x11A00] =	vst v63  }
0x4da: {  	s16 =	rddreg [dreg:$0x14]  }
0x4db: {  	[tilespmem:s22], [sflag:$0x1] =	stream.linear.gather [hbm4b:s16+s2], $0x80, $0x38;
	[tilespmem:$0x11A00] =	vst v63  }
0x4dc: {  	s3 =	rddreg [dreg:$0x15];
	s10 =	simm.s32 $0x280  }
0x4dd: {  	[tilespmem:s10], [sflag:$0x1] =	stream.linear.gather [hbm4b:s3+s2], $0x80, $0x38;
	[tilespmem:$0x11A00] =	vst v63  }
0x4de: {  	s23 =	rddreg [dreg:$0x17];
	s16 =	simm.s32 $0x480  }
0x4df: {  	[tilespmem:s16], [sflag:$0x1] =	stream.linear.gather [hbm4b:s24+s2], $0x80, $0x38;
	[tilespmem:$0x11A00] =	vst v63  }
0x4e0: {  	s10 =	simm.s32 $0x680;
	s24 =	rddreg [dreg:$0x18]  }
0x4e1: {  	[tilespmem:s10], [sflag:$0x1] =	stream.linear.gather [hbm4b:s23+s2], $0x80, $0x38;
	[tilespmem:$0x11A00] =	vst v63  }
0x4e2: {  	s16 =	simm.s32 $0x880;
	s23 =	rddreg [dreg:$0x19]  }
0x4e3: {  	[tilespmem:s16], [sflag:$0x1] =	stream.linear.gather [hbm4b:s24+s2], $0x80, $0x38;
	[tilespmem:$0x11A00] =	vst v63  }
0x4e4: {  	s10 =	simm.s32 $0xA80;
	s24 =	rddreg [dreg:$0x1a]  }
0x4e5: {  	[tilespmem:s10], [sflag:$0x1] =	stream.linear.gather [hbm4b:s23+s2], $0x80, $0x38;
	[tilespmem:$0x11A00] =	vst v63  }
0x4e6: {  	s16 =	simm.s32 $0xC80;
	s23 =	rddreg [dreg:$0x1b]  }
0x4e7: {  	[tilespmem:s16], [sflag:$0x1] =	stream.linear.gather [hbm4b:s24+s2], $0x80, $0x38;
	[tilespmem:$0x11A00] =	vst v63  }
0x4e8: {  	s10 =	simm.s32 $0xE80;
	s24 =	rddreg [dreg:$0x1c]  }
0x4e9: {  	[tilespmem:s10], [sflag:$0x1] =	stream.linear.gather [hbm4b:s23+s2], $0x80, $0x38;
	[tilespmem:$0x11A00] =	vst v63  }
0x4ea: {  	s16 =	simm.s32 $0x1080;
	s23 =	rddreg [dreg:$0x1d]  }
0x4eb: {  	[tilespmem:s16], [sflag:$0x1] =	stream.linear.gather [hbm4b:s24+s2], $0x80, $0x38;
	[tilespmem:$0x11A00] =	vst v63  }
0x4ec: {  	s10 =	simm.s32 $0x1280;
	s24 =	rddreg [dreg:$0x1e]  }
0x4ed: {  	[tilespmem:s10], [sflag:$0x1] =	stream.linear.gather [hbm4b:s23+s2], $0x80, $0x38;
	[tilespmem:$0x11A00] =	vst v63  }
0x4ee: {  	s16 =	simm.s32 $0x1480;
	s23 =	rddreg [dreg:$0x1f]  }
0x4ef: {  	[tilespmem:s16], [sflag:$0x1] =	stream.linear.gather [hbm4b:s24+s2], $0x80, $0x38;
	[tilespmem:$0x11A00] =	vst v63  }
0x4f0: {  	s10 =	simm.s32 $0x1680;
	s24 =	sld [smem:$0x7DA]  }
0x4f1: {  	[tilespmem:s10], [sflag:$0x1] =	stream.linear.gather [hbm4b:s23+s2], $0x80, $0x38;
	[tilespmem:$0x11A00] =	vst v63  }
0x4f2: {  	s16 =	simm.s32 $0x1880;
	s23 =	sld [smem:$0x7DB]  }
0x4f3: {  	[tilespmem:s16], [sflag:$0x1] =	stream.linear.gather [hbm4b:s24+s2], $0x80, $0x38;
	[tilespmem:$0x11A00] =	vst v63  }
0x4f4: {  	s10 =	simm.s32 $0x100;
	s24 =	sld [smem:$0x7DC]  }
0x4f5: {  	[tilespmem:s10], [sflag:$0x1] =	stream.linear.gather [hbm4b:s23+s2], $0x80, $0x38;
	[tilespmem:$0x11A00] =	vst v63  }
0x4f6: {  	s16 =	simm.s32 $0x300;
	s23 =	sld [smem:$0x7DD]  }
0x4f7: {  	[tilespmem:s16], [sflag:$0x1] =	stream.linear.gather [hbm4b:s24+s2], $0x80, $0x38;
	[tilespmem:$0x11A00] =	vst v63  }
0x4f8: {  	s10 =	simm.s32 $0x500;
	s24 =	sld [smem:$0x7DE]  }
0x4f9: {  	[tilespmem:s10], [sflag:$0x1] =	stream.linear.gather [hbm4b:s23+s2], $0x80, $0x38;
	[tilespmem:$0x11A00] =	vst v63  }
0x4fa: {  	s16 =	simm.s32 $0x700;
	s23 =	sld [smem:$0x7DF]  }
0x4fb: {  	[tilespmem:s16], [sflag:$0x1] =	stream.linear.gather [hbm4b:s24+s2], $0x80, $0x38;
	[tilespmem:$0x11A00] =	vst v63  }
0x4fc: {  	s10 =	simm.s32 $0x900;
	s24 =	sld [smem:$0x7E0]  }
0x4fd: {  	[tilespmem:s10], [sflag:$0x1] =	stream.linear.gather [hbm4b:s23+s2], $0x80, $0x38;
	[tilespmem:$0x11A00] =	vst v63  }
0x4fe: {  	s16 =	simm.s32 $0xB00;
	s23 =	sld [smem:$0x7E1]  }
0x4ff: {  	[tilespmem:s16], [sflag:$0x1] =	stream.linear.gather [hbm4b:s24+s2], $0x80, $0x38;
	[tilespmem:$0x11A00] =	vst v63  }
0x500: {  	s10 =	simm.s32 $0xD00;
	s24 =	sld [smem:$0x7E2]  }
0x501: {  	[tilespmem:s10], [sflag:$0x1] =	stream.linear.gather [hbm4b:s23+s2], $0x80, $0x38;
	[tilespmem:$0x11A00] =	vst v63  }
0x502: {  	s16 =	simm.s32 $0xF00;
	s23 =	sld [smem:$0x7E3]  }
0x503: {  	[tilespmem:s16], [sflag:$0x1] =	stream.linear.gather [hbm4b:s24+s2], $0x80, $0x38;
	[tilespmem:$0x11A00] =	vst v63  }
0x504: {  	s10 =	simm.s32 $0x1100;
	s24 =	sld [smem:$0x7E4]  }
0x505: {  	[tilespmem:s10], [sflag:$0x1] =	stream.linear.gather [hbm4b:s23+s2], $0x80, $0x38;
	[tilespmem:$0x11A00] =	vst v63  }
0x506: {  	s16 =	simm.s32 $0x1300;
	s23 =	sld [smem:$0x7E5]  }
0x507: {  	[tilespmem:s16], [sflag:$0x1] =	stream.linear.gather [hbm4b:s24+s2], $0x80, $0x38;
	[tilespmem:$0x11A00] =	vst v63  }
0x508: {  	s10 =	simm.s32 $0x1500;
	s24 =	sld [smem:$0x7E6]  }
0x509: {  	[tilespmem:s10], [sflag:$0x1] =	stream.linear.gather [hbm4b:s23+s2], $0x80, $0x38;
	[tilespmem:$0x11A00] =	vst v63  }
0x50a: {  	s16 =	simm.s32 $0x1700;
	s23 =	sld [smem:$0x7E7]  }
0x50b: {  	[tilespmem:s16], [sflag:$0x1] =	stream.linear.gather [hbm4b:s24+s2], $0x80, $0x38;
	[tilespmem:$0x11A00] =	vst v63  }
0x50c: {  	s10 =	simm.s32 $0x1900;
	s24 =	sld [smem:$0x7E8]  }
0x50d: {  	[tilespmem:s10], [sflag:$0x1] =	stream.linear.gather [hbm4b:s23+s2], $0x80, $0x38;
	[tilespmem:$0x11A00] =	vst v63  }
0x50e: {  	s16 =	simm.s32 $0x180;
	s23 =	sld [smem:$0x7E9]  }
0x50f: {  	[tilespmem:s16], [sflag:$0x1] =	stream.linear.gather [hbm4b:s24+s2], $0x80, $0x38;
	[tilespmem:$0x11A00] =	vst v63  }
0x510: {  	s10 =	simm.s32 $0x380;
	s24 =	sld [smem:$0x7EA]  }
0x511: {  	[tilespmem:s10], [sflag:$0x1] =	stream.linear.gather [hbm4b:s23+s2], $0x80, $0x38;
	[tilespmem:$0x11A00] =	vst v63  }
0x512: {  	s16 =	simm.s32 $0x580;
	s23 =	sld [smem:$0x7EB]  }
0x513: {  	[tilespmem:s16], [sflag:$0x1] =	stream.linear.gather [hbm4b:s24+s2], $0x80, $0x38;
	[tilespmem:$0x11A00] =	vst v63  }
0x514: {  	s10 =	simm.s32 $0x780;
	s24 =	sld [smem:$0x7EC]  }
0x515: {  	[tilespmem:s10], [sflag:$0x1] =	stream.linear.gather [hbm4b:s23+s2], $0x80, $0x38;
	[tilespmem:$0x11A00] =	vst v63  }
0x516: {  	s16 =	simm.s32 $0x980;
	s23 =	sld [smem:$0x7ED]  }
0x517: {  	[tilespmem:s16], [sflag:$0x1] =	stream.linear.gather [hbm4b:s24+s2], $0x80, $0x38;
	[tilespmem:$0x11A00] =	vst v63  }
0x518: {  	s10 =	simm.s32 $0xB80;
	s24 =	sld [smem:$0x7EE]  }
0x519: {  	[tilespmem:s10], [sflag:$0x1] =	stream.linear.gather [hbm4b:s23+s2], $0x80, $0x38;
	[tilespmem:$0x11A00] =	vst v63  }
0x51a: {  	s16 =	simm.s32 $0xD80;
	s23 =	sld [smem:$0x7EF]  }
0x51b: {  	[tilespmem:s16], [sflag:$0x1] =	stream.linear.gather [hbm4b:s24+s2], $0x80, $0x38;
	[tilespmem:$0x11A00] =	vst v63  }
0x51c: {  	s10 =	simm.s32 $0xF80;
	s24 =	sld [smem:$0x7F0]  }
0x51d: {  	[tilespmem:s10], [sflag:$0x1] =	stream.linear.gather [hbm4b:s23+s2], $0x80, $0x38;
	[tilespmem:$0x11A00] =	vst v63  }
0x51e: {  	s16 =	simm.s32 $0x1180;
	s23 =	sld [smem:$0x7F1]  }
0x51f: {  	[tilespmem:s16], [sflag:$0x1] =	stream.linear.gather [hbm4b:s24+s2], $0x80, $0x38;
	[tilespmem:$0x11A00] =	vst v63  }
0x520: {  	s10 =	simm.s32 $0x1380;
	s24 =	sld [smem:$0x7F2]  }
0x521: {  	[tilespmem:s10], [sflag:$0x1] =	stream.linear.gather [hbm4b:s23+s2], $0x80, $0x38;
	[tilespmem:$0x11A00] =	vst v63  }
0x522: {  	s16 =	simm.s32 $0x1580;
	s23 =	sld [smem:$0x7F3]  }
0x523: {  	[tilespmem:s16], [sflag:$0x1] =	stream.linear.gather [hbm4b:s24+s2], $0x80, $0x38;
	[tilespmem:$0x11A00] =	vst v63  }
0x524: {  	s10 =	sld [smem:$0x7F5];
	s16 =	simm.s32 $0x1780  }
0x525: {  	[tilespmem:s16], [sflag:$0x1] =	stream.linear.gather [hbm4b:s23+s2], $0x80, $0x38;
	[tilespmem:$0x11A00] =	vst v63  }
0x526: {  	s23 =	simm.s32 $0x1980  }
0x527: {  	[tilespmem:s23], [sflag:$0x1] =	stream.linear.gather [hbm4b:s10+s2], $0x80, $0x38;
	[tilespmem:$0x11A00] =	vst v63  }
0x528: {  	_ =	swait.ge [sflag:s1], $0x4000  }
0x529: {  	[sflag:s1] =	ssyncset.done $0x0  }
0x52a: {  	[sflag:s1] =	ssyncadd.s32 $0xFFFFC000  }
0x52b: {  	_ =	swait.ge [sflag:s0], $0x80  }
0x52c: {  	[sflag:s0] =	ssyncset.done $0x0  }
0x52d: {  	[sflag:s0] =	ssyncadd.s32 $0xFFFFFF80  }
0x52e: {  	_ =	swait.ge [sflag:s0], $0x80  }
0x52f: {  	[sflag:s0] =	ssyncset.done $0x0  }
0x530: {  	[sflag:s0] =	ssyncadd.s32 $0xFFFFFF80  }
0x531: {  	_ =	swait.ge [sflag:s0], $0x80  }
0x532: {  	[sflag:s0] =	ssyncset.done $0x0  }
0x533: {  	[sflag:s0] =	ssyncadd.s32 $0xFFFFFF80  }
0x534: {  	_ =	swait.ge [sflag:s0], $0x80  }
0x535: {  	[sflag:s0] =	ssyncset.done $0x0  }
0x536: {  	[sflag:s0] =	ssyncadd.s32 $0xFFFFFF80  }
0x537: {  	_ =	swait.ge [sflag:s0], $0x80  }
0x538: {  	[sflag:s0] =	ssyncset.done $0x0  }
0x539: {  	[sflag:s0] =	ssyncadd.s32 $0xFFFFFF80  }
0x53a: {  	_ =	swait.ge [sflag:s0], $0x80  }
0x53b: {  	[sflag:s0] =	ssyncset.done $0x0  }
0x53c: {  	[sflag:s0] =	ssyncadd.s32 $0xFFFFFF80  }
0x53d: {  	_ =	swait.ge [sflag:s0], $0x80  }
0x53e: {  	[sflag:s0] =	ssyncset.done $0x0  }
0x53f: {  	[sflag:s0] =	ssyncadd.s32 $0xFFFFFF80  }
0x540: {  	_ =	swait.ge [sflag:s0], $0x80  }
0x541: {  	[sflag:s0] =	ssyncset.done $0x0  }
0x542: {  	[sflag:s0] =	ssyncadd.s32 $0xFFFFFF80  }
0x543: {  	_ =	swait.ge [sflag:s0], $0x80  }
0x544: {  	[sflag:s0] =	ssyncset.done $0x0  }
0x545: {  	[sflag:s0] =	ssyncadd.s32 $0xFFFFFF80  }
0x546: {  	_ =	swait.ge [sflag:s0], $0x80  }
0x547: {  	[sflag:s0] =	ssyncset.done $0x0  }
0x548: {  	[sflag:s0] =	ssyncadd.s32 $0xFFFFFF80  }
0x549: {  	_ =	swait.ge [sflag:s0], $0x80  }
0x54a: {  	[sflag:s0] =	ssyncset.done $0x0  }
0x54b: {  	[sflag:s0] =	ssyncadd.s32 $0xFFFFFF80  }
0x54c: {  	_ =	swait.ge [sflag:s0], $0x80  }
0x54d: {  	[sflag:s0] =	ssyncset.done $0x0  }
0x54e: {  	[sflag:s0] =	ssyncadd.s32 $0xFFFFFF80  }
0x54f: {  	_ =	swait.ge [sflag:s0], $0x80  }
0x550: {  	[sflag:s0] =	ssyncset.done $0x0  }
0x551: {  	s10 =	sld [smem:$0x7F6];
	[sflag:s0] =	ssyncadd.s32 $0xFFFFFF80  }
0x552: {  	[tilespmem:s28], [sflag:$0x2] =	stream.indirect.gather.add.f32 [hbm:s4], $0x80, s2, s22, $0xb8;
	[tilespmem:$0x11A00] =	vst v63  }
0x553: {  	_ = 	snop  }
0x554: {  	[tilespmem:s28], [sflag:$0x2] =	stream.indirect.gather.add.f32 [hbm:s10], $0x80, s11, s22, $0xb8;
	[tilespmem:$0x11A00] =	vst v63  }
0x555: {  	s11 =	sld [smem:$0x7F7];
	_ =	sdelay $0x1  }
0x556: {  	s3 =	simm.s32 $0x400  }
0x557: {  	[tilespmem:s28], [sflag:$0x2] =	stream.indirect.gather.add.f32 [hbm:s11], $0x80, s3, s22, $0xb8;
	[tilespmem:$0x11A00] =	vst v63  }
0x558: {  	s3 =	sld [smem:$0x7F8];
	_ =	sdelay $0x1  }
0x559: {  	s24 =	simm.s32 $0x600;
	s1 =	sld [smem:$0x7F9]  }
0x55a: {  	[tilespmem:s28], [sflag:$0x2] =	stream.indirect.gather.add.f32 [hbm:s3], $0x80, s24, s22, $0xb8;
	[tilespmem:$0x11A00] =	vst v63  }
0x55b: {  	s24 =	simm.s32 $0x800  }
0x55c: {  	[tilespmem:s28], [sflag:$0x2] =	stream.indirect.gather.add.f32 [hbm:s1], $0x80, s24, s22, $0xb8;
	[tilespmem:$0x11A00] =	vst v63  }
0x55d: {  	s24 =	simm.s32 $0xA00  }
0x55e: {  	[tilespmem:s28], [sflag:$0x2] =	stream.indirect.gather.add.f32 [hbm:s14], $0x80, s24, s22, $0xb8;
	[tilespmem:$0x11A00] =	vst v63  }
0x55f: {  	s24 =	simm.s32 $0xC00  }
0x560: {  	[tilespmem:s28], [sflag:$0x2] =	stream.indirect.gather.add.f32 [hbm:s15], $0x80, s24, s22, $0xb8;
	[tilespmem:$0x11A00] =	vst v63  }
0x561: {  	_ = 	snop  }
0x562: {  	[tilespmem:s28], [sflag:$0x2] =	stream.indirect.gather.add.f32 [hbm:s31], $0x80, s6, s22, $0xb8;
	[tilespmem:$0x11A00] =	vst v63  }
0x563: {  	_ = 	snop  }
0x564: {  	[tilespmem:s28], [sflag:$0x2] =	stream.indirect.gather.add.f32 [hbm:s19], $0x80, s30, s22, $0xb8;
	[tilespmem:$0x11A00] =	vst v63  }
0x565: {  	_ = 	snop  }
0x566: {  	[tilespmem:s28], [sflag:$0x2] =	stream.indirect.gather.add.f32 [hbm:s13], $0x80, s29, s22, $0xb8;
	[tilespmem:$0x11A00] =	vst v63  }
0x567: {  	_ = 	snop  }
0x568: {  	[tilespmem:s28], [sflag:$0x2] =	stream.indirect.gather.add.f32 [hbm:s18], $0x80, s9, s22, $0xb8;
	[tilespmem:$0x11A00] =	vst v63  }
0x569: {  	_ = 	snop  }
0x56a: {  	[tilespmem:s28], [sflag:$0x2] =	stream.indirect.gather.add.f32 [hbm:s12], $0x80, s26, s22, $0xb8;
	[tilespmem:$0x11A00] =	vst v63  }
0x56b: {  	s16 =	simm.s32 $0x3  }
0x56c: {  	[tilespmem:s28], [sflag:$0x2] =	stream.indirect.gather.add.f32 [hbm:s21], $0x80, s25, s22, $0xb8;
	[tilespmem:$0x11A00] =	vst v63  }
0x56d: {  	_ =	swait.ge [sflag:s16], $0x4000  }
0x56e: {  	[sflag:s16] =	ssyncset.done $0x0  }
0x56f: {  	[sflag:s16] =	ssyncadd.s32 $0xFFFFC000  }
0x570: {  	_ =	swait.ge [sflag:s0], $0x80  }
0x571: {  	[sflag:s0] =	ssyncset.done $0x0  }
0x572: {  	[sflag:s0] =	ssyncadd.s32 $0xFFFFFF80  }
0x573: {  	_ =	swait.ge [sflag:s0], $0x80  }
0x574: {  	[sflag:s0] =	ssyncset.done $0x0  }
0x575: {  	[sflag:s0] =	ssyncadd.s32 $0xFFFFFF80  }
0x576: {  	_ =	swait.ge [sflag:s0], $0x80  }
0x577: {  	[sflag:s0] =	ssyncset.done $0x0  }
0x578: {  	[sflag:s0] =	ssyncadd.s32 $0xFFFFFF80  }
0x579: {  	_ =	swait.ge [sflag:s0], $0x80  }
0x57a: {  	[sflag:s0] =	ssyncset.done $0x0  }
0x57b: {  	[sflag:s0] =	ssyncadd.s32 $0xFFFFFF80  }
0x57c: {  	_ =	swait.ge [sflag:s0], $0x80  }
0x57d: {  	[sflag:s0] =	ssyncset.done $0x0  }
0x57e: {  	[sflag:s0] =	ssyncadd.s32 $0xFFFFFF80  }
0x57f: {  	_ =	swait.ge [sflag:s0], $0x80  }
0x580: {  	[sflag:s0] =	ssyncset.done $0x0  }
0x581: {  	[sflag:s0] =	ssyncadd.s32 $0xFFFFFF80  }
0x582: {  	_ =	swait.ge [sflag:s0], $0x80  }
0x583: {  	[sflag:s0] =	ssyncset.done $0x0  }
0x584: {  	[sflag:s0] =	ssyncadd.s32 $0xFFFFFF80  }
0x585: {  	_ =	swait.ge [sflag:s0], $0x80  }
0x586: {  	[sflag:s0] =	ssyncset.done $0x0  }
0x587: {  	[sflag:s0] =	ssyncadd.s32 $0xFFFFFF80  }
0x588: {  	_ =	swait.ge [sflag:s0], $0x80  }
0x589: {  	[sflag:s0] =	ssyncset.done $0x0  }
0x58a: {  	[sflag:s0] =	ssyncadd.s32 $0xFFFFFF80  }
0x58b: {  	_ =	swait.ge [sflag:s0], $0x80  }
0x58c: {  	[sflag:s0] =	ssyncset.done $0x0  }
0x58d: {  	[sflag:s0] =	ssyncadd.s32 $0xFFFFFF80  }
0x58e: {  	_ =	swait.ge [sflag:s0], $0x80  }
0x58f: {  	[sflag:s0] =	ssyncset.done $0x0  }
0x590: {  	[sflag:s0] =	ssyncadd.s32 $0xFFFFFF80  }
0x591: {  	_ =	swait.ge [sflag:s0], $0x80  }
0x592: {  	[sflag:s0] =	ssyncset.done $0x0  }
0x593: {  	[sflag:s0] =	ssyncadd.s32 $0xFFFFFF80  }
0x594: {  	_ =	swait.ge [sflag:s0], $0x80  }
0x595: {  	[sflag:s0] =	ssyncset.done $0x0  }
0x596: {  	[sflag:s0] =	ssyncadd.s32 $0xFFFFFF80  }
0x597: {  	[tilespmem:s8], [sflag:$0x2] =	stream.indirect.gather.add.f32 [hbm:s4], $0x80, s22, s22, $0xb8;
	[tilespmem:$0x11A00] =	vst v63  }
0x598: {  	s29 =	simm.s32 $0x280  }
0x599: {  	[tilespmem:s8], [sflag:$0x2] =	stream.indirect.gather.add.f32 [hbm:s10], $0x80, s29, s22, $0xb8;
	[tilespmem:$0x11A00] =	vst v63  }
0x59a: {  	s30 =	simm.s32 $0x480  }
0x59b: {  	[tilespmem:s8], [sflag:$0x2] =	stream.indirect.gather.add.f32 [hbm:s11], $0x80, s30, s22, $0xb8;
	[tilespmem:$0x11A00] =	vst v63  }
0x59c: {  	s9 =	simm.s32 $0x680  }
0x59d: {  	[tilespmem:s8], [sflag:$0x2] =	stream.indirect.gather.add.f32 [hbm:s3], $0x80, s9, s22, $0xb8;
	[tilespmem:$0x11A00] =	vst v63  }
0x59e: {  	s24 =	simm.s32 $0x880  }
0x59f: {  	[tilespmem:s8], [sflag:$0x2] =	stream.indirect.gather.add.f32 [hbm:s1], $0x80, s24, s22, $0xb8;
	[tilespmem:$0x11A00] =	vst v63  }
0x5a0: {  	s25 =	simm.s32 $0xA80  }
0x5a1: {  	[tilespmem:s8], [sflag:$0x2] =	stream.indirect.gather.add.f32 [hbm:s14], $0x80, s25, s22, $0xb8;
	[tilespmem:$0x11A00] =	vst v63  }
0x5a2: {  	s26 =	simm.s32 $0xC80  }
0x5a3: {  	[tilespmem:s8], [sflag:$0x2] =	stream.indirect.gather.add.f32 [hbm:s15], $0x80, s26, s22, $0xb8;
	[tilespmem:$0x11A00] =	vst v63  }
0x5a4: {  	s29 =	simm.s32 $0xE80  }
0x5a5: {  	[tilespmem:s8], [sflag:$0x2] =	stream.indirect.gather.add.f32 [hbm:s31], $0x80, s29, s22, $0xb8;
	[tilespmem:$0x11A00] =	vst v63  }
0x5a6: {  	s30 =	simm.s32 $0x1080  }
0x5a7: {  	[tilespmem:s8], [sflag:$0x2] =	stream.indirect.gather.add.f32 [hbm:s19], $0x80, s30, s22, $0xb8;
	[tilespmem:$0x11A00] =	vst v63  }
0x5a8: {  	s9 =	simm.s32 $0x1280  }
0x5a9: {  	[tilespmem:s8], [sflag:$0x2] =	stream.indirect.gather.add.f32 [hbm:s13], $0x80, s9, s22, $0xb8;
	[tilespmem:$0x11A00] =	vst v63  }
0x5aa: {  	s24 =	simm.s32 $0x1480  }
0x5ab: {  	[tilespmem:s8], [sflag:$0x2] =	stream.indirect.gather.add.f32 [hbm:s18], $0x80, s24, s22, $0xb8;
	[tilespmem:$0x11A00] =	vst v63  }
0x5ac: {  	s25 =	simm.s32 $0x1680  }
0x5ad: {  	[tilespmem:s8], [sflag:$0x2] =	stream.indirect.gather.add.f32 [hbm:s12], $0x80, s25, s22, $0xb8;
	[tilespmem:$0x11A00] =	vst v63  }
0x5ae: {  	s26 =	simm.s32 $0x1880  }
0x5af: {  	[tilespmem:s8], [sflag:$0x2] =	stream.indirect.gather.add.f32 [hbm:s21], $0x80, s26, s22, $0xb8;
	[tilespmem:$0x11A00] =	vst v63  }
0x5b0: {  	_ =	swait.ge [sflag:s16], $0x4000  }
0x5b1: {  	[sflag:s16] =	ssyncset.done $0x0  }
0x5b2: {  	[sflag:s16] =	ssyncadd.s32 $0xFFFFC000  }
0x5b3: {  	_ =	swait.ge [sflag:s0], $0x80  }
0x5b4: {  	[sflag:s0] =	ssyncset.done $0x0  }
0x5b5: {  	[sflag:s0] =	ssyncadd.s32 $0xFFFFFF80  }
0x5b6: {  	_ =	swait.ge [sflag:s0], $0x80  }
0x5b7: {  	[sflag:s0] =	ssyncset.done $0x0  }
0x5b8: {  	[sflag:s0] =	ssyncadd.s32 $0xFFFFFF80  }
0x5b9: {  	_ =	swait.ge [sflag:s0], $0x80  }
0x5ba: {  	[sflag:s0] =	ssyncset.done $0x0  }
0x5bb: {  	[sflag:s0] =	ssyncadd.s32 $0xFFFFFF80  }
0x5bc: {  	_ =	swait.ge [sflag:s0], $0x80  }
0x5bd: {  	[sflag:s0] =	ssyncset.done $0x0  }
0x5be: {  	[sflag:s0] =	ssyncadd.s32 $0xFFFFFF80  }
0x5bf: {  	_ =	swait.ge [sflag:s0], $0x80  }
0x5c0: {  	[sflag:s0] =	ssyncset.done $0x0  }
0x5c1: {  	[sflag:s0] =	ssyncadd.s32 $0xFFFFFF80  }
0x5c2: {  	_ =	swait.ge [sflag:s0], $0x80  }
0x5c3: {  	[sflag:s0] =	ssyncset.done $0x0  }
0x5c4: {  	[sflag:s0] =	ssyncadd.s32 $0xFFFFFF80  }
0x5c5: {  	_ =	swait.ge [sflag:s0], $0x80  }
0x5c6: {  	[sflag:s0] =	ssyncset.done $0x0  }
0x5c7: {  	[sflag:s0] =	ssyncadd.s32 $0xFFFFFF80  }
0x5c8: {  	_ =	swait.ge [sflag:s0], $0x80  }
0x5c9: {  	[sflag:s0] =	ssyncset.done $0x0  }
0x5ca: {  	[sflag:s0] =	ssyncadd.s32 $0xFFFFFF80  }
0x5cb: {  	_ =	swait.ge [sflag:s0], $0x80  }
0x5cc: {  	[sflag:s0] =	ssyncset.done $0x0  }
0x5cd: {  	[sflag:s0] =	ssyncadd.s32 $0xFFFFFF80  }
0x5ce: {  	_ =	swait.ge [sflag:s0], $0x80  }
0x5cf: {  	[sflag:s0] =	ssyncset.done $0x0  }
0x5d0: {  	[sflag:s0] =	ssyncadd.s32 $0xFFFFFF80  }
0x5d1: {  	_ =	swait.ge [sflag:s0], $0x80  }
0x5d2: {  	[sflag:s0] =	ssyncset.done $0x0  }
0x5d3: {  	[sflag:s0] =	ssyncadd.s32 $0xFFFFFF80  }
0x5d4: {  	_ =	swait.ge [sflag:s0], $0x80  }
0x5d5: {  	[sflag:s0] =	ssyncset.done $0x0  }
0x5d6: {  	[sflag:s0] =	ssyncadd.s32 $0xFFFFFF80  }
0x5d7: {  	_ =	swait.ge [sflag:s0], $0x80  }
0x5d8: {  	[sflag:s0] =	ssyncset.done $0x0  }
0x5d9: {  	s29 =	simm.s32 $0x100;
	[sflag:s0] =	ssyncadd.s32 $0xFFFFFF80  }
0x5da: {  	[tilespmem:s5], [sflag:$0x2] =	stream.indirect.gather.add.f32 [hbm:s4], $0x80, s29, s22, $0xb8;
	[tilespmem:$0x11A00] =	vst v63  }
0x5db: {  	s30 =	simm.s32 $0x300  }
0x5dc: {  	[tilespmem:s5], [sflag:$0x2] =	stream.indirect.gather.add.f32 [hbm:s10], $0x80, s30, s22, $0xb8;
	[tilespmem:$0x11A00] =	vst v63  }
0x5dd: {  	s9 =	simm.s32 $0x500  }
0x5de: {  	[tilespmem:s5], [sflag:$0x2] =	stream.indirect.gather.add.f32 [hbm:s11], $0x80, s9, s22, $0xb8;
	[tilespmem:$0x11A00] =	vst v63  }
0x5df: {  	s24 =	simm.s32 $0x700  }
0x5e0: {  	[tilespmem:s5], [sflag:$0x2] =	stream.indirect.gather.add.f32 [hbm:s3], $0x80, s24, s22, $0xb8;
	[tilespmem:$0x11A00] =	vst v63  }
0x5e1: {  	s25 =	simm.s32 $0x900  }
0x5e2: {  	[tilespmem:s5], [sflag:$0x2] =	stream.indirect.gather.add.f32 [hbm:s1], $0x80, s25, s22, $0xb8;
	[tilespmem:$0x11A00] =	vst v63  }
0x5e3: {  	s26 =	simm.s32 $0xB00  }
0x5e4: {  	[tilespmem:s5], [sflag:$0x2] =	stream.indirect.gather.add.f32 [hbm:s14], $0x80, s26, s22, $0xb8;
	[tilespmem:$0x11A00] =	vst v63  }
0x5e5: {  	s29 =	simm.s32 $0xD00  }
0x5e6: {  	[tilespmem:s5], [sflag:$0x2] =	stream.indirect.gather.add.f32 [hbm:s15], $0x80, s29, s22, $0xb8;
	[tilespmem:$0x11A00] =	vst v63  }
0x5e7: {  	s30 =	simm.s32 $0xF00  }
0x5e8: {  	[tilespmem:s5], [sflag:$0x2] =	stream.indirect.gather.add.f32 [hbm:s31], $0x80, s30, s22, $0xb8;
	[tilespmem:$0x11A00] =	vst v63  }
0x5e9: {  	s9 =	simm.s32 $0x1100  }
0x5ea: {  	[tilespmem:s5], [sflag:$0x2] =	stream.indirect.gather.add.f32 [hbm:s19], $0x80, s9, s22, $0xb8;
	[tilespmem:$0x11A00] =	vst v63  }
0x5eb: {  	s24 =	simm.s32 $0x1300  }
0x5ec: {  	[tilespmem:s5], [sflag:$0x2] =	stream.indirect.gather.add.f32 [hbm:s13], $0x80, s24, s22, $0xb8;
	[tilespmem:$0x11A00] =	vst v63  }
0x5ed: {  	s25 =	simm.s32 $0x1500  }
0x5ee: {  	[tilespmem:s5], [sflag:$0x2] =	stream.indirect.gather.add.f32 [hbm:s18], $0x80, s25, s22, $0xb8;
	[tilespmem:$0x11A00] =	vst v63  }
0x5ef: {  	s26 =	simm.s32 $0x1700  }
0x5f0: {  	[tilespmem:s5], [sflag:$0x2] =	stream.indirect.gather.add.f32 [hbm:s12], $0x80, s26, s22, $0xb8;
	[tilespmem:$0x11A00] =	vst v63  }
0x5f1: {  	s29 =	simm.s32 $0x1900  }
0x5f2: {  	[tilespmem:s5], [sflag:$0x2] =	stream.indirect.gather.add.f32 [hbm:s21], $0x80, s29, s22, $0xb8;
	[tilespmem:$0x11A00] =	vst v63  }
0x5f3: {  	_ =	swait.ge [sflag:s16], $0x4000  }
0x5f4: {  	[sflag:s16] =	ssyncset.done $0x0  }
0x5f5: {  	[sflag:s16] =	ssyncadd.s32 $0xFFFFC000  }
0x5f6: {  	_ =	swait.ge [sflag:s0], $0x80  }
0x5f7: {  	[sflag:s0] =	ssyncset.done $0x0  }
0x5f8: {  	[sflag:s0] =	ssyncadd.s32 $0xFFFFFF80  }
0x5f9: {  	_ =	swait.ge [sflag:s0], $0x80  }
0x5fa: {  	[sflag:s0] =	ssyncset.done $0x0  }
0x5fb: {  	[sflag:s0] =	ssyncadd.s32 $0xFFFFFF80  }
0x5fc: {  	_ =	swait.ge [sflag:s0], $0x80  }
0x5fd: {  	[sflag:s0] =	ssyncset.done $0x0  }
0x5fe: {  	[sflag:s0] =	ssyncadd.s32 $0xFFFFFF80  }
0x5ff: {  	_ =	swait.ge [sflag:s0], $0x80  }
0x600: {  	[sflag:s0] =	ssyncset.done $0x0  }
0x601: {  	[sflag:s0] =	ssyncadd.s32 $0xFFFFFF80  }
0x602: {  	_ =	swait.ge [sflag:s0], $0x80  }
0x603: {  	[sflag:s0] =	ssyncset.done $0x0  }
0x604: {  	[sflag:s0] =	ssyncadd.s32 $0xFFFFFF80  }
0x605: {  	_ =	swait.ge [sflag:s0], $0x80  }
0x606: {  	[sflag:s0] =	ssyncset.done $0x0  }
0x607: {  	[sflag:s0] =	ssyncadd.s32 $0xFFFFFF80  }
0x608: {  	_ =	swait.ge [sflag:s0], $0x80  }
0x609: {  	[sflag:s0] =	ssyncset.done $0x0  }
0x60a: {  	[sflag:s0] =	ssyncadd.s32 $0xFFFFFF80  }
0x60b: {  	_ =	swait.ge [sflag:s0], $0x80  }
0x60c: {  	[sflag:s0] =	ssyncset.done $0x0  }
0x60d: {  	[sflag:s0] =	ssyncadd.s32 $0xFFFFFF80  }
0x60e: {  	_ =	swait.ge [sflag:s0], $0x80  }
0x60f: {  	[sflag:s0] =	ssyncset.done $0x0  }
0x610: {  	[sflag:s0] =	ssyncadd.s32 $0xFFFFFF80  }
0x611: {  	_ =	swait.ge [sflag:s0], $0x80  }
0x612: {  	[sflag:s0] =	ssyncset.done $0x0  }
0x613: {  	[sflag:s0] =	ssyncadd.s32 $0xFFFFFF80  }
0x614: {  	_ =	swait.ge [sflag:s0], $0x80  }
0x615: {  	[sflag:s0] =	ssyncset.done $0x0  }
0x616: {  	[sflag:s0] =	ssyncadd.s32 $0xFFFFFF80  }
0x617: {  	_ =	swait.ge [sflag:s0], $0x80  }
0x618: {  	[sflag:s0] =	ssyncset.done $0x0  }
0x619: {  	[sflag:s0] =	ssyncadd.s32 $0xFFFFFF80  }
0x61a: {  	_ =	swait.ge [sflag:s0], $0x80  }
0x61b: {  	[sflag:s0] =	ssyncset.done $0x0  }
0x61c: {  	s30 =	simm.s32 $0x180;
	[sflag:s0] =	ssyncadd.s32 $0xFFFFFF80  }
0x61d: {  	[tilespmem:s17], [sflag:$0x2] =	stream.indirect.gather.add.f32 [hbm:s4], $0x80, s30, s22, $0xb8;
	[tilespmem:$0x11A00] =	vst v63  }
0x61e: {  	s4 =	simm.s32 $0x380  }
0x61f: {  	[tilespmem:s17], [sflag:$0x2] =	stream.indirect.gather.add.f32 [hbm:s10], $0x80, s4, s22, $0xb8;
	[tilespmem:$0x11A00] =	vst v63  }
0x620: {  	s6 =	simm.s32 $0x580  }
0x621: {  	[tilespmem:s17], [sflag:$0x2] =	stream.indirect.gather.add.f32 [hbm:s11], $0x80, s6, s22, $0xb8;
	[tilespmem:$0x11A00] =	vst v63  }
0x622: {  	s9 =	simm.s32 $0x780  }
0x623: {  	[tilespmem:s17], [sflag:$0x2] =	stream.indirect.gather.add.f32 [hbm:s3], $0x80, s9, s22, $0xb8;
	[tilespmem:$0x11A00] =	vst v63  }
0x624: {  	s10 =	simm.s32 $0x980  }
0x625: {  	[tilespmem:s17], [sflag:$0x2] =	stream.indirect.gather.add.f32 [hbm:s1], $0x80, s10, s22, $0xb8;
	[tilespmem:$0x11A00] =	vst v63  }
0x626: {  	s11 =	simm.s32 $0xB80  }
0x627: {  	[tilespmem:s17], [sflag:$0x2] =	stream.indirect.gather.add.f32 [hbm:s14], $0x80, s11, s22, $0xb8;
	[tilespmem:$0x11A00] =	vst v63  }
0x628: {  	s14 =	simm.s32 $0xD80  }
0x629: {  	[tilespmem:s17], [sflag:$0x2] =	stream.indirect.gather.add.f32 [hbm:s15], $0x80, s14, s22, $0xb8;
	[tilespmem:$0x11A00] =	vst v63  }
0x62a: {  	s15 =	simm.s32 $0xF80  }
0x62b: {  	[tilespmem:s17], [sflag:$0x2] =	stream.indirect.gather.add.f32 [hbm:s31], $0x80, s15, s22, $0xb8;
	[tilespmem:$0x11A00] =	vst v63  }
0x62c: {  	s16 =	simm.s32 $0x1180  }
0x62d: {  	[tilespmem:s17], [sflag:$0x2] =	stream.indirect.gather.add.f32 [hbm:s19], $0x80, s16, s22, $0xb8;
	[tilespmem:$0x11A00] =	vst v63  }
0x62e: {  	s19 =	simm.s32 $0x1380  }
0x62f: {  	[tilespmem:s17], [sflag:$0x2] =	stream.indirect.gather.add.f32 [hbm:s13], $0x80, s19, s22, $0xb8;
	[tilespmem:$0x11A00] =	vst v63  }
0x630: {  	s24 =	simm.s32 $0x1580  }
0x631: {  	[tilespmem:s17], [sflag:$0x2] =	stream.indirect.gather.add.f32 [hbm:s18], $0x80, s24, s22, $0xb8;
	[tilespmem:$0x11A00] =	vst v63  }
0x632: {  	s25 =	simm.s32 $0x1780  }
0x633: {  	[tilespmem:s17], [sflag:$0x2] =	stream.indirect.gather.add.f32 [hbm:s12], $0x80, s25, s22, $0xb8;
	[tilespmem:$0x11A00] =	vst v63  }
0x634: {  	_ = 	snop  }
0x635: {  	[tilespmem:s17], [sflag:$0x2] =	stream.indirect.gather.add.f32 [hbm:s21], $0x80, s23, s22, $0xb8;
	[tilespmem:$0x11A00] =	vst v63  }
0x636: {  	_ =	swait.ge [sflag:s7], $0x4000  }
0x637: {  	[sflag:s7] =	ssyncset.done $0x0  }
0x638: {  	[sflag:s7] =	ssyncadd.s32 $0xFFFFC000  }
0x639: {  	_ =	swait.ge [sflag:s7], $0x4000  }
0x63a: {  	[sflag:s7] =	ssyncset.done $0x0  }
0x63b: {  	[sflag:s7] =	ssyncadd.s32 $0xFFFFC000  }
0x63c: {  	_ =	swait.ge [sflag:s7], $0x4000  }
0x63d: {  	[sflag:s7] =	ssyncset.done $0x0  }
0x63e: {  	[sflag:s7] =	ssyncadd.s32 $0xFFFFC000  }
0x63f: {  	_ =	swait.ge [sflag:s7], $0x4000  }
0x640: {  	[sflag:s7] =	ssyncset.done $0x0  }
0x641: {  	[sflag:s7] =	ssyncadd.s32 $0xFFFFC000  }
0x642: {  	_ =	swait.ge [sflag:s7], $0x4000  }
0x643: {  	[sflag:s7] =	ssyncset.done $0x0  }
0x644: {  	[sflag:s7] =	ssyncadd.s32 $0xFFFFC000  }
0x645: {  	_ =	swait.ge [sflag:s7], $0x4000  }
0x646: {  	[sflag:s7] =	ssyncset.done $0x0  }
0x647: {  	[sflag:s7] =	ssyncadd.s32 $0xFFFFC000  }
0x648: {  	_ =	swait.ge [sflag:s7], $0x4000  }
0x649: {  	[sflag:s7] =	ssyncset.done $0x0  }
0x64a: {  	[sflag:s7] =	ssyncadd.s32 $0xFFFFC000  }
0x64b: {  	_ =	swait.ge [sflag:s7], $0x4000  }
0x64c: {  	[sflag:s7] =	ssyncset.done $0x0  }
0x64d: {  	[sflag:s7] =	ssyncadd.s32 $0xFFFFC000  }
0x64e: {  	_ =	swait.ge [sflag:s7], $0x4000  }
0x64f: {  	[sflag:s7] =	ssyncset.done $0x0  }
0x650: {  	[sflag:s7] =	ssyncadd.s32 $0xFFFFC000  }
0x651: {  	_ =	swait.ge [sflag:s7], $0x4000  }
0x652: {  	[sflag:s7] =	ssyncset.done $0x0  }
0x653: {  	[sflag:s7] =	ssyncadd.s32 $0xFFFFC000  }
0x654: {  	_ =	swait.ge [sflag:s7], $0x4000  }
0x655: {  	[sflag:s7] =	ssyncset.done $0x0  }
0x656: {  	[sflag:s7] =	ssyncadd.s32 $0xFFFFC000  }
0x657: {  	_ =	swait.ge [sflag:s7], $0x4000  }
0x658: {  	[sflag:s7] =	ssyncset.done $0x0  }
0x659: {  	[sflag:s7] =	ssyncadd.s32 $0xFFFFC000  }
0x65a: {  	_ =	swait.ge [sflag:s7], $0x4000  }
0x65b: {  	s26 =	sld [smem:$0x7FA]  }
0x65c: {  	[sflag:s7] =	ssyncset.done $0x0  }
0x65d: {  	[sflag:s7] =	ssyncadd.s32 $0xFFFFC000  }
0x65e: {  	[hbm4b:s26+s2] =	stream.linear.scatter [tilespmem:s28], [sflag:$0x4], $0x4000, $0x38;
	[tilespmem:$0x11A00] =	vst v63  }
0x65f: {  	_ =	swait.ge [sflag:s7], $0x4000  }
0x660: {  	[sflag:s7] =	ssyncset.done $0x0  }
0x661: {  	[sflag:s7] =	ssyncadd.s32 $0xFFFFC000  }
0x662: {  	_ =	swait.ge [sflag:s7], $0x4000  }
0x663: {  	[sflag:s7] =	ssyncset.done $0x0  }
0x664: {  	[sflag:s7] =	ssyncadd.s32 $0xFFFFC000  }
0x665: {  	_ =	swait.ge [sflag:s7], $0x4000  }
0x666: {  	[sflag:s7] =	ssyncset.done $0x0  }
0x667: {  	[sflag:s7] =	ssyncadd.s32 $0xFFFFC000  }
0x668: {  	_ =	swait.ge [sflag:s7], $0x4000  }
0x669: {  	[sflag:s7] =	ssyncset.done $0x0  }
0x66a: {  	[sflag:s7] =	ssyncadd.s32 $0xFFFFC000  }
0x66b: {  	_ =	swait.ge [sflag:s7], $0x4000  }
0x66c: {  	[sflag:s7] =	ssyncset.done $0x0  }
0x66d: {  	[sflag:s7] =	ssyncadd.s32 $0xFFFFC000  }
0x66e: {  	_ =	swait.ge [sflag:s7], $0x4000  }
0x66f: {  	[sflag:s7] =	ssyncset.done $0x0  }
0x670: {  	[sflag:s7] =	ssyncadd.s32 $0xFFFFC000  }
0x671: {  	_ =	swait.ge [sflag:s7], $0x4000  }
0x672: {  	[sflag:s7] =	ssyncset.done $0x0  }
0x673: {  	[sflag:s7] =	ssyncadd.s32 $0xFFFFC000  }
0x674: {  	_ =	swait.ge [sflag:s7], $0x4000  }
0x675: {  	[sflag:s7] =	ssyncset.done $0x0  }
0x676: {  	[sflag:s7] =	ssyncadd.s32 $0xFFFFC000  }
0x677: {  	_ =	swait.ge [sflag:s7], $0x4000  }
0x678: {  	[sflag:s7] =	ssyncset.done $0x0  }
0x679: {  	[sflag:s7] =	ssyncadd.s32 $0xFFFFC000  }
0x67a: {  	_ =	swait.ge [sflag:s7], $0x4000  }
0x67b: {  	[sflag:s7] =	ssyncset.done $0x0  }
0x67c: {  	[sflag:s7] =	ssyncadd.s32 $0xFFFFC000  }
0x67d: {  	_ =	swait.ge [sflag:s7], $0x4000  }
0x67e: {  	[sflag:s7] =	ssyncset.done $0x0  }
0x67f: {  	[sflag:s7] =	ssyncadd.s32 $0xFFFFC000  }
0x680: {  	_ =	swait.ge [sflag:s7], $0x4000  }
0x681: {  	[sflag:s7] =	ssyncset.done $0x0  }
0x682: {  	[sflag:s7] =	ssyncadd.s32 $0xFFFFC000  }
0x683: {  	_ =	swait.ge [sflag:s7], $0x4000  }
0x684: {  	s28 =	sld [smem:$0x7FB]  }
0x685: {  	[sflag:s7] =	ssyncset.done $0x0  }
0x686: {  	[sflag:s7] =	ssyncadd.s32 $0xFFFFC000  }
0x687: {  	[hbm4b:s28+s2] =	stream.linear.scatter [tilespmem:s8], [sflag:$0x4], $0x4000, $0x38;
	[tilespmem:$0x11A00] =	vst v63  }
0x688: {  	_ =	swait.ge [sflag:s7], $0x4000  }
0x689: {  	[sflag:s7] =	ssyncset.done $0x0  }
0x68a: {  	[sflag:s7] =	ssyncadd.s32 $0xFFFFC000  }
0x68b: {  	_ =	swait.ge [sflag:s7], $0x4000  }
0x68c: {  	[sflag:s7] =	ssyncset.done $0x0  }
0x68d: {  	[sflag:s7] =	ssyncadd.s32 $0xFFFFC000  }
0x68e: {  	_ =	swait.ge [sflag:s7], $0x4000  }
0x68f: {  	[sflag:s7] =	ssyncset.done $0x0  }
0x690: {  	[sflag:s7] =	ssyncadd.s32 $0xFFFFC000  }
0x691: {  	_ =	swait.ge [sflag:s7], $0x4000  }
0x692: {  	[sflag:s7] =	ssyncset.done $0x0  }
0x693: {  	[sflag:s7] =	ssyncadd.s32 $0xFFFFC000  }
0x694: {  	_ =	swait.ge [sflag:s7], $0x4000  }
0x695: {  	[sflag:s7] =	ssyncset.done $0x0  }
0x696: {  	[sflag:s7] =	ssyncadd.s32 $0xFFFFC000  }
0x697: {  	_ =	swait.ge [sflag:s7], $0x4000  }
0x698: {  	[sflag:s7] =	ssyncset.done $0x0  }
0x699: {  	[sflag:s7] =	ssyncadd.s32 $0xFFFFC000  }
0x69a: {  	_ =	swait.ge [sflag:s7], $0x4000  }
0x69b: {  	[sflag:s7] =	ssyncset.done $0x0  }
0x69c: {  	[sflag:s7] =	ssyncadd.s32 $0xFFFFC000  }
0x69d: {  	_ =	swait.ge [sflag:s7], $0x4000  }
0x69e: {  	[sflag:s7] =	ssyncset.done $0x0  }
0x69f: {  	[sflag:s7] =	ssyncadd.s32 $0xFFFFC000  }
0x6a0: {  	_ =	swait.ge [sflag:s7], $0x4000  }
0x6a1: {  	[sflag:s7] =	ssyncset.done $0x0  }
0x6a2: {  	[sflag:s7] =	ssyncadd.s32 $0xFFFFC000  }
0x6a3: {  	_ =	swait.ge [sflag:s7], $0x4000  }
0x6a4: {  	[sflag:s7] =	ssyncset.done $0x0  }
0x6a5: {  	[sflag:s7] =	ssyncadd.s32 $0xFFFFC000  }
0x6a6: {  	_ =	swait.ge [sflag:s7], $0x4000  }
0x6a7: {  	[sflag:s7] =	ssyncset.done $0x0  }
0x6a8: {  	[sflag:s7] =	ssyncadd.s32 $0xFFFFC000  }
0x6a9: {  	_ =	swait.ge [sflag:s7], $0x4000  }
0x6aa: {  	[sflag:s7] =	ssyncset.done $0x0  }
0x6ab: {  	[sflag:s7] =	ssyncadd.s32 $0xFFFFC000  }
0x6ac: {  	_ =	swait.ge [sflag:s7], $0x4000  }
0x6ad: {  	s29 =	sld [smem:$0x7FC]  }
0x6ae: {  	[sflag:s7] =	ssyncset.done $0x0  }
0x6af: {  	[sflag:s7] =	ssyncadd.s32 $0xFFFFC000  }
0x6b0: {  	[hbm4b:s29+s2] =	stream.linear.scatter [tilespmem:s5], [sflag:$0x4], $0x4000, $0x38;
	[tilespmem:$0x11A00] =	vst v63  }
0x6b1: {  	_ =	swait.ge [sflag:s7], $0x4000  }
0x6b2: {  	[sflag:s7] =	ssyncset.done $0x0  }
0x6b3: {  	[sflag:s7] =	ssyncadd.s32 $0xFFFFC000  }
0x6b4: {  	_ =	swait.ge [sflag:s7], $0x4000  }
0x6b5: {  	[sflag:s7] =	ssyncset.done $0x0  }
0x6b6: {  	[sflag:s7] =	ssyncadd.s32 $0xFFFFC000  }
0x6b7: {  	_ =	swait.ge [sflag:s7], $0x4000  }
0x6b8: {  	[sflag:s7] =	ssyncset.done $0x0  }
0x6b9: {  	[sflag:s7] =	ssyncadd.s32 $0xFFFFC000  }
0x6ba: {  	_ =	swait.ge [sflag:s7], $0x4000  }
0x6bb: {  	[sflag:s7] =	ssyncset.done $0x0  }
0x6bc: {  	[sflag:s7] =	ssyncadd.s32 $0xFFFFC000  }
0x6bd: {  	_ =	swait.ge [sflag:s7], $0x4000  }
0x6be: {  	[sflag:s7] =	ssyncset.done $0x0  }
0x6bf: {  	[sflag:s7] =	ssyncadd.s32 $0xFFFFC000  }
0x6c0: {  	_ =	swait.ge [sflag:s7], $0x4000  }
0x6c1: {  	[sflag:s7] =	ssyncset.done $0x0  }
0x6c2: {  	[sflag:s7] =	ssyncadd.s32 $0xFFFFC000  }
0x6c3: {  	_ =	swait.ge [sflag:s7], $0x4000  }
0x6c4: {  	[sflag:s7] =	ssyncset.done $0x0  }
0x6c5: {  	[sflag:s7] =	ssyncadd.s32 $0xFFFFC000  }
0x6c6: {  	_ =	swait.ge [sflag:s7], $0x4000  }
0x6c7: {  	[sflag:s7] =	ssyncset.done $0x0  }
0x6c8: {  	[sflag:s7] =	ssyncadd.s32 $0xFFFFC000  }
0x6c9: {  	_ =	swait.ge [sflag:s7], $0x4000  }
0x6ca: {  	[sflag:s7] =	ssyncset.done $0x0  }
0x6cb: {  	[sflag:s7] =	ssyncadd.s32 $0xFFFFC000  }
0x6cc: {  	_ =	swait.ge [sflag:s7], $0x4000  }
0x6cd: {  	[sflag:s7] =	ssyncset.done $0x0  }
0x6ce: {  	[sflag:s7] =	ssyncadd.s32 $0xFFFFC000  }
0x6cf: {  	_ =	swait.ge [sflag:s7], $0x4000  }
0x6d0: {  	[sflag:s7] =	ssyncset.done $0x0  }
0x6d1: {  	[sflag:s7] =	ssyncadd.s32 $0xFFFFC000  }
0x6d2: {  	_ =	swait.ge [sflag:s7], $0x4000  }
0x6d3: {  	[sflag:s7] =	ssyncset.done $0x0  }
0x6d4: {  	[sflag:s7] =	ssyncadd.s32 $0xFFFFC000  }
0x6d5: {  	_ =	swait.ge [sflag:s7], $0x4000  }
0x6d6: {  	s30 =	sld [smem:$0x7FD]  }
0x6d7: {  	[sflag:s7] =	ssyncset.done $0x0  }
0x6d8: {  	[sflag:s7] =	ssyncadd.s32 $0xFFFFC000  }
0x6d9: {  	[hbm4b:s30+s2] =	stream.linear.scatter [tilespmem:s17], [sflag:$0x4], $0x4000, $0x38;
	[tilespmem:$0x11A00] =	vst v63  }
0x6da: {  	_ =	swait.ge [sflag:s20], $0x4000  }
0x6db: {  	[sflag:s20] =	ssyncset.done $0x0  }
0x6dc: {  	[sflag:s20] =	ssyncadd.s32 $0xFFFFC000  }
0x6dd: {  	_ =	swait.ge [sflag:s20], $0x4000  }
0x6de: {  	[sflag:s20] =	ssyncset.done $0x0  }
0x6df: {  	[sflag:s20] =	ssyncadd.s32 $0xFFFFC000  }
0x6e0: {  	_ =	swait.ge [sflag:s20], $0x4000  }
0x6e1: {  	[sflag:s20] =	ssyncset.done $0x0  }
0x6e2: {  	[sflag:s20] =	ssyncadd.s32 $0xFFFFC000  }
0x6e3: {  	_ =	swait.ge [sflag:s20], $0x4000  }
0x6e4: {  	[sflag:s20] =	ssyncset.done $0x0  }
0x6e5: {  	[sflag:s20] =	ssyncadd.s32 $0xFFFFC000  }
0x6e6: {  	_ =	sfence.sel $0x180000  }
0x6e7: {  	[bflag:$0x0] =	sbarrier.arrive $0xFFFF  }
0x6e8: {  	_ =	strace $0x90000047  }
0x6e9: {  	s31 =	stileid.u32;
	[bflag:$0x2] =	sbarrier.arrive $0xFFFF  }
0x6ea: {  	p0 =	sne.s32 s31, $0x0;
	s0 =	rddreg [dreg:$0x3]  }
0x6eb: {  	s0 =	sadd.s32 @!p0 $0x100000, s0  }
0x6ec: {  	[sflag:s0] =	ssyncadd.tile.s32 @!p0 $0x1;
	_ =	shalt  }
.LBB2_1:
.Ltmp3:
0x6ed: {  	(pc) =	sbr.rel .LBB2_6-.Ltmp3, $2  }
0x6ee: {  	_ =	sdelay $0x2  }
0x6ef: {  	s23 =	sld [smem:$0x7F4]  }
.LBB2_7:
0x6f0: {  	s23 =	sld [smem:$0x7F4]  }
0x6f1: {  	s31 =	sld [smem:$0x7D3]  }
.Ltmp4:
0x6f2: {  	s19 =	sld [smem:$0x7D4];
	(pc) =	sbr.rel .LBB2_6-.Ltmp4, $4  }
0x6f3: {  	s13 =	sld [smem:$0x7D5]  }
0x6f4: {  	s18 =	sld [smem:$0x7D6]  }
0x6f5: {  	s12 =	sld [smem:$0x7D7]  }
0x6f6: {  	s21 =	sld [smem:$0x7D8];
	s1 =	simm.s32 $0x3  }
.Lfunc_end2:
_tile_overlayer_lowered:
.L_overlay_start_2:
0x6f7: {  	(tag) =	ssettag $0x2  }
0x6f8: {  	s0 =	rddreg [dreg:$0x0];
	s2 =	stileid.u32  }
0x6f9: {  	s1 =	rddreg [dreg:$0x1];
	p0 =	sne.s32 s2, $0x0  }
0x6fa: {  	s3 =	rddreg [dreg:$0x2];
	[bflag:$0x3] =	sbarrier.arrive $0xFFFF;
	s2 =	simm.s32 @!p0 $0x1C05  }
0x6fb: {  	[timem:s3], [sflag:s2] =	dma.local @!p0 [hbm:s0], s1  }
0x6fc: {  	s0 =	simm.s32 @!p0 $0x5  }
0x6fd: {  	_ =	swait.ge @!p0 [sflag:s0], s1  }
0x6fe: {  	s1 =	ssub.s32 @!p0 $0x0, s1;
	[sflag:s0] =	ssyncset.done @!p0 $0x0  }
0x6ff: {  	[sflag:s0] =	ssyncadd.s32 @!p0 s1  }
0x700: {  	[bflag:$0x3] =	sbarrier.arrive $0xFFFF  }
0x701: {  	_ =	shalt  }

</sc_bundles>
